<compile_context>
chip_gen: v7x
topology: tpu7x:2x2x1
jax: 0.10.2.dev20260603
libtpu: 0.0.44.dev20260713+nightly
codegen_flags: <defaults>
</compile_context>

<pallas_src>
import functools

import jax
import jax.numpy as jnp
from jax import lax
from jax.experimental import pallas as pl
from jax.experimental.pallas import tpu as pltpu
from jax.experimental.pallas import tpu_sc as plsc

B, N, K = 32, 1024, 20
NC, NS, LANES = 2, 16, 16
NW = NC * NS
P = 16
SUB = 64
NSUB = P * K // SUB
CP = 128
NT = 128


def _lrelu(x):
    return jnp.where(x >= 0, x, 0.2 * x)


def _dot_t(a, w):
    return lax.dot_general(a, w, (((1,), (1,)), ((), ())),
                           preferred_element_type=jnp.float32)


def _dist_topk_body(p_ref, xx_ref, idx_ref):
    p = p_ref[0]
    xx = xx_ref[0]
    inner = jnp.dot(p, p.T, preferred_element_type=jnp.float32)
    negd = (-xx + 2.0 * inner) - jnp.transpose(xx)
    col = jax.lax.broadcasted_iota(jnp.int32, (N, N), 1)
    vals = negd
    cols = []
    for _ in range(K):
        mx = jnp.max(vals, axis=1, keepdims=True)
        am = jnp.min(jnp.where(vals == mx, col, N), axis=1, keepdims=True)
        cols.append(am)
        vals = jnp.where(col == am, -jnp.inf, vals)
    pad = [cols[-1]] * (32 - K)
    idx_ref[0] = jnp.concatenate(cols + pad, axis=1)


def _dist_topk(p):
    xx = jnp.sum(p * p, axis=-1)[:, :, None]
    C = p.shape[-1]
    idx32 = pl.pallas_call(
        _dist_topk_body,
        grid=(B,),
        in_specs=[pl.BlockSpec((1, N, C), lambda b: (b, 0, 0)),
                  pl.BlockSpec((1, N, 1), lambda b: (b, 0, 0))],
        out_specs=pl.BlockSpec((1, N, 32), lambda b: (b, 0, 0)),
        out_shape=jax.ShapeDtypeStruct((B, N, 32), jnp.int32),
    )(p, xx)
    return idx32[:, :, :K]


def _sc_gather_body(idx_ref, tab_ref, nbr_ref, idx_v, rows_v, sem):
    b = lax.axis_index("s") * NC + lax.axis_index("c")
    base = b * N

    def chunk_body(c, carry):
        pltpu.sync_copy(idx_ref.at[b, c], idx_v)
        for r in range(NSUB):
            for q in range(SUB // LANES):
                sl = pl.ds(q * LANES, LANES)
                idx_v[r, sl] = idx_v[r, sl] + base
        copies = [
            pltpu.async_copy(tab_ref.at[idx_v.at[r]],
                             rows_v.at[pl.ds(r * SUB, SUB)], sem)
            for r in range(NSUB)
        ]
        for cp in copies:
            cp.wait()
        pltpu.sync_copy(rows_v, nbr_ref.at[b, pl.ds(c * P * K, P * K)])
        return carry

    lax.fori_loop(0, N // P, chunk_body, 0, unroll=False)


def _sc_gather_rows(idx4, table):
    mesh = plsc.VectorSubcoreMesh(core_axis_name="c", subcore_axis_name="s")
    run = pl.kernel(
        _sc_gather_body,
        out_type=jax.ShapeDtypeStruct((B, N * K, CP), jnp.float32),
        mesh=mesh,
        scratch_types=[
            pltpu.VMEM((NSUB, SUB), jnp.int32),
            pltpu.VMEM((P * K, CP), jnp.float32),
            pltpu.SemaphoreType.DMA,
        ],
    )
    return run(idx4, table)


def _conv_body(nbr_ref, p_ref, w_ref, m_ref, *, C):
    nb3 = nbr_ref[0].reshape(NT, K, CP)[:, :, :C]
    ctr = jnp.broadcast_to(p_ref[0][:, None, :], (NT, K, C))
    f3 = jnp.concatenate([nb3 - ctr, ctr], axis=2)
    f2 = f3.reshape(NT * K, 2 * C)
    h2 = _dot_t(f2, w_ref[...])
    m_ref[0] = jnp.max(h2.reshape(NT, K, -1), axis=1)


def _conv_max(nbrs, p, w):
    C = p.shape[-1]
    O = w.shape[0]
    return pl.pallas_call(
        functools.partial(_conv_body, C=C),
        grid=(B, N // NT),
        in_specs=[
            pl.BlockSpec((1, NT * K, CP), lambda b, t: (b, t, 0)),
            pl.BlockSpec((1, NT, C), lambda b, t: (b, t, 0)),
            pl.BlockSpec((O, 2 * C), lambda b, t: (0, 0)),
        ],
        out_specs=pl.BlockSpec((1, NT, O), lambda b, t: (b, t, 0)),
        out_shape=jax.ShapeDtypeStruct((B, N, O), jnp.float32),
    )(nbrs, p, w)


def _apply_body(m_ref, mu_ref, var_ref, g_ref, be_ref, out_ref):
    scale = lax.rsqrt(var_ref[...] + 1e-5) * g_ref[...]
    out = (m_ref[0] - mu_ref[...]) * scale + be_ref[...]
    out_ref[0] = _lrelu(out)


def _bn_apply(m, mu, var, gamma, beta):
    O = m.shape[-1]
    return pl.pallas_call(
        _apply_body,
        grid=(B,),
        in_specs=[
            pl.BlockSpec((1, N, O), lambda b: (b, 0, 0)),
            pl.BlockSpec((O,), lambda b: (0,)),
            pl.BlockSpec((O,), lambda b: (0,)),
            pl.BlockSpec((O,), lambda b: (0,)),
            pl.BlockSpec((O,), lambda b: (0,)),
        ],
        out_specs=pl.BlockSpec((1, N, O), lambda b: (b, 0, 0)),
        out_shape=jax.ShapeDtypeStruct((B, N, O), jnp.float32),
    )(m, mu, var, gamma, beta)


def _embed_body(x1_ref, x2_ref, x3_ref, x4_ref, w5_ref, h_ref, hstats_ref):
    w5 = w5_ref[...]
    h = (_dot_t(x1_ref[0], w5[:, 0:64])
         + _dot_t(x2_ref[0], w5[:, 64:128])
         + _dot_t(x3_ref[0], w5[:, 128:256])
         + _dot_t(x4_ref[0], w5[:, 256:512]))
    h_ref[0] = h
    s1 = jnp.sum(h, axis=0, keepdims=True)
    s2 = jnp.sum(h * h, axis=0, keepdims=True)
    part = jnp.concatenate([s1, s2, s1, s1, s1, s1, s1, s1], axis=0)

    @pl.when(pl.program_id(0) == 0)
    def _():
        hstats_ref[...] = part

    @pl.when(pl.program_id(0) != 0)
    def _():
        hstats_ref[...] = hstats_ref[...] + part


def _embed(x1, x2, x3, x4, w5):
    E = w5.shape[0]
    return pl.pallas_call(
        _embed_body,
        grid=(B,),
        in_specs=[
            pl.BlockSpec((1, N, 64), lambda b: (b, 0, 0)),
            pl.BlockSpec((1, N, 64), lambda b: (b, 0, 0)),
            pl.BlockSpec((1, N, 128), lambda b: (b, 0, 0)),
            pl.BlockSpec((1, N, 256), lambda b: (b, 0, 0)),
            pl.BlockSpec((E, 512), lambda b: (0, 0)),
        ],
        out_specs=[
            pl.BlockSpec((1, N, E), lambda b: (b, 0, 0)),
            pl.BlockSpec((8, E), lambda b: (0, 0)),
        ],
        out_shape=[
            jax.ShapeDtypeStruct((B, N, E), jnp.float32),
            jax.ShapeDtypeStruct((8, E), jnp.float32),
        ],
    )(x1, x2, x3, x4, w5)


def _pool_body(h_ref, hstats_ref, g_ref, be_ref, gmax_ref, gavg_ref):
    st = hstats_ref[...]
    inv_bn = 1.0 / (B * N)
    mu = st[0:1] * inv_bn
    var = st[1:2] * inv_bn - mu * mu
    scale = lax.rsqrt(var + 1e-5) * g_ref[...]
    h = h_ref[0]
    mx = jnp.max(h, axis=0, keepdims=True)
    gmax_ref[0] = _lrelu((mx - mu) * scale + be_ref[...])
    a = _lrelu((h - mu) * scale + be_ref[...])
    gavg_ref[0] = jnp.sum(a, axis=0, keepdims=True) * (1.0 / N)


def _pool(h, hstats, gamma, beta):
    E = h.shape[-1]
    return pl.pallas_call(
        _pool_body,
        grid=(B,),
        in_specs=[
            pl.BlockSpec((1, N, E), lambda b: (b, 0, 0)),
            pl.BlockSpec((8, E), lambda b: (0, 0)),
            pl.BlockSpec((E,), lambda b: (0,)),
            pl.BlockSpec((E,), lambda b: (0,)),
        ],
        out_specs=[
            pl.BlockSpec((1, 1, E), lambda b: (b, 0, 0)),
            pl.BlockSpec((1, 1, E), lambda b: (b, 0, 0)),
        ],
        out_shape=[
            jax.ShapeDtypeStruct((B, 1, E), jnp.float32),
            jax.ShapeDtypeStruct((B, 1, E), jnp.float32),
        ],
    )(h, hstats, gamma, beta)


def _bn_rows(x):
    mean = jnp.mean(x, axis=0, keepdims=True)
    var = jnp.mean((x - mean) ** 2, axis=0, keepdims=True)
    return (x - mean) * lax.rsqrt(var + 1e-5)


def _head_body(gmax_ref, gavg_ref, pose_ref, wp_ref, bp_ref,
               wl1_ref, bl1_ref, wl2_ref, bl2_ref, wl3_ref, bl3_ref,
               logits_ref):
    p1 = _dot_t(pose_ref[...], wp_ref[...]) + bp_ref[...]
    p1 = _lrelu(_bn_rows(p1))
    map2 = jnp.concatenate([gmax_ref[...], gavg_ref[...], p1], axis=1)
    h = _dot_t(map2, wl1_ref[...]) + bl1_ref[...]
    h = _lrelu(_bn_rows(h))
    h = _dot_t(h, wl2_ref[...]) + bl2_ref[...]
    h = _lrelu(_bn_rows(h))
    logits_ref[...] = _dot_t(h, wl3_ref[...]) + bl3_ref[...]


def _head(gmax, gavg, posefeat, params):
    out_ch = params['Wl3'].shape[0]
    return pl.pallas_call(
        _head_body,
        out_shape=jax.ShapeDtypeStruct((B, out_ch), jnp.float32),
    )(gmax, gavg, posefeat,
      params['Wp'], params['bp'],
      params['Wl1'], params['bl1'],
      params['Wl2'], params['bl2'],
      params['Wl3'], params['bl3'])


def _edge_block(p, w, gamma, beta):
    idx = _dist_topk(p)
    nbrs_x = jax.vmap(lambda q, i: q[i])(p, idx)
    center = jnp.broadcast_to(p[:, :, None, :], nbrs_x.shape)
    f = jnp.concatenate([nbrs_x - center, center], axis=-1)
    h = jnp.einsum('bnkc,oc->bnko', f, w)
    mu = jnp.mean(h, axis=(0, 1, 2))
    var = jnp.var(h, axis=(0, 1, 2))
    idx4 = idx.reshape(B, N // P, NSUB, SUB)
    C = p.shape[-1]
    table = p.reshape(B * N, C)
    if C != CP:
        table = jnp.pad(table, ((0, 0), (0, CP - C)))
    nbrs = _sc_gather_rows(idx4, table)
    m = _conv_max(nbrs, p, w)
    return _bn_apply(m, mu, var, gamma, beta)


def kernel(x, posefeat, params):
    pts = jnp.transpose(x, (0, 2, 1))
    x1 = _edge_block(pts, params['W1'], params['g1'], params['be1'])
    x2 = _edge_block(x1, params['W2'], params['g2'], params['be2'])
    x3 = _edge_block(x2, params['W3'], params['g3'], params['be3'])
    x4 = _edge_block(x3, params['W4'], params['g4'], params['be4'])
    h, hstats = _embed(x1, x2, x3, x4, params['W5'])
    gmax3, gavg3 = _pool(h, hstats, params['g5'], params['be5'])
    gmax = gmax3[:, 0, :]
    gavg = gavg3[:, 0, :]
    mp = jnp.concatenate([gmax, gavg], axis=1)
    logits = _head(gmax, gavg, posefeat, params)
    return logits, mp

# --- scband reference (transcript-rebuilt; emitter-appended) ---
"""Pipeline reference for scband-dgcnn-63831803953204 (READ-ONLY COPY).

The authoritative reference and input builder live on the scoring server;
editing this copy changes nothing except your own understanding.
"""

import jax, jax.numpy as jnp
import numpy as np


def bn(x, gamma, beta, axes):
    mean = jnp.mean(x, axis=axes, keepdims=True)
    var = jnp.var(x, axis=axes, keepdims=True)
    return gamma * (x - mean) * jax.lax.rsqrt(var + 1e-5) + beta


def lrelu(x):
    return jnp.where(x >= 0, x, 0.2 * x)


def knn_idx(pts, k):
    # pts: [B, N, C]; torch: topk of -||xi-xj||^2 -> k nearest (incl. self)
    xx = jnp.sum(pts * pts, axis=-1)
    inner = jnp.einsum('bnc,bmc->bnm', pts, pts)
    neg_d = -xx[:, :, None] + 2.0 * inner - xx[:, None, :]
    return jax.lax.top_k(neg_d, k)[1]


def graph_feature(pts, k):
    # pts: [B, N, C] -> [B, N, k, 2C] = concat(nbr - center, center)
    idx = knn_idx(pts, k)
    nbrs = jax.vmap(lambda p, i: p[i])(pts, idx)
    center = jnp.broadcast_to(pts[:, :, None, :], nbrs.shape)
    return jnp.concatenate([nbrs - center, center], axis=-1)


def setup_inputs(seed: int = 0):
    key = jax.random.key(seed)
    ks = jax.random.split(key, 12)
    B, N = 32, 1024
    emb_dim, map_dim, out_ch = 1024, 512, 40
    x = jax.random.normal(ks[0], (B, 3, N), dtype=jnp.float32)
    posefeat = jax.random.normal(ks[1], (B, 6), dtype=jnp.float32)
    def w(k_, shape):
        return jax.random.normal(k_, shape, dtype=jnp.float32) * (1.0 / np.sqrt(shape[-1]))
    params = {
        'W1': w(ks[2], (64, 6)), 'g1': jnp.ones(64), 'be1': jnp.zeros(64),
        'W2': w(ks[3], (64, 128)), 'g2': jnp.ones(64), 'be2': jnp.zeros(64),
        'W3': w(ks[4], (128, 128)), 'g3': jnp.ones(128), 'be3': jnp.zeros(128),
        'W4': w(ks[5], (256, 256)), 'g4': jnp.ones(256), 'be4': jnp.zeros(256),
        'W5': w(ks[6], (emb_dim, 512)), 'g5': jnp.ones(emb_dim), 'be5': jnp.zeros(emb_dim),
        'Wp': w(ks[7], (32, 6)), 'bp': jnp.zeros(32), 'gp': jnp.ones(32), 'bep': jnp.zeros(32),
        'Wl1': w(ks[8], (map_dim, emb_dim * 2 + 32)), 'bl1': jnp.zeros(map_dim),
        'g6': jnp.ones(map_dim), 'be6': jnp.zeros(map_dim),
        'Wl2': w(ks[9], (256, map_dim)), 'bl2': jnp.zeros(256),
        'g7': jnp.ones(256), 'be7': jnp.zeros(256),
        'Wl3': w(ks[10], (out_ch, 256)), 'bl3': jnp.zeros(out_ch),
    }
    return {'x': x, 'posefeat': posefeat, 'params': params}


def _forward(x, posefeat, params, k=20):
    pts = jnp.transpose(x, (0, 2, 1))  # [B, N, 3]
    def edge_block(p, W, g, be):
        f = graph_feature(p, k)                      # [B,N,k,2C]
        h = jnp.einsum('bnkc,oc->bnko', f, W)        # 1x1 conv, no bias
        h = lrelu(bn(h, g, be, axes=(0, 1, 2)))      # BN2d (batch stats)
        return jnp.max(h, axis=2)                    # max over k neighbors
    x1 = edge_block(pts, params['W1'], params['g1'], params['be1'])
    x2 = edge_block(x1, params['W2'], params['g2'], params['be2'])
    x3 = edge_block(x2, params['W3'], params['g3'], params['be3'])
    x4 = edge_block(x3, params['W4'], params['g4'], params['be4'])
    cat = jnp.concatenate([x1, x2, x3, x4], axis=-1)  # [B,N,512]
    h = jnp.einsum('bnc,oc->bno', cat, params['W5'])
    h = lrelu(bn(h, params['g5'], params['be5'], axes=(0, 1)))  # BN1d
    gmax = jnp.max(h, axis=1)   # adaptive_max_pool1d -> [B, emb]
    gavg = jnp.mean(h, axis=1)  # adaptive_avg_pool1d -> [B, emb]
    mp = jnp.concatenate([gmax, gavg], axis=1)
    p1 = lrelu(bn(posefeat @ params['Wp'].T + params['bp'], params['gp'], params['bep'], axes=(0,)))
    map2 = jnp.concatenate([gmax, gavg, p1], axis=1)
    h = lrelu(bn(map2 @ params['Wl1'].T + params['bl1'], params['g6'], params['be6'], axes=(0,)))
    h = lrelu(bn(h @ params['Wl2'].T + params['bl2'], params['g7'], params['be7'], axes=(0,)))
    logits = h @ params['Wl3'].T + params['bl3']
    return logits, mp


def reference(x, posefeat, params):
    return _forward(x, posefeat, params)

if __name__ == "__main__":
    import jax
    _d = setup_inputs()
    print(jax.jit(kernel)(*tuple(_d.values())))

</pallas_src>

<mosaic_0001>
#map = affine_map<(d0, d1) -> (0, 0, 0, 0)>
#map1 = affine_map<(d0, d1) -> (0, 0)>
#map2 = affine_map<(d0, d1) -> (0, 0, 0)>
module attributes {stable_mosaic.version = 14 : i64} {
  func.func @_sc_gather_body(%arg0: i32, %arg1: i32, %arg2: memref<32x64x5x64xi32, #tpu.memory_space<hbm>>, %arg3: memref<32768x128xf32, #tpu.memory_space<hbm>>, %arg4: memref<32x20480x128xf32, #tpu.memory_space<hbm>>, %arg5: memref<5x64xi32, #tpu.memory_space<vmem>>, %arg6: memref<320x128xf32, #tpu.memory_space<vmem>>, %arg7: memref<!tpu.dma_semaphore, #tpu.memory_space<semaphore_mem>>) attributes {dimension_semantics = [#tpu.dimension_semantics<core_parallel>, #tpu.dimension_semantics<subcore_parallel>], iteration_bounds = array<i64: 2, 16>, scalar_prefetch = 0 : i64, scratch_operands = 3 : i64, tpu.core_type = #tpu.core_type<sc_vector_subcore>, window_params = [{transform_indices = #map}, {transform_indices = #map1}, {transform_indices = #map2}]} {
    %mul3A = arith.constant 2 : i32
    %mul3A_0 = arith.muli %arg1, %mul3A : i32
    %add3A = arith.addi %mul3A_0, %arg0 : i32
    %mul3A_1 = arith.constant 1024 : i32
    %mul3A_2 = arith.muli %add3A, %mul3A_1 : i32
    %scan3A = arith.constant 0 : i32
    %scan3A_3 = arith.constant 0 : i32
    %scan3A_4 = arith.constant 64 : i32
    %scan3A_5 = arith.addi %scan3A_3, %scan3A_4 : i32
    %scan3A_6 = arith.constant 1 : i32
    scf.for %scan3A_8 = %scan3A_3 to %scan3A_5 step %scan3A_6  : i32 {
      "tpu.region"() ({
        %run_scoped3A = tpu.sem_alloc : memref<!tpu.dma_semaphore, #tpu.memory_space<semaphore_mem>>
        %dma_start3A_369 = arith.constant 0 : i32
        %dma_start3A_370 = arith.constant 0 : i32
        %dma_start3A_371 = tpu.memref_slice %arg2[%add3A, %scan3A_8, %dma_start3A_369, %dma_start3A_370] : memref<32x64x5x64xi32, #tpu.memory_space<hbm>> -> memref<1x1x5x64xi32, #tpu.memory_space<hbm>>
        %dma_start3A_372 = tpu.memref_squeeze %dma_start3A_371 : memref<1x1x5x64xi32, #tpu.memory_space<hbm>> -> memref<5x64xi32, #tpu.memory_space<hbm>>
        %dma_start3A_373 = arith.constant 0 : i32
        %dma_start3A_374 = arith.constant 0 : i32
        %dma_start3A_375 = tpu.memref_slice %arg2[%add3A, %scan3A_8, %dma_start3A_373, %dma_start3A_374] : memref<32x64x5x64xi32, #tpu.memory_space<hbm>> -> memref<1x1x5x64xi32, #tpu.memory_space<hbm>>
        %dma_start3A_376 = tpu.memref_squeeze %dma_start3A_375 : memref<1x1x5x64xi32, #tpu.memory_space<hbm>> -> memref<5x64xi32, #tpu.memory_space<hbm>>
        tpu.enqueue_dma source(%dma_start3A_376 : memref<5x64xi32, #tpu.memory_space<hbm>>) target(%arg5 : memref<5x64xi32, #tpu.memory_space<vmem>>) target_semaphore(%run_scoped3A : memref<!tpu.dma_semaphore, #tpu.memory_space<semaphore_mem>>)
        %dma_wait3A_377 = arith.constant 0 : i32
        %dma_wait3A_378 = arith.constant 0 : i32
        %dma_wait3A_379 = tpu.memref_slice %arg2[%add3A, %scan3A_8, %dma_wait3A_377, %dma_wait3A_378] : memref<32x64x5x64xi32, #tpu.memory_space<hbm>> -> memref<1x1x5x64xi32, #tpu.memory_space<hbm>>
        %dma_wait3A_380 = tpu.memref_squeeze %dma_wait3A_379 : memref<1x1x5x64xi32, #tpu.memory_space<hbm>> -> memref<5x64xi32, #tpu.memory_space<hbm>>
        %dma_wait3A_381 = arith.constant 0 : i32
        %dma_wait3A_382 = arith.constant 0 : i32
        %dma_wait3A_383 = tpu.memref_slice %arg2[%add3A, %scan3A_8, %dma_wait3A_381, %dma_wait3A_382] : memref<32x64x5x64xi32, #tpu.memory_space<hbm>> -> memref<1x1x5x64xi32, #tpu.memory_space<hbm>>
        %dma_wait3A_384 = tpu.memref_squeeze %dma_wait3A_383 : memref<1x1x5x64xi32, #tpu.memory_space<hbm>> -> memref<5x64xi32, #tpu.memory_space<hbm>>
        tpu.wait_dma2 semaphore(%run_scoped3A : memref<!tpu.dma_semaphore, #tpu.memory_space<semaphore_mem>>) src(%dma_wait3A_384 : memref<5x64xi32, #tpu.memory_space<hbm>>) dst(%arg5 : memref<5x64xi32, #tpu.memory_space<vmem>>)
        tpu.yield
      }) : () -> ()
      %get3A = arith.constant 0 : i32
      %get3A_9 = arith.index_cast %get3A : i32 to index
      %get3A_10 = arith.constant 0 : index
      %get3A_11 = tpu.vector_load %arg5[%get3A_9, %get3A_10] {strides = array<i32>} : memref<5x64xi32, #tpu.memory_space<vmem>>, vector<1x16xi32>,
      %get3A_12 = vector.shape_cast %get3A_11 : vector<1x16xi32> to vector<16xi32>
      %add3A_13 = vector.broadcast %mul3A_2 : i32 to vector<16xi32>
      %add3A_14 = arith.addi %get3A_12, %add3A_13 : vector<16xi32>
      %swap3A = arith.constant 0 : i32
      %swap3A_15 = arith.index_cast %swap3A : i32 to index
      %swap3A_16 = arith.constant 0 : index
      %swap3A_17 = tpu.vector_load %arg5[%swap3A_15, %swap3A_16] {strides = array<i32>} : memref<5x64xi32, #tpu.memory_space<vmem>>, vector<1x16xi32>,
      %swap3A_18 = vector.shape_cast %swap3A_17 : vector<1x16xi32> to vector<16xi32>
      %swap3A_19 = vector.shape_cast %add3A_14 : vector<16xi32> to vector<1x16xi32>
      tpu.vector_store %arg5[%swap3A_15, %swap3A_16], %swap3A_19 {strides = array<i32>} : memref<5x64xi32, #tpu.memory_space<vmem>>, vector<1x16xi32>,
      %get3A_20 = arith.constant 0 : i32
      %get3A_21 = arith.index_cast %get3A_20 : i32 to index
      %get3A_22 = arith.constant 16 : index
      %get3A_23 = tpu.vector_load %arg5[%get3A_21, %get3A_22] {strides = array<i32>} : memref<5x64xi32, #tpu.memory_space<vmem>>, vector<1x16xi32>,
      %get3A_24 = vector.shape_cast %get3A_23 : vector<1x16xi32> to vector<16xi32>
      %add3A_25 = vector.broadcast %mul3A_2 : i32 to vector<16xi32>
      %add3A_26 = arith.addi %get3A_24, %add3A_25 : vector<16xi32>
      %swap3A_27 = arith.constant 0 : i32
      %swap3A_28 = arith.index_cast %swap3A_27 : i32 to index
      %swap3A_29 = arith.constant 16 : index
      %swap3A_30 = tpu.vector_load %arg5[%swap3A_28, %swap3A_29] {strides = array<i32>} : memref<5x64xi32, #tpu.memory_space<vmem>>, vector<1x16xi32>,
      %swap3A_31 = vector.shape_cast %swap3A_30 : vector<1x16xi32> to vector<16xi32>
      %swap3A_32 = vector.shape_cast %add3A_26 : vector<16xi32> to vector<1x16xi32>
      tpu.vector_store %arg5[%swap3A_28, %swap3A_29], %swap3A_32 {strides = array<i32>} : memref<5x64xi32, #tpu.memory_space<vmem>>, vector<1x16xi32>,
      %get3A_33 = arith.constant 0 : i32
      %get3A_34 = arith.index_cast %get3A_33 : i32 to index
      %get3A_35 = arith.constant 32 : index
      %get3A_36 = tpu.vector_load %arg5[%get3A_34, %get3A_35] {strides = array<i32>} : memref<5x64xi32, #tpu.memory_space<vmem>>, vector<1x16xi32>,
      %get3A_37 = vector.shape_cast %get3A_36 : vector<1x16xi32> to vector<16xi32>
      %add3A_38 = vector.broadcast %mul3A_2 : i32 to vector<16xi32>
      %add3A_39 = arith.addi %get3A_37, %add3A_38 : vector<16xi32>
      %swap3A_40 = arith.constant 0 : i32
      %swap3A_41 = arith.index_cast %swap3A_40 : i32 to index
      %swap3A_42 = arith.constant 32 : index
      %swap3A_43 = tpu.vector_load %arg5[%swap3A_41, %swap3A_42] {strides = array<i32>} : memref<5x64xi32, #tpu.memory_space<vmem>>, vector<1x16xi32>,
      %swap3A_44 = vector.shape_cast %swap3A_43 : vector<1x16xi32> to vector<16xi32>
      %swap3A_45 = vector.shape_cast %add3A_39 : vector<16xi32> to vector<1x16xi32>
      tpu.vector_store %arg5[%swap3A_41, %swap3A_42], %swap3A_45 {strides = array<i32>} : memref<5x64xi32, #tpu.memory_space<vmem>>, vector<1x16xi32>,
      %get3A_46 = arith.constant 0 : i32
      %get3A_47 = arith.index_cast %get3A_46 : i32 to index
      %get3A_48 = arith.constant 48 : index
      %get3A_49 = tpu.vector_load %arg5[%get3A_47, %get3A_48] {strides = array<i32>} : memref<5x64xi32, #tpu.memory_space<vmem>>, vector<1x16xi32>,
      %get3A_50 = vector.shape_cast %get3A_49 : vector<1x16xi32> to vector<16xi32>
      %add3A_51 = vector.broadcast %mul3A_2 : i32 to vector<16xi32>
      %add3A_52 = arith.addi %get3A_50, %add3A_51 : vector<16xi32>
      %swap3A_53 = arith.constant 0 : i32
      %swap3A_54 = arith.index_cast %swap3A_53 : i32 to index
      %swap3A_55 = arith.constant 48 : index
      %swap3A_56 = tpu.vector_load %arg5[%swap3A_54, %swap3A_55] {strides = array<i32>} : memref<5x64xi32, #tpu.memory_space<vmem>>, vector<1x16xi32>,
      %swap3A_57 = vector.shape_cast %swap3A_56 : vector<1x16xi32> to vector<16xi32>
      %swap3A_58 = vector.shape_cast %add3A_52 : vector<16xi32> to vector<1x16xi32>
      tpu.vector_store %arg5[%swap3A_54, %swap3A_55], %swap3A_58 {strides = array<i32>} : memref<5x64xi32, #tpu.memory_space<vmem>>, vector<1x16xi32>,
      %get3A_59 = arith.constant 1 : i32
      %get3A_60 = arith.index_cast %get3A_59 : i32 to index
      %get3A_61 = arith.constant 0 : index
      %get3A_62 = tpu.vector_load %arg5[%get3A_60, %get3A_61] {strides = array<i32>} : memref<5x64xi32, #tpu.memory_space<vmem>>, vector<1x16xi32>,
      %get3A_63 = vector.shape_cast %get3A_62 : vector<1x16xi32> to vector<16xi32>
      %add3A_64 = vector.broadcast %mul3A_2 : i32 to vector<16xi32>
      %add3A_65 = arith.addi %get3A_63, %add3A_64 : vector<16xi32>
      %swap3A_66 = arith.constant 1 : i32
      %swap3A_67 = arith.index_cast %swap3A_66 : i32 to index
      %swap3A_68 = arith.constant 0 : index
      %swap3A_69 = tpu.vector_load %arg5[%swap3A_67, %swap3A_68] {strides = array<i32>} : memref<5x64xi32, #tpu.memory_space<vmem>>, vector<1x16xi32>,
      %swap3A_70 = vector.shape_cast %swap3A_69 : vector<1x16xi32> to vector<16xi32>
      %swap3A_71 = vector.shape_cast %add3A_65 : vector<16xi32> to vector<1x16xi32>
      tpu.vector_store %arg5[%swap3A_67, %swap3A_68], %swap3A_71 {strides = array<i32>} : memref<5x64xi32, #tpu.memory_space<vmem>>, vector<1x16xi32>,
      %get3A_72 = arith.constant 1 : i32
      %get3A_73 = arith.index_cast %get3A_72 : i32 to index
      %get3A_74 = arith.constant 16 : index
      %get3A_75 = tpu.vector_load %arg5[%get3A_73, %get3A_74] {strides = array<i32>} : memref<5x64xi32, #tpu.memory_space<vmem>>, vector<1x16xi32>,
      %get3A_76 = vector.shape_cast %get3A_75 : vector<1x16xi32> to vector<16xi32>
      %add3A_77 = vector.broadcast %mul3A_2 : i32 to vector<16xi32>
      %add3A_78 = arith.addi %get3A_76, %add3A_77 : vector<16xi32>
      %swap3A_79 = arith.constant 1 : i32
      %swap3A_80 = arith.index_cast %swap3A_79 : i32 to index
      %swap3A_81 = arith.constant 16 : index
      %swap3A_82 = tpu.vector_load %arg5[%swap3A_80, %swap3A_81] {strides = array<i32>} : memref<5x64xi32, #tpu.memory_space<vmem>>, vector<1x16xi32>,
      %swap3A_83 = vector.shape_cast %swap3A_82 : vector<1x16xi32> to vector<16xi32>
      %swap3A_84 = vector.shape_cast %add3A_78 : vector<16xi32> to vector<1x16xi32>
      tpu.vector_store %arg5[%swap3A_80, %swap3A_81], %swap3A_84 {strides = array<i32>} : memref<5x64xi32, #tpu.memory_space<vmem>>, vector<1x16xi32>,
      %get3A_85 = arith.constant 1 : i32
      %get3A_86 = arith.index_cast %get3A_85 : i32 to index
      %get3A_87 = arith.constant 32 : index
      %get3A_88 = tpu.vector_load %arg5[%get3A_86, %get3A_87] {strides = array<i32>} : memref<5x64xi32, #tpu.memory_space<vmem>>, vector<1x16xi32>,
      %get3A_89 = vector.shape_cast %get3A_88 : vector<1x16xi32> to vector<16xi32>
      %add3A_90 = vector.broadcast %mul3A_2 : i32 to vector<16xi32>
      %add3A_91 = arith.addi %get3A_89, %add3A_90 : vector<16xi32>
      %swap3A_92 = arith.constant 1 : i32
      %swap3A_93 = arith.index_cast %swap3A_92 : i32 to index
      %swap3A_94 = arith.constant 32 : index
      %swap3A_95 = tpu.vector_load %arg5[%swap3A_93, %swap3A_94] {strides = array<i32>} : memref<5x64xi32, #tpu.memory_space<vmem>>, vector<1x16xi32>,
      %swap3A_96 = vector.shape_cast %swap3A_95 : vector<1x16xi32> to vector<16xi32>
      %swap3A_97 = vector.shape_cast %add3A_91 : vector<16xi32> to vector<1x16xi32>
      tpu.vector_store %arg5[%swap3A_93, %swap3A_94], %swap3A_97 {strides = array<i32>} : memref<5x64xi32, #tpu.memory_space<vmem>>, vector<1x16xi32>,
      %get3A_98 = arith.constant 1 : i32
      %get3A_99 = arith.index_cast %get3A_98 : i32 to index
      %get3A_100 = arith.constant 48 : index
      %get3A_101 = tpu.vector_load %arg5[%get3A_99, %get3A_100] {strides = array<i32>} : memref<5x64xi32, #tpu.memory_space<vmem>>, vector<1x16xi32>,
      %get3A_102 = vector.shape_cast %get3A_101 : vector<1x16xi32> to vector<16xi32>
      %add3A_103 = vector.broadcast %mul3A_2 : i32 to vector<16xi32>
      %add3A_104 = arith.addi %get3A_102, %add3A_103 : vector<16xi32>
      %swap3A_105 = arith.constant 1 : i32
      %swap3A_106 = arith.index_cast %swap3A_105 : i32 to index
      %swap3A_107 = arith.constant 48 : index
      %swap3A_108 = tpu.vector_load %arg5[%swap3A_106, %swap3A_107] {strides = array<i32>} : memref<5x64xi32, #tpu.memory_space<vmem>>, vector<1x16xi32>,
      %swap3A_109 = vector.shape_cast %swap3A_108 : vector<1x16xi32> to vector<16xi32>
      %swap3A_110 = vector.shape_cast %add3A_104 : vector<16xi32> to vector<1x16xi32>
      tpu.vector_store %arg5[%swap3A_106, %swap3A_107], %swap3A_110 {strides = array<i32>} : memref<5x64xi32, #tpu.memory_space<vmem>>, vector<1x16xi32>,
      %get3A_111 = arith.constant 2 : i32
      %get3A_112 = arith.index_cast %get3A_111 : i32 to index
      %get3A_113 = arith.constant 0 : index
      %get3A_114 = tpu.vector_load %arg5[%get3A_112, %get3A_113] {strides = array<i32>} : memref<5x64xi32, #tpu.memory_space<vmem>>, vector<1x16xi32>,
      %get3A_115 = vector.shape_cast %get3A_114 : vector<1x16xi32> to vector<16xi32>
      %add3A_116 = vector.broadcast %mul3A_2 : i32 to vector<16xi32>
      %add3A_117 = arith.addi %get3A_115, %add3A_116 : vector<16xi32>
      %swap3A_118 = arith.constant 2 : i32
      %swap3A_119 = arith.index_cast %swap3A_118 : i32 to index
      %swap3A_120 = arith.constant 0 : index
      %swap3A_121 = tpu.vector_load %arg5[%swap3A_119, %swap3A_120] {strides = array<i32>} : memref<5x64xi32, #tpu.memory_space<vmem>>, vector<1x16xi32>,
      %swap3A_122 = vector.shape_cast %swap3A_121 : vector<1x16xi32> to vector<16xi32>
      %swap3A_123 = vector.shape_cast %add3A_117 : vector<16xi32> to vector<1x16xi32>
      tpu.vector_store %arg5[%swap3A_119, %swap3A_120], %swap3A_123 {strides = array<i32>} : memref<5x64xi32, #tpu.memory_space<vmem>>, vector<1x16xi32>,
      %get3A_124 = arith.constant 2 : i32
      %get3A_125 = arith.index_cast %get3A_124 : i32 to index
      %get3A_126 = arith.constant 16 : index
      %get3A_127 = tpu.vector_load %arg5[%get3A_125, %get3A_126] {strides = array<i32>} : memref<5x64xi32, #tpu.memory_space<vmem>>, vector<1x16xi32>,
      %get3A_128 = vector.shape_cast %get3A_127 : vector<1x16xi32> to vector<16xi32>
      %add3A_129 = vector.broadcast %mul3A_2 : i32 to vector<16xi32>
      %add3A_130 = arith.addi %get3A_128, %add3A_129 : vector<16xi32>
      %swap3A_131 = arith.constant 2 : i32
      %swap3A_132 = arith.index_cast %swap3A_131 : i32 to index
      %swap3A_133 = arith.constant 16 : index
      %swap3A_134 = tpu.vector_load %arg5[%swap3A_132, %swap3A_133] {strides = array<i32>} : memref<5x64xi32, #tpu.memory_space<vmem>>, vector<1x16xi32>,
      %swap3A_135 = vector.shape_cast %swap3A_134 : vector<1x16xi32> to vector<16xi32>
      %swap3A_136 = vector.shape_cast %add3A_130 : vector<16xi32> to vector<1x16xi32>
      tpu.vector_store %arg5[%swap3A_132, %swap3A_133], %swap3A_136 {strides = array<i32>} : memref<5x64xi32, #tpu.memory_space<vmem>>, vector<1x16xi32>,
      %get3A_137 = arith.constant 2 : i32
      %get3A_138 = arith.index_cast %get3A_137 : i32 to index
      %get3A_139 = arith.constant 32 : index
      %get3A_140 = tpu.vector_load %arg5[%get3A_138, %get3A_139] {strides = array<i32>} : memref<5x64xi32, #tpu.memory_space<vmem>>, vector<1x16xi32>,
      %get3A_141 = vector.shape_cast %get3A_140 : vector<1x16xi32> to vector<16xi32>
      %add3A_142 = vector.broadcast %mul3A_2 : i32 to vector<16xi32>
      %add3A_143 = arith.addi %get3A_141, %add3A_142 : vector<16xi32>
      %swap3A_144 = arith.constant 2 : i32
      %swap3A_145 = arith.index_cast %swap3A_144 : i32 to index
      %swap3A_146 = arith.constant 32 : index
      %swap3A_147 = tpu.vector_load %arg5[%swap3A_145, %swap3A_146] {strides = array<i32>} : memref<5x64xi32, #tpu.memory_space<vmem>>, vector<1x16xi32>,
      %swap3A_148 = vector.shape_cast %swap3A_147 : vector<1x16xi32> to vector<16xi32>
      %swap3A_149 = vector.shape_cast %add3A_143 : vector<16xi32> to vector<1x16xi32>
      tpu.vector_store %arg5[%swap3A_145, %swap3A_146], %swap3A_149 {strides = array<i32>} : memref<5x64xi32, #tpu.memory_space<vmem>>, vector<1x16xi32>,
      %get3A_150 = arith.constant 2 : i32
      %get3A_151 = arith.index_cast %get3A_150 : i32 to index
      %get3A_152 = arith.constant 48 : index
      %get3A_153 = tpu.vector_load %arg5[%get3A_151, %get3A_152] {strides = array<i32>} : memref<5x64xi32, #tpu.memory_space<vmem>>, vector<1x16xi32>,
      %get3A_154 = vector.shape_cast %get3A_153 : vector<1x16xi32> to vector<16xi32>
      %add3A_155 = vector.broadcast %mul3A_2 : i32 to vector<16xi32>
      %add3A_156 = arith.addi %get3A_154, %add3A_155 : vector<16xi32>
      %swap3A_157 = arith.constant 2 : i32
      %swap3A_158 = arith.index_cast %swap3A_157 : i32 to index
      %swap3A_159 = arith.constant 48 : index
      %swap3A_160 = tpu.vector_load %arg5[%swap3A_158, %swap3A_159] {strides = array<i32>} : memref<5x64xi32, #tpu.memory_space<vmem>>, vector<1x16xi32>,
      %swap3A_161 = vector.shape_cast %swap3A_160 : vector<1x16xi32> to vector<16xi32>
      %swap3A_162 = vector.shape_cast %add3A_156 : vector<16xi32> to vector<1x16xi32>
      tpu.vector_store %arg5[%swap3A_158, %swap3A_159], %swap3A_162 {strides = array<i32>} : memref<5x64xi32, #tpu.memory_space<vmem>>, vector<1x16xi32>,
      %get3A_163 = arith.constant 3 : i32
      %get3A_164 = arith.index_cast %get3A_163 : i32 to index
      %get3A_165 = arith.constant 0 : index
      %get3A_166 = tpu.vector_load %arg5[%get3A_164, %get3A_165] {strides = array<i32>} : memref<5x64xi32, #tpu.memory_space<vmem>>, vector<1x16xi32>,
      %get3A_167 = vector.shape_cast %get3A_166 : vector<1x16xi32> to vector<16xi32>
      %add3A_168 = vector.broadcast %mul3A_2 : i32 to vector<16xi32>
      %add3A_169 = arith.addi %get3A_167, %add3A_168 : vector<16xi32>
      %swap3A_170 = arith.constant 3 : i32
      %swap3A_171 = arith.index_cast %swap3A_170 : i32 to index
      %swap3A_172 = arith.constant 0 : index
      %swap3A_173 = tpu.vector_load %arg5[%swap3A_171, %swap3A_172] {strides = array<i32>} : memref<5x64xi32, #tpu.memory_space<vmem>>, vector<1x16xi32>,
      %swap3A_174 = vector.shape_cast %swap3A_173 : vector<1x16xi32> to vector<16xi32>
      %swap3A_175 = vector.shape_cast %add3A_169 : vector<16xi32> to vector<1x16xi32>
      tpu.vector_store %arg5[%swap3A_171, %swap3A_172], %swap3A_175 {strides = array<i32>} : memref<5x64xi32, #tpu.memory_space<vmem>>, vector<1x16xi32>,
      %get3A_176 = arith.constant 3 : i32
      %get3A_177 = arith.index_cast %get3A_176 : i32 to index
      %get3A_178 = arith.constant 16 : index
      %get3A_179 = tpu.vector_load %arg5[%get3A_177, %get3A_178] {strides = array<i32>} : memref<5x64xi32, #tpu.memory_space<vmem>>, vector<1x16xi32>,
      %get3A_180 = vector.shape_cast %get3A_179 : vector<1x16xi32> to vector<16xi32>
      %add3A_181 = vector.broadcast %mul3A_2 : i32 to vector<16xi32>
      %add3A_182 = arith.addi %get3A_180, %add3A_181 : vector<16xi32>
      %swap3A_183 = arith.constant 3 : i32
      %swap3A_184 = arith.index_cast %swap3A_183 : i32 to index
      %swap3A_185 = arith.constant 16 : index
      %swap3A_186 = tpu.vector_load %arg5[%swap3A_184, %swap3A_185] {strides = array<i32>} : memref<5x64xi32, #tpu.memory_space<vmem>>, vector<1x16xi32>,
      %swap3A_187 = vector.shape_cast %swap3A_186 : vector<1x16xi32> to vector<16xi32>
      %swap3A_188 = vector.shape_cast %add3A_182 : vector<16xi32> to vector<1x16xi32>
      tpu.vector_store %arg5[%swap3A_184, %swap3A_185], %swap3A_188 {strides = array<i32>} : memref<5x64xi32, #tpu.memory_space<vmem>>, vector<1x16xi32>,
      %get3A_189 = arith.constant 3 : i32
      %get3A_190 = arith.index_cast %get3A_189 : i32 to index
      %get3A_191 = arith.constant 32 : index
      %get3A_192 = tpu.vector_load %arg5[%get3A_190, %get3A_191] {strides = array<i32>} : memref<5x64xi32, #tpu.memory_space<vmem>>, vector<1x16xi32>,
      %get3A_193 = vector.shape_cast %get3A_192 : vector<1x16xi32> to vector<16xi32>
      %add3A_194 = vector.broadcast %mul3A_2 : i32 to vector<16xi32>
      %add3A_195 = arith.addi %get3A_193, %add3A_194 : vector<16xi32>
      %swap3A_196 = arith.constant 3 : i32
      %swap3A_197 = arith.index_cast %swap3A_196 : i32 to index
      %swap3A_198 = arith.constant 32 : index
      %swap3A_199 = tpu.vector_load %arg5[%swap3A_197, %swap3A_198] {strides = array<i32>} : memref<5x64xi32, #tpu.memory_space<vmem>>, vector<1x16xi32>,
      %swap3A_200 = vector.shape_cast %swap3A_199 : vector<1x16xi32> to vector<16xi32>
      %swap3A_201 = vector.shape_cast %add3A_195 : vector<16xi32> to vector<1x16xi32>
      tpu.vector_store %arg5[%swap3A_197, %swap3A_198], %swap3A_201 {strides = array<i32>} : memref<5x64xi32, #tpu.memory_space<vmem>>, vector<1x16xi32>,
      %get3A_202 = arith.constant 3 : i32
      %get3A_203 = arith.index_cast %get3A_202 : i32 to index
      %get3A_204 = arith.constant 48 : index
      %get3A_205 = tpu.vector_load %arg5[%get3A_203, %get3A_204] {strides = array<i32>} : memref<5x64xi32, #tpu.memory_space<vmem>>, vector<1x16xi32>,
      %get3A_206 = vector.shape_cast %get3A_205 : vector<1x16xi32> to vector<16xi32>
      %add3A_207 = vector.broadcast %mul3A_2 : i32 to vector<16xi32>
      %add3A_208 = arith.addi %get3A_206, %add3A_207 : vector<16xi32>
      %swap3A_209 = arith.constant 3 : i32
      %swap3A_210 = arith.index_cast %swap3A_209 : i32 to index
      %swap3A_211 = arith.constant 48 : index
      %swap3A_212 = tpu.vector_load %arg5[%swap3A_210, %swap3A_211] {strides = array<i32>} : memref<5x64xi32, #tpu.memory_space<vmem>>, vector<1x16xi32>,
      %swap3A_213 = vector.shape_cast %swap3A_212 : vector<1x16xi32> to vector<16xi32>
      %swap3A_214 = vector.shape_cast %add3A_208 : vector<16xi32> to vector<1x16xi32>
      tpu.vector_store %arg5[%swap3A_210, %swap3A_211], %swap3A_214 {strides = array<i32>} : memref<5x64xi32, #tpu.memory_space<vmem>>, vector<1x16xi32>,
      %get3A_215 = arith.constant 4 : i32
      %get3A_216 = arith.index_cast %get3A_215 : i32 to index
      %get3A_217 = arith.constant 0 : index
      %get3A_218 = tpu.vector_load %arg5[%get3A_216, %get3A_217] {strides = array<i32>} : memref<5x64xi32, #tpu.memory_space<vmem>>, vector<1x16xi32>,
      %get3A_219 = vector.shape_cast %get3A_218 : vector<1x16xi32> to vector<16xi32>
      %add3A_220 = vector.broadcast %mul3A_2 : i32 to vector<16xi32>
      %add3A_221 = arith.addi %get3A_219, %add3A_220 : vector<16xi32>
      %swap3A_222 = arith.constant 4 : i32
      %swap3A_223 = arith.index_cast %swap3A_222 : i32 to index
      %swap3A_224 = arith.constant 0 : index
      %swap3A_225 = tpu.vector_load %arg5[%swap3A_223, %swap3A_224] {strides = array<i32>} : memref<5x64xi32, #tpu.memory_space<vmem>>, vector<1x16xi32>,
      %swap3A_226 = vector.shape_cast %swap3A_225 : vector<1x16xi32> to vector<16xi32>
      %swap3A_227 = vector.shape_cast %add3A_221 : vector<16xi32> to vector<1x16xi32>
      tpu.vector_store %arg5[%swap3A_223, %swap3A_224], %swap3A_227 {strides = array<i32>} : memref<5x64xi32, #tpu.memory_space<vmem>>, vector<1x16xi32>,
      %get3A_228 = arith.constant 4 : i32
      %get3A_229 = arith.index_cast %get3A_228 : i32 to index
      %get3A_230 = arith.constant 16 : index
      %get3A_231 = tpu.vector_load %arg5[%get3A_229, %get3A_230] {strides = array<i32>} : memref<5x64xi32, #tpu.memory_space<vmem>>, vector<1x16xi32>,
      %get3A_232 = vector.shape_cast %get3A_231 : vector<1x16xi32> to vector<16xi32>
      %add3A_233 = vector.broadcast %mul3A_2 : i32 to vector<16xi32>
      %add3A_234 = arith.addi %get3A_232, %add3A_233 : vector<16xi32>
      %swap3A_235 = arith.constant 4 : i32
      %swap3A_236 = arith.index_cast %swap3A_235 : i32 to index
      %swap3A_237 = arith.constant 16 : index
      %swap3A_238 = tpu.vector_load %arg5[%swap3A_236, %swap3A_237] {strides = array<i32>} : memref<5x64xi32, #tpu.memory_space<vmem>>, vector<1x16xi32>,
      %swap3A_239 = vector.shape_cast %swap3A_238 : vector<1x16xi32> to vector<16xi32>
      %swap3A_240 = vector.shape_cast %add3A_234 : vector<16xi32> to vector<1x16xi32>
      tpu.vector_store %arg5[%swap3A_236, %swap3A_237], %swap3A_240 {strides = array<i32>} : memref<5x64xi32, #tpu.memory_space<vmem>>, vector<1x16xi32>,
      %get3A_241 = arith.constant 4 : i32
      %get3A_242 = arith.index_cast %get3A_241 : i32 to index
      %get3A_243 = arith.constant 32 : index
      %get3A_244 = tpu.vector_load %arg5[%get3A_242, %get3A_243] {strides = array<i32>} : memref<5x64xi32, #tpu.memory_space<vmem>>, vector<1x16xi32>,
      %get3A_245 = vector.shape_cast %get3A_244 : vector<1x16xi32> to vector<16xi32>
      %add3A_246 = vector.broadcast %mul3A_2 : i32 to vector<16xi32>
      %add3A_247 = arith.addi %get3A_245, %add3A_246 : vector<16xi32>
      %swap3A_248 = arith.constant 4 : i32
      %swap3A_249 = arith.index_cast %swap3A_248 : i32 to index
      %swap3A_250 = arith.constant 32 : index
      %swap3A_251 = tpu.vector_load %arg5[%swap3A_249, %swap3A_250] {strides = array<i32>} : memref<5x64xi32, #tpu.memory_space<vmem>>, vector<1x16xi32>,
      %swap3A_252 = vector.shape_cast %swap3A_251 : vector<1x16xi32> to vector<16xi32>
      %swap3A_253 = vector.shape_cast %add3A_247 : vector<16xi32> to vector<1x16xi32>
      tpu.vector_store %arg5[%swap3A_249, %swap3A_250], %swap3A_253 {strides = array<i32>} : memref<5x64xi32, #tpu.memory_space<vmem>>, vector<1x16xi32>,
      %get3A_254 = arith.constant 4 : i32
      %get3A_255 = arith.index_cast %get3A_254 : i32 to index
      %get3A_256 = arith.constant 48 : index
      %get3A_257 = tpu.vector_load %arg5[%get3A_255, %get3A_256] {strides = array<i32>} : memref<5x64xi32, #tpu.memory_space<vmem>>, vector<1x16xi32>,
      %get3A_258 = vector.shape_cast %get3A_257 : vector<1x16xi32> to vector<16xi32>
      %add3A_259 = vector.broadcast %mul3A_2 : i32 to vector<16xi32>
      %add3A_260 = arith.addi %get3A_258, %add3A_259 : vector<16xi32>
      %swap3A_261 = arith.constant 4 : i32
      %swap3A_262 = arith.index_cast %swap3A_261 : i32 to index
      %swap3A_263 = arith.constant 48 : index
      %swap3A_264 = tpu.vector_load %arg5[%swap3A_262, %swap3A_263] {strides = array<i32>} : memref<5x64xi32, #tpu.memory_space<vmem>>, vector<1x16xi32>,
      %swap3A_265 = vector.shape_cast %swap3A_264 : vector<1x16xi32> to vector<16xi32>
      %swap3A_266 = vector.shape_cast %add3A_260 : vector<16xi32> to vector<1x16xi32>
      tpu.vector_store %arg5[%swap3A_262, %swap3A_263], %swap3A_266 {strides = array<i32>} : memref<5x64xi32, #tpu.memory_space<vmem>>, vector<1x16xi32>,
      %dma_start3A = arith.constant 0 : i32
      %dma_start3A_267 = arith.constant 0 : i32
      %dma_start3A_268 = arith.constant 0 : i32
      %dma_start3A_269 = tpu.memref_slice %arg6[%dma_start3A_267, %dma_start3A_268] : memref<320x128xf32, #tpu.memory_space<vmem>> -> memref<64x128xf32, #tpu.memory_space<vmem>>
      %dma_start3A_270 = arith.constant 0 : i32
      %dma_start3A_271 = tpu.memref_slice %arg5[%dma_start3A, %dma_start3A_270] : memref<5x64xi32, #tpu.memory_space<vmem>> -> memref<1x64xi32, #tpu.memory_space<vmem>>
      %dma_start3A_272 = tpu.memref_squeeze %dma_start3A_271 : memref<1x64xi32, #tpu.memory_space<vmem>> -> memref<64xi32, #tpu.memory_space<vmem>>
      %dma_start3A_273 = arith.constant 0 : i32
      %dma_start3A_274 = arith.constant 0 : i32
      %dma_start3A_275 = tpu.memref_slice %arg3[%dma_start3A_273, %dma_start3A_274] : memref<32768x128xf32, #tpu.memory_space<hbm>> -> memref<32768x128xf32, #tpu.memory_space<hbm>>
      tpu.enqueue_indirect_dma source(%dma_start3A_275 : memref<32768x128xf32, #tpu.memory_space<hbm>>) target(%dma_start3A_269 : memref<64x128xf32, #tpu.memory_space<vmem>>) offsets(%dma_start3A_272 : memref<64xi32, #tpu.memory_space<vmem>>) semaphore(%arg7 : memref<!tpu.dma_semaphore, #tpu.memory_space<semaphore_mem>>)
      %dma_start3A_276 = arith.constant 1 : i32
      %dma_start3A_277 = arith.constant 64 : i32
      %dma_start3A_278 = arith.constant 0 : i32
      %dma_start3A_279 = tpu.memref_slice %arg6[%dma_start3A_277, %dma_start3A_278] : memref<320x128xf32, #tpu.memory_space<vmem>> -> memref<64x128xf32, #tpu.memory_space<vmem>>
      %dma_start3A_280 = arith.constant 0 : i32
      %dma_start3A_281 = tpu.memref_slice %arg5[%dma_start3A_276, %dma_start3A_280] : memref<5x64xi32, #tpu.memory_space<vmem>> -> memref<1x64xi32, #tpu.memory_space<vmem>>
      %dma_start3A_282 = tpu.memref_squeeze %dma_start3A_281 : memref<1x64xi32, #tpu.memory_space<vmem>> -> memref<64xi32, #tpu.memory_space<vmem>>
      %dma_start3A_283 = arith.constant 0 : i32
      %dma_start3A_284 = arith.constant 0 : i32
      %dma_start3A_285 = tpu.memref_slice %arg3[%dma_start3A_283, %dma_start3A_284] : memref<32768x128xf32, #tpu.memory_space<hbm>> -> memref<32768x128xf32, #tpu.memory_space<hbm>>
      tpu.enqueue_indirect_dma source(%dma_start3A_285 : memref<32768x128xf32, #tpu.memory_space<hbm>>) target(%dma_start3A_279 : memref<64x128xf32, #tpu.memory_space<vmem>>) offsets(%dma_start3A_282 : memref<64xi32, #tpu.memory_space<vmem>>) semaphore(%arg7 : memref<!tpu.dma_semaphore, #tpu.memory_space<semaphore_mem>>)
      %dma_start3A_286 = arith.constant 2 : i32
      %dma_start3A_287 = arith.constant 128 : i32
      %dma_start3A_288 = arith.constant 0 : i32
      %dma_start3A_289 = tpu.memref_slice %arg6[%dma_start3A_287, %dma_start3A_288] : memref<320x128xf32, #tpu.memory_space<vmem>> -> memref<64x128xf32, #tpu.memory_space<vmem>>
      %dma_start3A_290 = arith.constant 0 : i32
      %dma_start3A_291 = tpu.memref_slice %arg5[%dma_start3A_286, %dma_start3A_290] : memref<5x64xi32, #tpu.memory_space<vmem>> -> memref<1x64xi32, #tpu.memory_space<vmem>>
      %dma_start3A_292 = tpu.memref_squeeze %dma_start3A_291 : memref<1x64xi32, #tpu.memory_space<vmem>> -> memref<64xi32, #tpu.memory_space<vmem>>
      %dma_start3A_293 = arith.constant 0 : i32
      %dma_start3A_294 = arith.constant 0 : i32
      %dma_start3A_295 = tpu.memref_slice %arg3[%dma_start3A_293, %dma_start3A_294] : memref<32768x128xf32, #tpu.memory_space<hbm>> -> memref<32768x128xf32, #tpu.memory_space<hbm>>
      tpu.enqueue_indirect_dma source(%dma_start3A_295 : memref<32768x128xf32, #tpu.memory_space<hbm>>) target(%dma_start3A_289 : memref<64x128xf32, #tpu.memory_space<vmem>>) offsets(%dma_start3A_292 : memref<64xi32, #tpu.memory_space<vmem>>) semaphore(%arg7 : memref<!tpu.dma_semaphore, #tpu.memory_space<semaphore_mem>>)
      %dma_start3A_296 = arith.constant 3 : i32
      %dma_start3A_297 = arith.constant 192 : i32
      %dma_start3A_298 = arith.constant 0 : i32
      %dma_start3A_299 = tpu.memref_slice %arg6[%dma_start3A_297, %dma_start3A_298] : memref<320x128xf32, #tpu.memory_space<vmem>> -> memref<64x128xf32, #tpu.memory_space<vmem>>
      %dma_start3A_300 = arith.constant 0 : i32
      %dma_start3A_301 = tpu.memref_slice %arg5[%dma_start3A_296, %dma_start3A_300] : memref<5x64xi32, #tpu.memory_space<vmem>> -> memref<1x64xi32, #tpu.memory_space<vmem>>
      %dma_start3A_302 = tpu.memref_squeeze %dma_start3A_301 : memref<1x64xi32, #tpu.memory_space<vmem>> -> memref<64xi32, #tpu.memory_space<vmem>>
      %dma_start3A_303 = arith.constant 0 : i32
      %dma_start3A_304 = arith.constant 0 : i32
      %dma_start3A_305 = tpu.memref_slice %arg3[%dma_start3A_303, %dma_start3A_304] : memref<32768x128xf32, #tpu.memory_space<hbm>> -> memref<32768x128xf32, #tpu.memory_space<hbm>>
      tpu.enqueue_indirect_dma source(%dma_start3A_305 : memref<32768x128xf32, #tpu.memory_space<hbm>>) target(%dma_start3A_299 : memref<64x128xf32, #tpu.memory_space<vmem>>) offsets(%dma_start3A_302 : memref<64xi32, #tpu.memory_space<vmem>>) semaphore(%arg7 : memref<!tpu.dma_semaphore, #tpu.memory_space<semaphore_mem>>)
      %dma_start3A_306 = arith.constant 4 : i32
      %dma_start3A_307 = arith.constant 256 : i32
      %dma_start3A_308 = arith.constant 0 : i32
      %dma_start3A_309 = tpu.memref_slice %arg6[%dma_start3A_307, %dma_start3A_308] : memref<320x128xf32, #tpu.memory_space<vmem>> -> memref<64x128xf32, #tpu.memory_space<vmem>>
      %dma_start3A_310 = arith.constant 0 : i32
      %dma_start3A_311 = tpu.memref_slice %arg5[%dma_start3A_306, %dma_start3A_310] : memref<5x64xi32, #tpu.memory_space<vmem>> -> memref<1x64xi32, #tpu.memory_space<vmem>>
      %dma_start3A_312 = tpu.memref_squeeze %dma_start3A_311 : memref<1x64xi32, #tpu.memory_space<vmem>> -> memref<64xi32, #tpu.memory_space<vmem>>
      %dma_start3A_313 = arith.constant 0 : i32
      %dma_start3A_314 = arith.constant 0 : i32
      %dma_start3A_315 = tpu.memref_slice %arg3[%dma_start3A_313, %dma_start3A_314] : memref<32768x128xf32, #tpu.memory_space<hbm>> -> memref<32768x128xf32, #tpu.memory_space<hbm>>
      tpu.enqueue_indirect_dma source(%dma_start3A_315 : memref<32768x128xf32, #tpu.memory_space<hbm>>) target(%dma_start3A_309 : memref<64x128xf32, #tpu.memory_space<vmem>>) offsets(%dma_start3A_312 : memref<64xi32, #tpu.memory_space<vmem>>) semaphore(%arg7 : memref<!tpu.dma_semaphore, #tpu.memory_space<semaphore_mem>>)
      %dma_wait3A = arith.constant 0 : i32
      %dma_wait3A_316 = arith.constant 0 : i32
      %dma_wait3A_317 = arith.constant 0 : i32
      %dma_wait3A_318 = tpu.memref_slice %arg6[%dma_wait3A_316, %dma_wait3A_317] : memref<320x128xf32, #tpu.memory_space<vmem>> -> memref<64x128xf32, #tpu.memory_space<vmem>>
      %dma_wait3A_319 = arith.constant 0 : i32
      %dma_wait3A_320 = tpu.memref_slice %arg5[%dma_wait3A, %dma_wait3A_319] : memref<5x64xi32, #tpu.memory_space<vmem>> -> memref<1x64xi32, #tpu.memory_space<vmem>>
      %dma_wait3A_321 = tpu.memref_squeeze %dma_wait3A_320 : memref<1x64xi32, #tpu.memory_space<vmem>> -> memref<64xi32, #tpu.memory_space<vmem>>
      %dma_wait3A_322 = arith.constant 0 : i32
      %dma_wait3A_323 = arith.constant 0 : i32
      %dma_wait3A_324 = tpu.memref_slice %arg3[%dma_wait3A_322, %dma_wait3A_323] : memref<32768x128xf32, #tpu.memory_space<hbm>> -> memref<32768x128xf32, #tpu.memory_space<hbm>>
      tpu.wait_indirect_dma semaphore(%arg7 : memref<!tpu.dma_semaphore, #tpu.memory_space<semaphore_mem>>) src(%dma_wait3A_324 : memref<32768x128xf32, #tpu.memory_space<hbm>>) dst(%dma_wait3A_318 : memref<64x128xf32, #tpu.memory_space<vmem>>)
      %dma_wait3A_325 = arith.constant 1 : i32
      %dma_wait3A_326 = arith.constant 64 : i32
      %dma_wait3A_327 = arith.constant 0 : i32
      %dma_wait3A_328 = tpu.memref_slice %arg6[%dma_wait3A_326, %dma_wait3A_327] : memref<320x128xf32, #tpu.memory_space<vmem>> -> memref<64x128xf32, #tpu.memory_space<vmem>>
      %dma_wait3A_329 = arith.constant 0 : i32
      %dma_wait3A_330 = tpu.memref_slice %arg5[%dma_wait3A_325, %dma_wait3A_329] : memref<5x64xi32, #tpu.memory_space<vmem>> -> memref<1x64xi32, #tpu.memory_space<vmem>>
      %dma_wait3A_331 = tpu.memref_squeeze %dma_wait3A_330 : memref<1x64xi32, #tpu.memory_space<vmem>> -> memref<64xi32, #tpu.memory_space<vmem>>
      %dma_wait3A_332 = arith.constant 0 : i32
      %dma_wait3A_333 = arith.constant 0 : i32
      %dma_wait3A_334 = tpu.memref_slice %arg3[%dma_wait3A_332, %dma_wait3A_333] : memref<32768x128xf32, #tpu.memory_space<hbm>> -> memref<32768x128xf32, #tpu.memory_space<hbm>>
      tpu.wait_indirect_dma semaphore(%arg7 : memref<!tpu.dma_semaphore, #tpu.memory_space<semaphore_mem>>) src(%dma_wait3A_334 : memref<32768x128xf32, #tpu.memory_space<hbm>>) dst(%dma_wait3A_328 : memref<64x128xf32, #tpu.memory_space<vmem>>)
      %dma_wait3A_335 = arith.constant 2 : i32
      %dma_wait3A_336 = arith.constant 128 : i32
      %dma_wait3A_337 = arith.constant 0 : i32
      %dma_wait3A_338 = tpu.memref_slice %arg6[%dma_wait3A_336, %dma_wait3A_337] : memref<320x128xf32, #tpu.memory_space<vmem>> -> memref<64x128xf32, #tpu.memory_space<vmem>>
      %dma_wait3A_339 = arith.constant 0 : i32
      %dma_wait3A_340 = tpu.memref_slice %arg5[%dma_wait3A_335, %dma_wait3A_339] : memref<5x64xi32, #tpu.memory_space<vmem>> -> memref<1x64xi32, #tpu.memory_space<vmem>>
      %dma_wait3A_341 = tpu.memref_squeeze %dma_wait3A_340 : memref<1x64xi32, #tpu.memory_space<vmem>> -> memref<64xi32, #tpu.memory_space<vmem>>
      %dma_wait3A_342 = arith.constant 0 : i32
      %dma_wait3A_343 = arith.constant 0 : i32
      %dma_wait3A_344 = tpu.memref_slice %arg3[%dma_wait3A_342, %dma_wait3A_343] : memref<32768x128xf32, #tpu.memory_space<hbm>> -> memref<32768x128xf32, #tpu.memory_space<hbm>>
      tpu.wait_indirect_dma semaphore(%arg7 : memref<!tpu.dma_semaphore, #tpu.memory_space<semaphore_mem>>) src(%dma_wait3A_344 : memref<32768x128xf32, #tpu.memory_space<hbm>>) dst(%dma_wait3A_338 : memref<64x128xf32, #tpu.memory_space<vmem>>)
      %dma_wait3A_345 = arith.constant 3 : i32
      %dma_wait3A_346 = arith.constant 192 : i32
      %dma_wait3A_347 = arith.constant 0 : i32
      %dma_wait3A_348 = tpu.memref_slice %arg6[%dma_wait3A_346, %dma_wait3A_347] : memref<320x128xf32, #tpu.memory_space<vmem>> -> memref<64x128xf32, #tpu.memory_space<vmem>>
      %dma_wait3A_349 = arith.constant 0 : i32
      %dma_wait3A_350 = tpu.memref_slice %arg5[%dma_wait3A_345, %dma_wait3A_349] : memref<5x64xi32, #tpu.memory_space<vmem>> -> memref<1x64xi32, #tpu.memory_space<vmem>>
      %dma_wait3A_351 = tpu.memref_squeeze %dma_wait3A_350 : memref<1x64xi32, #tpu.memory_space<vmem>> -> memref<64xi32, #tpu.memory_space<vmem>>
      %dma_wait3A_352 = arith.constant 0 : i32
      %dma_wait3A_353 = arith.constant 0 : i32
      %dma_wait3A_354 = tpu.memref_slice %arg3[%dma_wait3A_352, %dma_wait3A_353] : memref<32768x128xf32, #tpu.memory_space<hbm>> -> memref<32768x128xf32, #tpu.memory_space<hbm>>
      tpu.wait_indirect_dma semaphore(%arg7 : memref<!tpu.dma_semaphore, #tpu.memory_space<semaphore_mem>>) src(%dma_wait3A_354 : memref<32768x128xf32, #tpu.memory_space<hbm>>) dst(%dma_wait3A_348 : memref<64x128xf32, #tpu.memory_space<vmem>>)
      %dma_wait3A_355 = arith.constant 4 : i32
      %dma_wait3A_356 = arith.constant 256 : i32
      %dma_wait3A_357 = arith.constant 0 : i32
      %dma_wait3A_358 = tpu.memref_slice %arg6[%dma_wait3A_356, %dma_wait3A_357] : memref<320x128xf32, #tpu.memory_space<vmem>> -> memref<64x128xf32, #tpu.memory_space<vmem>>
      %dma_wait3A_359 = arith.constant 0 : i32
      %dma_wait3A_360 = tpu.memref_slice %arg5[%dma_wait3A_355, %dma_wait3A_359] : memref<5x64xi32, #tpu.memory_space<vmem>> -> memref<1x64xi32, #tpu.memory_space<vmem>>
      %dma_wait3A_361 = tpu.memref_squeeze %dma_wait3A_360 : memref<1x64xi32, #tpu.memory_space<vmem>> -> memref<64xi32, #tpu.memory_space<vmem>>
      %dma_wait3A_362 = arith.constant 0 : i32
      %dma_wait3A_363 = arith.constant 0 : i32
      %dma_wait3A_364 = tpu.memref_slice %arg3[%dma_wait3A_362, %dma_wait3A_363] : memref<32768x128xf32, #tpu.memory_space<hbm>> -> memref<32768x128xf32, #tpu.memory_space<hbm>>
      tpu.wait_indirect_dma semaphore(%arg7 : memref<!tpu.dma_semaphore, #tpu.memory_space<semaphore_mem>>) src(%dma_wait3A_364 : memref<32768x128xf32, #tpu.memory_space<hbm>>) dst(%dma_wait3A_358 : memref<64x128xf32, #tpu.memory_space<vmem>>)
      %mul3A_365 = arith.constant 16 : i32
      %mul3A_366 = arith.muli %scan3A_8, %mul3A_365 : i32
      %mul3A_367 = arith.constant 20 : i32
      %mul3A_368 = arith.muli %mul3A_366, %mul3A_367 : i32
      "tpu.region"() ({
        %run_scoped3A = tpu.sem_alloc : memref<!tpu.dma_semaphore, #tpu.memory_space<semaphore_mem>>
        %dma_start3A_369 = arith.constant 0 : i32
        %dma_start3A_370 = tpu.memref_slice %arg4[%add3A, %mul3A_368, %dma_start3A_369] : memref<32x20480x128xf32, #tpu.memory_space<hbm>> -> memref<1x320x128xf32, #tpu.memory_space<hbm>>
        %dma_start3A_371 = tpu.memref_squeeze %dma_start3A_370 : memref<1x320x128xf32, #tpu.memory_space<hbm>> -> memref<320x128xf32, #tpu.memory_space<hbm>>
        %dma_start3A_372 = arith.constant 0 : i32
        %dma_start3A_373 = tpu.memref_slice %arg4[%add3A, %mul3A_368, %dma_start3A_372] : memref<32x20480x128xf32, #tpu.memory_space<hbm>> -> memref<1x320x128xf32, #tpu.memory_space<hbm>>
        %dma_start3A_374 = tpu.memref_squeeze %dma_start3A_373 : memref<1x320x128xf32, #tpu.memory_space<hbm>> -> memref<320x128xf32, #tpu.memory_space<hbm>>
        tpu.enqueue_dma source(%arg6 : memref<320x128xf32, #tpu.memory_space<vmem>>) target(%dma_start3A_374 : memref<320x128xf32, #tpu.memory_space<hbm>>) target_semaphore(%run_scoped3A : memref<!tpu.dma_semaphore, #tpu.memory_space<semaphore_mem>>)
        %dma_wait3A_375 = arith.constant 0 : i32
        %dma_wait3A_376 = tpu.memref_slice %arg4[%add3A, %mul3A_368, %dma_wait3A_375] : memref<32x20480x128xf32, #tpu.memory_space<hbm>> -> memref<1x320x128xf32, #tpu.memory_space<hbm>>
        %dma_wait3A_377 = tpu.memref_squeeze %dma_wait3A_376 : memref<1x320x128xf32, #tpu.memory_space<hbm>> -> memref<320x128xf32, #tpu.memory_space<hbm>>
        %dma_wait3A_378 = arith.constant 0 : i32
        %dma_wait3A_379 = tpu.memref_slice %arg4[%add3A, %mul3A_368, %dma_wait3A_378] : memref<32x20480x128xf32, #tpu.memory_space<hbm>> -> memref<1x320x128xf32, #tpu.memory_space<hbm>>
        %dma_wait3A_380 = tpu.memref_squeeze %dma_wait3A_379 : memref<1x320x128xf32, #tpu.memory_space<hbm>> -> memref<320x128xf32, #tpu.memory_space<hbm>>
        tpu.wait_dma2 semaphore(%run_scoped3A : memref<!tpu.dma_semaphore, #tpu.memory_space<semaphore_mem>>) src(%arg6 : memref<320x128xf32, #tpu.memory_space<vmem>>) dst(%dma_wait3A_380 : memref<320x128xf32, #tpu.memory_space<hbm>>)
        tpu.yield
      }) : () -> ()
    }
    %scan3A_7 = arith.constant 64 : i32
    return
  }
}

#map = affine_map<(d0, d1) -> (0, 0, 0, 0)>
#map1 = affine_map<(d0, d1) -> (0, 0)>
#map2 = affine_map<(d0, d1) -> (0, 0, 0)>
module attributes {stable_mosaic.version = 14 : i64} {
  func.func @_sc_gather_body(%arg0: i32, %arg1: i32, %arg2: memref<32x64x5x64xi32, #tpu.memory_space<hbm>>, %arg3: memref<32768x128xf32, #tpu.memory_space<hbm>>, %arg4: memref<32x20480x128xf32, #tpu.memory_space<hbm>>, %arg5: memref<5x64xi32, #tpu.memory_space<vmem>>, %arg6: memref<320x128xf32, #tpu.memory_space<vmem>>, %arg7: memref<!tpu.dma_semaphore, #tpu.memory_space<semaphore_mem>>) attributes {dimension_semantics = [#tpu.dimension_semantics<core_parallel>, #tpu.dimension_semantics<subcore_parallel>], iteration_bounds = array<i64: 2, 16>, scalar_prefetch = 0 : i64, scratch_operands = 3 : i64, tpu.core_type = #tpu.core_type<sc_vector_subcore>, window_params = [{transform_indices = #map}, {transform_indices = #map1}, {transform_indices = #map2}]} {
    %mul3A = arith.constant 2 : i32
    %mul3A_0 = arith.muli %arg1, %mul3A : i32
    %add3A = arith.addi %mul3A_0, %arg0 : i32
    %mul3A_1 = arith.constant 1024 : i32
    %mul3A_2 = arith.muli %add3A, %mul3A_1 : i32
    %scan3A = arith.constant 0 : i32
    %scan3A_3 = arith.constant 0 : i32
    %scan3A_4 = arith.constant 64 : i32
    %scan3A_5 = arith.addi %scan3A_3, %scan3A_4 : i32
    %scan3A_6 = arith.constant 1 : i32
    scf.for %scan3A_8 = %scan3A_3 to %scan3A_5 step %scan3A_6  : i32 {
      "tpu.region"() ({
        %run_scoped3A = tpu.sem_alloc : memref<!tpu.dma_semaphore, #tpu.memory_space<semaphore_mem>>
        %dma_start3A_369 = arith.constant 0 : i32
        %dma_start3A_370 = arith.constant 0 : i32
        %dma_start3A_371 = tpu.memref_slice %arg2[%add3A, %scan3A_8, %dma_start3A_369, %dma_start3A_370] : memref<32x64x5x64xi32, #tpu.memory_space<hbm>> -> memref<1x1x5x64xi32, #tpu.memory_space<hbm>>
        %dma_start3A_372 = tpu.memref_squeeze %dma_start3A_371 : memref<1x1x5x64xi32, #tpu.memory_space<hbm>> -> memref<5x64xi32, #tpu.memory_space<hbm>>
        %dma_start3A_373 = arith.constant 0 : i32
        %dma_start3A_374 = arith.constant 0 : i32
        %dma_start3A_375 = tpu.memref_slice %arg2[%add3A, %scan3A_8, %dma_start3A_373, %dma_start3A_374] : memref<32x64x5x64xi32, #tpu.memory_space<hbm>> -> memref<1x1x5x64xi32, #tpu.memory_space<hbm>>
        %dma_start3A_376 = tpu.memref_squeeze %dma_start3A_375 : memref<1x1x5x64xi32, #tpu.memory_space<hbm>> -> memref<5x64xi32, #tpu.memory_space<hbm>>
        tpu.enqueue_dma source(%dma_start3A_376 : memref<5x64xi32, #tpu.memory_space<hbm>>) target(%arg5 : memref<5x64xi32, #tpu.memory_space<vmem>>) target_semaphore(%run_scoped3A : memref<!tpu.dma_semaphore, #tpu.memory_space<semaphore_mem>>)
        %dma_wait3A_377 = arith.constant 0 : i32
        %dma_wait3A_378 = arith.constant 0 : i32
        %dma_wait3A_379 = tpu.memref_slice %arg2[%add3A, %scan3A_8, %dma_wait3A_377, %dma_wait3A_378] : memref<32x64x5x64xi32, #tpu.memory_space<hbm>> -> memref<1x1x5x64xi32, #tpu.memory_space<hbm>>
        %dma_wait3A_380 = tpu.memref_squeeze %dma_wait3A_379 : memref<1x1x5x64xi32, #tpu.memory_space<hbm>> -> memref<5x64xi32, #tpu.memory_space<hbm>>
        %dma_wait3A_381 = arith.constant 0 : i32
        %dma_wait3A_382 = arith.constant 0 : i32
        %dma_wait3A_383 = tpu.memref_slice %arg2[%add3A, %scan3A_8, %dma_wait3A_381, %dma_wait3A_382] : memref<32x64x5x64xi32, #tpu.memory_space<hbm>> -> memref<1x1x5x64xi32, #tpu.memory_space<hbm>>
        %dma_wait3A_384 = tpu.memref_squeeze %dma_wait3A_383 : memref<1x1x5x64xi32, #tpu.memory_space<hbm>> -> memref<5x64xi32, #tpu.memory_space<hbm>>
        tpu.wait_dma2 semaphore(%run_scoped3A : memref<!tpu.dma_semaphore, #tpu.memory_space<semaphore_mem>>) src(%dma_wait3A_384 : memref<5x64xi32, #tpu.memory_space<hbm>>) dst(%arg5 : memref<5x64xi32, #tpu.memory_space<vmem>>)
        tpu.yield
      }) : () -> ()
      %get3A = arith.constant 0 : i32
      %get3A_9 = arith.index_cast %get3A : i32 to index
      %get3A_10 = arith.constant 0 : index
      %get3A_11 = tpu.vector_load %arg5[%get3A_9, %get3A_10] {strides = array<i32>} : memref<5x64xi32, #tpu.memory_space<vmem>>, vector<1x16xi32>,
      %get3A_12 = vector.shape_cast %get3A_11 : vector<1x16xi32> to vector<16xi32>
      %add3A_13 = vector.broadcast %mul3A_2 : i32 to vector<16xi32>
      %add3A_14 = arith.addi %get3A_12, %add3A_13 : vector<16xi32>
      %swap3A = arith.constant 0 : i32
      %swap3A_15 = arith.index_cast %swap3A : i32 to index
      %swap3A_16 = arith.constant 0 : index
      %swap3A_17 = tpu.vector_load %arg5[%swap3A_15, %swap3A_16] {strides = array<i32>} : memref<5x64xi32, #tpu.memory_space<vmem>>, vector<1x16xi32>,
      %swap3A_18 = vector.shape_cast %swap3A_17 : vector<1x16xi32> to vector<16xi32>
      %swap3A_19 = vector.shape_cast %add3A_14 : vector<16xi32> to vector<1x16xi32>
      tpu.vector_store %arg5[%swap3A_15, %swap3A_16], %swap3A_19 {strides = array<i32>} : memref<5x64xi32, #tpu.memory_space<vmem>>, vector<1x16xi32>,
      %get3A_20 = arith.constant 0 : i32
      %get3A_21 = arith.index_cast %get3A_20 : i32 to index
      %get3A_22 = arith.constant 16 : index
      %get3A_23 = tpu.vector_load %arg5[%get3A_21, %get3A_22] {strides = array<i32>} : memref<5x64xi32, #tpu.memory_space<vmem>>, vector<1x16xi32>,
      %get3A_24 = vector.shape_cast %get3A_23 : vector<1x16xi32> to vector<16xi32>
      %add3A_25 = vector.broadcast %mul3A_2 : i32 to vector<16xi32>
      %add3A_26 = arith.addi %get3A_24, %add3A_25 : vector<16xi32>
      %swap3A_27 = arith.constant 0 : i32
      %swap3A_28 = arith.index_cast %swap3A_27 : i32 to index
      %swap3A_29 = arith.constant 16 : index
      %swap3A_30 = tpu.vector_load %arg5[%swap3A_28, %swap3A_29] {strides = array<i32>} : memref<5x64xi32, #tpu.memory_space<vmem>>, vector<1x16xi32>,
      %swap3A_31 = vector.shape_cast %swap3A_30 : vector<1x16xi32> to vector<16xi32>
      %swap3A_32 = vector.shape_cast %add3A_26 : vector<16xi32> to vector<1x16xi32>
      tpu.vector_store %arg5[%swap3A_28, %swap3A_29], %swap3A_32 {strides = array<i32>} : memref<5x64xi32, #tpu.memory_space<vmem>>, vector<1x16xi32>,
      %get3A_33 = arith.constant 0 : i32
      %get3A_34 = arith.index_cast %get3A_33 : i32 to index
      %get3A_35 = arith.constant 32 : index
      %get3A_36 = tpu.vector_load %arg5[%get3A_34, %get3A_35] {strides = array<i32>} : memref<5x64xi32, #tpu.memory_space<vmem>>, vector<1x16xi32>,
      %get3A_37 = vector.shape_cast %get3A_36 : vector<1x16xi32> to vector<16xi32>
      %add3A_38 = vector.broadcast %mul3A_2 : i32 to vector<16xi32>
      %add3A_39 = arith.addi %get3A_37, %add3A_38 : vector<16xi32>
      %swap3A_40 = arith.constant 0 : i32
      %swap3A_41 = arith.index_cast %swap3A_40 : i32 to index
      %swap3A_42 = arith.constant 32 : index
      %swap3A_43 = tpu.vector_load %arg5[%swap3A_41, %swap3A_42] {strides = array<i32>} : memref<5x64xi32, #tpu.memory_space<vmem>>, vector<1x16xi32>,
      %swap3A_44 = vector.shape_cast %swap3A_43 : vector<1x16xi32> to vector<16xi32>
      %swap3A_45 = vector.shape_cast %add3A_39 : vector<16xi32> to vector<1x16xi32>
      tpu.vector_store %arg5[%swap3A_41, %swap3A_42], %swap3A_45 {strides = array<i32>} : memref<5x64xi32, #tpu.memory_space<vmem>>, vector<1x16xi32>,
      %get3A_46 = arith.constant 0 : i32
      %get3A_47 = arith.index_cast %get3A_46 : i32 to index
      %get3A_48 = arith.constant 48 : index
      %get3A_49 = tpu.vector_load %arg5[%get3A_47, %get3A_48] {strides = array<i32>} : memref<5x64xi32, #tpu.memory_space<vmem>>, vector<1x16xi32>,
      %get3A_50 = vector.shape_cast %get3A_49 : vector<1x16xi32> to vector<16xi32>
      %add3A_51 = vector.broadcast %mul3A_2 : i32 to vector<16xi32>
      %add3A_52 = arith.addi %get3A_50, %add3A_51 : vector<16xi32>
      %swap3A_53 = arith.constant 0 : i32
      %swap3A_54 = arith.index_cast %swap3A_53 : i32 to index
      %swap3A_55 = arith.constant 48 : index
      %swap3A_56 = tpu.vector_load %arg5[%swap3A_54, %swap3A_55] {strides = array<i32>} : memref<5x64xi32, #tpu.memory_space<vmem>>, vector<1x16xi32>,
      %swap3A_57 = vector.shape_cast %swap3A_56 : vector<1x16xi32> to vector<16xi32>
      %swap3A_58 = vector.shape_cast %add3A_52 : vector<16xi32> to vector<1x16xi32>
      tpu.vector_store %arg5[%swap3A_54, %swap3A_55], %swap3A_58 {strides = array<i32>} : memref<5x64xi32, #tpu.memory_space<vmem>>, vector<1x16xi32>,
      %get3A_59 = arith.constant 1 : i32
      %get3A_60 = arith.index_cast %get3A_59 : i32 to index
      %get3A_61 = arith.constant 0 : index
      %get3A_62 = tpu.vector_load %arg5[%get3A_60, %get3A_61] {strides = array<i32>} : memref<5x64xi32, #tpu.memory_space<vmem>>, vector<1x16xi32>,
      %get3A_63 = vector.shape_cast %get3A_62 : vector<1x16xi32> to vector<16xi32>
      %add3A_64 = vector.broadcast %mul3A_2 : i32 to vector<16xi32>
      %add3A_65 = arith.addi %get3A_63, %add3A_64 : vector<16xi32>
      %swap3A_66 = arith.constant 1 : i32
      %swap3A_67 = arith.index_cast %swap3A_66 : i32 to index
      %swap3A_68 = arith.constant 0 : index
      %swap3A_69 = tpu.vector_load %arg5[%swap3A_67, %swap3A_68] {strides = array<i32>} : memref<5x64xi32, #tpu.memory_space<vmem>>, vector<1x16xi32>,
      %swap3A_70 = vector.shape_cast %swap3A_69 : vector<1x16xi32> to vector<16xi32>
      %swap3A_71 = vector.shape_cast %add3A_65 : vector<16xi32> to vector<1x16xi32>
      tpu.vector_store %arg5[%swap3A_67, %swap3A_68], %swap3A_71 {strides = array<i32>} : memref<5x64xi32, #tpu.memory_space<vmem>>, vector<1x16xi32>,
      %get3A_72 = arith.constant 1 : i32
      %get3A_73 = arith.index_cast %get3A_72 : i32 to index
      %get3A_74 = arith.constant 16 : index
      %get3A_75 = tpu.vector_load %arg5[%get3A_73, %get3A_74] {strides = array<i32>} : memref<5x64xi32, #tpu.memory_space<vmem>>, vector<1x16xi32>,
      %get3A_76 = vector.shape_cast %get3A_75 : vector<1x16xi32> to vector<16xi32>
      %add3A_77 = vector.broadcast %mul3A_2 : i32 to vector<16xi32>
      %add3A_78 = arith.addi %get3A_76, %add3A_77 : vector<16xi32>
      %swap3A_79 = arith.constant 1 : i32
      %swap3A_80 = arith.index_cast %swap3A_79 : i32 to index
      %swap3A_81 = arith.constant 16 : index
      %swap3A_82 = tpu.vector_load %arg5[%swap3A_80, %swap3A_81] {strides = array<i32>} : memref<5x64xi32, #tpu.memory_space<vmem>>, vector<1x16xi32>,
      %swap3A_83 = vector.shape_cast %swap3A_82 : vector<1x16xi32> to vector<16xi32>
      %swap3A_84 = vector.shape_cast %add3A_78 : vector<16xi32> to vector<1x16xi32>
      tpu.vector_store %arg5[%swap3A_80, %swap3A_81], %swap3A_84 {strides = array<i32>} : memref<5x64xi32, #tpu.memory_space<vmem>>, vector<1x16xi32>,
      %get3A_85 = arith.constant 1 : i32
      %get3A_86 = arith.index_cast %get3A_85 : i32 to index
      %get3A_87 = arith.constant 32 : index
      %get3A_88 = tpu.vector_load %arg5[%get3A_86, %get3A_87] {strides = array<i32>} : memref<5x64xi32, #tpu.memory_space<vmem>>, vector<1x16xi32>,
      %get3A_89 = vector.shape_cast %get3A_88 : vector<1x16xi32> to vector<16xi32>
      %add3A_90 = vector.broadcast %mul3A_2 : i32 to vector<16xi32>
      %add3A_91 = arith.addi %get3A_89, %add3A_90 : vector<16xi32>
      %swap3A_92 = arith.constant 1 : i32
      %swap3A_93 = arith.index_cast %swap3A_92 : i32 to index
      %swap3A_94 = arith.constant 32 : index
      %swap3A_95 = tpu.vector_load %arg5[%swap3A_93, %swap3A_94] {strides = array<i32>} : memref<5x64xi32, #tpu.memory_space<vmem>>, vector<1x16xi32>,
      %swap3A_96 = vector.shape_cast %swap3A_95 : vector<1x16xi32> to vector<16xi32>
      %swap3A_97 = vector.shape_cast %add3A_91 : vector<16xi32> to vector<1x16xi32>
      tpu.vector_store %arg5[%swap3A_93, %swap3A_94], %swap3A_97 {strides = array<i32>} : memref<5x64xi32, #tpu.memory_space<vmem>>, vector<1x16xi32>,
      %get3A_98 = arith.constant 1 : i32
      %get3A_99 = arith.index_cast %get3A_98 : i32 to index
      %get3A_100 = arith.constant 48 : index
      %get3A_101 = tpu.vector_load %arg5[%get3A_99, %get3A_100] {strides = array<i32>} : memref<5x64xi32, #tpu.memory_space<vmem>>, vector<1x16xi32>,
      %get3A_102 = vector.shape_cast %get3A_101 : vector<1x16xi32> to vector<16xi32>
      %add3A_103 = vector.broadcast %mul3A_2 : i32 to vector<16xi32>
      %add3A_104 = arith.addi %get3A_102, %add3A_103 : vector<16xi32>
      %swap3A_105 = arith.constant 1 : i32
      %swap3A_106 = arith.index_cast %swap3A_105 : i32 to index
      %swap3A_107 = arith.constant 48 : index
      %swap3A_108 = tpu.vector_load %arg5[%swap3A_106, %swap3A_107] {strides = array<i32>} : memref<5x64xi32, #tpu.memory_space<vmem>>, vector<1x16xi32>,
      %swap3A_109 = vector.shape_cast %swap3A_108 : vector<1x16xi32> to vector<16xi32>
      %swap3A_110 = vector.shape_cast %add3A_104 : vector<16xi32> to vector<1x16xi32>
      tpu.vector_store %arg5[%swap3A_106, %swap3A_107], %swap3A_110 {strides = array<i32>} : memref<5x64xi32, #tpu.memory_space<vmem>>, vector<1x16xi32>,
      %get3A_111 = arith.constant 2 : i32
      %get3A_112 = arith.index_cast %get3A_111 : i32 to index
      %get3A_113 = arith.constant 0 : index
      %get3A_114 = tpu.vector_load %arg5[%get3A_112, %get3A_113] {strides = array<i32>} : memref<5x64xi32, #tpu.memory_space<vmem>>, vector<1x16xi32>,
      %get3A_115 = vector.shape_cast %get3A_114 : vector<1x16xi32> to vector<16xi32>
      %add3A_116 = vector.broadcast %mul3A_2 : i32 to vector<16xi32>
      %add3A_117 = arith.addi %get3A_115, %add3A_116 : vector<16xi32>
      %swap3A_118 = arith.constant 2 : i32
      %swap3A_119 = arith.index_cast %swap3A_118 : i32 to index
      %swap3A_120 = arith.constant 0 : index
      %swap3A_121 = tpu.vector_load %arg5[%swap3A_119, %swap3A_120] {strides = array<i32>} : memref<5x64xi32, #tpu.memory_space<vmem>>, vector<1x16xi32>,
      %swap3A_122 = vector.shape_cast %swap3A_121 : vector<1x16xi32> to vector<16xi32>
      %swap3A_123 = vector.shape_cast %add3A_117 : vector<16xi32> to vector<1x16xi32>
      tpu.vector_store %arg5[%swap3A_119, %swap3A_120], %swap3A_123 {strides = array<i32>} : memref<5x64xi32, #tpu.memory_space<vmem>>, vector<1x16xi32>,
      %get3A_124 = arith.constant 2 : i32
      %get3A_125 = arith.index_cast %get3A_124 : i32 to index
      %get3A_126 = arith.constant 16 : index
      %get3A_127 = tpu.vector_load %arg5[%get3A_125, %get3A_126] {strides = array<i32>} : memref<5x64xi32, #tpu.memory_space<vmem>>, vector<1x16xi32>,
      %get3A_128 = vector.shape_cast %get3A_127 : vector<1x16xi32> to vector<16xi32>
      %add3A_129 = vector.broadcast %mul3A_2 : i32 to vector<16xi32>
      %add3A_130 = arith.addi %get3A_128, %add3A_129 : vector<16xi32>
      %swap3A_131 = arith.constant 2 : i32
      %swap3A_132 = arith.index_cast %swap3A_131 : i32 to index
      %swap3A_133 = arith.constant 16 : index
      %swap3A_134 = tpu.vector_load %arg5[%swap3A_132, %swap3A_133] {strides = array<i32>} : memref<5x64xi32, #tpu.memory_space<vmem>>, vector<1x16xi32>,
      %swap3A_135 = vector.shape_cast %swap3A_134 : vector<1x16xi32> to vector<16xi32>
      %swap3A_136 = vector.shape_cast %add3A_130 : vector<16xi32> to vector<1x16xi32>
      tpu.vector_store %arg5[%swap3A_132, %swap3A_133], %swap3A_136 {strides = array<i32>} : memref<5x64xi32, #tpu.memory_space<vmem>>, vector<1x16xi32>,
      %get3A_137 = arith.constant 2 : i32
      %get3A_138 = arith.index_cast %get3A_137 : i32 to index
      %get3A_139 = arith.constant 32 : index
      %get3A_140 = tpu.vector_load %arg5[%get3A_138, %get3A_139] {strides = array<i32>} : memref<5x64xi32, #tpu.memory_space<vmem>>, vector<1x16xi32>,
      %get3A_141 = vector.shape_cast %get3A_140 : vector<1x16xi32> to vector<16xi32>
      %add3A_142 = vector.broadcast %mul3A_2 : i32 to vector<16xi32>
      %add3A_143 = arith.addi %get3A_141, %add3A_142 : vector<16xi32>
      %swap3A_144 = arith.constant 2 : i32
      %swap3A_145 = arith.index_cast %swap3A_144 : i32 to index
      %swap3A_146 = arith.constant 32 : index
      %swap3A_147 = tpu.vector_load %arg5[%swap3A_145, %swap3A_146] {strides = array<i32>} : memref<5x64xi32, #tpu.memory_space<vmem>>, vector<1x16xi32>,
      %swap3A_148 = vector.shape_cast %swap3A_147 : vector<1x16xi32> to vector<16xi32>
      %swap3A_149 = vector.shape_cast %add3A_143 : vector<16xi32> to vector<1x16xi32>
      tpu.vector_store %arg5[%swap3A_145, %swap3A_146], %swap3A_149 {strides = array<i32>} : memref<5x64xi32, #tpu.memory_space<vmem>>, vector<1x16xi32>,
      %get3A_150 = arith.constant 2 : i32
      %get3A_151 = arith.index_cast %get3A_150 : i32 to index
      %get3A_152 = arith.constant 48 : index
      %get3A_153 = tpu.vector_load %arg5[%get3A_151, %get3A_152] {strides = array<i32>} : memref<5x64xi32, #tpu.memory_space<vmem>>, vector<1x16xi32>,
      %get3A_154 = vector.shape_cast %get3A_153 : vector<1x16xi32> to vector<16xi32>
      %add3A_155 = vector.broadcast %mul3A_2 : i32 to vector<16xi32>
      %add3A_156 = arith.addi %get3A_154, %add3A_155 : vector<16xi32>
      %swap3A_157 = arith.constant 2 : i32
      %swap3A_158 = arith.index_cast %swap3A_157 : i32 to index
      %swap3A_159 = arith.constant 48 : index
      %swap3A_160 = tpu.vector_load %arg5[%swap3A_158, %swap3A_159] {strides = array<i32>} : memref<5x64xi32, #tpu.memory_space<vmem>>, vector<1x16xi32>,
      %swap3A_161 = vector.shape_cast %swap3A_160 : vector<1x16xi32> to vector<16xi32>
      %swap3A_162 = vector.shape_cast %add3A_156 : vector<16xi32> to vector<1x16xi32>
      tpu.vector_store %arg5[%swap3A_158, %swap3A_159], %swap3A_162 {strides = array<i32>} : memref<5x64xi32, #tpu.memory_space<vmem>>, vector<1x16xi32>,
      %get3A_163 = arith.constant 3 : i32
      %get3A_164 = arith.index_cast %get3A_163 : i32 to index
      %get3A_165 = arith.constant 0 : index
      %get3A_166 = tpu.vector_load %arg5[%get3A_164, %get3A_165] {strides = array<i32>} : memref<5x64xi32, #tpu.memory_space<vmem>>, vector<1x16xi32>,
      %get3A_167 = vector.shape_cast %get3A_166 : vector<1x16xi32> to vector<16xi32>
      %add3A_168 = vector.broadcast %mul3A_2 : i32 to vector<16xi32>
      %add3A_169 = arith.addi %get3A_167, %add3A_168 : vector<16xi32>
      %swap3A_170 = arith.constant 3 : i32
      %swap3A_171 = arith.index_cast %swap3A_170 : i32 to index
      %swap3A_172 = arith.constant 0 : index
      %swap3A_173 = tpu.vector_load %arg5[%swap3A_171, %swap3A_172] {strides = array<i32>} : memref<5x64xi32, #tpu.memory_space<vmem>>, vector<1x16xi32>,
      %swap3A_174 = vector.shape_cast %swap3A_173 : vector<1x16xi32> to vector<16xi32>
      %swap3A_175 = vector.shape_cast %add3A_169 : vector<16xi32> to vector<1x16xi32>
      tpu.vector_store %arg5[%swap3A_171, %swap3A_172], %swap3A_175 {strides = array<i32>} : memref<5x64xi32, #tpu.memory_space<vmem>>, vector<1x16xi32>,
      %get3A_176 = arith.constant 3 : i32
      %get3A_177 = arith.index_cast %get3A_176 : i32 to index
      %get3A_178 = arith.constant 16 : index
      %get3A_179 = tpu.vector_load %arg5[%get3A_177, %get3A_178] {strides = array<i32>} : memref<5x64xi32, #tpu.memory_space<vmem>>, vector<1x16xi32>,
      %get3A_180 = vector.shape_cast %get3A_179 : vector<1x16xi32> to vector<16xi32>
      %add3A_181 = vector.broadcast %mul3A_2 : i32 to vector<16xi32>
      %add3A_182 = arith.addi %get3A_180, %add3A_181 : vector<16xi32>
      %swap3A_183 = arith.constant 3 : i32
      %swap3A_184 = arith.index_cast %swap3A_183 : i32 to index
      %swap3A_185 = arith.constant 16 : index
      %swap3A_186 = tpu.vector_load %arg5[%swap3A_184, %swap3A_185] {strides = array<i32>} : memref<5x64xi32, #tpu.memory_space<vmem>>, vector<1x16xi32>,
      %swap3A_187 = vector.shape_cast %swap3A_186 : vector<1x16xi32> to vector<16xi32>
      %swap3A_188 = vector.shape_cast %add3A_182 : vector<16xi32> to vector<1x16xi32>
      tpu.vector_store %arg5[%swap3A_184, %swap3A_185], %swap3A_188 {strides = array<i32>} : memref<5x64xi32, #tpu.memory_space<vmem>>, vector<1x16xi32>,
      %get3A_189 = arith.constant 3 : i32
      %get3A_190 = arith.index_cast %get3A_189 : i32 to index
      %get3A_191 = arith.constant 32 : index
      %get3A_192 = tpu.vector_load %arg5[%get3A_190, %get3A_191] {strides = array<i32>} : memref<5x64xi32, #tpu.memory_space<vmem>>, vector<1x16xi32>,
      %get3A_193 = vector.shape_cast %get3A_192 : vector<1x16xi32> to vector<16xi32>
      %add3A_194 = vector.broadcast %mul3A_2 : i32 to vector<16xi32>
      %add3A_195 = arith.addi %get3A_193, %add3A_194 : vector<16xi32>
      %swap3A_196 = arith.constant 3 : i32
      %swap3A_197 = arith.index_cast %swap3A_196 : i32 to index
      %swap3A_198 = arith.constant 32 : index
      %swap3A_199 = tpu.vector_load %arg5[%swap3A_197, %swap3A_198] {strides = array<i32>} : memref<5x64xi32, #tpu.memory_space<vmem>>, vector<1x16xi32>,
      %swap3A_200 = vector.shape_cast %swap3A_199 : vector<1x16xi32> to vector<16xi32>
      %swap3A_201 = vector.shape_cast %add3A_195 : vector<16xi32> to vector<1x16xi32>
      tpu.vector_store %arg5[%swap3A_197, %swap3A_198], %swap3A_201 {strides = array<i32>} : memref<5x64xi32, #tpu.memory_space<vmem>>, vector<1x16xi32>,
      %get3A_202 = arith.constant 3 : i32
      %get3A_203 = arith.index_cast %get3A_202 : i32 to index
      %get3A_204 = arith.constant 48 : index
      %get3A_205 = tpu.vector_load %arg5[%get3A_203, %get3A_204] {strides = array<i32>} : memref<5x64xi32, #tpu.memory_space<vmem>>, vector<1x16xi32>,
      %get3A_206 = vector.shape_cast %get3A_205 : vector<1x16xi32> to vector<16xi32>
      %add3A_207 = vector.broadcast %mul3A_2 : i32 to vector<16xi32>
      %add3A_208 = arith.addi %get3A_206, %add3A_207 : vector<16xi32>
      %swap3A_209 = arith.constant 3 : i32
      %swap3A_210 = arith.index_cast %swap3A_209 : i32 to index
      %swap3A_211 = arith.constant 48 : index
      %swap3A_212 = tpu.vector_load %arg5[%swap3A_210, %swap3A_211] {strides = array<i32>} : memref<5x64xi32, #tpu.memory_space<vmem>>, vector<1x16xi32>,
      %swap3A_213 = vector.shape_cast %swap3A_212 : vector<1x16xi32> to vector<16xi32>
      %swap3A_214 = vector.shape_cast %add3A_208 : vector<16xi32> to vector<1x16xi32>
      tpu.vector_store %arg5[%swap3A_210, %swap3A_211], %swap3A_214 {strides = array<i32>} : memref<5x64xi32, #tpu.memory_space<vmem>>, vector<1x16xi32>,
      %get3A_215 = arith.constant 4 : i32
      %get3A_216 = arith.index_cast %get3A_215 : i32 to index
      %get3A_217 = arith.constant 0 : index
      %get3A_218 = tpu.vector_load %arg5[%get3A_216, %get3A_217] {strides = array<i32>} : memref<5x64xi32, #tpu.memory_space<vmem>>, vector<1x16xi32>,
      %get3A_219 = vector.shape_cast %get3A_218 : vector<1x16xi32> to vector<16xi32>
      %add3A_220 = vector.broadcast %mul3A_2 : i32 to vector<16xi32>
      %add3A_221 = arith.addi %get3A_219, %add3A_220 : vector<16xi32>
      %swap3A_222 = arith.constant 4 : i32
      %swap3A_223 = arith.index_cast %swap3A_222 : i32 to index
      %swap3A_224 = arith.constant 0 : index
      %swap3A_225 = tpu.vector_load %arg5[%swap3A_223, %swap3A_224] {strides = array<i32>} : memref<5x64xi32, #tpu.memory_space<vmem>>, vector<1x16xi32>,
      %swap3A_226 = vector.shape_cast %swap3A_225 : vector<1x16xi32> to vector<16xi32>
      %swap3A_227 = vector.shape_cast %add3A_221 : vector<16xi32> to vector<1x16xi32>
      tpu.vector_store %arg5[%swap3A_223, %swap3A_224], %swap3A_227 {strides = array<i32>} : memref<5x64xi32, #tpu.memory_space<vmem>>, vector<1x16xi32>,
      %get3A_228 = arith.constant 4 : i32
      %get3A_229 = arith.index_cast %get3A_228 : i32 to index
      %get3A_230 = arith.constant 16 : index
      %get3A_231 = tpu.vector_load %arg5[%get3A_229, %get3A_230] {strides = array<i32>} : memref<5x64xi32, #tpu.memory_space<vmem>>, vector<1x16xi32>,
      %get3A_232 = vector.shape_cast %get3A_231 : vector<1x16xi32> to vector<16xi32>
      %add3A_233 = vector.broadcast %mul3A_2 : i32 to vector<16xi32>
      %add3A_234 = arith.addi %get3A_232, %add3A_233 : vector<16xi32>
      %swap3A_235 = arith.constant 4 : i32
      %swap3A_236 = arith.index_cast %swap3A_235 : i32 to index
      %swap3A_237 = arith.constant 16 : index
      %swap3A_238 = tpu.vector_load %arg5[%swap3A_236, %swap3A_237] {strides = array<i32>} : memref<5x64xi32, #tpu.memory_space<vmem>>, vector<1x16xi32>,
      %swap3A_239 = vector.shape_cast %swap3A_238 : vector<1x16xi32> to vector<16xi32>
      %swap3A_240 = vector.shape_cast %add3A_234 : vector<16xi32> to vector<1x16xi32>
      tpu.vector_store %arg5[%swap3A_236, %swap3A_237], %swap3A_240 {strides = array<i32>} : memref<5x64xi32, #tpu.memory_space<vmem>>, vector<1x16xi32>,
      %get3A_241 = arith.constant 4 : i32
      %get3A_242 = arith.index_cast %get3A_241 : i32 to index
      %get3A_243 = arith.constant 32 : index
      %get3A_244 = tpu.vector_load %arg5[%get3A_242, %get3A_243] {strides = array<i32>} : memref<5x64xi32, #tpu.memory_space<vmem>>, vector<1x16xi32>,
      %get3A_245 = vector.shape_cast %get3A_244 : vector<1x16xi32> to vector<16xi32>
      %add3A_246 = vector.broadcast %mul3A_2 : i32 to vector<16xi32>
      %add3A_247 = arith.addi %get3A_245, %add3A_246 : vector<16xi32>
      %swap3A_248 = arith.constant 4 : i32
      %swap3A_249 = arith.index_cast %swap3A_248 : i32 to index
      %swap3A_250 = arith.constant 32 : index
      %swap3A_251 = tpu.vector_load %arg5[%swap3A_249, %swap3A_250] {strides = array<i32>} : memref<5x64xi32, #tpu.memory_space<vmem>>, vector<1x16xi32>,
      %swap3A_252 = vector.shape_cast %swap3A_251 : vector<1x16xi32> to vector<16xi32>
      %swap3A_253 = vector.shape_cast %add3A_247 : vector<16xi32> to vector<1x16xi32>
      tpu.vector_store %arg5[%swap3A_249, %swap3A_250], %swap3A_253 {strides = array<i32>} : memref<5x64xi32, #tpu.memory_space<vmem>>, vector<1x16xi32>,
      %get3A_254 = arith.constant 4 : i32
      %get3A_255 = arith.index_cast %get3A_254 : i32 to index
      %get3A_256 = arith.constant 48 : index
      %get3A_257 = tpu.vector_load %arg5[%get3A_255, %get3A_256] {strides = array<i32>} : memref<5x64xi32, #tpu.memory_space<vmem>>, vector<1x16xi32>,
      %get3A_258 = vector.shape_cast %get3A_257 : vector<1x16xi32> to vector<16xi32>
      %add3A_259 = vector.broadcast %mul3A_2 : i32 to vector<16xi32>
      %add3A_260 = arith.addi %get3A_258, %add3A_259 : vector<16xi32>
      %swap3A_261 = arith.constant 4 : i32
      %swap3A_262 = arith.index_cast %swap3A_261 : i32 to index
      %swap3A_263 = arith.constant 48 : index
      %swap3A_264 = tpu.vector_load %arg5[%swap3A_262, %swap3A_263] {strides = array<i32>} : memref<5x64xi32, #tpu.memory_space<vmem>>, vector<1x16xi32>,
      %swap3A_265 = vector.shape_cast %swap3A_264 : vector<1x16xi32> to vector<16xi32>
      %swap3A_266 = vector.shape_cast %add3A_260 : vector<16xi32> to vector<1x16xi32>
      tpu.vector_store %arg5[%swap3A_262, %swap3A_263], %swap3A_266 {strides = array<i32>} : memref<5x64xi32, #tpu.memory_space<vmem>>, vector<1x16xi32>,
      %dma_start3A = arith.constant 0 : i32
      %dma_start3A_267 = arith.constant 0 : i32
      %dma_start3A_268 = arith.constant 0 : i32
      %dma_start3A_269 = tpu.memref_slice %arg6[%dma_start3A_267, %dma_start3A_268] : memref<320x128xf32, #tpu.memory_space<vmem>> -> memref<64x128xf32, #tpu.memory_space<vmem>>
      %dma_start3A_270 = arith.constant 0 : i32
      %dma_start3A_271 = tpu.memref_slice %arg5[%dma_start3A, %dma_start3A_270] : memref<5x64xi32, #tpu.memory_space<vmem>> -> memref<1x64xi32, #tpu.memory_space<vmem>>
      %dma_start3A_272 = tpu.memref_squeeze %dma_start3A_271 : memref<1x64xi32, #tpu.memory_space<vmem>> -> memref<64xi32, #tpu.memory_space<vmem>>
      %dma_start3A_273 = arith.constant 0 : i32
      %dma_start3A_274 = arith.constant 0 : i32
      %dma_start3A_275 = tpu.memref_slice %arg3[%dma_start3A_273, %dma_start3A_274] : memref<32768x128xf32, #tpu.memory_space<hbm>> -> memref<32768x128xf32, #tpu.memory_space<hbm>>
      tpu.enqueue_indirect_dma source(%dma_start3A_275 : memref<32768x128xf32, #tpu.memory_space<hbm>>) target(%dma_start3A_269 : memref<64x128xf32, #tpu.memory_space<vmem>>) offsets(%dma_start3A_272 : memref<64xi32, #tpu.memory_space<vmem>>) semaphore(%arg7 : memref<!tpu.dma_semaphore, #tpu.memory_space<semaphore_mem>>)
      %dma_start3A_276 = arith.constant 1 : i32
      %dma_start3A_277 = arith.constant 64 : i32
      %dma_start3A_278 = arith.constant 0 : i32
      %dma_start3A_279 = tpu.memref_slice %arg6[%dma_start3A_277, %dma_start3A_278] : memref<320x128xf32, #tpu.memory_space<vmem>> -> memref<64x128xf32, #tpu.memory_space<vmem>>
      %dma_start3A_280 = arith.constant 0 : i32
      %dma_start3A_281 = tpu.memref_slice %arg5[%dma_start3A_276, %dma_start3A_280] : memref<5x64xi32, #tpu.memory_space<vmem>> -> memref<1x64xi32, #tpu.memory_space<vmem>>
      %dma_start3A_282 = tpu.memref_squeeze %dma_start3A_281 : memref<1x64xi32, #tpu.memory_space<vmem>> -> memref<64xi32, #tpu.memory_space<vmem>>
      %dma_start3A_283 = arith.constant 0 : i32
      %dma_start3A_284 = arith.constant 0 : i32
      %dma_start3A_285 = tpu.memref_slice %arg3[%dma_start3A_283, %dma_start3A_284] : memref<32768x128xf32, #tpu.memory_space<hbm>> -> memref<32768x128xf32, #tpu.memory_space<hbm>>
      tpu.enqueue_indirect_dma source(%dma_start3A_285 : memref<32768x128xf32, #tpu.memory_space<hbm>>) target(%dma_start3A_279 : memref<64x128xf32, #tpu.memory_space<vmem>>) offsets(%dma_start3A_282 : memref<64xi32, #tpu.memory_space<vmem>>) semaphore(%arg7 : memref<!tpu.dma_semaphore, #tpu.memory_space<semaphore_mem>>)
      %dma_start3A_286 = arith.constant 2 : i32
      %dma_start3A_287 = arith.constant 128 : i32
      %dma_start3A_288 = arith.constant 0 : i32
      %dma_start3A_289 = tpu.memref_slice %arg6[%dma_start3A_287, %dma_start3A_288] : memref<320x128xf32, #tpu.memory_space<vmem>> -> memref<64x128xf32, #tpu.memory_space<vmem>>
      %dma_start3A_290 = arith.constant 0 : i32
      %dma_start3A_291 = tpu.memref_slice %arg5[%dma_start3A_286, %dma_start3A_290] : memref<5x64xi32, #tpu.memory_space<vmem>> -> memref<1x64xi32, #tpu.memory_space<vmem>>
      %dma_start3A_292 = tpu.memref_squeeze %dma_start3A_291 : memref<1x64xi32, #tpu.memory_space<vmem>> -> memref<64xi32, #tpu.memory_space<vmem>>
      %dma_start3A_293 = arith.constant 0 : i32
      %dma_start3A_294 = arith.constant 0 : i32
      %dma_start3A_295 = tpu.memref_slice %arg3[%dma_start3A_293, %dma_start3A_294] : memref<32768x128xf32, #tpu.memory_space<hbm>> -> memref<32768x128xf32, #tpu.memory_space<hbm>>
      tpu.enqueue_indirect_dma source(%dma_start3A_295 : memref<32768x128xf32, #tpu.memory_space<hbm>>) target(%dma_start3A_289 : memref<64x128xf32, #tpu.memory_space<vmem>>) offsets(%dma_start3A_292 : memref<64xi32, #tpu.memory_space<vmem>>) semaphore(%arg7 : memref<!tpu.dma_semaphore, #tpu.memory_space<semaphore_mem>>)
      %dma_start3A_296 = arith.constant 3 : i32
      %dma_start3A_297 = arith.constant 192 : i32
      %dma_start3A_298 = arith.constant 0 : i32
      %dma_start3A_299 = tpu.memref_slice %arg6[%dma_start3A_297, %dma_start3A_298] : memref<320x128xf32, #tpu.memory_space<vmem>> -> memref<64x128xf32, #tpu.memory_space<vmem>>
      %dma_start3A_300 = arith.constant 0 : i32
      %dma_start3A_301 = tpu.memref_slice %arg5[%dma_start3A_296, %dma_start3A_300] : memref<5x64xi32, #tpu.memory_space<vmem>> -> memref<1x64xi32, #tpu.memory_space<vmem>>
      %dma_start3A_302 = tpu.memref_squeeze %dma_start3A_301 : memref<1x64xi32, #tpu.memory_space<vmem>> -> memref<64xi32, #tpu.memory_space<vmem>>
      %dma_start3A_303 = arith.constant 0 : i32
      %dma_start3A_304 = arith.constant 0 : i32
      %dma_start3A_305 = tpu.memref_slice %arg3[%dma_start3A_303, %dma_start3A_304] : memref<32768x128xf32, #tpu.memory_space<hbm>> -> memref<32768x128xf32, #tpu.memory_space<hbm>>
      tpu.enqueue_indirect_dma source(%dma_start3A_305 : memref<32768x128xf32, #tpu.memory_space<hbm>>) target(%dma_start3A_299 : memref<64x128xf32, #tpu.memory_space<vmem>>) offsets(%dma_start3A_302 : memref<64xi32, #tpu.memory_space<vmem>>) semaphore(%arg7 : memref<!tpu.dma_semaphore, #tpu.memory_space<semaphore_mem>>)
      %dma_start3A_306 = arith.constant 4 : i32
      %dma_start3A_307 = arith.constant 256 : i32
      %dma_start3A_308 = arith.constant 0 : i32
      %dma_start3A_309 = tpu.memref_slice %arg6[%dma_start3A_307, %dma_start3A_308] : memref<320x128xf32, #tpu.memory_space<vmem>> -> memref<64x128xf32, #tpu.memory_space<vmem>>
      %dma_start3A_310 = arith.constant 0 : i32
      %dma_start3A_311 = tpu.memref_slice %arg5[%dma_start3A_306, %dma_start3A_310] : memref<5x64xi32, #tpu.memory_space<vmem>> -> memref<1x64xi32, #tpu.memory_space<vmem>>
      %dma_start3A_312 = tpu.memref_squeeze %dma_start3A_311 : memref<1x64xi32, #tpu.memory_space<vmem>> -> memref<64xi32, #tpu.memory_space<vmem>>
      %dma_start3A_313 = arith.constant 0 : i32
      %dma_start3A_314 = arith.constant 0 : i32
      %dma_start3A_315 = tpu.memref_slice %arg3[%dma_start3A_313, %dma_start3A_314] : memref<32768x128xf32, #tpu.memory_space<hbm>> -> memref<32768x128xf32, #tpu.memory_space<hbm>>
      tpu.enqueue_indirect_dma source(%dma_start3A_315 : memref<32768x128xf32, #tpu.memory_space<hbm>>) target(%dma_start3A_309 : memref<64x128xf32, #tpu.memory_space<vmem>>) offsets(%dma_start3A_312 : memref<64xi32, #tpu.memory_space<vmem>>) semaphore(%arg7 : memref<!tpu.dma_semaphore, #tpu.memory_space<semaphore_mem>>)
      %dma_wait3A = arith.constant 0 : i32
      %dma_wait3A_316 = arith.constant 0 : i32
      %dma_wait3A_317 = arith.constant 0 : i32
      %dma_wait3A_318 = tpu.memref_slice %arg6[%dma_wait3A_316, %dma_wait3A_317] : memref<320x128xf32, #tpu.memory_space<vmem>> -> memref<64x128xf32, #tpu.memory_space<vmem>>
      %dma_wait3A_319 = arith.constant 0 : i32
      %dma_wait3A_320 = tpu.memref_slice %arg5[%dma_wait3A, %dma_wait3A_319] : memref<5x64xi32, #tpu.memory_space<vmem>> -> memref<1x64xi32, #tpu.memory_space<vmem>>
      %dma_wait3A_321 = tpu.memref_squeeze %dma_wait3A_320 : memref<1x64xi32, #tpu.memory_space<vmem>> -> memref<64xi32, #tpu.memory_space<vmem>>
      %dma_wait3A_322 = arith.constant 0 : i32
      %dma_wait3A_323 = arith.constant 0 : i32
      %dma_wait3A_324 = tpu.memref_slice %arg3[%dma_wait3A_322, %dma_wait3A_323] : memref<32768x128xf32, #tpu.memory_space<hbm>> -> memref<32768x128xf32, #tpu.memory_space<hbm>>
      tpu.wait_indirect_dma semaphore(%arg7 : memref<!tpu.dma_semaphore, #tpu.memory_space<semaphore_mem>>) src(%dma_wait3A_324 : memref<32768x128xf32, #tpu.memory_space<hbm>>) dst(%dma_wait3A_318 : memref<64x128xf32, #tpu.memory_space<vmem>>)
      %dma_wait3A_325 = arith.constant 1 : i32
      %dma_wait3A_326 = arith.constant 64 : i32
      %dma_wait3A_327 = arith.constant 0 : i32
      %dma_wait3A_328 = tpu.memref_slice %arg6[%dma_wait3A_326, %dma_wait3A_327] : memref<320x128xf32, #tpu.memory_space<vmem>> -> memref<64x128xf32, #tpu.memory_space<vmem>>
      %dma_wait3A_329 = arith.constant 0 : i32
      %dma_wait3A_330 = tpu.memref_slice %arg5[%dma_wait3A_325, %dma_wait3A_329] : memref<5x64xi32, #tpu.memory_space<vmem>> -> memref<1x64xi32, #tpu.memory_space<vmem>>
      %dma_wait3A_331 = tpu.memref_squeeze %dma_wait3A_330 : memref<1x64xi32, #tpu.memory_space<vmem>> -> memref<64xi32, #tpu.memory_space<vmem>>
      %dma_wait3A_332 = arith.constant 0 : i32
      %dma_wait3A_333 = arith.constant 0 : i32
      %dma_wait3A_334 = tpu.memref_slice %arg3[%dma_wait3A_332, %dma_wait3A_333] : memref<32768x128xf32, #tpu.memory_space<hbm>> -> memref<32768x128xf32, #tpu.memory_space<hbm>>
      tpu.wait_indirect_dma semaphore(%arg7 : memref<!tpu.dma_semaphore, #tpu.memory_space<semaphore_mem>>) src(%dma_wait3A_334 : memref<32768x128xf32, #tpu.memory_space<hbm>>) dst(%dma_wait3A_328 : memref<64x128xf32, #tpu.memory_space<vmem>>)
      %dma_wait3A_335 = arith.constant 2 : i32
      %dma_wait3A_336 = arith.constant 128 : i32
      %dma_wait3A_337 = arith.constant 0 : i32
      %dma_wait3A_338 = tpu.memref_slice %arg6[%dma_wait3A_336, %dma_wait3A_337] : memref<320x128xf32, #tpu.memory_space<vmem>> -> memref<64x128xf32, #tpu.memory_space<vmem>>
      %dma_wait3A_339 = arith.constant 0 : i32
      %dma_wait3A_340 = tpu.memref_slice %arg5[%dma_wait3A_335, %dma_wait3A_339] : memref<5x64xi32, #tpu.memory_space<vmem>> -> memref<1x64xi32, #tpu.memory_space<vmem>>
      %dma_wait3A_341 = tpu.memref_squeeze %dma_wait3A_340 : memref<1x64xi32, #tpu.memory_space<vmem>> -> memref<64xi32, #tpu.memory_space<vmem>>
      %dma_wait3A_342 = arith.constant 0 : i32
      %dma_wait3A_343 = arith.constant 0 : i32
      %dma_wait3A_344 = tpu.memref_slice %arg3[%dma_wait3A_342, %dma_wait3A_343] : memref<32768x128xf32, #tpu.memory_space<hbm>> -> memref<32768x128xf32, #tpu.memory_space<hbm>>
      tpu.wait_indirect_dma semaphore(%arg7 : memref<!tpu.dma_semaphore, #tpu.memory_space<semaphore_mem>>) src(%dma_wait3A_344 : memref<32768x128xf32, #tpu.memory_space<hbm>>) dst(%dma_wait3A_338 : memref<64x128xf32, #tpu.memory_space<vmem>>)
      %dma_wait3A_345 = arith.constant 3 : i32
      %dma_wait3A_346 = arith.constant 192 : i32
      %dma_wait3A_347 = arith.constant 0 : i32
      %dma_wait3A_348 = tpu.memref_slice %arg6[%dma_wait3A_346, %dma_wait3A_347] : memref<320x128xf32, #tpu.memory_space<vmem>> -> memref<64x128xf32, #tpu.memory_space<vmem>>
      %dma_wait3A_349 = arith.constant 0 : i32
      %dma_wait3A_350 = tpu.memref_slice %arg5[%dma_wait3A_345, %dma_wait3A_349] : memref<5x64xi32, #tpu.memory_space<vmem>> -> memref<1x64xi32, #tpu.memory_space<vmem>>
      %dma_wait3A_351 = tpu.memref_squeeze %dma_wait3A_350 : memref<1x64xi32, #tpu.memory_space<vmem>> -> memref<64xi32, #tpu.memory_space<vmem>>
      %dma_wait3A_352 = arith.constant 0 : i32
      %dma_wait3A_353 = arith.constant 0 : i32
      %dma_wait3A_354 = tpu.memref_slice %arg3[%dma_wait3A_352, %dma_wait3A_353] : memref<32768x128xf32, #tpu.memory_space<hbm>> -> memref<32768x128xf32, #tpu.memory_space<hbm>>
      tpu.wait_indirect_dma semaphore(%arg7 : memref<!tpu.dma_semaphore, #tpu.memory_space<semaphore_mem>>) src(%dma_wait3A_354 : memref<32768x128xf32, #tpu.memory_space<hbm>>) dst(%dma_wait3A_348 : memref<64x128xf32, #tpu.memory_space<vmem>>)
      %dma_wait3A_355 = arith.constant 4 : i32
      %dma_wait3A_356 = arith.constant 256 : i32
      %dma_wait3A_357 = arith.constant 0 : i32
      %dma_wait3A_358 = tpu.memref_slice %arg6[%dma_wait3A_356, %dma_wait3A_357] : memref<320x128xf32, #tpu.memory_space<vmem>> -> memref<64x128xf32, #tpu.memory_space<vmem>>
      %dma_wait3A_359 = arith.constant 0 : i32
      %dma_wait3A_360 = tpu.memref_slice %arg5[%dma_wait3A_355, %dma_wait3A_359] : memref<5x64xi32, #tpu.memory_space<vmem>> -> memref<1x64xi32, #tpu.memory_space<vmem>>
      %dma_wait3A_361 = tpu.memref_squeeze %dma_wait3A_360 : memref<1x64xi32, #tpu.memory_space<vmem>> -> memref<64xi32, #tpu.memory_space<vmem>>
      %dma_wait3A_362 = arith.constant 0 : i32
      %dma_wait3A_363 = arith.constant 0 : i32
      %dma_wait3A_364 = tpu.memref_slice %arg3[%dma_wait3A_362, %dma_wait3A_363] : memref<32768x128xf32, #tpu.memory_space<hbm>> -> memref<32768x128xf32, #tpu.memory_space<hbm>>
      tpu.wait_indirect_dma semaphore(%arg7 : memref<!tpu.dma_semaphore, #tpu.memory_space<semaphore_mem>>) src(%dma_wait3A_364 : memref<32768x128xf32, #tpu.memory_space<hbm>>) dst(%dma_wait3A_358 : memref<64x128xf32, #tpu.memory_space<vmem>>)
      %mul3A_365 = arith.constant 16 : i32
      %mul3A_366 = arith.muli %scan3A_8, %mul3A_365 : i32
      %mul3A_367 = arith.constant 20 : i32
      %mul3A_368 = arith.muli %mul3A_366, %mul3A_367 : i32
      "tpu.region"() ({
        %run_scoped3A = tpu.sem_alloc : memref<!tpu.dma_semaphore, #tpu.memory_space<semaphore_mem>>
        %dma_start3A_369 = arith.constant 0 : i32
        %dma_start3A_370 = tpu.memref_slice %arg4[%add3A, %mul3A_368, %dma_start3A_369] : memref<32x20480x128xf32, #tpu.memory_space<hbm>> -> memref<1x320x128xf32, #tpu.memory_space<hbm>>
        %dma_start3A_371 = tpu.memref_squeeze %dma_start3A_370 : memref<1x320x128xf32, #tpu.memory_space<hbm>> -> memref<320x128xf32, #tpu.memory_space<hbm>>
        %dma_start3A_372 = arith.constant 0 : i32
        %dma_start3A_373 = tpu.memref_slice %arg4[%add3A, %mul3A_368, %dma_start3A_372] : memref<32x20480x128xf32, #tpu.memory_space<hbm>> -> memref<1x320x128xf32, #tpu.memory_space<hbm>>
        %dma_start3A_374 = tpu.memref_squeeze %dma_start3A_373 : memref<1x320x128xf32, #tpu.memory_space<hbm>> -> memref<320x128xf32, #tpu.memory_space<hbm>>
        tpu.enqueue_dma source(%arg6 : memref<320x128xf32, #tpu.memory_space<vmem>>) target(%dma_start3A_374 : memref<320x128xf32, #tpu.memory_space<hbm>>) target_semaphore(%run_scoped3A : memref<!tpu.dma_semaphore, #tpu.memory_space<semaphore_mem>>)
        %dma_wait3A_375 = arith.constant 0 : i32
        %dma_wait3A_376 = tpu.memref_slice %arg4[%add3A, %mul3A_368, %dma_wait3A_375] : memref<32x20480x128xf32, #tpu.memory_space<hbm>> -> memref<1x320x128xf32, #tpu.memory_space<hbm>>
        %dma_wait3A_377 = tpu.memref_squeeze %dma_wait3A_376 : memref<1x320x128xf32, #tpu.memory_space<hbm>> -> memref<320x128xf32, #tpu.memory_space<hbm>>
        %dma_wait3A_378 = arith.constant 0 : i32
        %dma_wait3A_379 = tpu.memref_slice %arg4[%add3A, %mul3A_368, %dma_wait3A_378] : memref<32x20480x128xf32, #tpu.memory_space<hbm>> -> memref<1x320x128xf32, #tpu.memory_space<hbm>>
        %dma_wait3A_380 = tpu.memref_squeeze %dma_wait3A_379 : memref<1x320x128xf32, #tpu.memory_space<hbm>> -> memref<320x128xf32, #tpu.memory_space<hbm>>
        tpu.wait_dma2 semaphore(%run_scoped3A : memref<!tpu.dma_semaphore, #tpu.memory_space<semaphore_mem>>) src(%arg6 : memref<320x128xf32, #tpu.memory_space<vmem>>) dst(%dma_wait3A_380 : memref<320x128xf32, #tpu.memory_space<hbm>>)
        tpu.yield
      }) : () -> ()
    }
    %scan3A_7 = arith.constant 64 : i32
    return
  }
}

#map = affine_map<(d0, d1) -> (0, 0, 0, 0)>
#map1 = affine_map<(d0, d1) -> (0, 0)>
#map2 = affine_map<(d0, d1) -> (0, 0, 0)>
module attributes {stable_mosaic.version = 14 : i64} {
  func.func @_sc_gather_body(%arg0: i32, %arg1: i32, %arg2: memref<32x64x5x64xi32, #tpu.memory_space<hbm>>, %arg3: memref<32768x128xf32, #tpu.memory_space<hbm>>, %arg4: memref<32x20480x128xf32, #tpu.memory_space<hbm>>, %arg5: memref<5x64xi32, #tpu.memory_space<vmem>>, %arg6: memref<320x128xf32, #tpu.memory_space<vmem>>, %arg7: memref<!tpu.dma_semaphore, #tpu.memory_space<semaphore_mem>>) attributes {dimension_semantics = [#tpu.dimension_semantics<core_parallel>, #tpu.dimension_semantics<subcore_parallel>], iteration_bounds = array<i64: 2, 16>, scalar_prefetch = 0 : i64, scratch_operands = 3 : i64, tpu.core_type = #tpu.core_type<sc_vector_subcore>, window_params = [{transform_indices = #map}, {transform_indices = #map1}, {transform_indices = #map2}]} {
    %mul3A = arith.constant 2 : i32
    %mul3A_0 = arith.muli %arg1, %mul3A : i32
    %add3A = arith.addi %mul3A_0, %arg0 : i32
    %mul3A_1 = arith.constant 1024 : i32
    %mul3A_2 = arith.muli %add3A, %mul3A_1 : i32
    %scan3A = arith.constant 0 : i32
    %scan3A_3 = arith.constant 0 : i32
    %scan3A_4 = arith.constant 64 : i32
    %scan3A_5 = arith.addi %scan3A_3, %scan3A_4 : i32
    %scan3A_6 = arith.constant 1 : i32
    scf.for %scan3A_8 = %scan3A_3 to %scan3A_5 step %scan3A_6  : i32 {
      "tpu.region"() ({
        %run_scoped3A = tpu.sem_alloc : memref<!tpu.dma_semaphore, #tpu.memory_space<semaphore_mem>>
        %dma_start3A_369 = arith.constant 0 : i32
        %dma_start3A_370 = arith.constant 0 : i32
        %dma_start3A_371 = tpu.memref_slice %arg2[%add3A, %scan3A_8, %dma_start3A_369, %dma_start3A_370] : memref<32x64x5x64xi32, #tpu.memory_space<hbm>> -> memref<1x1x5x64xi32, #tpu.memory_space<hbm>>
        %dma_start3A_372 = tpu.memref_squeeze %dma_start3A_371 : memref<1x1x5x64xi32, #tpu.memory_space<hbm>> -> memref<5x64xi32, #tpu.memory_space<hbm>>
        %dma_start3A_373 = arith.constant 0 : i32
        %dma_start3A_374 = arith.constant 0 : i32
        %dma_start3A_375 = tpu.memref_slice %arg2[%add3A, %scan3A_8, %dma_start3A_373, %dma_start3A_374] : memref<32x64x5x64xi32, #tpu.memory_space<hbm>> -> memref<1x1x5x64xi32, #tpu.memory_space<hbm>>
        %dma_start3A_376 = tpu.memref_squeeze %dma_start3A_375 : memref<1x1x5x64xi32, #tpu.memory_space<hbm>> -> memref<5x64xi32, #tpu.memory_space<hbm>>
        tpu.enqueue_dma source(%dma_start3A_376 : memref<5x64xi32, #tpu.memory_space<hbm>>) target(%arg5 : memref<5x64xi32, #tpu.memory_space<vmem>>) target_semaphore(%run_scoped3A : memref<!tpu.dma_semaphore, #tpu.memory_space<semaphore_mem>>)
        %dma_wait3A_377 = arith.constant 0 : i32
        %dma_wait3A_378 = arith.constant 0 : i32
        %dma_wait3A_379 = tpu.memref_slice %arg2[%add3A, %scan3A_8, %dma_wait3A_377, %dma_wait3A_378] : memref<32x64x5x64xi32, #tpu.memory_space<hbm>> -> memref<1x1x5x64xi32, #tpu.memory_space<hbm>>
        %dma_wait3A_380 = tpu.memref_squeeze %dma_wait3A_379 : memref<1x1x5x64xi32, #tpu.memory_space<hbm>> -> memref<5x64xi32, #tpu.memory_space<hbm>>
        %dma_wait3A_381 = arith.constant 0 : i32
        %dma_wait3A_382 = arith.constant 0 : i32
        %dma_wait3A_383 = tpu.memref_slice %arg2[%add3A, %scan3A_8, %dma_wait3A_381, %dma_wait3A_382] : memref<32x64x5x64xi32, #tpu.memory_space<hbm>> -> memref<1x1x5x64xi32, #tpu.memory_space<hbm>>
        %dma_wait3A_384 = tpu.memref_squeeze %dma_wait3A_383 : memref<1x1x5x64xi32, #tpu.memory_space<hbm>> -> memref<5x64xi32, #tpu.memory_space<hbm>>
        tpu.wait_dma2 semaphore(%run_scoped3A : memref<!tpu.dma_semaphore, #tpu.memory_space<semaphore_mem>>) src(%dma_wait3A_384 : memref<5x64xi32, #tpu.memory_space<hbm>>) dst(%arg5 : memref<5x64xi32, #tpu.memory_space<vmem>>)
        tpu.yield
      }) : () -> ()
      %get3A = arith.constant 0 : i32
      %get3A_9 = arith.index_cast %get3A : i32 to index
      %get3A_10 = arith.constant 0 : index
      %get3A_11 = tpu.vector_load %arg5[%get3A_9, %get3A_10] {strides = array<i32>} : memref<5x64xi32, #tpu.memory_space<vmem>>, vector<1x16xi32>,
      %get3A_12 = vector.shape_cast %get3A_11 : vector<1x16xi32> to vector<16xi32>
      %add3A_13 = vector.broadcast %mul3A_2 : i32 to vector<16xi32>
      %add3A_14 = arith.addi %get3A_12, %add3A_13 : vector<16xi32>
      %swap3A = arith.constant 0 : i32
      %swap3A_15 = arith.index_cast %swap3A : i32 to index
      %swap3A_16 = arith.constant 0 : index
      %swap3A_17 = tpu.vector_load %arg5[%swap3A_15, %swap3A_16] {strides = array<i32>} : memref<5x64xi32, #tpu.memory_space<vmem>>, vector<1x16xi32>,
      %swap3A_18 = vector.shape_cast %swap3A_17 : vector<1x16xi32> to vector<16xi32>
      %swap3A_19 = vector.shape_cast %add3A_14 : vector<16xi32> to vector<1x16xi32>
      tpu.vector_store %arg5[%swap3A_15, %swap3A_16], %swap3A_19 {strides = array<i32>} : memref<5x64xi32, #tpu.memory_space<vmem>>, vector<1x16xi32>,
      %get3A_20 = arith.constant 0 : i32
      %get3A_21 = arith.index_cast %get3A_20 : i32 to index
      %get3A_22 = arith.constant 16 : index
      %get3A_23 = tpu.vector_load %arg5[%get3A_21, %get3A_22] {strides = array<i32>} : memref<5x64xi32, #tpu.memory_space<vmem>>, vector<1x16xi32>,
      %get3A_24 = vector.shape_cast %get3A_23 : vector<1x16xi32> to vector<16xi32>
      %add3A_25 = vector.broadcast %mul3A_2 : i32 to vector<16xi32>
      %add3A_26 = arith.addi %get3A_24, %add3A_25 : vector<16xi32>
      %swap3A_27 = arith.constant 0 : i32
      %swap3A_28 = arith.index_cast %swap3A_27 : i32 to index
      %swap3A_29 = arith.constant 16 : index
      %swap3A_30 = tpu.vector_load %arg5[%swap3A_28, %swap3A_29] {strides = array<i32>} : memref<5x64xi32, #tpu.memory_space<vmem>>, vector<1x16xi32>,
      %swap3A_31 = vector.shape_cast %swap3A_30 : vector<1x16xi32> to vector<16xi32>
      %swap3A_32 = vector.shape_cast %add3A_26 : vector<16xi32> to vector<1x16xi32>
      tpu.vector_store %arg5[%swap3A_28, %swap3A_29], %swap3A_32 {strides = array<i32>} : memref<5x64xi32, #tpu.memory_space<vmem>>, vector<1x16xi32>,
      %get3A_33 = arith.constant 0 : i32
      %get3A_34 = arith.index_cast %get3A_33 : i32 to index
      %get3A_35 = arith.constant 32 : index
      %get3A_36 = tpu.vector_load %arg5[%get3A_34, %get3A_35] {strides = array<i32>} : memref<5x64xi32, #tpu.memory_space<vmem>>, vector<1x16xi32>,
      %get3A_37 = vector.shape_cast %get3A_36 : vector<1x16xi32> to vector<16xi32>
      %add3A_38 = vector.broadcast %mul3A_2 : i32 to vector<16xi32>
      %add3A_39 = arith.addi %get3A_37, %add3A_38 : vector<16xi32>
      %swap3A_40 = arith.constant 0 : i32
      %swap3A_41 = arith.index_cast %swap3A_40 : i32 to index
      %swap3A_42 = arith.constant 32 : index
      %swap3A_43 = tpu.vector_load %arg5[%swap3A_41, %swap3A_42] {strides = array<i32>} : memref<5x64xi32, #tpu.memory_space<vmem>>, vector<1x16xi32>,
      %swap3A_44 = vector.shape_cast %swap3A_43 : vector<1x16xi32> to vector<16xi32>
      %swap3A_45 = vector.shape_cast %add3A_39 : vector<16xi32> to vector<1x16xi32>
      tpu.vector_store %arg5[%swap3A_41, %swap3A_42], %swap3A_45 {strides = array<i32>} : memref<5x64xi32, #tpu.memory_space<vmem>>, vector<1x16xi32>,
      %get3A_46 = arith.constant 0 : i32
      %get3A_47 = arith.index_cast %get3A_46 : i32 to index
      %get3A_48 = arith.constant 48 : index
      %get3A_49 = tpu.vector_load %arg5[%get3A_47, %get3A_48] {strides = array<i32>} : memref<5x64xi32, #tpu.memory_space<vmem>>, vector<1x16xi32>,
      %get3A_50 = vector.shape_cast %get3A_49 : vector<1x16xi32> to vector<16xi32>
      %add3A_51 = vector.broadcast %mul3A_2 : i32 to vector<16xi32>
      %add3A_52 = arith.addi %get3A_50, %add3A_51 : vector<16xi32>
      %swap3A_53 = arith.constant 0 : i32
      %swap3A_54 = arith.index_cast %swap3A_53 : i32 to index
      %swap3A_55 = arith.constant 48 : index
      %swap3A_56 = tpu.vector_load %arg5[%swap3A_54, %swap3A_55] {strides = array<i32>} : memref<5x64xi32, #tpu.memory_space<vmem>>, vector<1x16xi32>,
      %swap3A_57 = vector.shape_cast %swap3A_56 : vector<1x16xi32> to vector<16xi32>
      %swap3A_58 = vector.shape_cast %add3A_52 : vector<16xi32> to vector<1x16xi32>
      tpu.vector_store %arg5[%swap3A_54, %swap3A_55], %swap3A_58 {strides = array<i32>} : memref<5x64xi32, #tpu.memory_space<vmem>>, vector<1x16xi32>,
      %get3A_59 = arith.constant 1 : i32
      %get3A_60 = arith.index_cast %get3A_59 : i32 to index
      %get3A_61 = arith.constant 0 : index
      %get3A_62 = tpu.vector_load %arg5[%get3A_60, %get3A_61] {strides = array<i32>} : memref<5x64xi32, #tpu.memory_space<vmem>>, vector<1x16xi32>,
      %get3A_63 = vector.shape_cast %get3A_62 : vector<1x16xi32> to vector<16xi32>
      %add3A_64 = vector.broadcast %mul3A_2 : i32 to vector<16xi32>
      %add3A_65 = arith.addi %get3A_63, %add3A_64 : vector<16xi32>
      %swap3A_66 = arith.constant 1 : i32
      %swap3A_67 = arith.index_cast %swap3A_66 : i32 to index
      %swap3A_68 = arith.constant 0 : index
      %swap3A_69 = tpu.vector_load %arg5[%swap3A_67, %swap3A_68] {strides = array<i32>} : memref<5x64xi32, #tpu.memory_space<vmem>>, vector<1x16xi32>,
      %swap3A_70 = vector.shape_cast %swap3A_69 : vector<1x16xi32> to vector<16xi32>
      %swap3A_71 = vector.shape_cast %add3A_65 : vector<16xi32> to vector<1x16xi32>
      tpu.vector_store %arg5[%swap3A_67, %swap3A_68], %swap3A_71 {strides = array<i32>} : memref<5x64xi32, #tpu.memory_space<vmem>>, vector<1x16xi32>,
      %get3A_72 = arith.constant 1 : i32
      %get3A_73 = arith.index_cast %get3A_72 : i32 to index
      %get3A_74 = arith.constant 16 : index
      %get3A_75 = tpu.vector_load %arg5[%get3A_73, %get3A_74] {strides = array<i32>} : memref<5x64xi32, #tpu.memory_space<vmem>>, vector<1x16xi32>,
      %get3A_76 = vector.shape_cast %get3A_75 : vector<1x16xi32> to vector<16xi32>
      %add3A_77 = vector.broadcast %mul3A_2 : i32 to vector<16xi32>
      %add3A_78 = arith.addi %get3A_76, %add3A_77 : vector<16xi32>
      %swap3A_79 = arith.constant 1 : i32
      %swap3A_80 = arith.index_cast %swap3A_79 : i32 to index
      %swap3A_81 = arith.constant 16 : index
      %swap3A_82 = tpu.vector_load %arg5[%swap3A_80, %swap3A_81] {strides = array<i32>} : memref<5x64xi32, #tpu.memory_space<vmem>>, vector<1x16xi32>,
      %swap3A_83 = vector.shape_cast %swap3A_82 : vector<1x16xi32> to vector<16xi32>
      %swap3A_84 = vector.shape_cast %add3A_78 : vector<16xi32> to vector<1x16xi32>
      tpu.vector_store %arg5[%swap3A_80, %swap3A_81], %swap3A_84 {strides = array<i32>} : memref<5x64xi32, #tpu.memory_space<vmem>>, vector<1x16xi32>,
      %get3A_85 = arith.constant 1 : i32
      %get3A_86 = arith.index_cast %get3A_85 : i32 to index
      %get3A_87 = arith.constant 32 : index
      %get3A_88 = tpu.vector_load %arg5[%get3A_86, %get3A_87] {strides = array<i32>} : memref<5x64xi32, #tpu.memory_space<vmem>>, vector<1x16xi32>,
      %get3A_89 = vector.shape_cast %get3A_88 : vector<1x16xi32> to vector<16xi32>
      %add3A_90 = vector.broadcast %mul3A_2 : i32 to vector<16xi32>
      %add3A_91 = arith.addi %get3A_89, %add3A_90 : vector<16xi32>
      %swap3A_92 = arith.constant 1 : i32
      %swap3A_93 = arith.index_cast %swap3A_92 : i32 to index
      %swap3A_94 = arith.constant 32 : index
      %swap3A_95 = tpu.vector_load %arg5[%swap3A_93, %swap3A_94] {strides = array<i32>} : memref<5x64xi32, #tpu.memory_space<vmem>>, vector<1x16xi32>,
      %swap3A_96 = vector.shape_cast %swap3A_95 : vector<1x16xi32> to vector<16xi32>
      %swap3A_97 = vector.shape_cast %add3A_91 : vector<16xi32> to vector<1x16xi32>
      tpu.vector_store %arg5[%swap3A_93, %swap3A_94], %swap3A_97 {strides = array<i32>} : memref<5x64xi32, #tpu.memory_space<vmem>>, vector<1x16xi32>,
      %get3A_98 = arith.constant 1 : i32
      %get3A_99 = arith.index_cast %get3A_98 : i32 to index
      %get3A_100 = arith.constant 48 : index
      %get3A_101 = tpu.vector_load %arg5[%get3A_99, %get3A_100] {strides = array<i32>} : memref<5x64xi32, #tpu.memory_space<vmem>>, vector<1x16xi32>,
      %get3A_102 = vector.shape_cast %get3A_101 : vector<1x16xi32> to vector<16xi32>
      %add3A_103 = vector.broadcast %mul3A_2 : i32 to vector<16xi32>
      %add3A_104 = arith.addi %get3A_102, %add3A_103 : vector<16xi32>
      %swap3A_105 = arith.constant 1 : i32
      %swap3A_106 = arith.index_cast %swap3A_105 : i32 to index
      %swap3A_107 = arith.constant 48 : index
      %swap3A_108 = tpu.vector_load %arg5[%swap3A_106, %swap3A_107] {strides = array<i32>} : memref<5x64xi32, #tpu.memory_space<vmem>>, vector<1x16xi32>,
      %swap3A_109 = vector.shape_cast %swap3A_108 : vector<1x16xi32> to vector<16xi32>
      %swap3A_110 = vector.shape_cast %add3A_104 : vector<16xi32> to vector<1x16xi32>
      tpu.vector_store %arg5[%swap3A_106, %swap3A_107], %swap3A_110 {strides = array<i32>} : memref<5x64xi32, #tpu.memory_space<vmem>>, vector<1x16xi32>,
      %get3A_111 = arith.constant 2 : i32
      %get3A_112 = arith.index_cast %get3A_111 : i32 to index
      %get3A_113 = arith.constant 0 : index
      %get3A_114 = tpu.vector_load %arg5[%get3A_112, %get3A_113] {strides = array<i32>} : memref<5x64xi32, #tpu.memory_space<vmem>>, vector<1x16xi32>,
      %get3A_115 = vector.shape_cast %get3A_114 : vector<1x16xi32> to vector<16xi32>
      %add3A_116 = vector.broadcast %mul3A_2 : i32 to vector<16xi32>
      %add3A_117 = arith.addi %get3A_115, %add3A_116 : vector<16xi32>
      %swap3A_118 = arith.constant 2 : i32
      %swap3A_119 = arith.index_cast %swap3A_118 : i32 to index
      %swap3A_120 = arith.constant 0 : index
      %swap3A_121 = tpu.vector_load %arg5[%swap3A_119, %swap3A_120] {strides = array<i32>} : memref<5x64xi32, #tpu.memory_space<vmem>>, vector<1x16xi32>,
      %swap3A_122 = vector.shape_cast %swap3A_121 : vector<1x16xi32> to vector<16xi32>
      %swap3A_123 = vector.shape_cast %add3A_117 : vector<16xi32> to vector<1x16xi32>
      tpu.vector_store %arg5[%swap3A_119, %swap3A_120], %swap3A_123 {strides = array<i32>} : memref<5x64xi32, #tpu.memory_space<vmem>>, vector<1x16xi32>,
      %get3A_124 = arith.constant 2 : i32
      %get3A_125 = arith.index_cast %get3A_124 : i32 to index
      %get3A_126 = arith.constant 16 : index
      %get3A_127 = tpu.vector_load %arg5[%get3A_125, %get3A_126] {strides = array<i32>} : memref<5x64xi32, #tpu.memory_space<vmem>>, vector<1x16xi32>,
      %get3A_128 = vector.shape_cast %get3A_127 : vector<1x16xi32> to vector<16xi32>
      %add3A_129 = vector.broadcast %mul3A_2 : i32 to vector<16xi32>
      %add3A_130 = arith.addi %get3A_128, %add3A_129 : vector<16xi32>
      %swap3A_131 = arith.constant 2 : i32
      %swap3A_132 = arith.index_cast %swap3A_131 : i32 to index
      %swap3A_133 = arith.constant 16 : index
      %swap3A_134 = tpu.vector_load %arg5[%swap3A_132, %swap3A_133] {strides = array<i32>} : memref<5x64xi32, #tpu.memory_space<vmem>>, vector<1x16xi32>,
      %swap3A_135 = vector.shape_cast %swap3A_134 : vector<1x16xi32> to vector<16xi32>
      %swap3A_136 = vector.shape_cast %add3A_130 : vector<16xi32> to vector<1x16xi32>
      tpu.vector_store %arg5[%swap3A_132, %swap3A_133], %swap3A_136 {strides = array<i32>} : memref<5x64xi32, #tpu.memory_space<vmem>>, vector<1x16xi32>,
      %get3A_137 = arith.constant 2 : i32
      %get3A_138 = arith.index_cast %get3A_137 : i32 to index
      %get3A_139 = arith.constant 32 : index
      %get3A_140 = tpu.vector_load %arg5[%get3A_138, %get3A_139] {strides = array<i32>} : memref<5x64xi32, #tpu.memory_space<vmem>>, vector<1x16xi32>,
      %get3A_141 = vector.shape_cast %get3A_140 : vector<1x16xi32> to vector<16xi32>
      %add3A_142 = vector.broadcast %mul3A_2 : i32 to vector<16xi32>
      %add3A_143 = arith.addi %get3A_141, %add3A_142 : vector<16xi32>
      %swap3A_144 = arith.constant 2 : i32
      %swap3A_145 = arith.index_cast %swap3A_144 : i32 to index
      %swap3A_146 = arith.constant 32 : index
      %swap3A_147 = tpu.vector_load %arg5[%swap3A_145, %swap3A_146] {strides = array<i32>} : memref<5x64xi32, #tpu.memory_space<vmem>>, vector<1x16xi32>,
      %swap3A_148 = vector.shape_cast %swap3A_147 : vector<1x16xi32> to vector<16xi32>
      %swap3A_149 = vector.shape_cast %add3A_143 : vector<16xi32> to vector<1x16xi32>
      tpu.vector_store %arg5[%swap3A_145, %swap3A_146], %swap3A_149 {strides = array<i32>} : memref<5x64xi32, #tpu.memory_space<vmem>>, vector<1x16xi32>,
      %get3A_150 = arith.constant 2 : i32
      %get3A_151 = arith.index_cast %get3A_150 : i32 to index
      %get3A_152 = arith.constant 48 : index
      %get3A_153 = tpu.vector_load %arg5[%get3A_151, %get3A_152] {strides = array<i32>} : memref<5x64xi32, #tpu.memory_space<vmem>>, vector<1x16xi32>,
      %get3A_154 = vector.shape_cast %get3A_153 : vector<1x16xi32> to vector<16xi32>
      %add3A_155 = vector.broadcast %mul3A_2 : i32 to vector<16xi32>
      %add3A_156 = arith.addi %get3A_154, %add3A_155 : vector<16xi32>
      %swap3A_157 = arith.constant 2 : i32
      %swap3A_158 = arith.index_cast %swap3A_157 : i32 to index
      %swap3A_159 = arith.constant 48 : index
      %swap3A_160 = tpu.vector_load %arg5[%swap3A_158, %swap3A_159] {strides = array<i32>} : memref<5x64xi32, #tpu.memory_space<vmem>>, vector<1x16xi32>,
      %swap3A_161 = vector.shape_cast %swap3A_160 : vector<1x16xi32> to vector<16xi32>
      %swap3A_162 = vector.shape_cast %add3A_156 : vector<16xi32> to vector<1x16xi32>
      tpu.vector_store %arg5[%swap3A_158, %swap3A_159], %swap3A_162 {strides = array<i32>} : memref<5x64xi32, #tpu.memory_space<vmem>>, vector<1x16xi32>,
      %get3A_163 = arith.constant 3 : i32
      %get3A_164 = arith.index_cast %get3A_163 : i32 to index
      %get3A_165 = arith.constant 0 : index
      %get3A_166 = tpu.vector_load %arg5[%get3A_164, %get3A_165] {strides = array<i32>} : memref<5x64xi32, #tpu.memory_space<vmem>>, vector<1x16xi32>,
      %get3A_167 = vector.shape_cast %get3A_166 : vector<1x16xi32> to vector<16xi32>
      %add3A_168 = vector.broadcast %mul3A_2 : i32 to vector<16xi32>
      %add3A_169 = arith.addi %get3A_167, %add3A_168 : vector<16xi32>
      %swap3A_170 = arith.constant 3 : i32
      %swap3A_171 = arith.index_cast %swap3A_170 : i32 to index
      %swap3A_172 = arith.constant 0 : index
      %swap3A_173 = tpu.vector_load %arg5[%swap3A_171, %swap3A_172] {strides = array<i32>} : memref<5x64xi32, #tpu.memory_space<vmem>>, vector<1x16xi32>,
      %swap3A_174 = vector.shape_cast %swap3A_173 : vector<1x16xi32> to vector<16xi32>
      %swap3A_175 = vector.shape_cast %add3A_169 : vector<16xi32> to vector<1x16xi32>
      tpu.vector_store %arg5[%swap3A_171, %swap3A_172], %swap3A_175 {strides = array<i32>} : memref<5x64xi32, #tpu.memory_space<vmem>>, vector<1x16xi32>,
      %get3A_176 = arith.constant 3 : i32
      %get3A_177 = arith.index_cast %get3A_176 : i32 to index
      %get3A_178 = arith.constant 16 : index
      %get3A_179 = tpu.vector_load %arg5[%get3A_177, %get3A_178] {strides = array<i32>} : memref<5x64xi32, #tpu.memory_space<vmem>>, vector<1x16xi32>,
      %get3A_180 = vector.shape_cast %get3A_179 : vector<1x16xi32> to vector<16xi32>
      %add3A_181 = vector.broadcast %mul3A_2 : i32 to vector<16xi32>
      %add3A_182 = arith.addi %get3A_180, %add3A_181 : vector<16xi32>
      %swap3A_183 = arith.constant 3 : i32
      %swap3A_184 = arith.index_cast %swap3A_183 : i32 to index
      %swap3A_185 = arith.constant 16 : index
      %swap3A_186 = tpu.vector_load %arg5[%swap3A_184, %swap3A_185] {strides = array<i32>} : memref<5x64xi32, #tpu.memory_space<vmem>>, vector<1x16xi32>,
      %swap3A_187 = vector.shape_cast %swap3A_186 : vector<1x16xi32> to vector<16xi32>
      %swap3A_188 = vector.shape_cast %add3A_182 : vector<16xi32> to vector<1x16xi32>
      tpu.vector_store %arg5[%swap3A_184, %swap3A_185], %swap3A_188 {strides = array<i32>} : memref<5x64xi32, #tpu.memory_space<vmem>>, vector<1x16xi32>,
      %get3A_189 = arith.constant 3 : i32
      %get3A_190 = arith.index_cast %get3A_189 : i32 to index
      %get3A_191 = arith.constant 32 : index
      %get3A_192 = tpu.vector_load %arg5[%get3A_190, %get3A_191] {strides = array<i32>} : memref<5x64xi32, #tpu.memory_space<vmem>>, vector<1x16xi32>,
      %get3A_193 = vector.shape_cast %get3A_192 : vector<1x16xi32> to vector<16xi32>
      %add3A_194 = vector.broadcast %mul3A_2 : i32 to vector<16xi32>
      %add3A_195 = arith.addi %get3A_193, %add3A_194 : vector<16xi32>
      %swap3A_196 = arith.constant 3 : i32
      %swap3A_197 = arith.index_cast %swap3A_196 : i32 to index
      %swap3A_198 = arith.constant 32 : index
      %swap3A_199 = tpu.vector_load %arg5[%swap3A_197, %swap3A_198] {strides = array<i32>} : memref<5x64xi32, #tpu.memory_space<vmem>>, vector<1x16xi32>,
      %swap3A_200 = vector.shape_cast %swap3A_199 : vector<1x16xi32> to vector<16xi32>
      %swap3A_201 = vector.shape_cast %add3A_195 : vector<16xi32> to vector<1x16xi32>
      tpu.vector_store %arg5[%swap3A_197, %swap3A_198], %swap3A_201 {strides = array<i32>} : memref<5x64xi32, #tpu.memory_space<vmem>>, vector<1x16xi32>,
      %get3A_202 = arith.constant 3 : i32
      %get3A_203 = arith.index_cast %get3A_202 : i32 to index
      %get3A_204 = arith.constant 48 : index
      %get3A_205 = tpu.vector_load %arg5[%get3A_203, %get3A_204] {strides = array<i32>} : memref<5x64xi32, #tpu.memory_space<vmem>>, vector<1x16xi32>,
      %get3A_206 = vector.shape_cast %get3A_205 : vector<1x16xi32> to vector<16xi32>
      %add3A_207 = vector.broadcast %mul3A_2 : i32 to vector<16xi32>
      %add3A_208 = arith.addi %get3A_206, %add3A_207 : vector<16xi32>
      %swap3A_209 = arith.constant 3 : i32
      %swap3A_210 = arith.index_cast %swap3A_209 : i32 to index
      %swap3A_211 = arith.constant 48 : index
      %swap3A_212 = tpu.vector_load %arg5[%swap3A_210, %swap3A_211] {strides = array<i32>} : memref<5x64xi32, #tpu.memory_space<vmem>>, vector<1x16xi32>,
      %swap3A_213 = vector.shape_cast %swap3A_212 : vector<1x16xi32> to vector<16xi32>
      %swap3A_214 = vector.shape_cast %add3A_208 : vector<16xi32> to vector<1x16xi32>
      tpu.vector_store %arg5[%swap3A_210, %swap3A_211], %swap3A_214 {strides = array<i32>} : memref<5x64xi32, #tpu.memory_space<vmem>>, vector<1x16xi32>,
      %get3A_215 = arith.constant 4 : i32
      %get3A_216 = arith.index_cast %get3A_215 : i32 to index
      %get3A_217 = arith.constant 0 : index
      %get3A_218 = tpu.vector_load %arg5[%get3A_216, %get3A_217] {strides = array<i32>} : memref<5x64xi32, #tpu.memory_space<vmem>>, vector<1x16xi32>,
      %get3A_219 = vector.shape_cast %get3A_218 : vector<1x16xi32> to vector<16xi32>
      %add3A_220 = vector.broadcast %mul3A_2 : i32 to vector<16xi32>
      %add3A_221 = arith.addi %get3A_219, %add3A_220 : vector<16xi32>
      %swap3A_222 = arith.constant 4 : i32
      %swap3A_223 = arith.index_cast %swap3A_222 : i32 to index
      %swap3A_224 = arith.constant 0 : index
      %swap3A_225 = tpu.vector_load %arg5[%swap3A_223, %swap3A_224] {strides = array<i32>} : memref<5x64xi32, #tpu.memory_space<vmem>>, vector<1x16xi32>,
      %swap3A_226 = vector.shape_cast %swap3A_225 : vector<1x16xi32> to vector<16xi32>
      %swap3A_227 = vector.shape_cast %add3A_221 : vector<16xi32> to vector<1x16xi32>
      tpu.vector_store %arg5[%swap3A_223, %swap3A_224], %swap3A_227 {strides = array<i32>} : memref<5x64xi32, #tpu.memory_space<vmem>>, vector<1x16xi32>,
      %get3A_228 = arith.constant 4 : i32
      %get3A_229 = arith.index_cast %get3A_228 : i32 to index
      %get3A_230 = arith.constant 16 : index
      %get3A_231 = tpu.vector_load %arg5[%get3A_229, %get3A_230] {strides = array<i32>} : memref<5x64xi32, #tpu.memory_space<vmem>>, vector<1x16xi32>,
      %get3A_232 = vector.shape_cast %get3A_231 : vector<1x16xi32> to vector<16xi32>
      %add3A_233 = vector.broadcast %mul3A_2 : i32 to vector<16xi32>
      %add3A_234 = arith.addi %get3A_232, %add3A_233 : vector<16xi32>
      %swap3A_235 = arith.constant 4 : i32
      %swap3A_236 = arith.index_cast %swap3A_235 : i32 to index
      %swap3A_237 = arith.constant 16 : index
      %swap3A_238 = tpu.vector_load %arg5[%swap3A_236, %swap3A_237] {strides = array<i32>} : memref<5x64xi32, #tpu.memory_space<vmem>>, vector<1x16xi32>,
      %swap3A_239 = vector.shape_cast %swap3A_238 : vector<1x16xi32> to vector<16xi32>
      %swap3A_240 = vector.shape_cast %add3A_234 : vector<16xi32> to vector<1x16xi32>
      tpu.vector_store %arg5[%swap3A_236, %swap3A_237], %swap3A_240 {strides = array<i32>} : memref<5x64xi32, #tpu.memory_space<vmem>>, vector<1x16xi32>,
      %get3A_241 = arith.constant 4 : i32
      %get3A_242 = arith.index_cast %get3A_241 : i32 to index
      %get3A_243 = arith.constant 32 : index
      %get3A_244 = tpu.vector_load %arg5[%get3A_242, %get3A_243] {strides = array<i32>} : memref<5x64xi32, #tpu.memory_space<vmem>>, vector<1x16xi32>,
      %get3A_245 = vector.shape_cast %get3A_244 : vector<1x16xi32> to vector<16xi32>
      %add3A_246 = vector.broadcast %mul3A_2 : i32 to vector<16xi32>
      %add3A_247 = arith.addi %get3A_245, %add3A_246 : vector<16xi32>
      %swap3A_248 = arith.constant 4 : i32
      %swap3A_249 = arith.index_cast %swap3A_248 : i32 to index
      %swap3A_250 = arith.constant 32 : index
      %swap3A_251 = tpu.vector_load %arg5[%swap3A_249, %swap3A_250] {strides = array<i32>} : memref<5x64xi32, #tpu.memory_space<vmem>>, vector<1x16xi32>,
      %swap3A_252 = vector.shape_cast %swap3A_251 : vector<1x16xi32> to vector<16xi32>
      %swap3A_253 = vector.shape_cast %add3A_247 : vector<16xi32> to vector<1x16xi32>
      tpu.vector_store %arg5[%swap3A_249, %swap3A_250], %swap3A_253 {strides = array<i32>} : memref<5x64xi32, #tpu.memory_space<vmem>>, vector<1x16xi32>,
      %get3A_254 = arith.constant 4 : i32
      %get3A_255 = arith.index_cast %get3A_254 : i32 to index
      %get3A_256 = arith.constant 48 : index
      %get3A_257 = tpu.vector_load %arg5[%get3A_255, %get3A_256] {strides = array<i32>} : memref<5x64xi32, #tpu.memory_space<vmem>>, vector<1x16xi32>,
      %get3A_258 = vector.shape_cast %get3A_257 : vector<1x16xi32> to vector<16xi32>
      %add3A_259 = vector.broadcast %mul3A_2 : i32 to vector<16xi32>
      %add3A_260 = arith.addi %get3A_258, %add3A_259 : vector<16xi32>
      %swap3A_261 = arith.constant 4 : i32
      %swap3A_262 = arith.index_cast %swap3A_261 : i32 to index
      %swap3A_263 = arith.constant 48 : index
      %swap3A_264 = tpu.vector_load %arg5[%swap3A_262, %swap3A_263] {strides = array<i32>} : memref<5x64xi32, #tpu.memory_space<vmem>>, vector<1x16xi32>,
      %swap3A_265 = vector.shape_cast %swap3A_264 : vector<1x16xi32> to vector<16xi32>
      %swap3A_266 = vector.shape_cast %add3A_260 : vector<16xi32> to vector<1x16xi32>
      tpu.vector_store %arg5[%swap3A_262, %swap3A_263], %swap3A_266 {strides = array<i32>} : memref<5x64xi32, #tpu.memory_space<vmem>>, vector<1x16xi32>,
      %dma_start3A = arith.constant 0 : i32
      %dma_start3A_267 = arith.constant 0 : i32
      %dma_start3A_268 = arith.constant 0 : i32
      %dma_start3A_269 = tpu.memref_slice %arg6[%dma_start3A_267, %dma_start3A_268] : memref<320x128xf32, #tpu.memory_space<vmem>> -> memref<64x128xf32, #tpu.memory_space<vmem>>
      %dma_start3A_270 = arith.constant 0 : i32
      %dma_start3A_271 = tpu.memref_slice %arg5[%dma_start3A, %dma_start3A_270] : memref<5x64xi32, #tpu.memory_space<vmem>> -> memref<1x64xi32, #tpu.memory_space<vmem>>
      %dma_start3A_272 = tpu.memref_squeeze %dma_start3A_271 : memref<1x64xi32, #tpu.memory_space<vmem>> -> memref<64xi32, #tpu.memory_space<vmem>>
      %dma_start3A_273 = arith.constant 0 : i32
      %dma_start3A_274 = arith.constant 0 : i32
      %dma_start3A_275 = tpu.memref_slice %arg3[%dma_start3A_273, %dma_start3A_274] : memref<32768x128xf32, #tpu.memory_space<hbm>> -> memref<32768x128xf32, #tpu.memory_space<hbm>>
      tpu.enqueue_indirect_dma source(%dma_start3A_275 : memref<32768x128xf32, #tpu.memory_space<hbm>>) target(%dma_start3A_269 : memref<64x128xf32, #tpu.memory_space<vmem>>) offsets(%dma_start3A_272 : memref<64xi32, #tpu.memory_space<vmem>>) semaphore(%arg7 : memref<!tpu.dma_semaphore, #tpu.memory_space<semaphore_mem>>)
      %dma_start3A_276 = arith.constant 1 : i32
      %dma_start3A_277 = arith.constant 64 : i32
      %dma_start3A_278 = arith.constant 0 : i32
      %dma_start3A_279 = tpu.memref_slice %arg6[%dma_start3A_277, %dma_start3A_278] : memref<320x128xf32, #tpu.memory_space<vmem>> -> memref<64x128xf32, #tpu.memory_space<vmem>>
      %dma_start3A_280 = arith.constant 0 : i32
      %dma_start3A_281 = tpu.memref_slice %arg5[%dma_start3A_276, %dma_start3A_280] : memref<5x64xi32, #tpu.memory_space<vmem>> -> memref<1x64xi32, #tpu.memory_space<vmem>>
      %dma_start3A_282 = tpu.memref_squeeze %dma_start3A_281 : memref<1x64xi32, #tpu.memory_space<vmem>> -> memref<64xi32, #tpu.memory_space<vmem>>
      %dma_start3A_283 = arith.constant 0 : i32
      %dma_start3A_284 = arith.constant 0 : i32
      %dma_start3A_285 = tpu.memref_slice %arg3[%dma_start3A_283, %dma_start3A_284] : memref<32768x128xf32, #tpu.memory_space<hbm>> -> memref<32768x128xf32, #tpu.memory_space<hbm>>
      tpu.enqueue_indirect_dma source(%dma_start3A_285 : memref<32768x128xf32, #tpu.memory_space<hbm>>) target(%dma_start3A_279 : memref<64x128xf32, #tpu.memory_space<vmem>>) offsets(%dma_start3A_282 : memref<64xi32, #tpu.memory_space<vmem>>) semaphore(%arg7 : memref<!tpu.dma_semaphore, #tpu.memory_space<semaphore_mem>>)
      %dma_start3A_286 = arith.constant 2 : i32
      %dma_start3A_287 = arith.constant 128 : i32
      %dma_start3A_288 = arith.constant 0 : i32
      %dma_start3A_289 = tpu.memref_slice %arg6[%dma_start3A_287, %dma_start3A_288] : memref<320x128xf32, #tpu.memory_space<vmem>> -> memref<64x128xf32, #tpu.memory_space<vmem>>
      %dma_start3A_290 = arith.constant 0 : i32
      %dma_start3A_291 = tpu.memref_slice %arg5[%dma_start3A_286, %dma_start3A_290] : memref<5x64xi32, #tpu.memory_space<vmem>> -> memref<1x64xi32, #tpu.memory_space<vmem>>
      %dma_start3A_292 = tpu.memref_squeeze %dma_start3A_291 : memref<1x64xi32, #tpu.memory_space<vmem>> -> memref<64xi32, #tpu.memory_space<vmem>>
      %dma_start3A_293 = arith.constant 0 : i32
      %dma_start3A_294 = arith.constant 0 : i32
      %dma_start3A_295 = tpu.memref_slice %arg3[%dma_start3A_293, %dma_start3A_294] : memref<32768x128xf32, #tpu.memory_space<hbm>> -> memref<32768x128xf32, #tpu.memory_space<hbm>>
      tpu.enqueue_indirect_dma source(%dma_start3A_295 : memref<32768x128xf32, #tpu.memory_space<hbm>>) target(%dma_start3A_289 : memref<64x128xf32, #tpu.memory_space<vmem>>) offsets(%dma_start3A_292 : memref<64xi32, #tpu.memory_space<vmem>>) semaphore(%arg7 : memref<!tpu.dma_semaphore, #tpu.memory_space<semaphore_mem>>)
      %dma_start3A_296 = arith.constant 3 : i32
      %dma_start3A_297 = arith.constant 192 : i32
      %dma_start3A_298 = arith.constant 0 : i32
      %dma_start3A_299 = tpu.memref_slice %arg6[%dma_start3A_297, %dma_start3A_298] : memref<320x128xf32, #tpu.memory_space<vmem>> -> memref<64x128xf32, #tpu.memory_space<vmem>>
      %dma_start3A_300 = arith.constant 0 : i32
      %dma_start3A_301 = tpu.memref_slice %arg5[%dma_start3A_296, %dma_start3A_300] : memref<5x64xi32, #tpu.memory_space<vmem>> -> memref<1x64xi32, #tpu.memory_space<vmem>>
      %dma_start3A_302 = tpu.memref_squeeze %dma_start3A_301 : memref<1x64xi32, #tpu.memory_space<vmem>> -> memref<64xi32, #tpu.memory_space<vmem>>
      %dma_start3A_303 = arith.constant 0 : i32
      %dma_start3A_304 = arith.constant 0 : i32
      %dma_start3A_305 = tpu.memref_slice %arg3[%dma_start3A_303, %dma_start3A_304] : memref<32768x128xf32, #tpu.memory_space<hbm>> -> memref<32768x128xf32, #tpu.memory_space<hbm>>
      tpu.enqueue_indirect_dma source(%dma_start3A_305 : memref<32768x128xf32, #tpu.memory_space<hbm>>) target(%dma_start3A_299 : memref<64x128xf32, #tpu.memory_space<vmem>>) offsets(%dma_start3A_302 : memref<64xi32, #tpu.memory_space<vmem>>) semaphore(%arg7 : memref<!tpu.dma_semaphore, #tpu.memory_space<semaphore_mem>>)
      %dma_start3A_306 = arith.constant 4 : i32
      %dma_start3A_307 = arith.constant 256 : i32
      %dma_start3A_308 = arith.constant 0 : i32
      %dma_start3A_309 = tpu.memref_slice %arg6[%dma_start3A_307, %dma_start3A_308] : memref<320x128xf32, #tpu.memory_space<vmem>> -> memref<64x128xf32, #tpu.memory_space<vmem>>
      %dma_start3A_310 = arith.constant 0 : i32
      %dma_start3A_311 = tpu.memref_slice %arg5[%dma_start3A_306, %dma_start3A_310] : memref<5x64xi32, #tpu.memory_space<vmem>> -> memref<1x64xi32, #tpu.memory_space<vmem>>
      %dma_start3A_312 = tpu.memref_squeeze %dma_start3A_311 : memref<1x64xi32, #tpu.memory_space<vmem>> -> memref<64xi32, #tpu.memory_space<vmem>>
      %dma_start3A_313 = arith.constant 0 : i32
      %dma_start3A_314 = arith.constant 0 : i32
      %dma_start3A_315 = tpu.memref_slice %arg3[%dma_start3A_313, %dma_start3A_314] : memref<32768x128xf32, #tpu.memory_space<hbm>> -> memref<32768x128xf32, #tpu.memory_space<hbm>>
      tpu.enqueue_indirect_dma source(%dma_start3A_315 : memref<32768x128xf32, #tpu.memory_space<hbm>>) target(%dma_start3A_309 : memref<64x128xf32, #tpu.memory_space<vmem>>) offsets(%dma_start3A_312 : memref<64xi32, #tpu.memory_space<vmem>>) semaphore(%arg7 : memref<!tpu.dma_semaphore, #tpu.memory_space<semaphore_mem>>)
      %dma_wait3A = arith.constant 0 : i32
      %dma_wait3A_316 = arith.constant 0 : i32
      %dma_wait3A_317 = arith.constant 0 : i32
      %dma_wait3A_318 = tpu.memref_slice %arg6[%dma_wait3A_316, %dma_wait3A_317] : memref<320x128xf32, #tpu.memory_space<vmem>> -> memref<64x128xf32, #tpu.memory_space<vmem>>
      %dma_wait3A_319 = arith.constant 0 : i32
      %dma_wait3A_320 = tpu.memref_slice %arg5[%dma_wait3A, %dma_wait3A_319] : memref<5x64xi32, #tpu.memory_space<vmem>> -> memref<1x64xi32, #tpu.memory_space<vmem>>
      %dma_wait3A_321 = tpu.memref_squeeze %dma_wait3A_320 : memref<1x64xi32, #tpu.memory_space<vmem>> -> memref<64xi32, #tpu.memory_space<vmem>>
      %dma_wait3A_322 = arith.constant 0 : i32
      %dma_wait3A_323 = arith.constant 0 : i32
      %dma_wait3A_324 = tpu.memref_slice %arg3[%dma_wait3A_322, %dma_wait3A_323] : memref<32768x128xf32, #tpu.memory_space<hbm>> -> memref<32768x128xf32, #tpu.memory_space<hbm>>
      tpu.wait_indirect_dma semaphore(%arg7 : memref<!tpu.dma_semaphore, #tpu.memory_space<semaphore_mem>>) src(%dma_wait3A_324 : memref<32768x128xf32, #tpu.memory_space<hbm>>) dst(%dma_wait3A_318 : memref<64x128xf32, #tpu.memory_space<vmem>>)
      %dma_wait3A_325 = arith.constant 1 : i32
      %dma_wait3A_326 = arith.constant 64 : i32
      %dma_wait3A_327 = arith.constant 0 : i32
      %dma_wait3A_328 = tpu.memref_slice %arg6[%dma_wait3A_326, %dma_wait3A_327] : memref<320x128xf32, #tpu.memory_space<vmem>> -> memref<64x128xf32, #tpu.memory_space<vmem>>
      %dma_wait3A_329 = arith.constant 0 : i32
      %dma_wait3A_330 = tpu.memref_slice %arg5[%dma_wait3A_325, %dma_wait3A_329] : memref<5x64xi32, #tpu.memory_space<vmem>> -> memref<1x64xi32, #tpu.memory_space<vmem>>
      %dma_wait3A_331 = tpu.memref_squeeze %dma_wait3A_330 : memref<1x64xi32, #tpu.memory_space<vmem>> -> memref<64xi32, #tpu.memory_space<vmem>>
      %dma_wait3A_332 = arith.constant 0 : i32
      %dma_wait3A_333 = arith.constant 0 : i32
      %dma_wait3A_334 = tpu.memref_slice %arg3[%dma_wait3A_332, %dma_wait3A_333] : memref<32768x128xf32, #tpu.memory_space<hbm>> -> memref<32768x128xf32, #tpu.memory_space<hbm>>
      tpu.wait_indirect_dma semaphore(%arg7 : memref<!tpu.dma_semaphore, #tpu.memory_space<semaphore_mem>>) src(%dma_wait3A_334 : memref<32768x128xf32, #tpu.memory_space<hbm>>) dst(%dma_wait3A_328 : memref<64x128xf32, #tpu.memory_space<vmem>>)
      %dma_wait3A_335 = arith.constant 2 : i32
      %dma_wait3A_336 = arith.constant 128 : i32
      %dma_wait3A_337 = arith.constant 0 : i32
      %dma_wait3A_338 = tpu.memref_slice %arg6[%dma_wait3A_336, %dma_wait3A_337] : memref<320x128xf32, #tpu.memory_space<vmem>> -> memref<64x128xf32, #tpu.memory_space<vmem>>
      %dma_wait3A_339 = arith.constant 0 : i32
      %dma_wait3A_340 = tpu.memref_slice %arg5[%dma_wait3A_335, %dma_wait3A_339] : memref<5x64xi32, #tpu.memory_space<vmem>> -> memref<1x64xi32, #tpu.memory_space<vmem>>
      %dma_wait3A_341 = tpu.memref_squeeze %dma_wait3A_340 : memref<1x64xi32, #tpu.memory_space<vmem>> -> memref<64xi32, #tpu.memory_space<vmem>>
      %dma_wait3A_342 = arith.constant 0 : i32
      %dma_wait3A_343 = arith.constant 0 : i32
      %dma_wait3A_344 = tpu.memref_slice %arg3[%dma_wait3A_342, %dma_wait3A_343] : memref<32768x128xf32, #tpu.memory_space<hbm>> -> memref<32768x128xf32, #tpu.memory_space<hbm>>
      tpu.wait_indirect_dma semaphore(%arg7 : memref<!tpu.dma_semaphore, #tpu.memory_space<semaphore_mem>>) src(%dma_wait3A_344 : memref<32768x128xf32, #tpu.memory_space<hbm>>) dst(%dma_wait3A_338 : memref<64x128xf32, #tpu.memory_space<vmem>>)
      %dma_wait3A_345 = arith.constant 3 : i32
      %dma_wait3A_346 = arith.constant 192 : i32
      %dma_wait3A_347 = arith.constant 0 : i32
      %dma_wait3A_348 = tpu.memref_slice %arg6[%dma_wait3A_346, %dma_wait3A_347] : memref<320x128xf32, #tpu.memory_space<vmem>> -> memref<64x128xf32, #tpu.memory_space<vmem>>
      %dma_wait3A_349 = arith.constant 0 : i32
      %dma_wait3A_350 = tpu.memref_slice %arg5[%dma_wait3A_345, %dma_wait3A_349] : memref<5x64xi32, #tpu.memory_space<vmem>> -> memref<1x64xi32, #tpu.memory_space<vmem>>
      %dma_wait3A_351 = tpu.memref_squeeze %dma_wait3A_350 : memref<1x64xi32, #tpu.memory_space<vmem>> -> memref<64xi32, #tpu.memory_space<vmem>>
      %dma_wait3A_352 = arith.constant 0 : i32
      %dma_wait3A_353 = arith.constant 0 : i32
      %dma_wait3A_354 = tpu.memref_slice %arg3[%dma_wait3A_352, %dma_wait3A_353] : memref<32768x128xf32, #tpu.memory_space<hbm>> -> memref<32768x128xf32, #tpu.memory_space<hbm>>
      tpu.wait_indirect_dma semaphore(%arg7 : memref<!tpu.dma_semaphore, #tpu.memory_space<semaphore_mem>>) src(%dma_wait3A_354 : memref<32768x128xf32, #tpu.memory_space<hbm>>) dst(%dma_wait3A_348 : memref<64x128xf32, #tpu.memory_space<vmem>>)
      %dma_wait3A_355 = arith.constant 4 : i32
      %dma_wait3A_356 = arith.constant 256 : i32
      %dma_wait3A_357 = arith.constant 0 : i32
      %dma_wait3A_358 = tpu.memref_slice %arg6[%dma_wait3A_356, %dma_wait3A_357] : memref<320x128xf32, #tpu.memory_space<vmem>> -> memref<64x128xf32, #tpu.memory_space<vmem>>
      %dma_wait3A_359 = arith.constant 0 : i32
      %dma_wait3A_360 = tpu.memref_slice %arg5[%dma_wait3A_355, %dma_wait3A_359] : memref<5x64xi32, #tpu.memory_space<vmem>> -> memref<1x64xi32, #tpu.memory_space<vmem>>
      %dma_wait3A_361 = tpu.memref_squeeze %dma_wait3A_360 : memref<1x64xi32, #tpu.memory_space<vmem>> -> memref<64xi32, #tpu.memory_space<vmem>>
      %dma_wait3A_362 = arith.constant 0 : i32
      %dma_wait3A_363 = arith.constant 0 : i32
      %dma_wait3A_364 = tpu.memref_slice %arg3[%dma_wait3A_362, %dma_wait3A_363] : memref<32768x128xf32, #tpu.memory_space<hbm>> -> memref<32768x128xf32, #tpu.memory_space<hbm>>
      tpu.wait_indirect_dma semaphore(%arg7 : memref<!tpu.dma_semaphore, #tpu.memory_space<semaphore_mem>>) src(%dma_wait3A_364 : memref<32768x128xf32, #tpu.memory_space<hbm>>) dst(%dma_wait3A_358 : memref<64x128xf32, #tpu.memory_space<vmem>>)
      %mul3A_365 = arith.constant 16 : i32
      %mul3A_366 = arith.muli %scan3A_8, %mul3A_365 : i32
      %mul3A_367 = arith.constant 20 : i32
      %mul3A_368 = arith.muli %mul3A_366, %mul3A_367 : i32
      "tpu.region"() ({
        %run_scoped3A = tpu.sem_alloc : memref<!tpu.dma_semaphore, #tpu.memory_space<semaphore_mem>>
        %dma_start3A_369 = arith.constant 0 : i32
        %dma_start3A_370 = tpu.memref_slice %arg4[%add3A, %mul3A_368, %dma_start3A_369] : memref<32x20480x128xf32, #tpu.memory_space<hbm>> -> memref<1x320x128xf32, #tpu.memory_space<hbm>>
        %dma_start3A_371 = tpu.memref_squeeze %dma_start3A_370 : memref<1x320x128xf32, #tpu.memory_space<hbm>> -> memref<320x128xf32, #tpu.memory_space<hbm>>
        %dma_start3A_372 = arith.constant 0 : i32
        %dma_start3A_373 = tpu.memref_slice %arg4[%add3A, %mul3A_368, %dma_start3A_372] : memref<32x20480x128xf32, #tpu.memory_space<hbm>> -> memref<1x320x128xf32, #tpu.memory_space<hbm>>
        %dma_start3A_374 = tpu.memref_squeeze %dma_start3A_373 : memref<1x320x128xf32, #tpu.memory_space<hbm>> -> memref<320x128xf32, #tpu.memory_space<hbm>>
        tpu.enqueue_dma source(%arg6 : memref<320x128xf32, #tpu.memory_space<vmem>>) target(%dma_start3A_374 : memref<320x128xf32, #tpu.memory_space<hbm>>) target_semaphore(%run_scoped3A : memref<!tpu.dma_semaphore, #tpu.memory_space<semaphore_mem>>)
        %dma_wait3A_375 = arith.constant 0 : i32
        %dma_wait3A_376 = tpu.memref_slice %arg4[%add3A, %mul3A_368, %dma_wait3A_375] : memref<32x20480x128xf32, #tpu.memory_space<hbm>> -> memref<1x320x128xf32, #tpu.memory_space<hbm>>
        %dma_wait3A_377 = tpu.memref_squeeze %dma_wait3A_376 : memref<1x320x128xf32, #tpu.memory_space<hbm>> -> memref<320x128xf32, #tpu.memory_space<hbm>>
        %dma_wait3A_378 = arith.constant 0 : i32
        %dma_wait3A_379 = tpu.memref_slice %arg4[%add3A, %mul3A_368, %dma_wait3A_378] : memref<32x20480x128xf32, #tpu.memory_space<hbm>> -> memref<1x320x128xf32, #tpu.memory_space<hbm>>
        %dma_wait3A_380 = tpu.memref_squeeze %dma_wait3A_379 : memref<1x320x128xf32, #tpu.memory_space<hbm>> -> memref<320x128xf32, #tpu.memory_space<hbm>>
        tpu.wait_dma2 semaphore(%run_scoped3A : memref<!tpu.dma_semaphore, #tpu.memory_space<semaphore_mem>>) src(%arg6 : memref<320x128xf32, #tpu.memory_space<vmem>>) dst(%dma_wait3A_380 : memref<320x128xf32, #tpu.memory_space<hbm>>)
        tpu.yield
      }) : () -> ()
    }
    %scan3A_7 = arith.constant 64 : i32
    return
  }
}

#map = affine_map<(d0, d1) -> (0, 0, 0, 0)>
#map1 = affine_map<(d0, d1) -> (0, 0)>
#map2 = affine_map<(d0, d1) -> (0, 0, 0)>
module attributes {stable_mosaic.version = 14 : i64} {
  func.func @_sc_gather_body(%arg0: i32, %arg1: i32, %arg2: memref<32x64x5x64xi32, #tpu.memory_space<hbm>>, %arg3: memref<32768x128xf32, #tpu.memory_space<hbm>>, %arg4: memref<32x20480x128xf32, #tpu.memory_space<hbm>>, %arg5: memref<5x64xi32, #tpu.memory_space<vmem>>, %arg6: memref<320x128xf32, #tpu.memory_space<vmem>>, %arg7: memref<!tpu.dma_semaphore, #tpu.memory_space<semaphore_mem>>) attributes {dimension_semantics = [#tpu.dimension_semantics<core_parallel>, #tpu.dimension_semantics<subcore_parallel>], iteration_bounds = array<i64: 2, 16>, scalar_prefetch = 0 : i64, scratch_operands = 3 : i64, tpu.core_type = #tpu.core_type<sc_vector_subcore>, window_params = [{transform_indices = #map}, {transform_indices = #map1}, {transform_indices = #map2}]} {
    %mul3A = arith.constant 2 : i32
    %mul3A_0 = arith.muli %arg1, %mul3A : i32
    %add3A = arith.addi %mul3A_0, %arg0 : i32
    %mul3A_1 = arith.constant 1024 : i32
    %mul3A_2 = arith.muli %add3A, %mul3A_1 : i32
    %scan3A = arith.constant 0 : i32
    %scan3A_3 = arith.constant 0 : i32
    %scan3A_4 = arith.constant 64 : i32
    %scan3A_5 = arith.addi %scan3A_3, %scan3A_4 : i32
    %scan3A_6 = arith.constant 1 : i32
    scf.for %scan3A_8 = %scan3A_3 to %scan3A_5 step %scan3A_6  : i32 {
      "tpu.region"() ({
        %run_scoped3A = tpu.sem_alloc : memref<!tpu.dma_semaphore, #tpu.memory_space<semaphore_mem>>
        %dma_start3A_369 = arith.constant 0 : i32
        %dma_start3A_370 = arith.constant 0 : i32
        %dma_start3A_371 = tpu.memref_slice %arg2[%add3A, %scan3A_8, %dma_start3A_369, %dma_start3A_370] : memref<32x64x5x64xi32, #tpu.memory_space<hbm>> -> memref<1x1x5x64xi32, #tpu.memory_space<hbm>>
        %dma_start3A_372 = tpu.memref_squeeze %dma_start3A_371 : memref<1x1x5x64xi32, #tpu.memory_space<hbm>> -> memref<5x64xi32, #tpu.memory_space<hbm>>
        %dma_start3A_373 = arith.constant 0 : i32
        %dma_start3A_374 = arith.constant 0 : i32
        %dma_start3A_375 = tpu.memref_slice %arg2[%add3A, %scan3A_8, %dma_start3A_373, %dma_start3A_374] : memref<32x64x5x64xi32, #tpu.memory_space<hbm>> -> memref<1x1x5x64xi32, #tpu.memory_space<hbm>>
        %dma_start3A_376 = tpu.memref_squeeze %dma_start3A_375 : memref<1x1x5x64xi32, #tpu.memory_space<hbm>> -> memref<5x64xi32, #tpu.memory_space<hbm>>
        tpu.enqueue_dma source(%dma_start3A_376 : memref<5x64xi32, #tpu.memory_space<hbm>>) target(%arg5 : memref<5x64xi32, #tpu.memory_space<vmem>>) target_semaphore(%run_scoped3A : memref<!tpu.dma_semaphore, #tpu.memory_space<semaphore_mem>>)
        %dma_wait3A_377 = arith.constant 0 : i32
        %dma_wait3A_378 = arith.constant 0 : i32
        %dma_wait3A_379 = tpu.memref_slice %arg2[%add3A, %scan3A_8, %dma_wait3A_377, %dma_wait3A_378] : memref<32x64x5x64xi32, #tpu.memory_space<hbm>> -> memref<1x1x5x64xi32, #tpu.memory_space<hbm>>
        %dma_wait3A_380 = tpu.memref_squeeze %dma_wait3A_379 : memref<1x1x5x64xi32, #tpu.memory_space<hbm>> -> memref<5x64xi32, #tpu.memory_space<hbm>>
        %dma_wait3A_381 = arith.constant 0 : i32
        %dma_wait3A_382 = arith.constant 0 : i32
        %dma_wait3A_383 = tpu.memref_slice %arg2[%add3A, %scan3A_8, %dma_wait3A_381, %dma_wait3A_382] : memref<32x64x5x64xi32, #tpu.memory_space<hbm>> -> memref<1x1x5x64xi32, #tpu.memory_space<hbm>>
        %dma_wait3A_384 = tpu.memref_squeeze %dma_wait3A_383 : memref<1x1x5x64xi32, #tpu.memory_space<hbm>> -> memref<5x64xi32, #tpu.memory_space<hbm>>
        tpu.wait_dma2 semaphore(%run_scoped3A : memref<!tpu.dma_semaphore, #tpu.memory_space<semaphore_mem>>) src(%dma_wait3A_384 : memref<5x64xi32, #tpu.memory_space<hbm>>) dst(%arg5 : memref<5x64xi32, #tpu.memory_space<vmem>>)
        tpu.yield
      }) : () -> ()
      %get3A = arith.constant 0 : i32
      %get3A_9 = arith.index_cast %get3A : i32 to index
      %get3A_10 = arith.constant 0 : index
      %get3A_11 = tpu.vector_load %arg5[%get3A_9, %get3A_10] {strides = array<i32>} : memref<5x64xi32, #tpu.memory_space<vmem>>, vector<1x16xi32>,
      %get3A_12 = vector.shape_cast %get3A_11 : vector<1x16xi32> to vector<16xi32>
      %add3A_13 = vector.broadcast %mul3A_2 : i32 to vector<16xi32>
      %add3A_14 = arith.addi %get3A_12, %add3A_13 : vector<16xi32>
      %swap3A = arith.constant 0 : i32
      %swap3A_15 = arith.index_cast %swap3A : i32 to index
      %swap3A_16 = arith.constant 0 : index
      %swap3A_17 = tpu.vector_load %arg5[%swap3A_15, %swap3A_16] {strides = array<i32>} : memref<5x64xi32, #tpu.memory_space<vmem>>, vector<1x16xi32>,
      %swap3A_18 = vector.shape_cast %swap3A_17 : vector<1x16xi32> to vector<16xi32>
      %swap3A_19 = vector.shape_cast %add3A_14 : vector<16xi32> to vector<1x16xi32>
      tpu.vector_store %arg5[%swap3A_15, %swap3A_16], %swap3A_19 {strides = array<i32>} : memref<5x64xi32, #tpu.memory_space<vmem>>, vector<1x16xi32>,
      %get3A_20 = arith.constant 0 : i32
      %get3A_21 = arith.index_cast %get3A_20 : i32 to index
      %get3A_22 = arith.constant 16 : index
      %get3A_23 = tpu.vector_load %arg5[%get3A_21, %get3A_22] {strides = array<i32>} : memref<5x64xi32, #tpu.memory_space<vmem>>, vector<1x16xi32>,
      %get3A_24 = vector.shape_cast %get3A_23 : vector<1x16xi32> to vector<16xi32>
      %add3A_25 = vector.broadcast %mul3A_2 : i32 to vector<16xi32>
      %add3A_26 = arith.addi %get3A_24, %add3A_25 : vector<16xi32>
      %swap3A_27 = arith.constant 0 : i32
      %swap3A_28 = arith.index_cast %swap3A_27 : i32 to index
      %swap3A_29 = arith.constant 16 : index
      %swap3A_30 = tpu.vector_load %arg5[%swap3A_28, %swap3A_29] {strides = array<i32>} : memref<5x64xi32, #tpu.memory_space<vmem>>, vector<1x16xi32>,
      %swap3A_31 = vector.shape_cast %swap3A_30 : vector<1x16xi32> to vector<16xi32>
      %swap3A_32 = vector.shape_cast %add3A_26 : vector<16xi32> to vector<1x16xi32>
      tpu.vector_store %arg5[%swap3A_28, %swap3A_29], %swap3A_32 {strides = array<i32>} : memref<5x64xi32, #tpu.memory_space<vmem>>, vector<1x16xi32>,
      %get3A_33 = arith.constant 0 : i32
      %get3A_34 = arith.index_cast %get3A_33 : i32 to index
      %get3A_35 = arith.constant 32 : index
      %get3A_36 = tpu.vector_load %arg5[%get3A_34, %get3A_35] {strides = array<i32>} : memref<5x64xi32, #tpu.memory_space<vmem>>, vector<1x16xi32>,
      %get3A_37 = vector.shape_cast %get3A_36 : vector<1x16xi32> to vector<16xi32>
      %add3A_38 = vector.broadcast %mul3A_2 : i32 to vector<16xi32>
      %add3A_39 = arith.addi %get3A_37, %add3A_38 : vector<16xi32>
      %swap3A_40 = arith.constant 0 : i32
      %swap3A_41 = arith.index_cast %swap3A_40 : i32 to index
      %swap3A_42 = arith.constant 32 : index
      %swap3A_43 = tpu.vector_load %arg5[%swap3A_41, %swap3A_42] {strides = array<i32>} : memref<5x64xi32, #tpu.memory_space<vmem>>, vector<1x16xi32>,
      %swap3A_44 = vector.shape_cast %swap3A_43 : vector<1x16xi32> to vector<16xi32>
      %swap3A_45 = vector.shape_cast %add3A_39 : vector<16xi32> to vector<1x16xi32>
      tpu.vector_store %arg5[%swap3A_41, %swap3A_42], %swap3A_45 {strides = array<i32>} : memref<5x64xi32, #tpu.memory_space<vmem>>, vector<1x16xi32>,
      %get3A_46 = arith.constant 0 : i32
      %get3A_47 = arith.index_cast %get3A_46 : i32 to index
      %get3A_48 = arith.constant 48 : index
      %get3A_49 = tpu.vector_load %arg5[%get3A_47, %get3A_48] {strides = array<i32>} : memref<5x64xi32, #tpu.memory_space<vmem>>, vector<1x16xi32>,
      %get3A_50 = vector.shape_cast %get3A_49 : vector<1x16xi32> to vector<16xi32>
      %add3A_51 = vector.broadcast %mul3A_2 : i32 to vector<16xi32>
      %add3A_52 = arith.addi %get3A_50, %add3A_51 : vector<16xi32>
      %swap3A_53 = arith.constant 0 : i32
      %swap3A_54 = arith.index_cast %swap3A_53 : i32 to index
      %swap3A_55 = arith.constant 48 : index
      %swap3A_56 = tpu.vector_load %arg5[%swap3A_54, %swap3A_55] {strides = array<i32>} : memref<5x64xi32, #tpu.memory_space<vmem>>, vector<1x16xi32>,
      %swap3A_57 = vector.shape_cast %swap3A_56 : vector<1x16xi32> to vector<16xi32>
      %swap3A_58 = vector.shape_cast %add3A_52 : vector<16xi32> to vector<1x16xi32>
      tpu.vector_store %arg5[%swap3A_54, %swap3A_55], %swap3A_58 {strides = array<i32>} : memref<5x64xi32, #tpu.memory_space<vmem>>, vector<1x16xi32>,
      %get3A_59 = arith.constant 1 : i32
      %get3A_60 = arith.index_cast %get3A_59 : i32 to index
      %get3A_61 = arith.constant 0 : index
      %get3A_62 = tpu.vector_load %arg5[%get3A_60, %get3A_61] {strides = array<i32>} : memref<5x64xi32, #tpu.memory_space<vmem>>, vector<1x16xi32>,
      %get3A_63 = vector.shape_cast %get3A_62 : vector<1x16xi32> to vector<16xi32>
      %add3A_64 = vector.broadcast %mul3A_2 : i32 to vector<16xi32>
      %add3A_65 = arith.addi %get3A_63, %add3A_64 : vector<16xi32>
      %swap3A_66 = arith.constant 1 : i32
      %swap3A_67 = arith.index_cast %swap3A_66 : i32 to index
      %swap3A_68 = arith.constant 0 : index
      %swap3A_69 = tpu.vector_load %arg5[%swap3A_67, %swap3A_68] {strides = array<i32>} : memref<5x64xi32, #tpu.memory_space<vmem>>, vector<1x16xi32>,
      %swap3A_70 = vector.shape_cast %swap3A_69 : vector<1x16xi32> to vector<16xi32>
      %swap3A_71 = vector.shape_cast %add3A_65 : vector<16xi32> to vector<1x16xi32>
      tpu.vector_store %arg5[%swap3A_67, %swap3A_68], %swap3A_71 {strides = array<i32>} : memref<5x64xi32, #tpu.memory_space<vmem>>, vector<1x16xi32>,
      %get3A_72 = arith.constant 1 : i32
      %get3A_73 = arith.index_cast %get3A_72 : i32 to index
      %get3A_74 = arith.constant 16 : index
      %get3A_75 = tpu.vector_load %arg5[%get3A_73, %get3A_74] {strides = array<i32>} : memref<5x64xi32, #tpu.memory_space<vmem>>, vector<1x16xi32>,
      %get3A_76 = vector.shape_cast %get3A_75 : vector<1x16xi32> to vector<16xi32>
      %add3A_77 = vector.broadcast %mul3A_2 : i32 to vector<16xi32>
      %add3A_78 = arith.addi %get3A_76, %add3A_77 : vector<16xi32>
      %swap3A_79 = arith.constant 1 : i32
      %swap3A_80 = arith.index_cast %swap3A_79 : i32 to index
      %swap3A_81 = arith.constant 16 : index
      %swap3A_82 = tpu.vector_load %arg5[%swap3A_80, %swap3A_81] {strides = array<i32>} : memref<5x64xi32, #tpu.memory_space<vmem>>, vector<1x16xi32>,
      %swap3A_83 = vector.shape_cast %swap3A_82 : vector<1x16xi32> to vector<16xi32>
      %swap3A_84 = vector.shape_cast %add3A_78 : vector<16xi32> to vector<1x16xi32>
      tpu.vector_store %arg5[%swap3A_80, %swap3A_81], %swap3A_84 {strides = array<i32>} : memref<5x64xi32, #tpu.memory_space<vmem>>, vector<1x16xi32>,
      %get3A_85 = arith.constant 1 : i32
      %get3A_86 = arith.index_cast %get3A_85 : i32 to index
      %get3A_87 = arith.constant 32 : index
      %get3A_88 = tpu.vector_load %arg5[%get3A_86, %get3A_87] {strides = array<i32>} : memref<5x64xi32, #tpu.memory_space<vmem>>, vector<1x16xi32>,
      %get3A_89 = vector.shape_cast %get3A_88 : vector<1x16xi32> to vector<16xi32>
      %add3A_90 = vector.broadcast %mul3A_2 : i32 to vector<16xi32>
      %add3A_91 = arith.addi %get3A_89, %add3A_90 : vector<16xi32>
      %swap3A_92 = arith.constant 1 : i32
      %swap3A_93 = arith.index_cast %swap3A_92 : i32 to index
      %swap3A_94 = arith.constant 32 : index
      %swap3A_95 = tpu.vector_load %arg5[%swap3A_93, %swap3A_94] {strides = array<i32>} : memref<5x64xi32, #tpu.memory_space<vmem>>, vector<1x16xi32>,
      %swap3A_96 = vector.shape_cast %swap3A_95 : vector<1x16xi32> to vector<16xi32>
      %swap3A_97 = vector.shape_cast %add3A_91 : vector<16xi32> to vector<1x16xi32>
      tpu.vector_store %arg5[%swap3A_93, %swap3A_94], %swap3A_97 {strides = array<i32>} : memref<5x64xi32, #tpu.memory_space<vmem>>, vector<1x16xi32>,
      %get3A_98 = arith.constant 1 : i32
      %get3A_99 = arith.index_cast %get3A_98 : i32 to index
      %get3A_100 = arith.constant 48 : index
      %get3A_101 = tpu.vector_load %arg5[%get3A_99, %get3A_100] {strides = array<i32>} : memref<5x64xi32, #tpu.memory_space<vmem>>, vector<1x16xi32>,
      %get3A_102 = vector.shape_cast %get3A_101 : vector<1x16xi32> to vector<16xi32>
      %add3A_103 = vector.broadcast %mul3A_2 : i32 to vector<16xi32>
      %add3A_104 = arith.addi %get3A_102, %add3A_103 : vector<16xi32>
      %swap3A_105 = arith.constant 1 : i32
      %swap3A_106 = arith.index_cast %swap3A_105 : i32 to index
      %swap3A_107 = arith.constant 48 : index
      %swap3A_108 = tpu.vector_load %arg5[%swap3A_106, %swap3A_107] {strides = array<i32>} : memref<5x64xi32, #tpu.memory_space<vmem>>, vector<1x16xi32>,
      %swap3A_109 = vector.shape_cast %swap3A_108 : vector<1x16xi32> to vector<16xi32>
      %swap3A_110 = vector.shape_cast %add3A_104 : vector<16xi32> to vector<1x16xi32>
      tpu.vector_store %arg5[%swap3A_106, %swap3A_107], %swap3A_110 {strides = array<i32>} : memref<5x64xi32, #tpu.memory_space<vmem>>, vector<1x16xi32>,
      %get3A_111 = arith.constant 2 : i32
      %get3A_112 = arith.index_cast %get3A_111 : i32 to index
      %get3A_113 = arith.constant 0 : index
      %get3A_114 = tpu.vector_load %arg5[%get3A_112, %get3A_113] {strides = array<i32>} : memref<5x64xi32, #tpu.memory_space<vmem>>, vector<1x16xi32>,
      %get3A_115 = vector.shape_cast %get3A_114 : vector<1x16xi32> to vector<16xi32>
      %add3A_116 = vector.broadcast %mul3A_2 : i32 to vector<16xi32>
      %add3A_117 = arith.addi %get3A_115, %add3A_116 : vector<16xi32>
      %swap3A_118 = arith.constant 2 : i32
      %swap3A_119 = arith.index_cast %swap3A_118 : i32 to index
      %swap3A_120 = arith.constant 0 : index
      %swap3A_121 = tpu.vector_load %arg5[%swap3A_119, %swap3A_120] {strides = array<i32>} : memref<5x64xi32, #tpu.memory_space<vmem>>, vector<1x16xi32>,
      %swap3A_122 = vector.shape_cast %swap3A_121 : vector<1x16xi32> to vector<16xi32>
      %swap3A_123 = vector.shape_cast %add3A_117 : vector<16xi32> to vector<1x16xi32>
      tpu.vector_store %arg5[%swap3A_119, %swap3A_120], %swap3A_123 {strides = array<i32>} : memref<5x64xi32, #tpu.memory_space<vmem>>, vector<1x16xi32>,
      %get3A_124 = arith.constant 2 : i32
      %get3A_125 = arith.index_cast %get3A_124 : i32 to index
      %get3A_126 = arith.constant 16 : index
      %get3A_127 = tpu.vector_load %arg5[%get3A_125, %get3A_126] {strides = array<i32>} : memref<5x64xi32, #tpu.memory_space<vmem>>, vector<1x16xi32>,
      %get3A_128 = vector.shape_cast %get3A_127 : vector<1x16xi32> to vector<16xi32>
      %add3A_129 = vector.broadcast %mul3A_2 : i32 to vector<16xi32>
      %add3A_130 = arith.addi %get3A_128, %add3A_129 : vector<16xi32>
      %swap3A_131 = arith.constant 2 : i32
      %swap3A_132 = arith.index_cast %swap3A_131 : i32 to index
      %swap3A_133 = arith.constant 16 : index
      %swap3A_134 = tpu.vector_load %arg5[%swap3A_132, %swap3A_133] {strides = array<i32>} : memref<5x64xi32, #tpu.memory_space<vmem>>, vector<1x16xi32>,
      %swap3A_135 = vector.shape_cast %swap3A_134 : vector<1x16xi32> to vector<16xi32>
      %swap3A_136 = vector.shape_cast %add3A_130 : vector<16xi32> to vector<1x16xi32>
      tpu.vector_store %arg5[%swap3A_132, %swap3A_133], %swap3A_136 {strides = array<i32>} : memref<5x64xi32, #tpu.memory_space<vmem>>, vector<1x16xi32>,
      %get3A_137 = arith.constant 2 : i32
      %get3A_138 = arith.index_cast %get3A_137 : i32 to index
      %get3A_139 = arith.constant 32 : index
      %get3A_140 = tpu.vector_load %arg5[%get3A_138, %get3A_139] {strides = array<i32>} : memref<5x64xi32, #tpu.memory_space<vmem>>, vector<1x16xi32>,
      %get3A_141 = vector.shape_cast %get3A_140 : vector<1x16xi32> to vector<16xi32>
      %add3A_142 = vector.broadcast %mul3A_2 : i32 to vector<16xi32>
      %add3A_143 = arith.addi %get3A_141, %add3A_142 : vector<16xi32>
      %swap3A_144 = arith.constant 2 : i32
      %swap3A_145 = arith.index_cast %swap3A_144 : i32 to index
      %swap3A_146 = arith.constant 32 : index
      %swap3A_147 = tpu.vector_load %arg5[%swap3A_145, %swap3A_146] {strides = array<i32>} : memref<5x64xi32, #tpu.memory_space<vmem>>, vector<1x16xi32>,
      %swap3A_148 = vector.shape_cast %swap3A_147 : vector<1x16xi32> to vector<16xi32>
      %swap3A_149 = vector.shape_cast %add3A_143 : vector<16xi32> to vector<1x16xi32>
      tpu.vector_store %arg5[%swap3A_145, %swap3A_146], %swap3A_149 {strides = array<i32>} : memref<5x64xi32, #tpu.memory_space<vmem>>, vector<1x16xi32>,
      %get3A_150 = arith.constant 2 : i32
      %get3A_151 = arith.index_cast %get3A_150 : i32 to index
      %get3A_152 = arith.constant 48 : index
      %get3A_153 = tpu.vector_load %arg5[%get3A_151, %get3A_152] {strides = array<i32>} : memref<5x64xi32, #tpu.memory_space<vmem>>, vector<1x16xi32>,
      %get3A_154 = vector.shape_cast %get3A_153 : vector<1x16xi32> to vector<16xi32>
      %add3A_155 = vector.broadcast %mul3A_2 : i32 to vector<16xi32>
      %add3A_156 = arith.addi %get3A_154, %add3A_155 : vector<16xi32>
      %swap3A_157 = arith.constant 2 : i32
      %swap3A_158 = arith.index_cast %swap3A_157 : i32 to index
      %swap3A_159 = arith.constant 48 : index
      %swap3A_160 = tpu.vector_load %arg5[%swap3A_158, %swap3A_159] {strides = array<i32>} : memref<5x64xi32, #tpu.memory_space<vmem>>, vector<1x16xi32>,
      %swap3A_161 = vector.shape_cast %swap3A_160 : vector<1x16xi32> to vector<16xi32>
      %swap3A_162 = vector.shape_cast %add3A_156 : vector<16xi32> to vector<1x16xi32>
      tpu.vector_store %arg5[%swap3A_158, %swap3A_159], %swap3A_162 {strides = array<i32>} : memref<5x64xi32, #tpu.memory_space<vmem>>, vector<1x16xi32>,
      %get3A_163 = arith.constant 3 : i32
      %get3A_164 = arith.index_cast %get3A_163 : i32 to index
      %get3A_165 = arith.constant 0 : index
      %get3A_166 = tpu.vector_load %arg5[%get3A_164, %get3A_165] {strides = array<i32>} : memref<5x64xi32, #tpu.memory_space<vmem>>, vector<1x16xi32>,
      %get3A_167 = vector.shape_cast %get3A_166 : vector<1x16xi32> to vector<16xi32>
      %add3A_168 = vector.broadcast %mul3A_2 : i32 to vector<16xi32>
      %add3A_169 = arith.addi %get3A_167, %add3A_168 : vector<16xi32>
      %swap3A_170 = arith.constant 3 : i32
      %swap3A_171 = arith.index_cast %swap3A_170 : i32 to index
      %swap3A_172 = arith.constant 0 : index
      %swap3A_173 = tpu.vector_load %arg5[%swap3A_171, %swap3A_172] {strides = array<i32>} : memref<5x64xi32, #tpu.memory_space<vmem>>, vector<1x16xi32>,
      %swap3A_174 = vector.shape_cast %swap3A_173 : vector<1x16xi32> to vector<16xi32>
      %swap3A_175 = vector.shape_cast %add3A_169 : vector<16xi32> to vector<1x16xi32>
      tpu.vector_store %arg5[%swap3A_171, %swap3A_172], %swap3A_175 {strides = array<i32>} : memref<5x64xi32, #tpu.memory_space<vmem>>, vector<1x16xi32>,
      %get3A_176 = arith.constant 3 : i32
      %get3A_177 = arith.index_cast %get3A_176 : i32 to index
      %get3A_178 = arith.constant 16 : index
      %get3A_179 = tpu.vector_load %arg5[%get3A_177, %get3A_178] {strides = array<i32>} : memref<5x64xi32, #tpu.memory_space<vmem>>, vector<1x16xi32>,
      %get3A_180 = vector.shape_cast %get3A_179 : vector<1x16xi32> to vector<16xi32>
      %add3A_181 = vector.broadcast %mul3A_2 : i32 to vector<16xi32>
      %add3A_182 = arith.addi %get3A_180, %add3A_181 : vector<16xi32>
      %swap3A_183 = arith.constant 3 : i32
      %swap3A_184 = arith.index_cast %swap3A_183 : i32 to index
      %swap3A_185 = arith.constant 16 : index
      %swap3A_186 = tpu.vector_load %arg5[%swap3A_184, %swap3A_185] {strides = array<i32>} : memref<5x64xi32, #tpu.memory_space<vmem>>, vector<1x16xi32>,
      %swap3A_187 = vector.shape_cast %swap3A_186 : vector<1x16xi32> to vector<16xi32>
      %swap3A_188 = vector.shape_cast %add3A_182 : vector<16xi32> to vector<1x16xi32>
      tpu.vector_store %arg5[%swap3A_184, %swap3A_185], %swap3A_188 {strides = array<i32>} : memref<5x64xi32, #tpu.memory_space<vmem>>, vector<1x16xi32>,
      %get3A_189 = arith.constant 3 : i32
      %get3A_190 = arith.index_cast %get3A_189 : i32 to index
      %get3A_191 = arith.constant 32 : index
      %get3A_192 = tpu.vector_load %arg5[%get3A_190, %get3A_191] {strides = array<i32>} : memref<5x64xi32, #tpu.memory_space<vmem>>, vector<1x16xi32>,
      %get3A_193 = vector.shape_cast %get3A_192 : vector<1x16xi32> to vector<16xi32>
      %add3A_194 = vector.broadcast %mul3A_2 : i32 to vector<16xi32>
      %add3A_195 = arith.addi %get3A_193, %add3A_194 : vector<16xi32>
      %swap3A_196 = arith.constant 3 : i32
      %swap3A_197 = arith.index_cast %swap3A_196 : i32 to index
      %swap3A_198 = arith.constant 32 : index
      %swap3A_199 = tpu.vector_load %arg5[%swap3A_197, %swap3A_198] {strides = array<i32>} : memref<5x64xi32, #tpu.memory_space<vmem>>, vector<1x16xi32>,
      %swap3A_200 = vector.shape_cast %swap3A_199 : vector<1x16xi32> to vector<16xi32>
      %swap3A_201 = vector.shape_cast %add3A_195 : vector<16xi32> to vector<1x16xi32>
      tpu.vector_store %arg5[%swap3A_197, %swap3A_198], %swap3A_201 {strides = array<i32>} : memref<5x64xi32, #tpu.memory_space<vmem>>, vector<1x16xi32>,
      %get3A_202 = arith.constant 3 : i32
      %get3A_203 = arith.index_cast %get3A_202 : i32 to index
      %get3A_204 = arith.constant 48 : index
      %get3A_205 = tpu.vector_load %arg5[%get3A_203, %get3A_204] {strides = array<i32>} : memref<5x64xi32, #tpu.memory_space<vmem>>, vector<1x16xi32>,
      %get3A_206 = vector.shape_cast %get3A_205 : vector<1x16xi32> to vector<16xi32>
      %add3A_207 = vector.broadcast %mul3A_2 : i32 to vector<16xi32>
      %add3A_208 = arith.addi %get3A_206, %add3A_207 : vector<16xi32>
      %swap3A_209 = arith.constant 3 : i32
      %swap3A_210 = arith.index_cast %swap3A_209 : i32 to index
      %swap3A_211 = arith.constant 48 : index
      %swap3A_212 = tpu.vector_load %arg5[%swap3A_210, %swap3A_211] {strides = array<i32>} : memref<5x64xi32, #tpu.memory_space<vmem>>, vector<1x16xi32>,
      %swap3A_213 = vector.shape_cast %swap3A_212 : vector<1x16xi32> to vector<16xi32>
      %swap3A_214 = vector.shape_cast %add3A_208 : vector<16xi32> to vector<1x16xi32>
      tpu.vector_store %arg5[%swap3A_210, %swap3A_211], %swap3A_214 {strides = array<i32>} : memref<5x64xi32, #tpu.memory_space<vmem>>, vector<1x16xi32>,
      %get3A_215 = arith.constant 4 : i32
      %get3A_216 = arith.index_cast %get3A_215 : i32 to index
      %get3A_217 = arith.constant 0 : index
      %get3A_218 = tpu.vector_load %arg5[%get3A_216, %get3A_217] {strides = array<i32>} : memref<5x64xi32, #tpu.memory_space<vmem>>, vector<1x16xi32>,
      %get3A_219 = vector.shape_cast %get3A_218 : vector<1x16xi32> to vector<16xi32>
      %add3A_220 = vector.broadcast %mul3A_2 : i32 to vector<16xi32>
      %add3A_221 = arith.addi %get3A_219, %add3A_220 : vector<16xi32>
      %swap3A_222 = arith.constant 4 : i32
      %swap3A_223 = arith.index_cast %swap3A_222 : i32 to index
      %swap3A_224 = arith.constant 0 : index
      %swap3A_225 = tpu.vector_load %arg5[%swap3A_223, %swap3A_224] {strides = array<i32>} : memref<5x64xi32, #tpu.memory_space<vmem>>, vector<1x16xi32>,
      %swap3A_226 = vector.shape_cast %swap3A_225 : vector<1x16xi32> to vector<16xi32>
      %swap3A_227 = vector.shape_cast %add3A_221 : vector<16xi32> to vector<1x16xi32>
      tpu.vector_store %arg5[%swap3A_223, %swap3A_224], %swap3A_227 {strides = array<i32>} : memref<5x64xi32, #tpu.memory_space<vmem>>, vector<1x16xi32>,
      %get3A_228 = arith.constant 4 : i32
      %get3A_229 = arith.index_cast %get3A_228 : i32 to index
      %get3A_230 = arith.constant 16 : index
      %get3A_231 = tpu.vector_load %arg5[%get3A_229, %get3A_230] {strides = array<i32>} : memref<5x64xi32, #tpu.memory_space<vmem>>, vector<1x16xi32>,
      %get3A_232 = vector.shape_cast %get3A_231 : vector<1x16xi32> to vector<16xi32>
      %add3A_233 = vector.broadcast %mul3A_2 : i32 to vector<16xi32>
      %add3A_234 = arith.addi %get3A_232, %add3A_233 : vector<16xi32>
      %swap3A_235 = arith.constant 4 : i32
      %swap3A_236 = arith.index_cast %swap3A_235 : i32 to index
      %swap3A_237 = arith.constant 16 : index
      %swap3A_238 = tpu.vector_load %arg5[%swap3A_236, %swap3A_237] {strides = array<i32>} : memref<5x64xi32, #tpu.memory_space<vmem>>, vector<1x16xi32>,
      %swap3A_239 = vector.shape_cast %swap3A_238 : vector<1x16xi32> to vector<16xi32>
      %swap3A_240 = vector.shape_cast %add3A_234 : vector<16xi32> to vector<1x16xi32>
      tpu.vector_store %arg5[%swap3A_236, %swap3A_237], %swap3A_240 {strides = array<i32>} : memref<5x64xi32, #tpu.memory_space<vmem>>, vector<1x16xi32>,
      %get3A_241 = arith.constant 4 : i32
      %get3A_242 = arith.index_cast %get3A_241 : i32 to index
      %get3A_243 = arith.constant 32 : index
      %get3A_244 = tpu.vector_load %arg5[%get3A_242, %get3A_243] {strides = array<i32>} : memref<5x64xi32, #tpu.memory_space<vmem>>, vector<1x16xi32>,
      %get3A_245 = vector.shape_cast %get3A_244 : vector<1x16xi32> to vector<16xi32>
      %add3A_246 = vector.broadcast %mul3A_2 : i32 to vector<16xi32>
      %add3A_247 = arith.addi %get3A_245, %add3A_246 : vector<16xi32>
      %swap3A_248 = arith.constant 4 : i32
      %swap3A_249 = arith.index_cast %swap3A_248 : i32 to index
      %swap3A_250 = arith.constant 32 : index
      %swap3A_251 = tpu.vector_load %arg5[%swap3A_249, %swap3A_250] {strides = array<i32>} : memref<5x64xi32, #tpu.memory_space<vmem>>, vector<1x16xi32>,
      %swap3A_252 = vector.shape_cast %swap3A_251 : vector<1x16xi32> to vector<16xi32>
      %swap3A_253 = vector.shape_cast %add3A_247 : vector<16xi32> to vector<1x16xi32>
      tpu.vector_store %arg5[%swap3A_249, %swap3A_250], %swap3A_253 {strides = array<i32>} : memref<5x64xi32, #tpu.memory_space<vmem>>, vector<1x16xi32>,
      %get3A_254 = arith.constant 4 : i32
      %get3A_255 = arith.index_cast %get3A_254 : i32 to index
      %get3A_256 = arith.constant 48 : index
      %get3A_257 = tpu.vector_load %arg5[%get3A_255, %get3A_256] {strides = array<i32>} : memref<5x64xi32, #tpu.memory_space<vmem>>, vector<1x16xi32>,
      %get3A_258 = vector.shape_cast %get3A_257 : vector<1x16xi32> to vector<16xi32>
      %add3A_259 = vector.broadcast %mul3A_2 : i32 to vector<16xi32>
      %add3A_260 = arith.addi %get3A_258, %add3A_259 : vector<16xi32>
      %swap3A_261 = arith.constant 4 : i32
      %swap3A_262 = arith.index_cast %swap3A_261 : i32 to index
      %swap3A_263 = arith.constant 48 : index
      %swap3A_264 = tpu.vector_load %arg5[%swap3A_262, %swap3A_263] {strides = array<i32>} : memref<5x64xi32, #tpu.memory_space<vmem>>, vector<1x16xi32>,
      %swap3A_265 = vector.shape_cast %swap3A_264 : vector<1x16xi32> to vector<16xi32>
      %swap3A_266 = vector.shape_cast %add3A_260 : vector<16xi32> to vector<1x16xi32>
      tpu.vector_store %arg5[%swap3A_262, %swap3A_263], %swap3A_266 {strides = array<i32>} : memref<5x64xi32, #tpu.memory_space<vmem>>, vector<1x16xi32>,
      %dma_start3A = arith.constant 0 : i32
      %dma_start3A_267 = arith.constant 0 : i32
      %dma_start3A_268 = arith.constant 0 : i32
      %dma_start3A_269 = tpu.memref_slice %arg6[%dma_start3A_267, %dma_start3A_268] : memref<320x128xf32, #tpu.memory_space<vmem>> -> memref<64x128xf32, #tpu.memory_space<vmem>>
      %dma_start3A_270 = arith.constant 0 : i32
      %dma_start3A_271 = tpu.memref_slice %arg5[%dma_start3A, %dma_start3A_270] : memref<5x64xi32, #tpu.memory_space<vmem>> -> memref<1x64xi32, #tpu.memory_space<vmem>>
      %dma_start3A_272 = tpu.memref_squeeze %dma_start3A_271 : memref<1x64xi32, #tpu.memory_space<vmem>> -> memref<64xi32, #tpu.memory_space<vmem>>
      %dma_start3A_273 = arith.constant 0 : i32
      %dma_start3A_274 = arith.constant 0 : i32
      %dma_start3A_275 = tpu.memref_slice %arg3[%dma_start3A_273, %dma_start3A_274] : memref<32768x128xf32, #tpu.memory_space<hbm>> -> memref<32768x128xf32, #tpu.memory_space<hbm>>
      tpu.enqueue_indirect_dma source(%dma_start3A_275 : memref<32768x128xf32, #tpu.memory_space<hbm>>) target(%dma_start3A_269 : memref<64x128xf32, #tpu.memory_space<vmem>>) offsets(%dma_start3A_272 : memref<64xi32, #tpu.memory_space<vmem>>) semaphore(%arg7 : memref<!tpu.dma_semaphore, #tpu.memory_space<semaphore_mem>>)
      %dma_start3A_276 = arith.constant 1 : i32
      %dma_start3A_277 = arith.constant 64 : i32
      %dma_start3A_278 = arith.constant 0 : i32
      %dma_start3A_279 = tpu.memref_slice %arg6[%dma_start3A_277, %dma_start3A_278] : memref<320x128xf32, #tpu.memory_space<vmem>> -> memref<64x128xf32, #tpu.memory_space<vmem>>
      %dma_start3A_280 = arith.constant 0 : i32
      %dma_start3A_281 = tpu.memref_slice %arg5[%dma_start3A_276, %dma_start3A_280] : memref<5x64xi32, #tpu.memory_space<vmem>> -> memref<1x64xi32, #tpu.memory_space<vmem>>
      %dma_start3A_282 = tpu.memref_squeeze %dma_start3A_281 : memref<1x64xi32, #tpu.memory_space<vmem>> -> memref<64xi32, #tpu.memory_space<vmem>>
      %dma_start3A_283 = arith.constant 0 : i32
      %dma_start3A_284 = arith.constant 0 : i32
      %dma_start3A_285 = tpu.memref_slice %arg3[%dma_start3A_283, %dma_start3A_284] : memref<32768x128xf32, #tpu.memory_space<hbm>> -> memref<32768x128xf32, #tpu.memory_space<hbm>>
      tpu.enqueue_indirect_dma source(%dma_start3A_285 : memref<32768x128xf32, #tpu.memory_space<hbm>>) target(%dma_start3A_279 : memref<64x128xf32, #tpu.memory_space<vmem>>) offsets(%dma_start3A_282 : memref<64xi32, #tpu.memory_space<vmem>>) semaphore(%arg7 : memref<!tpu.dma_semaphore, #tpu.memory_space<semaphore_mem>>)
      %dma_start3A_286 = arith.constant 2 : i32
      %dma_start3A_287 = arith.constant 128 : i32
      %dma_start3A_288 = arith.constant 0 : i32
      %dma_start3A_289 = tpu.memref_slice %arg6[%dma_start3A_287, %dma_start3A_288] : memref<320x128xf32, #tpu.memory_space<vmem>> -> memref<64x128xf32, #tpu.memory_space<vmem>>
      %dma_start3A_290 = arith.constant 0 : i32
      %dma_start3A_291 = tpu.memref_slice %arg5[%dma_start3A_286, %dma_start3A_290] : memref<5x64xi32, #tpu.memory_space<vmem>> -> memref<1x64xi32, #tpu.memory_space<vmem>>
      %dma_start3A_292 = tpu.memref_squeeze %dma_start3A_291 : memref<1x64xi32, #tpu.memory_space<vmem>> -> memref<64xi32, #tpu.memory_space<vmem>>
      %dma_start3A_293 = arith.constant 0 : i32
      %dma_start3A_294 = arith.constant 0 : i32
      %dma_start3A_295 = tpu.memref_slice %arg3[%dma_start3A_293, %dma_start3A_294] : memref<32768x128xf32, #tpu.memory_space<hbm>> -> memref<32768x128xf32, #tpu.memory_space<hbm>>
      tpu.enqueue_indirect_dma source(%dma_start3A_295 : memref<32768x128xf32, #tpu.memory_space<hbm>>) target(%dma_start3A_289 : memref<64x128xf32, #tpu.memory_space<vmem>>) offsets(%dma_start3A_292 : memref<64xi32, #tpu.memory_space<vmem>>) semaphore(%arg7 : memref<!tpu.dma_semaphore, #tpu.memory_space<semaphore_mem>>)
      %dma_start3A_296 = arith.constant 3 : i32
      %dma_start3A_297 = arith.constant 192 : i32
      %dma_start3A_298 = arith.constant 0 : i32
      %dma_start3A_299 = tpu.memref_slice %arg6[%dma_start3A_297, %dma_start3A_298] : memref<320x128xf32, #tpu.memory_space<vmem>> -> memref<64x128xf32, #tpu.memory_space<vmem>>
      %dma_start3A_300 = arith.constant 0 : i32
      %dma_start3A_301 = tpu.memref_slice %arg5[%dma_start3A_296, %dma_start3A_300] : memref<5x64xi32, #tpu.memory_space<vmem>> -> memref<1x64xi32, #tpu.memory_space<vmem>>
      %dma_start3A_302 = tpu.memref_squeeze %dma_start3A_301 : memref<1x64xi32, #tpu.memory_space<vmem>> -> memref<64xi32, #tpu.memory_space<vmem>>
      %dma_start3A_303 = arith.constant 0 : i32
      %dma_start3A_304 = arith.constant 0 : i32
      %dma_start3A_305 = tpu.memref_slice %arg3[%dma_start3A_303, %dma_start3A_304] : memref<32768x128xf32, #tpu.memory_space<hbm>> -> memref<32768x128xf32, #tpu.memory_space<hbm>>
      tpu.enqueue_indirect_dma source(%dma_start3A_305 : memref<32768x128xf32, #tpu.memory_space<hbm>>) target(%dma_start3A_299 : memref<64x128xf32, #tpu.memory_space<vmem>>) offsets(%dma_start3A_302 : memref<64xi32, #tpu.memory_space<vmem>>) semaphore(%arg7 : memref<!tpu.dma_semaphore, #tpu.memory_space<semaphore_mem>>)
      %dma_start3A_306 = arith.constant 4 : i32
      %dma_start3A_307 = arith.constant 256 : i32
      %dma_start3A_308 = arith.constant 0 : i32
      %dma_start3A_309 = tpu.memref_slice %arg6[%dma_start3A_307, %dma_start3A_308] : memref<320x128xf32, #tpu.memory_space<vmem>> -> memref<64x128xf32, #tpu.memory_space<vmem>>
      %dma_start3A_310 = arith.constant 0 : i32
      %dma_start3A_311 = tpu.memref_slice %arg5[%dma_start3A_306, %dma_start3A_310] : memref<5x64xi32, #tpu.memory_space<vmem>> -> memref<1x64xi32, #tpu.memory_space<vmem>>
      %dma_start3A_312 = tpu.memref_squeeze %dma_start3A_311 : memref<1x64xi32, #tpu.memory_space<vmem>> -> memref<64xi32, #tpu.memory_space<vmem>>
      %dma_start3A_313 = arith.constant 0 : i32
      %dma_start3A_314 = arith.constant 0 : i32
      %dma_start3A_315 = tpu.memref_slice %arg3[%dma_start3A_313, %dma_start3A_314] : memref<32768x128xf32, #tpu.memory_space<hbm>> -> memref<32768x128xf32, #tpu.memory_space<hbm>>
      tpu.enqueue_indirect_dma source(%dma_start3A_315 : memref<32768x128xf32, #tpu.memory_space<hbm>>) target(%dma_start3A_309 : memref<64x128xf32, #tpu.memory_space<vmem>>) offsets(%dma_start3A_312 : memref<64xi32, #tpu.memory_space<vmem>>) semaphore(%arg7 : memref<!tpu.dma_semaphore, #tpu.memory_space<semaphore_mem>>)
      %dma_wait3A = arith.constant 0 : i32
      %dma_wait3A_316 = arith.constant 0 : i32
      %dma_wait3A_317 = arith.constant 0 : i32
      %dma_wait3A_318 = tpu.memref_slice %arg6[%dma_wait3A_316, %dma_wait3A_317] : memref<320x128xf32, #tpu.memory_space<vmem>> -> memref<64x128xf32, #tpu.memory_space<vmem>>
      %dma_wait3A_319 = arith.constant 0 : i32
      %dma_wait3A_320 = tpu.memref_slice %arg5[%dma_wait3A, %dma_wait3A_319] : memref<5x64xi32, #tpu.memory_space<vmem>> -> memref<1x64xi32, #tpu.memory_space<vmem>>
      %dma_wait3A_321 = tpu.memref_squeeze %dma_wait3A_320 : memref<1x64xi32, #tpu.memory_space<vmem>> -> memref<64xi32, #tpu.memory_space<vmem>>
      %dma_wait3A_322 = arith.constant 0 : i32
      %dma_wait3A_323 = arith.constant 0 : i32
      %dma_wait3A_324 = tpu.memref_slice %arg3[%dma_wait3A_322, %dma_wait3A_323] : memref<32768x128xf32, #tpu.memory_space<hbm>> -> memref<32768x128xf32, #tpu.memory_space<hbm>>
      tpu.wait_indirect_dma semaphore(%arg7 : memref<!tpu.dma_semaphore, #tpu.memory_space<semaphore_mem>>) src(%dma_wait3A_324 : memref<32768x128xf32, #tpu.memory_space<hbm>>) dst(%dma_wait3A_318 : memref<64x128xf32, #tpu.memory_space<vmem>>)
      %dma_wait3A_325 = arith.constant 1 : i32
      %dma_wait3A_326 = arith.constant 64 : i32
      %dma_wait3A_327 = arith.constant 0 : i32
      %dma_wait3A_328 = tpu.memref_slice %arg6[%dma_wait3A_326, %dma_wait3A_327] : memref<320x128xf32, #tpu.memory_space<vmem>> -> memref<64x128xf32, #tpu.memory_space<vmem>>
      %dma_wait3A_329 = arith.constant 0 : i32
      %dma_wait3A_330 = tpu.memref_slice %arg5[%dma_wait3A_325, %dma_wait3A_329] : memref<5x64xi32, #tpu.memory_space<vmem>> -> memref<1x64xi32, #tpu.memory_space<vmem>>
      %dma_wait3A_331 = tpu.memref_squeeze %dma_wait3A_330 : memref<1x64xi32, #tpu.memory_space<vmem>> -> memref<64xi32, #tpu.memory_space<vmem>>
      %dma_wait3A_332 = arith.constant 0 : i32
      %dma_wait3A_333 = arith.constant 0 : i32
      %dma_wait3A_334 = tpu.memref_slice %arg3[%dma_wait3A_332, %dma_wait3A_333] : memref<32768x128xf32, #tpu.memory_space<hbm>> -> memref<32768x128xf32, #tpu.memory_space<hbm>>
      tpu.wait_indirect_dma semaphore(%arg7 : memref<!tpu.dma_semaphore, #tpu.memory_space<semaphore_mem>>) src(%dma_wait3A_334 : memref<32768x128xf32, #tpu.memory_space<hbm>>) dst(%dma_wait3A_328 : memref<64x128xf32, #tpu.memory_space<vmem>>)
      %dma_wait3A_335 = arith.constant 2 : i32
      %dma_wait3A_336 = arith.constant 128 : i32
      %dma_wait3A_337 = arith.constant 0 : i32
      %dma_wait3A_338 = tpu.memref_slice %arg6[%dma_wait3A_336, %dma_wait3A_337] : memref<320x128xf32, #tpu.memory_space<vmem>> -> memref<64x128xf32, #tpu.memory_space<vmem>>
      %dma_wait3A_339 = arith.constant 0 : i32
      %dma_wait3A_340 = tpu.memref_slice %arg5[%dma_wait3A_335, %dma_wait3A_339] : memref<5x64xi32, #tpu.memory_space<vmem>> -> memref<1x64xi32, #tpu.memory_space<vmem>>
      %dma_wait3A_341 = tpu.memref_squeeze %dma_wait3A_340 : memref<1x64xi32, #tpu.memory_space<vmem>> -> memref<64xi32, #tpu.memory_space<vmem>>
      %dma_wait3A_342 = arith.constant 0 : i32
      %dma_wait3A_343 = arith.constant 0 : i32
      %dma_wait3A_344 = tpu.memref_slice %arg3[%dma_wait3A_342, %dma_wait3A_343] : memref<32768x128xf32, #tpu.memory_space<hbm>> -> memref<32768x128xf32, #tpu.memory_space<hbm>>
      tpu.wait_indirect_dma semaphore(%arg7 : memref<!tpu.dma_semaphore, #tpu.memory_space<semaphore_mem>>) src(%dma_wait3A_344 : memref<32768x128xf32, #tpu.memory_space<hbm>>) dst(%dma_wait3A_338 : memref<64x128xf32, #tpu.memory_space<vmem>>)
      %dma_wait3A_345 = arith.constant 3 : i32
      %dma_wait3A_346 = arith.constant 192 : i32
      %dma_wait3A_347 = arith.constant 0 : i32
      %dma_wait3A_348 = tpu.memref_slice %arg6[%dma_wait3A_346, %dma_wait3A_347] : memref<320x128xf32, #tpu.memory_space<vmem>> -> memref<64x128xf32, #tpu.memory_space<vmem>>
      %dma_wait3A_349 = arith.constant 0 : i32
      %dma_wait3A_350 = tpu.memref_slice %arg5[%dma_wait3A_345, %dma_wait3A_349] : memref<5x64xi32, #tpu.memory_space<vmem>> -> memref<1x64xi32, #tpu.memory_space<vmem>>
      %dma_wait3A_351 = tpu.memref_squeeze %dma_wait3A_350 : memref<1x64xi32, #tpu.memory_space<vmem>> -> memref<64xi32, #tpu.memory_space<vmem>>
      %dma_wait3A_352 = arith.constant 0 : i32
      %dma_wait3A_353 = arith.constant 0 : i32
      %dma_wait3A_354 = tpu.memref_slice %arg3[%dma_wait3A_352, %dma_wait3A_353] : memref<32768x128xf32, #tpu.memory_space<hbm>> -> memref<32768x128xf32, #tpu.memory_space<hbm>>
      tpu.wait_indirect_dma semaphore(%arg7 : memref<!tpu.dma_semaphore, #tpu.memory_space<semaphore_mem>>) src(%dma_wait3A_354 : memref<32768x128xf32, #tpu.memory_space<hbm>>) dst(%dma_wait3A_348 : memref<64x128xf32, #tpu.memory_space<vmem>>)
      %dma_wait3A_355 = arith.constant 4 : i32
      %dma_wait3A_356 = arith.constant 256 : i32
      %dma_wait3A_357 = arith.constant 0 : i32
      %dma_wait3A_358 = tpu.memref_slice %arg6[%dma_wait3A_356, %dma_wait3A_357] : memref<320x128xf32, #tpu.memory_space<vmem>> -> memref<64x128xf32, #tpu.memory_space<vmem>>
      %dma_wait3A_359 = arith.constant 0 : i32
      %dma_wait3A_360 = tpu.memref_slice %arg5[%dma_wait3A_355, %dma_wait3A_359] : memref<5x64xi32, #tpu.memory_space<vmem>> -> memref<1x64xi32, #tpu.memory_space<vmem>>
      %dma_wait3A_361 = tpu.memref_squeeze %dma_wait3A_360 : memref<1x64xi32, #tpu.memory_space<vmem>> -> memref<64xi32, #tpu.memory_space<vmem>>
      %dma_wait3A_362 = arith.constant 0 : i32
      %dma_wait3A_363 = arith.constant 0 : i32
      %dma_wait3A_364 = tpu.memref_slice %arg3[%dma_wait3A_362, %dma_wait3A_363] : memref<32768x128xf32, #tpu.memory_space<hbm>> -> memref<32768x128xf32, #tpu.memory_space<hbm>>
      tpu.wait_indirect_dma semaphore(%arg7 : memref<!tpu.dma_semaphore, #tpu.memory_space<semaphore_mem>>) src(%dma_wait3A_364 : memref<32768x128xf32, #tpu.memory_space<hbm>>) dst(%dma_wait3A_358 : memref<64x128xf32, #tpu.memory_space<vmem>>)
      %mul3A_365 = arith.constant 16 : i32
      %mul3A_366 = arith.muli %scan3A_8, %mul3A_365 : i32
      %mul3A_367 = arith.constant 20 : i32
      %mul3A_368 = arith.muli %mul3A_366, %mul3A_367 : i32
      "tpu.region"() ({
        %run_scoped3A = tpu.sem_alloc : memref<!tpu.dma_semaphore, #tpu.memory_space<semaphore_mem>>
        %dma_start3A_369 = arith.constant 0 : i32
        %dma_start3A_370 = tpu.memref_slice %arg4[%add3A, %mul3A_368, %dma_start3A_369] : memref<32x20480x128xf32, #tpu.memory_space<hbm>> -> memref<1x320x128xf32, #tpu.memory_space<hbm>>
        %dma_start3A_371 = tpu.memref_squeeze %dma_start3A_370 : memref<1x320x128xf32, #tpu.memory_space<hbm>> -> memref<320x128xf32, #tpu.memory_space<hbm>>
        %dma_start3A_372 = arith.constant 0 : i32
        %dma_start3A_373 = tpu.memref_slice %arg4[%add3A, %mul3A_368, %dma_start3A_372] : memref<32x20480x128xf32, #tpu.memory_space<hbm>> -> memref<1x320x128xf32, #tpu.memory_space<hbm>>
        %dma_start3A_374 = tpu.memref_squeeze %dma_start3A_373 : memref<1x320x128xf32, #tpu.memory_space<hbm>> -> memref<320x128xf32, #tpu.memory_space<hbm>>
        tpu.enqueue_dma source(%arg6 : memref<320x128xf32, #tpu.memory_space<vmem>>) target(%dma_start3A_374 : memref<320x128xf32, #tpu.memory_space<hbm>>) target_semaphore(%run_scoped3A : memref<!tpu.dma_semaphore, #tpu.memory_space<semaphore_mem>>)
        %dma_wait3A_375 = arith.constant 0 : i32
        %dma_wait3A_376 = tpu.memref_slice %arg4[%add3A, %mul3A_368, %dma_wait3A_375] : memref<32x20480x128xf32, #tpu.memory_space<hbm>> -> memref<1x320x128xf32, #tpu.memory_space<hbm>>
        %dma_wait3A_377 = tpu.memref_squeeze %dma_wait3A_376 : memref<1x320x128xf32, #tpu.memory_space<hbm>> -> memref<320x128xf32, #tpu.memory_space<hbm>>
        %dma_wait3A_378 = arith.constant 0 : i32
        %dma_wait3A_379 = tpu.memref_slice %arg4[%add3A, %mul3A_368, %dma_wait3A_378] : memref<32x20480x128xf32, #tpu.memory_space<hbm>> -> memref<1x320x128xf32, #tpu.memory_space<hbm>>
        %dma_wait3A_380 = tpu.memref_squeeze %dma_wait3A_379 : memref<1x320x128xf32, #tpu.memory_space<hbm>> -> memref<320x128xf32, #tpu.memory_space<hbm>>
        tpu.wait_dma2 semaphore(%run_scoped3A : memref<!tpu.dma_semaphore, #tpu.memory_space<semaphore_mem>>) src(%arg6 : memref<320x128xf32, #tpu.memory_space<vmem>>) dst(%dma_wait3A_380 : memref<320x128xf32, #tpu.memory_space<hbm>>)
        tpu.yield
      }) : () -> ()
    }
    %scan3A_7 = arith.constant 64 : i32
    return
  }
}

module attributes {stable_mosaic.version = 14 : i64} {
  func.func @_dist_topk_body(%arg0: i32, %arg1: memref<1x1024x3xf32, #tpu.memory_space<vmem>>, %arg2: memref<1x1024x1xf32, #tpu.memory_space<vmem>>, %arg3: memref<1x1024x32xi32, #tpu.memory_space<vmem>>) attributes {dimension_semantics = [#tpu.dimension_semantics<arbitrary>], iteration_bounds = array<i64: 32>, scalar_prefetch = 0 : i64, scratch_operands = 0 : i64, tpu.core_type = #tpu.core_type<tc>, window_params = [{transform_indices = @transform_0, window_bounds = array<i64: 1, 1024, 3>}, {transform_indices = @transform_1, window_bounds = array<i64: 1, 1024, 1>}, {transform_indices = @transform_2, window_bounds = array<i64: 1, 1024, 32>}]} {
    %get3A = arith.constant 0 : index
    %get3A_0 = arith.constant 0 : index
    %get3A_1 = arith.constant 0 : index
    %get3A_2 = vector.load %arg1[%get3A, %get3A_0, %get3A_1] : memref<1x1024x3xf32, #tpu.memory_space<vmem>>, vector<1x1024x3xf32>
    %get3A_3 = vector.shape_cast %get3A_2 : vector<1x1024x3xf32> to vector<1024x3xf32>
    %get3A_4 = arith.constant 0 : index
    %get3A_5 = arith.constant 0 : index
    %get3A_6 = arith.constant 0 : index
    %get3A_7 = vector.load %arg2[%get3A_4, %get3A_5, %get3A_6] : memref<1x1024x1xf32, #tpu.memory_space<vmem>>, vector<1x1024x1xf32>
    %get3A_8 = vector.shape_cast %get3A_7 : vector<1x1024x1xf32> to vector<1024x1xf32>
    %transpose3A = tpu.transpose %get3A_3, [1, 0] : vector<1024x3xf32> -> vector<3x1024xf32>
    %dot_general3A = arith.constant dense<0.000000e+00> : vector<1024x1024xf32>
    %dot_general3A_9 = tpu.matmul %get3A_3, %transpose3A, %dot_general3A {dimension_numbers = #tpu.dot_dimension_numbers<[1], [0], [0], [1], [0, 0, 1, 1], [], []>, transpose_lhs_hint = false} : vector<1024x3xf32>, vector<3x1024xf32>, vector<1024x1024xf32> -> vector<1024x1024xf32>
    %neg3A = arith.constant 0.000000e+00 : f32
    %neg3A_10 = vector.broadcast %neg3A : f32 to vector<1024x1xf32>
    %neg3A_11 = arith.subf %neg3A_10, %get3A_8 : vector<1024x1xf32>
    %mul3A = arith.constant 2.000000e+00 : f32
    %mul3A_12 = vector.broadcast %mul3A : f32 to vector<1024x1024xf32>
    %mul3A_13 = arith.mulf %mul3A_12, %dot_general3A_9 : vector<1024x1024xf32>
    %add3A = vector.broadcast %neg3A_11 : vector<1024x1xf32> to vector<1024x1024xf32>
    %add3A_14 = arith.addf %add3A, %mul3A_13 : vector<1024x1024xf32>
    %transpose3A_15 = tpu.transpose %get3A_8, [1, 0] : vector<1024x1xf32> -> vector<1x1024xf32>
    %sub3A = vector.broadcast %transpose3A_15 : vector<1x1024xf32> to vector<1024x1024xf32>
    %sub3A_16 = arith.subf %add3A_14, %sub3A : vector<1024x1024xf32>
    %iota3A = tpu.iota {dimensions = array<i32: 1>} : vector<1024x1024xi32>
    %reduce_max3A = arith.constant dense<0xFF800000> : vector<1024xf32>
    %reduce_max3A_17 = vector.multi_reduction <maximumf>, %sub3A_16, %reduce_max3A [1] : vector<1024x1024xf32> to vector<1024xf32>
    %broadcast_in_dim3A = vector.shape_cast %reduce_max3A_17 : vector<1024xf32> to vector<1024x1xf32>
    %eq3A = vector.broadcast %broadcast_in_dim3A : vector<1024x1xf32> to vector<1024x1024xf32>
    %eq3A_18 = arith.cmpf oeq, %sub3A_16, %eq3A : vector<1024x1024xf32>
    %jit3A = arith.constant 1024 : i32
    %broadcast_in_dim3A_19 = vector.broadcast %jit3A : i32 to vector<1024x1024xi32>
    %select_n3A = arith.select %eq3A_18, %iota3A, %broadcast_in_dim3A_19 : vector<1024x1024xi1>, vector<1024x1024xi32>
    %reduce_min3A = arith.constant dense<2147483647> : vector<1024xi32>
    %reduce_min3A_20 = vector.multi_reduction <minsi>, %select_n3A, %reduce_min3A [1] : vector<1024x1024xi32> to vector<1024xi32>
    %broadcast_in_dim3A_21 = vector.shape_cast %reduce_min3A_20 : vector<1024xi32> to vector<1024x1xi32>
    %eq3A_22 = vector.broadcast %broadcast_in_dim3A_21 : vector<1024x1xi32> to vector<1024x1024xi32>
    %eq3A_23 = arith.cmpi eq, %iota3A, %eq3A_22 : vector<1024x1024xi32>
    %jit3A_24 = arith.constant 0xFF800000 : f32
    %broadcast_in_dim3A_25 = vector.broadcast %jit3A_24 : f32 to vector<1024x1024xf32>
    %select_n3A_26 = arith.select %eq3A_23, %broadcast_in_dim3A_25, %sub3A_16 : vector<1024x1024xi1>, vector<1024x1024xf32>
    %reduce_max3A_27 = arith.constant dense<0xFF800000> : vector<1024xf32>
    %reduce_max3A_28 = vector.multi_reduction <maximumf>, %select_n3A_26, %reduce_max3A_27 [1] : vector<1024x1024xf32> to vector<1024xf32>
    %broadcast_in_dim3A_29 = vector.shape_cast %reduce_max3A_28 : vector<1024xf32> to vector<1024x1xf32>
    %eq3A_30 = vector.broadcast %broadcast_in_dim3A_29 : vector<1024x1xf32> to vector<1024x1024xf32>
    %eq3A_31 = arith.cmpf oeq, %select_n3A_26, %eq3A_30 : vector<1024x1024xf32>
    %jit3A_32 = arith.constant 1024 : i32
    %broadcast_in_dim3A_33 = vector.broadcast %jit3A_32 : i32 to vector<1024x1024xi32>
    %select_n3A_34 = arith.select %eq3A_31, %iota3A, %broadcast_in_dim3A_33 : vector<1024x1024xi1>, vector<1024x1024xi32>
    %reduce_min3A_35 = arith.constant dense<2147483647> : vector<1024xi32>
    %reduce_min3A_36 = vector.multi_reduction <minsi>, %select_n3A_34, %reduce_min3A_35 [1] : vector<1024x1024xi32> to vector<1024xi32>
    %broadcast_in_dim3A_37 = vector.shape_cast %reduce_min3A_36 : vector<1024xi32> to vector<1024x1xi32>
    %eq3A_38 = vector.broadcast %broadcast_in_dim3A_37 : vector<1024x1xi32> to vector<1024x1024xi32>
    %eq3A_39 = arith.cmpi eq, %iota3A, %eq3A_38 : vector<1024x1024xi32>
    %jit3A_40 = arith.constant 0xFF800000 : f32
    %broadcast_in_dim3A_41 = vector.broadcast %jit3A_40 : f32 to vector<1024x1024xf32>
    %select_n3A_42 = arith.select %eq3A_39, %broadcast_in_dim3A_41, %select_n3A_26 : vector<1024x1024xi1>, vector<1024x1024xf32>
    %reduce_max3A_43 = arith.constant dense<0xFF800000> : vector<1024xf32>
    %reduce_max3A_44 = vector.multi_reduction <maximumf>, %select_n3A_42, %reduce_max3A_43 [1] : vector<1024x1024xf32> to vector<1024xf32>
    %broadcast_in_dim3A_45 = vector.shape_cast %reduce_max3A_44 : vector<1024xf32> to vector<1024x1xf32>
    %eq3A_46 = vector.broadcast %broadcast_in_dim3A_45 : vector<1024x1xf32> to vector<1024x1024xf32>
    %eq3A_47 = arith.cmpf oeq, %select_n3A_42, %eq3A_46 : vector<1024x1024xf32>
    %jit3A_48 = arith.constant 1024 : i32
    %broadcast_in_dim3A_49 = vector.broadcast %jit3A_48 : i32 to vector<1024x1024xi32>
    %select_n3A_50 = arith.select %eq3A_47, %iota3A, %broadcast_in_dim3A_49 : vector<1024x1024xi1>, vector<1024x1024xi32>
    %reduce_min3A_51 = arith.constant dense<2147483647> : vector<1024xi32>
    %reduce_min3A_52 = vector.multi_reduction <minsi>, %select_n3A_50, %reduce_min3A_51 [1] : vector<1024x1024xi32> to vector<1024xi32>
    %broadcast_in_dim3A_53 = vector.shape_cast %reduce_min3A_52 : vector<1024xi32> to vector<1024x1xi32>
    %eq3A_54 = vector.broadcast %broadcast_in_dim3A_53 : vector<1024x1xi32> to vector<1024x1024xi32>
    %eq3A_55 = arith.cmpi eq, %iota3A, %eq3A_54 : vector<1024x1024xi32>
    %jit3A_56 = arith.constant 0xFF800000 : f32
    %broadcast_in_dim3A_57 = vector.broadcast %jit3A_56 : f32 to vector<1024x1024xf32>
    %select_n3A_58 = arith.select %eq3A_55, %broadcast_in_dim3A_57, %select_n3A_42 : vector<1024x1024xi1>, vector<1024x1024xf32>
    %reduce_max3A_59 = arith.constant dense<0xFF800000> : vector<1024xf32>
    %reduce_max3A_60 = vector.multi_reduction <maximumf>, %select_n3A_58, %reduce_max3A_59 [1] : vector<1024x1024xf32> to vector<1024xf32>
    %broadcast_in_dim3A_61 = vector.shape_cast %reduce_max3A_60 : vector<1024xf32> to vector<1024x1xf32>
    %eq3A_62 = vector.broadcast %broadcast_in_dim3A_61 : vector<1024x1xf32> to vector<1024x1024xf32>
    %eq3A_63 = arith.cmpf oeq, %select_n3A_58, %eq3A_62 : vector<1024x1024xf32>
    %jit3A_64 = arith.constant 1024 : i32
    %broadcast_in_dim3A_65 = vector.broadcast %jit3A_64 : i32 to vector<1024x1024xi32>
    %select_n3A_66 = arith.select %eq3A_63, %iota3A, %broadcast_in_dim3A_65 : vector<1024x1024xi1>, vector<1024x1024xi32>
    %reduce_min3A_67 = arith.constant dense<2147483647> : vector<1024xi32>
    %reduce_min3A_68 = vector.multi_reduction <minsi>, %select_n3A_66, %reduce_min3A_67 [1] : vector<1024x1024xi32> to vector<1024xi32>
    %broadcast_in_dim3A_69 = vector.shape_cast %reduce_min3A_68 : vector<1024xi32> to vector<1024x1xi32>
    %eq3A_70 = vector.broadcast %broadcast_in_dim3A_69 : vector<1024x1xi32> to vector<1024x1024xi32>
    %eq3A_71 = arith.cmpi eq, %iota3A, %eq3A_70 : vector<1024x1024xi32>
    %jit3A_72 = arith.constant 0xFF800000 : f32
    %broadcast_in_dim3A_73 = vector.broadcast %jit3A_72 : f32 to vector<1024x1024xf32>
    %select_n3A_74 = arith.select %eq3A_71, %broadcast_in_dim3A_73, %select_n3A_58 : vector<1024x1024xi1>, vector<1024x1024xf32>
    %reduce_max3A_75 = arith.constant dense<0xFF800000> : vector<1024xf32>
    %reduce_max3A_76 = vector.multi_reduction <maximumf>, %select_n3A_74, %reduce_max3A_75 [1] : vector<1024x1024xf32> to vector<1024xf32>
    %broadcast_in_dim3A_77 = vector.shape_cast %reduce_max3A_76 : vector<1024xf32> to vector<1024x1xf32>
    %eq3A_78 = vector.broadcast %broadcast_in_dim3A_77 : vector<1024x1xf32> to vector<1024x1024xf32>
    %eq3A_79 = arith.cmpf oeq, %select_n3A_74, %eq3A_78 : vector<1024x1024xf32>
    %jit3A_80 = arith.constant 1024 : i32
    %broadcast_in_dim3A_81 = vector.broadcast %jit3A_80 : i32 to vector<1024x1024xi32>
    %select_n3A_82 = arith.select %eq3A_79, %iota3A, %broadcast_in_dim3A_81 : vector<1024x1024xi1>, vector<1024x1024xi32>
    %reduce_min3A_83 = arith.constant dense<2147483647> : vector<1024xi32>
    %reduce_min3A_84 = vector.multi_reduction <minsi>, %select_n3A_82, %reduce_min3A_83 [1] : vector<1024x1024xi32> to vector<1024xi32>
    %broadcast_in_dim3A_85 = vector.shape_cast %reduce_min3A_84 : vector<1024xi32> to vector<1024x1xi32>
    %eq3A_86 = vector.broadcast %broadcast_in_dim3A_85 : vector<1024x1xi32> to vector<1024x1024xi32>
    %eq3A_87 = arith.cmpi eq, %iota3A, %eq3A_86 : vector<1024x1024xi32>
    %jit3A_88 = arith.constant 0xFF800000 : f32
    %broadcast_in_dim3A_89 = vector.broadcast %jit3A_88 : f32 to vector<1024x1024xf32>
    %select_n3A_90 = arith.select %eq3A_87, %broadcast_in_dim3A_89, %select_n3A_74 : vector<1024x1024xi1>, vector<1024x1024xf32>
    %reduce_max3A_91 = arith.constant dense<0xFF800000> : vector<1024xf32>
    %reduce_max3A_92 = vector.multi_reduction <maximumf>, %select_n3A_90, %reduce_max3A_91 [1] : vector<1024x1024xf32> to vector<1024xf32>
    %broadcast_in_dim3A_93 = vector.shape_cast %reduce_max3A_92 : vector<1024xf32> to vector<1024x1xf32>
    %eq3A_94 = vector.broadcast %broadcast_in_dim3A_93 : vector<1024x1xf32> to vector<1024x1024xf32>
    %eq3A_95 = arith.cmpf oeq, %select_n3A_90, %eq3A_94 : vector<1024x1024xf32>
    %jit3A_96 = arith.constant 1024 : i32
    %broadcast_in_dim3A_97 = vector.broadcast %jit3A_96 : i32 to vector<1024x1024xi32>
    %select_n3A_98 = arith.select %eq3A_95, %iota3A, %broadcast_in_dim3A_97 : vector<1024x1024xi1>, vector<1024x1024xi32>
    %reduce_min3A_99 = arith.constant dense<2147483647> : vector<1024xi32>
    %reduce_min3A_100 = vector.multi_reduction <minsi>, %select_n3A_98, %reduce_min3A_99 [1] : vector<1024x1024xi32> to vector<1024xi32>
    %broadcast_in_dim3A_101 = vector.shape_cast %reduce_min3A_100 : vector<1024xi32> to vector<1024x1xi32>
    %eq3A_102 = vector.broadcast %broadcast_in_dim3A_101 : vector<1024x1xi32> to vector<1024x1024xi32>
    %eq3A_103 = arith.cmpi eq, %iota3A, %eq3A_102 : vector<1024x1024xi32>
    %jit3A_104 = arith.constant 0xFF800000 : f32
    %broadcast_in_dim3A_105 = vector.broadcast %jit3A_104 : f32 to vector<1024x1024xf32>
    %select_n3A_106 = arith.select %eq3A_103, %broadcast_in_dim3A_105, %select_n3A_90 : vector<1024x1024xi1>, vector<1024x1024xf32>
    %reduce_max3A_107 = arith.constant dense<0xFF800000> : vector<1024xf32>
    %reduce_max3A_108 = vector.multi_reduction <maximumf>, %select_n3A_106, %reduce_max3A_107 [1] : vector<1024x1024xf32> to vector<1024xf32>
    %broadcast_in_dim3A_109 = vector.shape_cast %reduce_max3A_108 : vector<1024xf32> to vector<1024x1xf32>
    %eq3A_110 = vector.broadcast %broadcast_in_dim3A_109 : vector<1024x1xf32> to vector<1024x1024xf32>
    %eq3A_111 = arith.cmpf oeq, %select_n3A_106, %eq3A_110 : vector<1024x1024xf32>
    %jit3A_112 = arith.constant 1024 : i32
    %broadcast_in_dim3A_113 = vector.broadcast %jit3A_112 : i32 to vector<1024x1024xi32>
    %select_n3A_114 = arith.select %eq3A_111, %iota3A, %broadcast_in_dim3A_113 : vector<1024x1024xi1>, vector<1024x1024xi32>
    %reduce_min3A_115 = arith.constant dense<2147483647> : vector<1024xi32>
    %reduce_min3A_116 = vector.multi_reduction <minsi>, %select_n3A_114, %reduce_min3A_115 [1] : vector<1024x1024xi32> to vector<1024xi32>
    %broadcast_in_dim3A_117 = vector.shape_cast %reduce_min3A_116 : vector<1024xi32> to vector<1024x1xi32>
    %eq3A_118 = vector.broadcast %broadcast_in_dim3A_117 : vector<1024x1xi32> to vector<1024x1024xi32>
    %eq3A_119 = arith.cmpi eq, %iota3A, %eq3A_118 : vector<1024x1024xi32>
    %jit3A_120 = arith.constant 0xFF800000 : f32
    %broadcast_in_dim3A_121 = vector.broadcast %jit3A_120 : f32 to vector<1024x1024xf32>
    %select_n3A_122 = arith.select %eq3A_119, %broadcast_in_dim3A_121, %select_n3A_106 : vector<1024x1024xi1>, vector<1024x1024xf32>
    %reduce_max3A_123 = arith.constant dense<0xFF800000> : vector<1024xf32>
    %reduce_max3A_124 = vector.multi_reduction <maximumf>, %select_n3A_122, %reduce_max3A_123 [1] : vector<1024x1024xf32> to vector<1024xf32>
    %broadcast_in_dim3A_125 = vector.shape_cast %reduce_max3A_124 : vector<1024xf32> to vector<1024x1xf32>
    %eq3A_126 = vector.broadcast %broadcast_in_dim3A_125 : vector<1024x1xf32> to vector<1024x1024xf32>
    %eq3A_127 = arith.cmpf oeq, %select_n3A_122, %eq3A_126 : vector<1024x1024xf32>
    %jit3A_128 = arith.constant 1024 : i32
    %broadcast_in_dim3A_129 = vector.broadcast %jit3A_128 : i32 to vector<1024x1024xi32>
    %select_n3A_130 = arith.select %eq3A_127, %iota3A, %broadcast_in_dim3A_129 : vector<1024x1024xi1>, vector<1024x1024xi32>
    %reduce_min3A_131 = arith.constant dense<2147483647> : vector<1024xi32>
    %reduce_min3A_132 = vector.multi_reduction <minsi>, %select_n3A_130, %reduce_min3A_131 [1] : vector<1024x1024xi32> to vector<1024xi32>
    %broadcast_in_dim3A_133 = vector.shape_cast %reduce_min3A_132 : vector<1024xi32> to vector<1024x1xi32>
    %eq3A_134 = vector.broadcast %broadcast_in_dim3A_133 : vector<1024x1xi32> to vector<1024x1024xi32>
    %eq3A_135 = arith.cmpi eq, %iota3A, %eq3A_134 : vector<1024x1024xi32>
    %jit3A_136 = arith.constant 0xFF800000 : f32
    %broadcast_in_dim3A_137 = vector.broadcast %jit3A_136 : f32 to vector<1024x1024xf32>
    %select_n3A_138 = arith.select %eq3A_135, %broadcast_in_dim3A_137, %select_n3A_122 : vector<1024x1024xi1>, vector<1024x1024xf32>
    %reduce_max3A_139 = arith.constant dense<0xFF800000> : vector<1024xf32>
    %reduce_max3A_140 = vector.multi_reduction <maximumf>, %select_n3A_138, %reduce_max3A_139 [1] : vector<1024x1024xf32> to vector<1024xf32>
    %broadcast_in_dim3A_141 = vector.shape_cast %reduce_max3A_140 : vector<1024xf32> to vector<1024x1xf32>
    %eq3A_142 = vector.broadcast %broadcast_in_dim3A_141 : vector<1024x1xf32> to vector<1024x1024xf32>
    %eq3A_143 = arith.cmpf oeq, %select_n3A_138, %eq3A_142 : vector<1024x1024xf32>
    %jit3A_144 = arith.constant 1024 : i32
    %broadcast_in_dim3A_145 = vector.broadcast %jit3A_144 : i32 to vector<1024x1024xi32>
    %select_n3A_146 = arith.select %eq3A_143, %iota3A, %broadcast_in_dim3A_145 : vector<1024x1024xi1>, vector<1024x1024xi32>
    %reduce_min3A_147 = arith.constant dense<2147483647> : vector<1024xi32>
    %reduce_min3A_148 = vector.multi_reduction <minsi>, %select_n3A_146, %reduce_min3A_147 [1] : vector<1024x1024xi32> to vector<1024xi32>
    %broadcast_in_dim3A_149 = vector.shape_cast %reduce_min3A_148 : vector<1024xi32> to vector<1024x1xi32>
    %eq3A_150 = vector.broadcast %broadcast_in_dim3A_149 : vector<1024x1xi32> to vector<1024x1024xi32>
    %eq3A_151 = arith.cmpi eq, %iota3A, %eq3A_150 : vector<1024x1024xi32>
    %jit3A_152 = arith.constant 0xFF800000 : f32
    %broadcast_in_dim3A_153 = vector.broadcast %jit3A_152 : f32 to vector<1024x1024xf32>
    %select_n3A_154 = arith.select %eq3A_151, %broadcast_in_dim3A_153, %select_n3A_138 : vector<1024x1024xi1>, vector<1024x1024xf32>
    %reduce_max3A_155 = arith.constant dense<0xFF800000> : vector<1024xf32>
    %reduce_max3A_156 = vector.multi_reduction <maximumf>, %select_n3A_154, %reduce_max3A_155 [1] : vector<1024x1024xf32> to vector<1024xf32>
    %broadcast_in_dim3A_157 = vector.shape_cast %reduce_max3A_156 : vector<1024xf32> to vector<1024x1xf32>
    %eq3A_158 = vector.broadcast %broadcast_in_dim3A_157 : vector<1024x1xf32> to vector<1024x1024xf32>
    %eq3A_159 = arith.cmpf oeq, %select_n3A_154, %eq3A_158 : vector<1024x1024xf32>
    %jit3A_160 = arith.constant 1024 : i32
    %broadcast_in_dim3A_161 = vector.broadcast %jit3A_160 : i32 to vector<1024x1024xi32>
    %select_n3A_162 = arith.select %eq3A_159, %iota3A, %broadcast_in_dim3A_161 : vector<1024x1024xi1>, vector<1024x1024xi32>
    %reduce_min3A_163 = arith.constant dense<2147483647> : vector<1024xi32>
    %reduce_min3A_164 = vector.multi_reduction <minsi>, %select_n3A_162, %reduce_min3A_163 [1] : vector<1024x1024xi32> to vector<1024xi32>
    %broadcast_in_dim3A_165 = vector.shape_cast %reduce_min3A_164 : vector<1024xi32> to vector<1024x1xi32>
    %eq3A_166 = vector.broadcast %broadcast_in_dim3A_165 : vector<1024x1xi32> to vector<1024x1024xi32>
    %eq3A_167 = arith.cmpi eq, %iota3A, %eq3A_166 : vector<1024x1024xi32>
    %jit3A_168 = arith.constant 0xFF800000 : f32
    %broadcast_in_dim3A_169 = vector.broadcast %jit3A_168 : f32 to vector<1024x1024xf32>
    %select_n3A_170 = arith.select %eq3A_167, %broadcast_in_dim3A_169, %select_n3A_154 : vector<1024x1024xi1>, vector<1024x1024xf32>
    %reduce_max3A_171 = arith.constant dense<0xFF800000> : vector<1024xf32>
    %reduce_max3A_172 = vector.multi_reduction <maximumf>, %select_n3A_170, %reduce_max3A_171 [1] : vector<1024x1024xf32> to vector<1024xf32>
    %broadcast_in_dim3A_173 = vector.shape_cast %reduce_max3A_172 : vector<1024xf32> to vector<1024x1xf32>
    %eq3A_174 = vector.broadcast %broadcast_in_dim3A_173 : vector<1024x1xf32> to vector<1024x1024xf32>
    %eq3A_175 = arith.cmpf oeq, %select_n3A_170, %eq3A_174 : vector<1024x1024xf32>
    %jit3A_176 = arith.constant 1024 : i32
    %broadcast_in_dim3A_177 = vector.broadcast %jit3A_176 : i32 to vector<1024x1024xi32>
    %select_n3A_178 = arith.select %eq3A_175, %iota3A, %broadcast_in_dim3A_177 : vector<1024x1024xi1>, vector<1024x1024xi32>
    %reduce_min3A_179 = arith.constant dense<2147483647> : vector<1024xi32>
    %reduce_min3A_180 = vector.multi_reduction <minsi>, %select_n3A_178, %reduce_min3A_179 [1] : vector<1024x1024xi32> to vector<1024xi32>
    %broadcast_in_dim3A_181 = vector.shape_cast %reduce_min3A_180 : vector<1024xi32> to vector<1024x1xi32>
    %eq3A_182 = vector.broadcast %broadcast_in_dim3A_181 : vector<1024x1xi32> to vector<1024x1024xi32>
    %eq3A_183 = arith.cmpi eq, %iota3A, %eq3A_182 : vector<1024x1024xi32>
    %jit3A_184 = arith.constant 0xFF800000 : f32
    %broadcast_in_dim3A_185 = vector.broadcast %jit3A_184 : f32 to vector<1024x1024xf32>
    %select_n3A_186 = arith.select %eq3A_183, %broadcast_in_dim3A_185, %select_n3A_170 : vector<1024x1024xi1>, vector<1024x1024xf32>
    %reduce_max3A_187 = arith.constant dense<0xFF800000> : vector<1024xf32>
    %reduce_max3A_188 = vector.multi_reduction <maximumf>, %select_n3A_186, %reduce_max3A_187 [1] : vector<1024x1024xf32> to vector<1024xf32>
    %broadcast_in_dim3A_189 = vector.shape_cast %reduce_max3A_188 : vector<1024xf32> to vector<1024x1xf32>
    %eq3A_190 = vector.broadcast %broadcast_in_dim3A_189 : vector<1024x1xf32> to vector<1024x1024xf32>
    %eq3A_191 = arith.cmpf oeq, %select_n3A_186, %eq3A_190 : vector<1024x1024xf32>
    %jit3A_192 = arith.constant 1024 : i32
    %broadcast_in_dim3A_193 = vector.broadcast %jit3A_192 : i32 to vector<1024x1024xi32>
    %select_n3A_194 = arith.select %eq3A_191, %iota3A, %broadcast_in_dim3A_193 : vector<1024x1024xi1>, vector<1024x1024xi32>
    %reduce_min3A_195 = arith.constant dense<2147483647> : vector<1024xi32>
    %reduce_min3A_196 = vector.multi_reduction <minsi>, %select_n3A_194, %reduce_min3A_195 [1] : vector<1024x1024xi32> to vector<1024xi32>
    %broadcast_in_dim3A_197 = vector.shape_cast %reduce_min3A_196 : vector<1024xi32> to vector<1024x1xi32>
    %eq3A_198 = vector.broadcast %broadcast_in_dim3A_197 : vector<1024x1xi32> to vector<1024x1024xi32>
    %eq3A_199 = arith.cmpi eq, %iota3A, %eq3A_198 : vector<1024x1024xi32>
    %jit3A_200 = arith.constant 0xFF800000 : f32
    %broadcast_in_dim3A_201 = vector.broadcast %jit3A_200 : f32 to vector<1024x1024xf32>
    %select_n3A_202 = arith.select %eq3A_199, %broadcast_in_dim3A_201, %select_n3A_186 : vector<1024x1024xi1>, vector<1024x1024xf32>
    %reduce_max3A_203 = arith.constant dense<0xFF800000> : vector<1024xf32>
    %reduce_max3A_204 = vector.multi_reduction <maximumf>, %select_n3A_202, %reduce_max3A_203 [1] : vector<1024x1024xf32> to vector<1024xf32>
    %broadcast_in_dim3A_205 = vector.shape_cast %reduce_max3A_204 : vector<1024xf32> to vector<1024x1xf32>
    %eq3A_206 = vector.broadcast %broadcast_in_dim3A_205 : vector<1024x1xf32> to vector<1024x1024xf32>
    %eq3A_207 = arith.cmpf oeq, %select_n3A_202, %eq3A_206 : vector<1024x1024xf32>
    %jit3A_208 = arith.constant 1024 : i32
    %broadcast_in_dim3A_209 = vector.broadcast %jit3A_208 : i32 to vector<1024x1024xi32>
    %select_n3A_210 = arith.select %eq3A_207, %iota3A, %broadcast_in_dim3A_209 : vector<1024x1024xi1>, vector<1024x1024xi32>
    %reduce_min3A_211 = arith.constant dense<2147483647> : vector<1024xi32>
    %reduce_min3A_212 = vector.multi_reduction <minsi>, %select_n3A_210, %reduce_min3A_211 [1] : vector<1024x1024xi32> to vector<1024xi32>
    %broadcast_in_dim3A_213 = vector.shape_cast %reduce_min3A_212 : vector<1024xi32> to vector<1024x1xi32>
    %eq3A_214 = vector.broadcast %broadcast_in_dim3A_213 : vector<1024x1xi32> to vector<1024x1024xi32>
    %eq3A_215 = arith.cmpi eq, %iota3A, %eq3A_214 : vector<1024x1024xi32>
    %jit3A_216 = arith.constant 0xFF800000 : f32
    %broadcast_in_dim3A_217 = vector.broadcast %jit3A_216 : f32 to vector<1024x1024xf32>
    %select_n3A_218 = arith.select %eq3A_215, %broadcast_in_dim3A_217, %select_n3A_202 : vector<1024x1024xi1>, vector<1024x1024xf32>
    %reduce_max3A_219 = arith.constant dense<0xFF800000> : vector<1024xf32>
    %reduce_max3A_220 = vector.multi_reduction <maximumf>, %select_n3A_218, %reduce_max3A_219 [1] : vector<1024x1024xf32> to vector<1024xf32>
    %broadcast_in_dim3A_221 = vector.shape_cast %reduce_max3A_220 : vector<1024xf32> to vector<1024x1xf32>
    %eq3A_222 = vector.broadcast %broadcast_in_dim3A_221 : vector<1024x1xf32> to vector<1024x1024xf32>
    %eq3A_223 = arith.cmpf oeq, %select_n3A_218, %eq3A_222 : vector<1024x1024xf32>
    %jit3A_224 = arith.constant 1024 : i32
    %broadcast_in_dim3A_225 = vector.broadcast %jit3A_224 : i32 to vector<1024x1024xi32>
    %select_n3A_226 = arith.select %eq3A_223, %iota3A, %broadcast_in_dim3A_225 : vector<1024x1024xi1>, vector<1024x1024xi32>
    %reduce_min3A_227 = arith.constant dense<2147483647> : vector<1024xi32>
    %reduce_min3A_228 = vector.multi_reduction <minsi>, %select_n3A_226, %reduce_min3A_227 [1] : vector<1024x1024xi32> to vector<1024xi32>
    %broadcast_in_dim3A_229 = vector.shape_cast %reduce_min3A_228 : vector<1024xi32> to vector<1024x1xi32>
    %eq3A_230 = vector.broadcast %broadcast_in_dim3A_229 : vector<1024x1xi32> to vector<1024x1024xi32>
    %eq3A_231 = arith.cmpi eq, %iota3A, %eq3A_230 : vector<1024x1024xi32>
    %jit3A_232 = arith.constant 0xFF800000 : f32
    %broadcast_in_dim3A_233 = vector.broadcast %jit3A_232 : f32 to vector<1024x1024xf32>
    %select_n3A_234 = arith.select %eq3A_231, %broadcast_in_dim3A_233, %select_n3A_218 : vector<1024x1024xi1>, vector<1024x1024xf32>
    %reduce_max3A_235 = arith.constant dense<0xFF800000> : vector<1024xf32>
    %reduce_max3A_236 = vector.multi_reduction <maximumf>, %select_n3A_234, %reduce_max3A_235 [1] : vector<1024x1024xf32> to vector<1024xf32>
    %broadcast_in_dim3A_237 = vector.shape_cast %reduce_max3A_236 : vector<1024xf32> to vector<1024x1xf32>
    %eq3A_238 = vector.broadcast %broadcast_in_dim3A_237 : vector<1024x1xf32> to vector<1024x1024xf32>
    %eq3A_239 = arith.cmpf oeq, %select_n3A_234, %eq3A_238 : vector<1024x1024xf32>
    %jit3A_240 = arith.constant 1024 : i32
    %broadcast_in_dim3A_241 = vector.broadcast %jit3A_240 : i32 to vector<1024x1024xi32>
    %select_n3A_242 = arith.select %eq3A_239, %iota3A, %broadcast_in_dim3A_241 : vector<1024x1024xi1>, vector<1024x1024xi32>
    %reduce_min3A_243 = arith.constant dense<2147483647> : vector<1024xi32>
    %reduce_min3A_244 = vector.multi_reduction <minsi>, %select_n3A_242, %reduce_min3A_243 [1] : vector<1024x1024xi32> to vector<1024xi32>
    %broadcast_in_dim3A_245 = vector.shape_cast %reduce_min3A_244 : vector<1024xi32> to vector<1024x1xi32>
    %eq3A_246 = vector.broadcast %broadcast_in_dim3A_245 : vector<1024x1xi32> to vector<1024x1024xi32>
    %eq3A_247 = arith.cmpi eq, %iota3A, %eq3A_246 : vector<1024x1024xi32>
    %jit3A_248 = arith.constant 0xFF800000 : f32
    %broadcast_in_dim3A_249 = vector.broadcast %jit3A_248 : f32 to vector<1024x1024xf32>
    %select_n3A_250 = arith.select %eq3A_247, %broadcast_in_dim3A_249, %select_n3A_234 : vector<1024x1024xi1>, vector<1024x1024xf32>
    %reduce_max3A_251 = arith.constant dense<0xFF800000> : vector<1024xf32>
    %reduce_max3A_252 = vector.multi_reduction <maximumf>, %select_n3A_250, %reduce_max3A_251 [1] : vector<1024x1024xf32> to vector<1024xf32>
    %broadcast_in_dim3A_253 = vector.shape_cast %reduce_max3A_252 : vector<1024xf32> to vector<1024x1xf32>
    %eq3A_254 = vector.broadcast %broadcast_in_dim3A_253 : vector<1024x1xf32> to vector<1024x1024xf32>
    %eq3A_255 = arith.cmpf oeq, %select_n3A_250, %eq3A_254 : vector<1024x1024xf32>
    %jit3A_256 = arith.constant 1024 : i32
    %broadcast_in_dim3A_257 = vector.broadcast %jit3A_256 : i32 to vector<1024x1024xi32>
    %select_n3A_258 = arith.select %eq3A_255, %iota3A, %broadcast_in_dim3A_257 : vector<1024x1024xi1>, vector<1024x1024xi32>
    %reduce_min3A_259 = arith.constant dense<2147483647> : vector<1024xi32>
    %reduce_min3A_260 = vector.multi_reduction <minsi>, %select_n3A_258, %reduce_min3A_259 [1] : vector<1024x1024xi32> to vector<1024xi32>
    %broadcast_in_dim3A_261 = vector.shape_cast %reduce_min3A_260 : vector<1024xi32> to vector<1024x1xi32>
    %eq3A_262 = vector.broadcast %broadcast_in_dim3A_261 : vector<1024x1xi32> to vector<1024x1024xi32>
    %eq3A_263 = arith.cmpi eq, %iota3A, %eq3A_262 : vector<1024x1024xi32>
    %jit3A_264 = arith.constant 0xFF800000 : f32
    %broadcast_in_dim3A_265 = vector.broadcast %jit3A_264 : f32 to vector<1024x1024xf32>
    %select_n3A_266 = arith.select %eq3A_263, %broadcast_in_dim3A_265, %select_n3A_250 : vector<1024x1024xi1>, vector<1024x1024xf32>
    %reduce_max3A_267 = arith.constant dense<0xFF800000> : vector<1024xf32>
    %reduce_max3A_268 = vector.multi_reduction <maximumf>, %select_n3A_266, %reduce_max3A_267 [1] : vector<1024x1024xf32> to vector<1024xf32>
    %broadcast_in_dim3A_269 = vector.shape_cast %reduce_max3A_268 : vector<1024xf32> to vector<1024x1xf32>
    %eq3A_270 = vector.broadcast %broadcast_in_dim3A_269 : vector<1024x1xf32> to vector<1024x1024xf32>
    %eq3A_271 = arith.cmpf oeq, %select_n3A_266, %eq3A_270 : vector<1024x1024xf32>
    %jit3A_272 = arith.constant 1024 : i32
    %broadcast_in_dim3A_273 = vector.broadcast %jit3A_272 : i32 to vector<1024x1024xi32>
    %select_n3A_274 = arith.select %eq3A_271, %iota3A, %broadcast_in_dim3A_273 : vector<1024x1024xi1>, vector<1024x1024xi32>
    %reduce_min3A_275 = arith.constant dense<2147483647> : vector<1024xi32>
    %reduce_min3A_276 = vector.multi_reduction <minsi>, %select_n3A_274, %reduce_min3A_275 [1] : vector<1024x1024xi32> to vector<1024xi32>
    %broadcast_in_dim3A_277 = vector.shape_cast %reduce_min3A_276 : vector<1024xi32> to vector<1024x1xi32>
    %eq3A_278 = vector.broadcast %broadcast_in_dim3A_277 : vector<1024x1xi32> to vector<1024x1024xi32>
    %eq3A_279 = arith.cmpi eq, %iota3A, %eq3A_278 : vector<1024x1024xi32>
    %jit3A_280 = arith.constant 0xFF800000 : f32
    %broadcast_in_dim3A_281 = vector.broadcast %jit3A_280 : f32 to vector<1024x1024xf32>
    %select_n3A_282 = arith.select %eq3A_279, %broadcast_in_dim3A_281, %select_n3A_266 : vector<1024x1024xi1>, vector<1024x1024xf32>
    %reduce_max3A_283 = arith.constant dense<0xFF800000> : vector<1024xf32>
    %reduce_max3A_284 = vector.multi_reduction <maximumf>, %select_n3A_282, %reduce_max3A_283 [1] : vector<1024x1024xf32> to vector<1024xf32>
    %broadcast_in_dim3A_285 = vector.shape_cast %reduce_max3A_284 : vector<1024xf32> to vector<1024x1xf32>
    %eq3A_286 = vector.broadcast %broadcast_in_dim3A_285 : vector<1024x1xf32> to vector<1024x1024xf32>
    %eq3A_287 = arith.cmpf oeq, %select_n3A_282, %eq3A_286 : vector<1024x1024xf32>
    %jit3A_288 = arith.constant 1024 : i32
    %broadcast_in_dim3A_289 = vector.broadcast %jit3A_288 : i32 to vector<1024x1024xi32>
    %select_n3A_290 = arith.select %eq3A_287, %iota3A, %broadcast_in_dim3A_289 : vector<1024x1024xi1>, vector<1024x1024xi32>
    %reduce_min3A_291 = arith.constant dense<2147483647> : vector<1024xi32>
    %reduce_min3A_292 = vector.multi_reduction <minsi>, %select_n3A_290, %reduce_min3A_291 [1] : vector<1024x1024xi32> to vector<1024xi32>
    %broadcast_in_dim3A_293 = vector.shape_cast %reduce_min3A_292 : vector<1024xi32> to vector<1024x1xi32>
    %eq3A_294 = vector.broadcast %broadcast_in_dim3A_293 : vector<1024x1xi32> to vector<1024x1024xi32>
    %eq3A_295 = arith.cmpi eq, %iota3A, %eq3A_294 : vector<1024x1024xi32>
    %jit3A_296 = arith.constant 0xFF800000 : f32
    %broadcast_in_dim3A_297 = vector.broadcast %jit3A_296 : f32 to vector<1024x1024xf32>
    %select_n3A_298 = arith.select %eq3A_295, %broadcast_in_dim3A_297, %select_n3A_282 : vector<1024x1024xi1>, vector<1024x1024xf32>
    %reduce_max3A_299 = arith.constant dense<0xFF800000> : vector<1024xf32>
    %reduce_max3A_300 = vector.multi_reduction <maximumf>, %select_n3A_298, %reduce_max3A_299 [1] : vector<1024x1024xf32> to vector<1024xf32>
    %broadcast_in_dim3A_301 = vector.shape_cast %reduce_max3A_300 : vector<1024xf32> to vector<1024x1xf32>
    %eq3A_302 = vector.broadcast %broadcast_in_dim3A_301 : vector<1024x1xf32> to vector<1024x1024xf32>
    %eq3A_303 = arith.cmpf oeq, %select_n3A_298, %eq3A_302 : vector<1024x1024xf32>
    %jit3A_304 = arith.constant 1024 : i32
    %broadcast_in_dim3A_305 = vector.broadcast %jit3A_304 : i32 to vector<1024x1024xi32>
    %select_n3A_306 = arith.select %eq3A_303, %iota3A, %broadcast_in_dim3A_305 : vector<1024x1024xi1>, vector<1024x1024xi32>
    %reduce_min3A_307 = arith.constant dense<2147483647> : vector<1024xi32>
    %reduce_min3A_308 = vector.multi_reduction <minsi>, %select_n3A_306, %reduce_min3A_307 [1] : vector<1024x1024xi32> to vector<1024xi32>
    %broadcast_in_dim3A_309 = vector.shape_cast %reduce_min3A_308 : vector<1024xi32> to vector<1024x1xi32>
    %eq3A_310 = vector.broadcast %broadcast_in_dim3A_309 : vector<1024x1xi32> to vector<1024x1024xi32>
    %eq3A_311 = arith.cmpi eq, %iota3A, %eq3A_310 : vector<1024x1024xi32>
    %jit3A_312 = arith.constant 0xFF800000 : f32
    %broadcast_in_dim3A_313 = vector.broadcast %jit3A_312 : f32 to vector<1024x1024xf32>
    %select_n3A_314 = arith.select %eq3A_311, %broadcast_in_dim3A_313, %select_n3A_298 : vector<1024x1024xi1>, vector<1024x1024xf32>
    %reduce_max3A_315 = arith.constant dense<0xFF800000> : vector<1024xf32>
    %reduce_max3A_316 = vector.multi_reduction <maximumf>, %select_n3A_314, %reduce_max3A_315 [1] : vector<1024x1024xf32> to vector<1024xf32>
    %broadcast_in_dim3A_317 = vector.shape_cast %reduce_max3A_316 : vector<1024xf32> to vector<1024x1xf32>
    %eq3A_318 = vector.broadcast %broadcast_in_dim3A_317 : vector<1024x1xf32> to vector<1024x1024xf32>
    %eq3A_319 = arith.cmpf oeq, %select_n3A_314, %eq3A_318 : vector<1024x1024xf32>
    %jit3A_320 = arith.constant 1024 : i32
    %broadcast_in_dim3A_321 = vector.broadcast %jit3A_320 : i32 to vector<1024x1024xi32>
    %select_n3A_322 = arith.select %eq3A_319, %iota3A, %broadcast_in_dim3A_321 : vector<1024x1024xi1>, vector<1024x1024xi32>
    %reduce_min3A_323 = arith.constant dense<2147483647> : vector<1024xi32>
    %reduce_min3A_324 = vector.multi_reduction <minsi>, %select_n3A_322, %reduce_min3A_323 [1] : vector<1024x1024xi32> to vector<1024xi32>
    %broadcast_in_dim3A_325 = vector.shape_cast %reduce_min3A_324 : vector<1024xi32> to vector<1024x1xi32>
    %concatenate3A = tpu.concatenate %broadcast_in_dim3A_21, %broadcast_in_dim3A_37, %broadcast_in_dim3A_53, %broadcast_in_dim3A_69, %broadcast_in_dim3A_85, %broadcast_in_dim3A_101, %broadcast_in_dim3A_117, %broadcast_in_dim3A_133, %broadcast_in_dim3A_149, %broadcast_in_dim3A_165, %broadcast_in_dim3A_181, %broadcast_in_dim3A_197, %broadcast_in_dim3A_213, %broadcast_in_dim3A_229, %broadcast_in_dim3A_245, %broadcast_in_dim3A_261, %broadcast_in_dim3A_277, %broadcast_in_dim3A_293, %broadcast_in_dim3A_309, %broadcast_in_dim3A_325, %broadcast_in_dim3A_325, %broadcast_in_dim3A_325, %broadcast_in_dim3A_325, %broadcast_in_dim3A_325, %broadcast_in_dim3A_325, %broadcast_in_dim3A_325, %broadcast_in_dim3A_325, %broadcast_in_dim3A_325, %broadcast_in_dim3A_325, %broadcast_in_dim3A_325, %broadcast_in_dim3A_325, %broadcast_in_dim3A_325 in 1 : vector<1024x1xi32>, vector<1024x1xi32>, vector<1024x1xi32>, vector<1024x1xi32>, vector<1024x1xi32>, vector<1024x1xi32>, vector<1024x1xi32>, vector<1024x1xi32>, vector<1024x1xi32>, vector<1024x1xi32>, vector<1024x1xi32>, vector<1024x1xi32>, vector<1024x1xi32>, vector<1024x1xi32>, vector<1024x1xi32>, vector<1024x1xi32>, vector<1024x1xi32>, vector<1024x1xi32>, vector<1024x1xi32>, vector<1024x1xi32>, vector<1024x1xi32>, vector<1024x1xi32>, vector<1024x1xi32>, vector<1024x1xi32>, vector<1024x1xi32>, vector<1024x1xi32>, vector<1024x1xi32>, vector<1024x1xi32>, vector<1024x1xi32>, vector<1024x1xi32>, vector<1024x1xi32>, vector<1024x1xi32> -> vector<1024x32xi32>
    %swap3A = arith.constant 0 : index
    %swap3A_326 = arith.constant 0 : index
    %swap3A_327 = arith.constant 0 : index
    %swap3A_328 = vector.load %arg3[%swap3A, %swap3A_326, %swap3A_327] : memref<1x1024x32xi32, #tpu.memory_space<vmem>>, vector<1x1024x32xi32>
    %swap3A_329 = vector.shape_cast %swap3A_328 : vector<1x1024x32xi32> to vector<1024x32xi32>
    %swap3A_330 = vector.shape_cast %concatenate3A : vector<1024x32xi32> to vector<1x1024x32xi32>
    tpu.vector_store %arg3[%swap3A, %swap3A_326, %swap3A_327], %swap3A_330 {strides = array<i32>} : memref<1x1024x32xi32, #tpu.memory_space<vmem>>, vector<1x1024x32xi32>,
    return
  }
  func.func @transform_0(%arg0: i32) -> (i32, i32, i32) {
    %c0_i32 = arith.constant 0 : i32
    %c0_i32_0 = arith.constant 0 : i32
    %c0_i32_1 = arith.constant 0 : i32
    return %arg0, %c0_i32, %c0_i32_0 : i32, i32, i32
  }
  func.func @transform_1(%arg0: i32) -> (i32, i32, i32) {
    %c0_i32 = arith.constant 0 : i32
    %c0_i32_0 = arith.constant 0 : i32
    %c0_i32_1 = arith.constant 0 : i32
    return %arg0, %c0_i32, %c0_i32_0 : i32, i32, i32
  }
  func.func @transform_2(%arg0: i32) -> (i32, i32, i32) {
    %c0_i32 = arith.constant 0 : i32
    %c0_i32_0 = arith.constant 0 : i32
    %c0_i32_1 = arith.constant 0 : i32
    return %arg0, %c0_i32, %c0_i32_0 : i32, i32, i32
  }
}

module attributes {stable_mosaic.version = 14 : i64} {
  func.func @_conv_body(%arg0: i32, %arg1: i32, %arg2: memref<1x2560x128xf32, #tpu.memory_space<vmem>>, %arg3: memref<1x128x3xf32, #tpu.memory_space<vmem>>, %arg4: memref<64x6xf32, #tpu.memory_space<vmem>>, %arg5: memref<1x128x64xf32, #tpu.memory_space<vmem>>) attributes {dimension_semantics = [#tpu.dimension_semantics<arbitrary>, #tpu.dimension_semantics<arbitrary>], iteration_bounds = array<i64: 32, 8>, scalar_prefetch = 0 : i64, scratch_operands = 0 : i64, tpu.core_type = #tpu.core_type<tc>, window_params = [{transform_indices = @transform_0, window_bounds = array<i64: 1, 2560, 128>}, {transform_indices = @transform_1, window_bounds = array<i64: 1, 128, 3>}, {pipeline_mode = #tpu.pipeline_mode<synchronous>, transform_indices = @transform_2, window_bounds = array<i64: 64, 6>}, {transform_indices = @transform_3, window_bounds = array<i64: 1, 128, 64>}]} {
    %get3A = arith.constant 0 : index
    %get3A_0 = arith.constant 0 : index
    %get3A_1 = arith.constant 0 : index
    %get3A_2 = vector.load %arg2[%get3A, %get3A_0, %get3A_1] : memref<1x2560x128xf32, #tpu.memory_space<vmem>>, vector<1x2560x128xf32>
    %get3A_3 = vector.shape_cast %get3A_2 : vector<1x2560x128xf32> to vector<2560x128xf32>
    %reshape3A = vector.shape_cast %get3A_3 : vector<2560x128xf32> to vector<128x20x128xf32>
    %slice3A = vector.extract_strided_slice %reshape3A {offsets = [0, 0, 0], sizes = [128, 20, 3], strides = [1, 1, 1]} : vector<128x20x128xf32> to vector<128x20x3xf32>
    %get3A_4 = arith.constant 0 : index
    %get3A_5 = arith.constant 0 : index
    %get3A_6 = arith.constant 0 : index
    %get3A_7 = vector.load %arg3[%get3A_4, %get3A_5, %get3A_6] : memref<1x128x3xf32, #tpu.memory_space<vmem>>, vector<1x128x3xf32>
    %get3A_8 = vector.shape_cast %get3A_7 : vector<1x128x3xf32> to vector<128x3xf32>
    %broadcast_in_dim3A = vector.shape_cast %get3A_8 : vector<128x3xf32> to vector<128x1x3xf32>
    %broadcast_in_dim3A_9 = vector.shape_cast %broadcast_in_dim3A : vector<128x1x3xf32> to vector<128x1x3xf32>
    %broadcast_in_dim3A_10 = vector.broadcast %broadcast_in_dim3A_9 : vector<128x1x3xf32> to vector<128x20x3xf32>
    %sub3A = arith.subf %slice3A, %broadcast_in_dim3A_10 : vector<128x20x3xf32>
    %concatenate3A = tpu.concatenate %sub3A, %broadcast_in_dim3A_10 in 2 : vector<128x20x3xf32>, vector<128x20x3xf32> -> vector<128x20x6xf32>
    %reshape3A_11 = vector.shape_cast %concatenate3A : vector<128x20x6xf32> to vector<2560x6xf32>
    %get3A_12 = arith.constant 0 : index
    %get3A_13 = arith.constant 0 : index
    %get3A_14 = vector.load %arg4[%get3A_12, %get3A_13] : memref<64x6xf32, #tpu.memory_space<vmem>>, vector<64x6xf32>
    %dot_general3A = arith.constant dense<0.000000e+00> : vector<2560x64xf32>
    %dot_general3A_15 = tpu.matmul %reshape3A_11, %get3A_14, %dot_general3A {dimension_numbers = #tpu.dot_dimension_numbers<[1], [1], [0], [0], [0, 0, 1, 0], [], []>, transpose_lhs_hint = false} : vector<2560x6xf32>, vector<64x6xf32>, vector<2560x64xf32> -> vector<2560x64xf32>
    %reshape3A_16 = vector.shape_cast %dot_general3A_15 : vector<2560x64xf32> to vector<128x20x64xf32>
    %reduce_max3A = arith.constant dense<0xFF800000> : vector<128x64xf32>
    %reduce_max3A_17 = vector.multi_reduction <maximumf>, %reshape3A_16, %reduce_max3A [1] : vector<128x20x64xf32> to vector<128x64xf32>
    %swap3A = arith.constant 0 : index
    %swap3A_18 = arith.constant 0 : index
    %swap3A_19 = arith.constant 0 : index
    %swap3A_20 = vector.load %arg5[%swap3A, %swap3A_18, %swap3A_19] : memref<1x128x64xf32, #tpu.memory_space<vmem>>, vector<1x128x64xf32>
    %swap3A_21 = vector.shape_cast %swap3A_20 : vector<1x128x64xf32> to vector<128x64xf32>
    %swap3A_22 = vector.shape_cast %reduce_max3A_17 : vector<128x64xf32> to vector<1x128x64xf32>
    tpu.vector_store %arg5[%swap3A, %swap3A_18, %swap3A_19], %swap3A_22 {strides = array<i32>} : memref<1x128x64xf32, #tpu.memory_space<vmem>>, vector<1x128x64xf32>,
    return
  }
  func.func @transform_0(%arg0: i32, %arg1: i32) -> (i32, i32, i32) {
    %c0_i32 = arith.constant 0 : i32
    %c0_i32_0 = arith.constant 0 : i32
    return %arg0, %arg1, %c0_i32 : i32, i32, i32
  }
  func.func @transform_1(%arg0: i32, %arg1: i32) -> (i32, i32, i32) {
    %c0_i32 = arith.constant 0 : i32
    %c0_i32_0 = arith.constant 0 : i32
    return %arg0, %arg1, %c0_i32 : i32, i32, i32
  }
  func.func @transform_2(%arg0: i32, %arg1: i32) -> (i32, i32) {
    %c0_i32 = arith.constant 0 : i32
    %c0_i32_0 = arith.constant 0 : i32
    %c0_i32_1 = arith.constant 0 : i32
    return %c0_i32, %c0_i32_0 : i32, i32
  }
  func.func @transform_3(%arg0: i32, %arg1: i32) -> (i32, i32, i32) {
    %c0_i32 = arith.constant 0 : i32
    %c0_i32_0 = arith.constant 0 : i32
    return %arg0, %arg1, %c0_i32 : i32, i32, i32
  }
}

module attributes {stable_mosaic.version = 14 : i64} {
  func.func @_apply_body(%arg0: i32, %arg1: memref<1x1024x64xf32, #tpu.memory_space<vmem>>, %arg2: memref<64xf32, #tpu.memory_space<vmem>>, %arg3: memref<64xf32, #tpu.memory_space<vmem>>, %arg4: memref<64xf32, #tpu.memory_space<vmem>>, %arg5: memref<64xf32, #tpu.memory_space<vmem>>, %arg6: memref<1x1024x64xf32, #tpu.memory_space<vmem>>) attributes {dimension_semantics = [#tpu.dimension_semantics<arbitrary>], iteration_bounds = array<i64: 32>, scalar_prefetch = 0 : i64, scratch_operands = 0 : i64, tpu.core_type = #tpu.core_type<tc>, window_params = [{transform_indices = @transform_0, window_bounds = array<i64: 1, 1024, 64>}, {pipeline_mode = #tpu.pipeline_mode<synchronous>, transform_indices = @transform_1, window_bounds = array<i64: 64>}, {pipeline_mode = #tpu.pipeline_mode<synchronous>, transform_indices = @transform_2, window_bounds = array<i64: 64>}, {pipeline_mode = #tpu.pipeline_mode<synchronous>, transform_indices = @transform_3, window_bounds = array<i64: 64>}, {pipeline_mode = #tpu.pipeline_mode<synchronous>, transform_indices = @transform_4, window_bounds = array<i64: 64>}, {transform_indices = @transform_5, window_bounds = array<i64: 1, 1024, 64>}]} {
    %get3A = arith.constant 0 : index
    %get3A_0 = vector.load %arg3[%get3A] : memref<64xf32, #tpu.memory_space<vmem>>, vector<64xf32>
    %add3A = arith.constant 9.99999974E-6 : f32
    %add3A_1 = vector.broadcast %add3A : f32 to vector<64xf32>
    %add3A_2 = arith.addf %get3A_0, %add3A_1 : vector<64xf32>
    %rsqrt3A = math.rsqrt %add3A_2 : vector<64xf32>
    %get3A_3 = arith.constant 0 : index
    %get3A_4 = vector.load %arg4[%get3A_3] : memref<64xf32, #tpu.memory_space<vmem>>, vector<64xf32>
    %mul3A = arith.mulf %rsqrt3A, %get3A_4 : vector<64xf32>
    %get3A_5 = arith.constant 0 : index
    %get3A_6 = arith.constant 0 : index
    %get3A_7 = arith.constant 0 : index
    %get3A_8 = vector.load %arg1[%get3A_5, %get3A_6, %get3A_7] : memref<1x1024x64xf32, #tpu.memory_space<vmem>>, vector<1x1024x64xf32>
    %get3A_9 = vector.shape_cast %get3A_8 : vector<1x1024x64xf32> to vector<1024x64xf32>
    %get3A_10 = arith.constant 0 : index
    %get3A_11 = vector.load %arg2[%get3A_10] : memref<64xf32, #tpu.memory_space<vmem>>, vector<64xf32>
    %broadcast_in_dim3A = vector.shape_cast %get3A_11 : vector<64xf32> to vector<1x64xf32>
    %sub3A = vector.broadcast %broadcast_in_dim3A : vector<1x64xf32> to vector<1024x64xf32>
    %sub3A_12 = arith.subf %get3A_9, %sub3A : vector<1024x64xf32>
    %broadcast_in_dim3A_13 = vector.shape_cast %mul3A : vector<64xf32> to vector<1x64xf32>
    %mul3A_14 = vector.broadcast %broadcast_in_dim3A_13 : vector<1x64xf32> to vector<1024x64xf32>
    %mul3A_15 = arith.mulf %sub3A_12, %mul3A_14 : vector<1024x64xf32>
    %get3A_16 = arith.constant 0 : index
    %get3A_17 = vector.load %arg5[%get3A_16] : memref<64xf32, #tpu.memory_space<vmem>>, vector<64xf32>
    %broadcast_in_dim3A_18 = vector.shape_cast %get3A_17 : vector<64xf32> to vector<1x64xf32>
    %add3A_19 = vector.broadcast %broadcast_in_dim3A_18 : vector<1x64xf32> to vector<1024x64xf32>
    %add3A_20 = arith.addf %mul3A_15, %add3A_19 : vector<1024x64xf32>
    %ge3A = arith.constant 0.000000e+00 : f32
    %ge3A_21 = vector.broadcast %ge3A : f32 to vector<1024x64xf32>
    %ge3A_22 = arith.cmpf oge, %add3A_20, %ge3A_21 : vector<1024x64xf32>
    %mul3A_23 = arith.constant 2.000000e-01 : f32
    %mul3A_24 = vector.broadcast %mul3A_23 : f32 to vector<1024x64xf32>
    %mul3A_25 = arith.mulf %mul3A_24, %add3A_20 : vector<1024x64xf32>
    %select_n3A = arith.select %ge3A_22, %add3A_20, %mul3A_25 : vector<1024x64xi1>, vector<1024x64xf32>
    %swap3A = arith.constant 0 : index
    %swap3A_26 = arith.constant 0 : index
    %swap3A_27 = arith.constant 0 : index
    %swap3A_28 = vector.load %arg6[%swap3A, %swap3A_26, %swap3A_27] : memref<1x1024x64xf32, #tpu.memory_space<vmem>>, vector<1x1024x64xf32>
    %swap3A_29 = vector.shape_cast %swap3A_28 : vector<1x1024x64xf32> to vector<1024x64xf32>
    %swap3A_30 = vector.shape_cast %select_n3A : vector<1024x64xf32> to vector<1x1024x64xf32>
    tpu.vector_store %arg6[%swap3A, %swap3A_26, %swap3A_27], %swap3A_30 {strides = array<i32>} : memref<1x1024x64xf32, #tpu.memory_space<vmem>>, vector<1x1024x64xf32>,
    return
  }
  func.func @transform_0(%arg0: i32) -> (i32, i32, i32) {
    %c0_i32 = arith.constant 0 : i32
    %c0_i32_0 = arith.constant 0 : i32
    %c0_i32_1 = arith.constant 0 : i32
    return %arg0, %c0_i32, %c0_i32_0 : i32, i32, i32
  }
  func.func @transform_1(%arg0: i32) -> i32 {
    %c0_i32 = arith.constant 0 : i32
    %c0_i32_0 = arith.constant 0 : i32
    return %c0_i32 : i32
  }
  func.func @transform_2(%arg0: i32) -> i32 {
    %c0_i32 = arith.constant 0 : i32
    %c0_i32_0 = arith.constant 0 : i32
    return %c0_i32 : i32
  }
  func.func @transform_3(%arg0: i32) -> i32 {
    %c0_i32 = arith.constant 0 : i32
    %c0_i32_0 = arith.constant 0 : i32
    return %c0_i32 : i32
  }
  func.func @transform_4(%arg0: i32) -> i32 {
    %c0_i32 = arith.constant 0 : i32
    %c0_i32_0 = arith.constant 0 : i32
    return %c0_i32 : i32
  }
  func.func @transform_5(%arg0: i32) -> (i32, i32, i32) {
    %c0_i32 = arith.constant 0 : i32
    %c0_i32_0 = arith.constant 0 : i32
    %c0_i32_1 = arith.constant 0 : i32
    return %arg0, %c0_i32, %c0_i32_0 : i32, i32, i32
  }
}

module attributes {stable_mosaic.version = 14 : i64} {
  func.func @_dist_topk_body(%arg0: i32, %arg1: memref<1x1024x64xf32, #tpu.memory_space<vmem>>, %arg2: memref<1x1024x1xf32, #tpu.memory_space<vmem>>, %arg3: memref<1x1024x32xi32, #tpu.memory_space<vmem>>) attributes {dimension_semantics = [#tpu.dimension_semantics<arbitrary>], iteration_bounds = array<i64: 32>, scalar_prefetch = 0 : i64, scratch_operands = 0 : i64, tpu.core_type = #tpu.core_type<tc>, window_params = [{transform_indices = @transform_0, window_bounds = array<i64: 1, 1024, 64>}, {transform_indices = @transform_1, window_bounds = array<i64: 1, 1024, 1>}, {transform_indices = @transform_2, window_bounds = array<i64: 1, 1024, 32>}]} {
    %get3A = arith.constant 0 : index
    %get3A_0 = arith.constant 0 : index
    %get3A_1 = arith.constant 0 : index
    %get3A_2 = vector.load %arg1[%get3A, %get3A_0, %get3A_1] : memref<1x1024x64xf32, #tpu.memory_space<vmem>>, vector<1x1024x64xf32>
    %get3A_3 = vector.shape_cast %get3A_2 : vector<1x1024x64xf32> to vector<1024x64xf32>
    %get3A_4 = arith.constant 0 : index
    %get3A_5 = arith.constant 0 : index
    %get3A_6 = arith.constant 0 : index
    %get3A_7 = vector.load %arg2[%get3A_4, %get3A_5, %get3A_6] : memref<1x1024x1xf32, #tpu.memory_space<vmem>>, vector<1x1024x1xf32>
    %get3A_8 = vector.shape_cast %get3A_7 : vector<1x1024x1xf32> to vector<1024x1xf32>
    %transpose3A = tpu.transpose %get3A_3, [1, 0] : vector<1024x64xf32> -> vector<64x1024xf32>
    %dot_general3A = arith.constant dense<0.000000e+00> : vector<1024x1024xf32>
    %dot_general3A_9 = tpu.matmul %get3A_3, %transpose3A, %dot_general3A {dimension_numbers = #tpu.dot_dimension_numbers<[1], [0], [0], [1], [0, 0, 1, 1], [], []>, transpose_lhs_hint = false} : vector<1024x64xf32>, vector<64x1024xf32>, vector<1024x1024xf32> -> vector<1024x1024xf32>
    %neg3A = arith.constant 0.000000e+00 : f32
    %neg3A_10 = vector.broadcast %neg3A : f32 to vector<1024x1xf32>
    %neg3A_11 = arith.subf %neg3A_10, %get3A_8 : vector<1024x1xf32>
    %mul3A = arith.constant 2.000000e+00 : f32
    %mul3A_12 = vector.broadcast %mul3A : f32 to vector<1024x1024xf32>
    %mul3A_13 = arith.mulf %mul3A_12, %dot_general3A_9 : vector<1024x1024xf32>
    %add3A = vector.broadcast %neg3A_11 : vector<1024x1xf32> to vector<1024x1024xf32>
    %add3A_14 = arith.addf %add3A, %mul3A_13 : vector<1024x1024xf32>
    %transpose3A_15 = tpu.transpose %get3A_8, [1, 0] : vector<1024x1xf32> -> vector<1x1024xf32>
    %sub3A = vector.broadcast %transpose3A_15 : vector<1x1024xf32> to vector<1024x1024xf32>
    %sub3A_16 = arith.subf %add3A_14, %sub3A : vector<1024x1024xf32>
    %iota3A = tpu.iota {dimensions = array<i32: 1>} : vector<1024x1024xi32>
    %reduce_max3A = arith.constant dense<0xFF800000> : vector<1024xf32>
    %reduce_max3A_17 = vector.multi_reduction <maximumf>, %sub3A_16, %reduce_max3A [1] : vector<1024x1024xf32> to vector<1024xf32>
    %broadcast_in_dim3A = vector.shape_cast %reduce_max3A_17 : vector<1024xf32> to vector<1024x1xf32>
    %eq3A = vector.broadcast %broadcast_in_dim3A : vector<1024x1xf32> to vector<1024x1024xf32>
    %eq3A_18 = arith.cmpf oeq, %sub3A_16, %eq3A : vector<1024x1024xf32>
    %jit3A = arith.constant 1024 : i32
    %broadcast_in_dim3A_19 = vector.broadcast %jit3A : i32 to vector<1024x1024xi32>
    %select_n3A = arith.select %eq3A_18, %iota3A, %broadcast_in_dim3A_19 : vector<1024x1024xi1>, vector<1024x1024xi32>
    %reduce_min3A = arith.constant dense<2147483647> : vector<1024xi32>
    %reduce_min3A_20 = vector.multi_reduction <minsi>, %select_n3A, %reduce_min3A [1] : vector<1024x1024xi32> to vector<1024xi32>
    %broadcast_in_dim3A_21 = vector.shape_cast %reduce_min3A_20 : vector<1024xi32> to vector<1024x1xi32>
    %eq3A_22 = vector.broadcast %broadcast_in_dim3A_21 : vector<1024x1xi32> to vector<1024x1024xi32>
    %eq3A_23 = arith.cmpi eq, %iota3A, %eq3A_22 : vector<1024x1024xi32>
    %jit3A_24 = arith.constant 0xFF800000 : f32
    %broadcast_in_dim3A_25 = vector.broadcast %jit3A_24 : f32 to vector<1024x1024xf32>
    %select_n3A_26 = arith.select %eq3A_23, %broadcast_in_dim3A_25, %sub3A_16 : vector<1024x1024xi1>, vector<1024x1024xf32>
    %reduce_max3A_27 = arith.constant dense<0xFF800000> : vector<1024xf32>
    %reduce_max3A_28 = vector.multi_reduction <maximumf>, %select_n3A_26, %reduce_max3A_27 [1] : vector<1024x1024xf32> to vector<1024xf32>
    %broadcast_in_dim3A_29 = vector.shape_cast %reduce_max3A_28 : vector<1024xf32> to vector<1024x1xf32>
    %eq3A_30 = vector.broadcast %broadcast_in_dim3A_29 : vector<1024x1xf32> to vector<1024x1024xf32>
    %eq3A_31 = arith.cmpf oeq, %select_n3A_26, %eq3A_30 : vector<1024x1024xf32>
    %jit3A_32 = arith.constant 1024 : i32
    %broadcast_in_dim3A_33 = vector.broadcast %jit3A_32 : i32 to vector<1024x1024xi32>
    %select_n3A_34 = arith.select %eq3A_31, %iota3A, %broadcast_in_dim3A_33 : vector<1024x1024xi1>, vector<1024x1024xi32>
    %reduce_min3A_35 = arith.constant dense<2147483647> : vector<1024xi32>
    %reduce_min3A_36 = vector.multi_reduction <minsi>, %select_n3A_34, %reduce_min3A_35 [1] : vector<1024x1024xi32> to vector<1024xi32>
    %broadcast_in_dim3A_37 = vector.shape_cast %reduce_min3A_36 : vector<1024xi32> to vector<1024x1xi32>
    %eq3A_38 = vector.broadcast %broadcast_in_dim3A_37 : vector<1024x1xi32> to vector<1024x1024xi32>
    %eq3A_39 = arith.cmpi eq, %iota3A, %eq3A_38 : vector<1024x1024xi32>
    %jit3A_40 = arith.constant 0xFF800000 : f32
    %broadcast_in_dim3A_41 = vector.broadcast %jit3A_40 : f32 to vector<1024x1024xf32>
    %select_n3A_42 = arith.select %eq3A_39, %broadcast_in_dim3A_41, %select_n3A_26 : vector<1024x1024xi1>, vector<1024x1024xf32>
    %reduce_max3A_43 = arith.constant dense<0xFF800000> : vector<1024xf32>
    %reduce_max3A_44 = vector.multi_reduction <maximumf>, %select_n3A_42, %reduce_max3A_43 [1] : vector<1024x1024xf32> to vector<1024xf32>
    %broadcast_in_dim3A_45 = vector.shape_cast %reduce_max3A_44 : vector<1024xf32> to vector<1024x1xf32>
    %eq3A_46 = vector.broadcast %broadcast_in_dim3A_45 : vector<1024x1xf32> to vector<1024x1024xf32>
    %eq3A_47 = arith.cmpf oeq, %select_n3A_42, %eq3A_46 : vector<1024x1024xf32>
    %jit3A_48 = arith.constant 1024 : i32
    %broadcast_in_dim3A_49 = vector.broadcast %jit3A_48 : i32 to vector<1024x1024xi32>
    %select_n3A_50 = arith.select %eq3A_47, %iota3A, %broadcast_in_dim3A_49 : vector<1024x1024xi1>, vector<1024x1024xi32>
    %reduce_min3A_51 = arith.constant dense<2147483647> : vector<1024xi32>
    %reduce_min3A_52 = vector.multi_reduction <minsi>, %select_n3A_50, %reduce_min3A_51 [1] : vector<1024x1024xi32> to vector<1024xi32>
    %broadcast_in_dim3A_53 = vector.shape_cast %reduce_min3A_52 : vector<1024xi32> to vector<1024x1xi32>
    %eq3A_54 = vector.broadcast %broadcast_in_dim3A_53 : vector<1024x1xi32> to vector<1024x1024xi32>
    %eq3A_55 = arith.cmpi eq, %iota3A, %eq3A_54 : vector<1024x1024xi32>
    %jit3A_56 = arith.constant 0xFF800000 : f32
    %broadcast_in_dim3A_57 = vector.broadcast %jit3A_56 : f32 to vector<1024x1024xf32>
    %select_n3A_58 = arith.select %eq3A_55, %broadcast_in_dim3A_57, %select_n3A_42 : vector<1024x1024xi1>, vector<1024x1024xf32>
    %reduce_max3A_59 = arith.constant dense<0xFF800000> : vector<1024xf32>
    %reduce_max3A_60 = vector.multi_reduction <maximumf>, %select_n3A_58, %reduce_max3A_59 [1] : vector<1024x1024xf32> to vector<1024xf32>
    %broadcast_in_dim3A_61 = vector.shape_cast %reduce_max3A_60 : vector<1024xf32> to vector<1024x1xf32>
    %eq3A_62 = vector.broadcast %broadcast_in_dim3A_61 : vector<1024x1xf32> to vector<1024x1024xf32>
    %eq3A_63 = arith.cmpf oeq, %select_n3A_58, %eq3A_62 : vector<1024x1024xf32>
    %jit3A_64 = arith.constant 1024 : i32
    %broadcast_in_dim3A_65 = vector.broadcast %jit3A_64 : i32 to vector<1024x1024xi32>
    %select_n3A_66 = arith.select %eq3A_63, %iota3A, %broadcast_in_dim3A_65 : vector<1024x1024xi1>, vector<1024x1024xi32>
    %reduce_min3A_67 = arith.constant dense<2147483647> : vector<1024xi32>
    %reduce_min3A_68 = vector.multi_reduction <minsi>, %select_n3A_66, %reduce_min3A_67 [1] : vector<1024x1024xi32> to vector<1024xi32>
    %broadcast_in_dim3A_69 = vector.shape_cast %reduce_min3A_68 : vector<1024xi32> to vector<1024x1xi32>
    %eq3A_70 = vector.broadcast %broadcast_in_dim3A_69 : vector<1024x1xi32> to vector<1024x1024xi32>
    %eq3A_71 = arith.cmpi eq, %iota3A, %eq3A_70 : vector<1024x1024xi32>
    %jit3A_72 = arith.constant 0xFF800000 : f32
    %broadcast_in_dim3A_73 = vector.broadcast %jit3A_72 : f32 to vector<1024x1024xf32>
    %select_n3A_74 = arith.select %eq3A_71, %broadcast_in_dim3A_73, %select_n3A_58 : vector<1024x1024xi1>, vector<1024x1024xf32>
    %reduce_max3A_75 = arith.constant dense<0xFF800000> : vector<1024xf32>
    %reduce_max3A_76 = vector.multi_reduction <maximumf>, %select_n3A_74, %reduce_max3A_75 [1] : vector<1024x1024xf32> to vector<1024xf32>
    %broadcast_in_dim3A_77 = vector.shape_cast %reduce_max3A_76 : vector<1024xf32> to vector<1024x1xf32>
    %eq3A_78 = vector.broadcast %broadcast_in_dim3A_77 : vector<1024x1xf32> to vector<1024x1024xf32>
    %eq3A_79 = arith.cmpf oeq, %select_n3A_74, %eq3A_78 : vector<1024x1024xf32>
    %jit3A_80 = arith.constant 1024 : i32
    %broadcast_in_dim3A_81 = vector.broadcast %jit3A_80 : i32 to vector<1024x1024xi32>
    %select_n3A_82 = arith.select %eq3A_79, %iota3A, %broadcast_in_dim3A_81 : vector<1024x1024xi1>, vector<1024x1024xi32>
    %reduce_min3A_83 = arith.constant dense<2147483647> : vector<1024xi32>
    %reduce_min3A_84 = vector.multi_reduction <minsi>, %select_n3A_82, %reduce_min3A_83 [1] : vector<1024x1024xi32> to vector<1024xi32>
    %broadcast_in_dim3A_85 = vector.shape_cast %reduce_min3A_84 : vector<1024xi32> to vector<1024x1xi32>
    %eq3A_86 = vector.broadcast %broadcast_in_dim3A_85 : vector<1024x1xi32> to vector<1024x1024xi32>
    %eq3A_87 = arith.cmpi eq, %iota3A, %eq3A_86 : vector<1024x1024xi32>
    %jit3A_88 = arith.constant 0xFF800000 : f32
    %broadcast_in_dim3A_89 = vector.broadcast %jit3A_88 : f32 to vector<1024x1024xf32>
    %select_n3A_90 = arith.select %eq3A_87, %broadcast_in_dim3A_89, %select_n3A_74 : vector<1024x1024xi1>, vector<1024x1024xf32>
    %reduce_max3A_91 = arith.constant dense<0xFF800000> : vector<1024xf32>
    %reduce_max3A_92 = vector.multi_reduction <maximumf>, %select_n3A_90, %reduce_max3A_91 [1] : vector<1024x1024xf32> to vector<1024xf32>
    %broadcast_in_dim3A_93 = vector.shape_cast %reduce_max3A_92 : vector<1024xf32> to vector<1024x1xf32>
    %eq3A_94 = vector.broadcast %broadcast_in_dim3A_93 : vector<1024x1xf32> to vector<1024x1024xf32>
    %eq3A_95 = arith.cmpf oeq, %select_n3A_90, %eq3A_94 : vector<1024x1024xf32>
    %jit3A_96 = arith.constant 1024 : i32
    %broadcast_in_dim3A_97 = vector.broadcast %jit3A_96 : i32 to vector<1024x1024xi32>
    %select_n3A_98 = arith.select %eq3A_95, %iota3A, %broadcast_in_dim3A_97 : vector<1024x1024xi1>, vector<1024x1024xi32>
    %reduce_min3A_99 = arith.constant dense<2147483647> : vector<1024xi32>
    %reduce_min3A_100 = vector.multi_reduction <minsi>, %select_n3A_98, %reduce_min3A_99 [1] : vector<1024x1024xi32> to vector<1024xi32>
    %broadcast_in_dim3A_101 = vector.shape_cast %reduce_min3A_100 : vector<1024xi32> to vector<1024x1xi32>
    %eq3A_102 = vector.broadcast %broadcast_in_dim3A_101 : vector<1024x1xi32> to vector<1024x1024xi32>
    %eq3A_103 = arith.cmpi eq, %iota3A, %eq3A_102 : vector<1024x1024xi32>
    %jit3A_104 = arith.constant 0xFF800000 : f32
    %broadcast_in_dim3A_105 = vector.broadcast %jit3A_104 : f32 to vector<1024x1024xf32>
    %select_n3A_106 = arith.select %eq3A_103, %broadcast_in_dim3A_105, %select_n3A_90 : vector<1024x1024xi1>, vector<1024x1024xf32>
    %reduce_max3A_107 = arith.constant dense<0xFF800000> : vector<1024xf32>
    %reduce_max3A_108 = vector.multi_reduction <maximumf>, %select_n3A_106, %reduce_max3A_107 [1] : vector<1024x1024xf32> to vector<1024xf32>
    %broadcast_in_dim3A_109 = vector.shape_cast %reduce_max3A_108 : vector<1024xf32> to vector<1024x1xf32>
    %eq3A_110 = vector.broadcast %broadcast_in_dim3A_109 : vector<1024x1xf32> to vector<1024x1024xf32>
    %eq3A_111 = arith.cmpf oeq, %select_n3A_106, %eq3A_110 : vector<1024x1024xf32>
    %jit3A_112 = arith.constant 1024 : i32
    %broadcast_in_dim3A_113 = vector.broadcast %jit3A_112 : i32 to vector<1024x1024xi32>
    %select_n3A_114 = arith.select %eq3A_111, %iota3A, %broadcast_in_dim3A_113 : vector<1024x1024xi1>, vector<1024x1024xi32>
    %reduce_min3A_115 = arith.constant dense<2147483647> : vector<1024xi32>
    %reduce_min3A_116 = vector.multi_reduction <minsi>, %select_n3A_114, %reduce_min3A_115 [1] : vector<1024x1024xi32> to vector<1024xi32>
    %broadcast_in_dim3A_117 = vector.shape_cast %reduce_min3A_116 : vector<1024xi32> to vector<1024x1xi32>
    %eq3A_118 = vector.broadcast %broadcast_in_dim3A_117 : vector<1024x1xi32> to vector<1024x1024xi32>
    %eq3A_119 = arith.cmpi eq, %iota3A, %eq3A_118 : vector<1024x1024xi32>
    %jit3A_120 = arith.constant 0xFF800000 : f32
    %broadcast_in_dim3A_121 = vector.broadcast %jit3A_120 : f32 to vector<1024x1024xf32>
    %select_n3A_122 = arith.select %eq3A_119, %broadcast_in_dim3A_121, %select_n3A_106 : vector<1024x1024xi1>, vector<1024x1024xf32>
    %reduce_max3A_123 = arith.constant dense<0xFF800000> : vector<1024xf32>
    %reduce_max3A_124 = vector.multi_reduction <maximumf>, %select_n3A_122, %reduce_max3A_123 [1] : vector<1024x1024xf32> to vector<1024xf32>
    %broadcast_in_dim3A_125 = vector.shape_cast %reduce_max3A_124 : vector<1024xf32> to vector<1024x1xf32>
    %eq3A_126 = vector.broadcast %broadcast_in_dim3A_125 : vector<1024x1xf32> to vector<1024x1024xf32>
    %eq3A_127 = arith.cmpf oeq, %select_n3A_122, %eq3A_126 : vector<1024x1024xf32>
    %jit3A_128 = arith.constant 1024 : i32
    %broadcast_in_dim3A_129 = vector.broadcast %jit3A_128 : i32 to vector<1024x1024xi32>
    %select_n3A_130 = arith.select %eq3A_127, %iota3A, %broadcast_in_dim3A_129 : vector<1024x1024xi1>, vector<1024x1024xi32>
    %reduce_min3A_131 = arith.constant dense<2147483647> : vector<1024xi32>
    %reduce_min3A_132 = vector.multi_reduction <minsi>, %select_n3A_130, %reduce_min3A_131 [1] : vector<1024x1024xi32> to vector<1024xi32>
    %broadcast_in_dim3A_133 = vector.shape_cast %reduce_min3A_132 : vector<1024xi32> to vector<1024x1xi32>
    %eq3A_134 = vector.broadcast %broadcast_in_dim3A_133 : vector<1024x1xi32> to vector<1024x1024xi32>
    %eq3A_135 = arith.cmpi eq, %iota3A, %eq3A_134 : vector<1024x1024xi32>
    %jit3A_136 = arith.constant 0xFF800000 : f32
    %broadcast_in_dim3A_137 = vector.broadcast %jit3A_136 : f32 to vector<1024x1024xf32>
    %select_n3A_138 = arith.select %eq3A_135, %broadcast_in_dim3A_137, %select_n3A_122 : vector<1024x1024xi1>, vector<1024x1024xf32>
    %reduce_max3A_139 = arith.constant dense<0xFF800000> : vector<1024xf32>
    %reduce_max3A_140 = vector.multi_reduction <maximumf>, %select_n3A_138, %reduce_max3A_139 [1] : vector<1024x1024xf32> to vector<1024xf32>
    %broadcast_in_dim3A_141 = vector.shape_cast %reduce_max3A_140 : vector<1024xf32> to vector<1024x1xf32>
    %eq3A_142 = vector.broadcast %broadcast_in_dim3A_141 : vector<1024x1xf32> to vector<1024x1024xf32>
    %eq3A_143 = arith.cmpf oeq, %select_n3A_138, %eq3A_142 : vector<1024x1024xf32>
    %jit3A_144 = arith.constant 1024 : i32
    %broadcast_in_dim3A_145 = vector.broadcast %jit3A_144 : i32 to vector<1024x1024xi32>
    %select_n3A_146 = arith.select %eq3A_143, %iota3A, %broadcast_in_dim3A_145 : vector<1024x1024xi1>, vector<1024x1024xi32>
    %reduce_min3A_147 = arith.constant dense<2147483647> : vector<1024xi32>
    %reduce_min3A_148 = vector.multi_reduction <minsi>, %select_n3A_146, %reduce_min3A_147 [1] : vector<1024x1024xi32> to vector<1024xi32>
    %broadcast_in_dim3A_149 = vector.shape_cast %reduce_min3A_148 : vector<1024xi32> to vector<1024x1xi32>
    %eq3A_150 = vector.broadcast %broadcast_in_dim3A_149 : vector<1024x1xi32> to vector<1024x1024xi32>
    %eq3A_151 = arith.cmpi eq, %iota3A, %eq3A_150 : vector<1024x1024xi32>
    %jit3A_152 = arith.constant 0xFF800000 : f32
    %broadcast_in_dim3A_153 = vector.broadcast %jit3A_152 : f32 to vector<1024x1024xf32>
    %select_n3A_154 = arith.select %eq3A_151, %broadcast_in_dim3A_153, %select_n3A_138 : vector<1024x1024xi1>, vector<1024x1024xf32>
    %reduce_max3A_155 = arith.constant dense<0xFF800000> : vector<1024xf32>
    %reduce_max3A_156 = vector.multi_reduction <maximumf>, %select_n3A_154, %reduce_max3A_155 [1] : vector<1024x1024xf32> to vector<1024xf32>
    %broadcast_in_dim3A_157 = vector.shape_cast %reduce_max3A_156 : vector<1024xf32> to vector<1024x1xf32>
    %eq3A_158 = vector.broadcast %broadcast_in_dim3A_157 : vector<1024x1xf32> to vector<1024x1024xf32>
    %eq3A_159 = arith.cmpf oeq, %select_n3A_154, %eq3A_158 : vector<1024x1024xf32>
    %jit3A_160 = arith.constant 1024 : i32
    %broadcast_in_dim3A_161 = vector.broadcast %jit3A_160 : i32 to vector<1024x1024xi32>
    %select_n3A_162 = arith.select %eq3A_159, %iota3A, %broadcast_in_dim3A_161 : vector<1024x1024xi1>, vector<1024x1024xi32>
    %reduce_min3A_163 = arith.constant dense<2147483647> : vector<1024xi32>
    %reduce_min3A_164 = vector.multi_reduction <minsi>, %select_n3A_162, %reduce_min3A_163 [1] : vector<1024x1024xi32> to vector<1024xi32>
    %broadcast_in_dim3A_165 = vector.shape_cast %reduce_min3A_164 : vector<1024xi32> to vector<1024x1xi32>
    %eq3A_166 = vector.broadcast %broadcast_in_dim3A_165 : vector<1024x1xi32> to vector<1024x1024xi32>
    %eq3A_167 = arith.cmpi eq, %iota3A, %eq3A_166 : vector<1024x1024xi32>
    %jit3A_168 = arith.constant 0xFF800000 : f32
    %broadcast_in_dim3A_169 = vector.broadcast %jit3A_168 : f32 to vector<1024x1024xf32>
    %select_n3A_170 = arith.select %eq3A_167, %broadcast_in_dim3A_169, %select_n3A_154 : vector<1024x1024xi1>, vector<1024x1024xf32>
    %reduce_max3A_171 = arith.constant dense<0xFF800000> : vector<1024xf32>
    %reduce_max3A_172 = vector.multi_reduction <maximumf>, %select_n3A_170, %reduce_max3A_171 [1] : vector<1024x1024xf32> to vector<1024xf32>
    %broadcast_in_dim3A_173 = vector.shape_cast %reduce_max3A_172 : vector<1024xf32> to vector<1024x1xf32>
    %eq3A_174 = vector.broadcast %broadcast_in_dim3A_173 : vector<1024x1xf32> to vector<1024x1024xf32>
    %eq3A_175 = arith.cmpf oeq, %select_n3A_170, %eq3A_174 : vector<1024x1024xf32>
    %jit3A_176 = arith.constant 1024 : i32
    %broadcast_in_dim3A_177 = vector.broadcast %jit3A_176 : i32 to vector<1024x1024xi32>
    %select_n3A_178 = arith.select %eq3A_175, %iota3A, %broadcast_in_dim3A_177 : vector<1024x1024xi1>, vector<1024x1024xi32>
    %reduce_min3A_179 = arith.constant dense<2147483647> : vector<1024xi32>
    %reduce_min3A_180 = vector.multi_reduction <minsi>, %select_n3A_178, %reduce_min3A_179 [1] : vector<1024x1024xi32> to vector<1024xi32>
    %broadcast_in_dim3A_181 = vector.shape_cast %reduce_min3A_180 : vector<1024xi32> to vector<1024x1xi32>
    %eq3A_182 = vector.broadcast %broadcast_in_dim3A_181 : vector<1024x1xi32> to vector<1024x1024xi32>
    %eq3A_183 = arith.cmpi eq, %iota3A, %eq3A_182 : vector<1024x1024xi32>
    %jit3A_184 = arith.constant 0xFF800000 : f32
    %broadcast_in_dim3A_185 = vector.broadcast %jit3A_184 : f32 to vector<1024x1024xf32>
    %select_n3A_186 = arith.select %eq3A_183, %broadcast_in_dim3A_185, %select_n3A_170 : vector<1024x1024xi1>, vector<1024x1024xf32>
    %reduce_max3A_187 = arith.constant dense<0xFF800000> : vector<1024xf32>
    %reduce_max3A_188 = vector.multi_reduction <maximumf>, %select_n3A_186, %reduce_max3A_187 [1] : vector<1024x1024xf32> to vector<1024xf32>
    %broadcast_in_dim3A_189 = vector.shape_cast %reduce_max3A_188 : vector<1024xf32> to vector<1024x1xf32>
    %eq3A_190 = vector.broadcast %broadcast_in_dim3A_189 : vector<1024x1xf32> to vector<1024x1024xf32>
    %eq3A_191 = arith.cmpf oeq, %select_n3A_186, %eq3A_190 : vector<1024x1024xf32>
    %jit3A_192 = arith.constant 1024 : i32
    %broadcast_in_dim3A_193 = vector.broadcast %jit3A_192 : i32 to vector<1024x1024xi32>
    %select_n3A_194 = arith.select %eq3A_191, %iota3A, %broadcast_in_dim3A_193 : vector<1024x1024xi1>, vector<1024x1024xi32>
    %reduce_min3A_195 = arith.constant dense<2147483647> : vector<1024xi32>
    %reduce_min3A_196 = vector.multi_reduction <minsi>, %select_n3A_194, %reduce_min3A_195 [1] : vector<1024x1024xi32> to vector<1024xi32>
    %broadcast_in_dim3A_197 = vector.shape_cast %reduce_min3A_196 : vector<1024xi32> to vector<1024x1xi32>
    %eq3A_198 = vector.broadcast %broadcast_in_dim3A_197 : vector<1024x1xi32> to vector<1024x1024xi32>
    %eq3A_199 = arith.cmpi eq, %iota3A, %eq3A_198 : vector<1024x1024xi32>
    %jit3A_200 = arith.constant 0xFF800000 : f32
    %broadcast_in_dim3A_201 = vector.broadcast %jit3A_200 : f32 to vector<1024x1024xf32>
    %select_n3A_202 = arith.select %eq3A_199, %broadcast_in_dim3A_201, %select_n3A_186 : vector<1024x1024xi1>, vector<1024x1024xf32>
    %reduce_max3A_203 = arith.constant dense<0xFF800000> : vector<1024xf32>
    %reduce_max3A_204 = vector.multi_reduction <maximumf>, %select_n3A_202, %reduce_max3A_203 [1] : vector<1024x1024xf32> to vector<1024xf32>
    %broadcast_in_dim3A_205 = vector.shape_cast %reduce_max3A_204 : vector<1024xf32> to vector<1024x1xf32>
    %eq3A_206 = vector.broadcast %broadcast_in_dim3A_205 : vector<1024x1xf32> to vector<1024x1024xf32>
    %eq3A_207 = arith.cmpf oeq, %select_n3A_202, %eq3A_206 : vector<1024x1024xf32>
    %jit3A_208 = arith.constant 1024 : i32
    %broadcast_in_dim3A_209 = vector.broadcast %jit3A_208 : i32 to vector<1024x1024xi32>
    %select_n3A_210 = arith.select %eq3A_207, %iota3A, %broadcast_in_dim3A_209 : vector<1024x1024xi1>, vector<1024x1024xi32>
    %reduce_min3A_211 = arith.constant dense<2147483647> : vector<1024xi32>
    %reduce_min3A_212 = vector.multi_reduction <minsi>, %select_n3A_210, %reduce_min3A_211 [1] : vector<1024x1024xi32> to vector<1024xi32>
    %broadcast_in_dim3A_213 = vector.shape_cast %reduce_min3A_212 : vector<1024xi32> to vector<1024x1xi32>
    %eq3A_214 = vector.broadcast %broadcast_in_dim3A_213 : vector<1024x1xi32> to vector<1024x1024xi32>
    %eq3A_215 = arith.cmpi eq, %iota3A, %eq3A_214 : vector<1024x1024xi32>
    %jit3A_216 = arith.constant 0xFF800000 : f32
    %broadcast_in_dim3A_217 = vector.broadcast %jit3A_216 : f32 to vector<1024x1024xf32>
    %select_n3A_218 = arith.select %eq3A_215, %broadcast_in_dim3A_217, %select_n3A_202 : vector<1024x1024xi1>, vector<1024x1024xf32>
    %reduce_max3A_219 = arith.constant dense<0xFF800000> : vector<1024xf32>
    %reduce_max3A_220 = vector.multi_reduction <maximumf>, %select_n3A_218, %reduce_max3A_219 [1] : vector<1024x1024xf32> to vector<1024xf32>
    %broadcast_in_dim3A_221 = vector.shape_cast %reduce_max3A_220 : vector<1024xf32> to vector<1024x1xf32>
    %eq3A_222 = vector.broadcast %broadcast_in_dim3A_221 : vector<1024x1xf32> to vector<1024x1024xf32>
    %eq3A_223 = arith.cmpf oeq, %select_n3A_218, %eq3A_222 : vector<1024x1024xf32>
    %jit3A_224 = arith.constant 1024 : i32
    %broadcast_in_dim3A_225 = vector.broadcast %jit3A_224 : i32 to vector<1024x1024xi32>
    %select_n3A_226 = arith.select %eq3A_223, %iota3A, %broadcast_in_dim3A_225 : vector<1024x1024xi1>, vector<1024x1024xi32>
    %reduce_min3A_227 = arith.constant dense<2147483647> : vector<1024xi32>
    %reduce_min3A_228 = vector.multi_reduction <minsi>, %select_n3A_226, %reduce_min3A_227 [1] : vector<1024x1024xi32> to vector<1024xi32>
    %broadcast_in_dim3A_229 = vector.shape_cast %reduce_min3A_228 : vector<1024xi32> to vector<1024x1xi32>
    %eq3A_230 = vector.broadcast %broadcast_in_dim3A_229 : vector<1024x1xi32> to vector<1024x1024xi32>
    %eq3A_231 = arith.cmpi eq, %iota3A, %eq3A_230 : vector<1024x1024xi32>
    %jit3A_232 = arith.constant 0xFF800000 : f32
    %broadcast_in_dim3A_233 = vector.broadcast %jit3A_232 : f32 to vector<1024x1024xf32>
    %select_n3A_234 = arith.select %eq3A_231, %broadcast_in_dim3A_233, %select_n3A_218 : vector<1024x1024xi1>, vector<1024x1024xf32>
    %reduce_max3A_235 = arith.constant dense<0xFF800000> : vector<1024xf32>
    %reduce_max3A_236 = vector.multi_reduction <maximumf>, %select_n3A_234, %reduce_max3A_235 [1] : vector<1024x1024xf32> to vector<1024xf32>
    %broadcast_in_dim3A_237 = vector.shape_cast %reduce_max3A_236 : vector<1024xf32> to vector<1024x1xf32>
    %eq3A_238 = vector.broadcast %broadcast_in_dim3A_237 : vector<1024x1xf32> to vector<1024x1024xf32>
    %eq3A_239 = arith.cmpf oeq, %select_n3A_234, %eq3A_238 : vector<1024x1024xf32>
    %jit3A_240 = arith.constant 1024 : i32
    %broadcast_in_dim3A_241 = vector.broadcast %jit3A_240 : i32 to vector<1024x1024xi32>
    %select_n3A_242 = arith.select %eq3A_239, %iota3A, %broadcast_in_dim3A_241 : vector<1024x1024xi1>, vector<1024x1024xi32>
    %reduce_min3A_243 = arith.constant dense<2147483647> : vector<1024xi32>
    %reduce_min3A_244 = vector.multi_reduction <minsi>, %select_n3A_242, %reduce_min3A_243 [1] : vector<1024x1024xi32> to vector<1024xi32>
    %broadcast_in_dim3A_245 = vector.shape_cast %reduce_min3A_244 : vector<1024xi32> to vector<1024x1xi32>
    %eq3A_246 = vector.broadcast %broadcast_in_dim3A_245 : vector<1024x1xi32> to vector<1024x1024xi32>
    %eq3A_247 = arith.cmpi eq, %iota3A, %eq3A_246 : vector<1024x1024xi32>
    %jit3A_248 = arith.constant 0xFF800000 : f32
    %broadcast_in_dim3A_249 = vector.broadcast %jit3A_248 : f32 to vector<1024x1024xf32>
    %select_n3A_250 = arith.select %eq3A_247, %broadcast_in_dim3A_249, %select_n3A_234 : vector<1024x1024xi1>, vector<1024x1024xf32>
    %reduce_max3A_251 = arith.constant dense<0xFF800000> : vector<1024xf32>
    %reduce_max3A_252 = vector.multi_reduction <maximumf>, %select_n3A_250, %reduce_max3A_251 [1] : vector<1024x1024xf32> to vector<1024xf32>
    %broadcast_in_dim3A_253 = vector.shape_cast %reduce_max3A_252 : vector<1024xf32> to vector<1024x1xf32>
    %eq3A_254 = vector.broadcast %broadcast_in_dim3A_253 : vector<1024x1xf32> to vector<1024x1024xf32>
    %eq3A_255 = arith.cmpf oeq, %select_n3A_250, %eq3A_254 : vector<1024x1024xf32>
    %jit3A_256 = arith.constant 1024 : i32
    %broadcast_in_dim3A_257 = vector.broadcast %jit3A_256 : i32 to vector<1024x1024xi32>
    %select_n3A_258 = arith.select %eq3A_255, %iota3A, %broadcast_in_dim3A_257 : vector<1024x1024xi1>, vector<1024x1024xi32>
    %reduce_min3A_259 = arith.constant dense<2147483647> : vector<1024xi32>
    %reduce_min3A_260 = vector.multi_reduction <minsi>, %select_n3A_258, %reduce_min3A_259 [1] : vector<1024x1024xi32> to vector<1024xi32>
    %broadcast_in_dim3A_261 = vector.shape_cast %reduce_min3A_260 : vector<1024xi32> to vector<1024x1xi32>
    %eq3A_262 = vector.broadcast %broadcast_in_dim3A_261 : vector<1024x1xi32> to vector<1024x1024xi32>
    %eq3A_263 = arith.cmpi eq, %iota3A, %eq3A_262 : vector<1024x1024xi32>
    %jit3A_264 = arith.constant 0xFF800000 : f32
    %broadcast_in_dim3A_265 = vector.broadcast %jit3A_264 : f32 to vector<1024x1024xf32>
    %select_n3A_266 = arith.select %eq3A_263, %broadcast_in_dim3A_265, %select_n3A_250 : vector<1024x1024xi1>, vector<1024x1024xf32>
    %reduce_max3A_267 = arith.constant dense<0xFF800000> : vector<1024xf32>
    %reduce_max3A_268 = vector.multi_reduction <maximumf>, %select_n3A_266, %reduce_max3A_267 [1] : vector<1024x1024xf32> to vector<1024xf32>
    %broadcast_in_dim3A_269 = vector.shape_cast %reduce_max3A_268 : vector<1024xf32> to vector<1024x1xf32>
    %eq3A_270 = vector.broadcast %broadcast_in_dim3A_269 : vector<1024x1xf32> to vector<1024x1024xf32>
    %eq3A_271 = arith.cmpf oeq, %select_n3A_266, %eq3A_270 : vector<1024x1024xf32>
    %jit3A_272 = arith.constant 1024 : i32
    %broadcast_in_dim3A_273 = vector.broadcast %jit3A_272 : i32 to vector<1024x1024xi32>
    %select_n3A_274 = arith.select %eq3A_271, %iota3A, %broadcast_in_dim3A_273 : vector<1024x1024xi1>, vector<1024x1024xi32>
    %reduce_min3A_275 = arith.constant dense<2147483647> : vector<1024xi32>
    %reduce_min3A_276 = vector.multi_reduction <minsi>, %select_n3A_274, %reduce_min3A_275 [1] : vector<1024x1024xi32> to vector<1024xi32>
    %broadcast_in_dim3A_277 = vector.shape_cast %reduce_min3A_276 : vector<1024xi32> to vector<1024x1xi32>
    %eq3A_278 = vector.broadcast %broadcast_in_dim3A_277 : vector<1024x1xi32> to vector<1024x1024xi32>
    %eq3A_279 = arith.cmpi eq, %iota3A, %eq3A_278 : vector<1024x1024xi32>
    %jit3A_280 = arith.constant 0xFF800000 : f32
    %broadcast_in_dim3A_281 = vector.broadcast %jit3A_280 : f32 to vector<1024x1024xf32>
    %select_n3A_282 = arith.select %eq3A_279, %broadcast_in_dim3A_281, %select_n3A_266 : vector<1024x1024xi1>, vector<1024x1024xf32>
    %reduce_max3A_283 = arith.constant dense<0xFF800000> : vector<1024xf32>
    %reduce_max3A_284 = vector.multi_reduction <maximumf>, %select_n3A_282, %reduce_max3A_283 [1] : vector<1024x1024xf32> to vector<1024xf32>
    %broadcast_in_dim3A_285 = vector.shape_cast %reduce_max3A_284 : vector<1024xf32> to vector<1024x1xf32>
    %eq3A_286 = vector.broadcast %broadcast_in_dim3A_285 : vector<1024x1xf32> to vector<1024x1024xf32>
    %eq3A_287 = arith.cmpf oeq, %select_n3A_282, %eq3A_286 : vector<1024x1024xf32>
    %jit3A_288 = arith.constant 1024 : i32
    %broadcast_in_dim3A_289 = vector.broadcast %jit3A_288 : i32 to vector<1024x1024xi32>
    %select_n3A_290 = arith.select %eq3A_287, %iota3A, %broadcast_in_dim3A_289 : vector<1024x1024xi1>, vector<1024x1024xi32>
    %reduce_min3A_291 = arith.constant dense<2147483647> : vector<1024xi32>
    %reduce_min3A_292 = vector.multi_reduction <minsi>, %select_n3A_290, %reduce_min3A_291 [1] : vector<1024x1024xi32> to vector<1024xi32>
    %broadcast_in_dim3A_293 = vector.shape_cast %reduce_min3A_292 : vector<1024xi32> to vector<1024x1xi32>
    %eq3A_294 = vector.broadcast %broadcast_in_dim3A_293 : vector<1024x1xi32> to vector<1024x1024xi32>
    %eq3A_295 = arith.cmpi eq, %iota3A, %eq3A_294 : vector<1024x1024xi32>
    %jit3A_296 = arith.constant 0xFF800000 : f32
    %broadcast_in_dim3A_297 = vector.broadcast %jit3A_296 : f32 to vector<1024x1024xf32>
    %select_n3A_298 = arith.select %eq3A_295, %broadcast_in_dim3A_297, %select_n3A_282 : vector<1024x1024xi1>, vector<1024x1024xf32>
    %reduce_max3A_299 = arith.constant dense<0xFF800000> : vector<1024xf32>
    %reduce_max3A_300 = vector.multi_reduction <maximumf>, %select_n3A_298, %reduce_max3A_299 [1] : vector<1024x1024xf32> to vector<1024xf32>
    %broadcast_in_dim3A_301 = vector.shape_cast %reduce_max3A_300 : vector<1024xf32> to vector<1024x1xf32>
    %eq3A_302 = vector.broadcast %broadcast_in_dim3A_301 : vector<1024x1xf32> to vector<1024x1024xf32>
    %eq3A_303 = arith.cmpf oeq, %select_n3A_298, %eq3A_302 : vector<1024x1024xf32>
    %jit3A_304 = arith.constant 1024 : i32
    %broadcast_in_dim3A_305 = vector.broadcast %jit3A_304 : i32 to vector<1024x1024xi32>
    %select_n3A_306 = arith.select %eq3A_303, %iota3A, %broadcast_in_dim3A_305 : vector<1024x1024xi1>, vector<1024x1024xi32>
    %reduce_min3A_307 = arith.constant dense<2147483647> : vector<1024xi32>
    %reduce_min3A_308 = vector.multi_reduction <minsi>, %select_n3A_306, %reduce_min3A_307 [1] : vector<1024x1024xi32> to vector<1024xi32>
    %broadcast_in_dim3A_309 = vector.shape_cast %reduce_min3A_308 : vector<1024xi32> to vector<1024x1xi32>
    %eq3A_310 = vector.broadcast %broadcast_in_dim3A_309 : vector<1024x1xi32> to vector<1024x1024xi32>
    %eq3A_311 = arith.cmpi eq, %iota3A, %eq3A_310 : vector<1024x1024xi32>
    %jit3A_312 = arith.constant 0xFF800000 : f32
    %broadcast_in_dim3A_313 = vector.broadcast %jit3A_312 : f32 to vector<1024x1024xf32>
    %select_n3A_314 = arith.select %eq3A_311, %broadcast_in_dim3A_313, %select_n3A_298 : vector<1024x1024xi1>, vector<1024x1024xf32>
    %reduce_max3A_315 = arith.constant dense<0xFF800000> : vector<1024xf32>
    %reduce_max3A_316 = vector.multi_reduction <maximumf>, %select_n3A_314, %reduce_max3A_315 [1] : vector<1024x1024xf32> to vector<1024xf32>
    %broadcast_in_dim3A_317 = vector.shape_cast %reduce_max3A_316 : vector<1024xf32> to vector<1024x1xf32>
    %eq3A_318 = vector.broadcast %broadcast_in_dim3A_317 : vector<1024x1xf32> to vector<1024x1024xf32>
    %eq3A_319 = arith.cmpf oeq, %select_n3A_314, %eq3A_318 : vector<1024x1024xf32>
    %jit3A_320 = arith.constant 1024 : i32
    %broadcast_in_dim3A_321 = vector.broadcast %jit3A_320 : i32 to vector<1024x1024xi32>
    %select_n3A_322 = arith.select %eq3A_319, %iota3A, %broadcast_in_dim3A_321 : vector<1024x1024xi1>, vector<1024x1024xi32>
    %reduce_min3A_323 = arith.constant dense<2147483647> : vector<1024xi32>
    %reduce_min3A_324 = vector.multi_reduction <minsi>, %select_n3A_322, %reduce_min3A_323 [1] : vector<1024x1024xi32> to vector<1024xi32>
    %broadcast_in_dim3A_325 = vector.shape_cast %reduce_min3A_324 : vector<1024xi32> to vector<1024x1xi32>
    %concatenate3A = tpu.concatenate %broadcast_in_dim3A_21, %broadcast_in_dim3A_37, %broadcast_in_dim3A_53, %broadcast_in_dim3A_69, %broadcast_in_dim3A_85, %broadcast_in_dim3A_101, %broadcast_in_dim3A_117, %broadcast_in_dim3A_133, %broadcast_in_dim3A_149, %broadcast_in_dim3A_165, %broadcast_in_dim3A_181, %broadcast_in_dim3A_197, %broadcast_in_dim3A_213, %broadcast_in_dim3A_229, %broadcast_in_dim3A_245, %broadcast_in_dim3A_261, %broadcast_in_dim3A_277, %broadcast_in_dim3A_293, %broadcast_in_dim3A_309, %broadcast_in_dim3A_325, %broadcast_in_dim3A_325, %broadcast_in_dim3A_325, %broadcast_in_dim3A_325, %broadcast_in_dim3A_325, %broadcast_in_dim3A_325, %broadcast_in_dim3A_325, %broadcast_in_dim3A_325, %broadcast_in_dim3A_325, %broadcast_in_dim3A_325, %broadcast_in_dim3A_325, %broadcast_in_dim3A_325, %broadcast_in_dim3A_325 in 1 : vector<1024x1xi32>, vector<1024x1xi32>, vector<1024x1xi32>, vector<1024x1xi32>, vector<1024x1xi32>, vector<1024x1xi32>, vector<1024x1xi32>, vector<1024x1xi32>, vector<1024x1xi32>, vector<1024x1xi32>, vector<1024x1xi32>, vector<1024x1xi32>, vector<1024x1xi32>, vector<1024x1xi32>, vector<1024x1xi32>, vector<1024x1xi32>, vector<1024x1xi32>, vector<1024x1xi32>, vector<1024x1xi32>, vector<1024x1xi32>, vector<1024x1xi32>, vector<1024x1xi32>, vector<1024x1xi32>, vector<1024x1xi32>, vector<1024x1xi32>, vector<1024x1xi32>, vector<1024x1xi32>, vector<1024x1xi32>, vector<1024x1xi32>, vector<1024x1xi32>, vector<1024x1xi32>, vector<1024x1xi32> -> vector<1024x32xi32>
    %swap3A = arith.constant 0 : index
    %swap3A_326 = arith.constant 0 : index
    %swap3A_327 = arith.constant 0 : index
    %swap3A_328 = vector.load %arg3[%swap3A, %swap3A_326, %swap3A_327] : memref<1x1024x32xi32, #tpu.memory_space<vmem>>, vector<1x1024x32xi32>
    %swap3A_329 = vector.shape_cast %swap3A_328 : vector<1x1024x32xi32> to vector<1024x32xi32>
    %swap3A_330 = vector.shape_cast %concatenate3A : vector<1024x32xi32> to vector<1x1024x32xi32>
    tpu.vector_store %arg3[%swap3A, %swap3A_326, %swap3A_327], %swap3A_330 {strides = array<i32>} : memref<1x1024x32xi32, #tpu.memory_space<vmem>>, vector<1x1024x32xi32>,
    return
  }
  func.func @transform_0(%arg0: i32) -> (i32, i32, i32) {
    %c0_i32 = arith.constant 0 : i32
    %c0_i32_0 = arith.constant 0 : i32
    %c0_i32_1 = arith.constant 0 : i32
    return %arg0, %c0_i32, %c0_i32_0 : i32, i32, i32
  }
  func.func @transform_1(%arg0: i32) -> (i32, i32, i32) {
    %c0_i32 = arith.constant 0 : i32
    %c0_i32_0 = arith.constant 0 : i32
    %c0_i32_1 = arith.constant 0 : i32
    return %arg0, %c0_i32, %c0_i32_0 : i32, i32, i32
  }
  func.func @transform_2(%arg0: i32) -> (i32, i32, i32) {
    %c0_i32 = arith.constant 0 : i32
    %c0_i32_0 = arith.constant 0 : i32
    %c0_i32_1 = arith.constant 0 : i32
    return %arg0, %c0_i32, %c0_i32_0 : i32, i32, i32
  }
}

module attributes {stable_mosaic.version = 14 : i64} {
  func.func @_conv_body(%arg0: i32, %arg1: i32, %arg2: memref<1x2560x128xf32, #tpu.memory_space<vmem>>, %arg3: memref<1x128x64xf32, #tpu.memory_space<vmem>>, %arg4: memref<64x128xf32, #tpu.memory_space<vmem>>, %arg5: memref<1x128x64xf32, #tpu.memory_space<vmem>>) attributes {dimension_semantics = [#tpu.dimension_semantics<arbitrary>, #tpu.dimension_semantics<arbitrary>], iteration_bounds = array<i64: 32, 8>, scalar_prefetch = 0 : i64, scratch_operands = 0 : i64, tpu.core_type = #tpu.core_type<tc>, window_params = [{transform_indices = @transform_0, window_bounds = array<i64: 1, 2560, 128>}, {transform_indices = @transform_1, window_bounds = array<i64: 1, 128, 64>}, {pipeline_mode = #tpu.pipeline_mode<synchronous>, transform_indices = @transform_2, window_bounds = array<i64: 64, 128>}, {transform_indices = @transform_3, window_bounds = array<i64: 1, 128, 64>}]} {
    %get3A = arith.constant 0 : index
    %get3A_0 = arith.constant 0 : index
    %get3A_1 = arith.constant 0 : index
    %get3A_2 = vector.load %arg2[%get3A, %get3A_0, %get3A_1] : memref<1x2560x128xf32, #tpu.memory_space<vmem>>, vector<1x2560x128xf32>
    %get3A_3 = vector.shape_cast %get3A_2 : vector<1x2560x128xf32> to vector<2560x128xf32>
    %reshape3A = vector.shape_cast %get3A_3 : vector<2560x128xf32> to vector<128x20x128xf32>
    %slice3A = vector.extract_strided_slice %reshape3A {offsets = [0, 0, 0], sizes = [128, 20, 64], strides = [1, 1, 1]} : vector<128x20x128xf32> to vector<128x20x64xf32>
    %get3A_4 = arith.constant 0 : index
    %get3A_5 = arith.constant 0 : index
    %get3A_6 = arith.constant 0 : index
    %get3A_7 = vector.load %arg3[%get3A_4, %get3A_5, %get3A_6] : memref<1x128x64xf32, #tpu.memory_space<vmem>>, vector<1x128x64xf32>
    %get3A_8 = vector.shape_cast %get3A_7 : vector<1x128x64xf32> to vector<128x64xf32>
    %broadcast_in_dim3A = vector.shape_cast %get3A_8 : vector<128x64xf32> to vector<128x1x64xf32>
    %broadcast_in_dim3A_9 = vector.shape_cast %broadcast_in_dim3A : vector<128x1x64xf32> to vector<128x1x64xf32>
    %broadcast_in_dim3A_10 = vector.broadcast %broadcast_in_dim3A_9 : vector<128x1x64xf32> to vector<128x20x64xf32>
    %sub3A = arith.subf %slice3A, %broadcast_in_dim3A_10 : vector<128x20x64xf32>
    %concatenate3A = tpu.concatenate %sub3A, %broadcast_in_dim3A_10 in 2 : vector<128x20x64xf32>, vector<128x20x64xf32> -> vector<128x20x128xf32>
    %reshape3A_11 = vector.shape_cast %concatenate3A : vector<128x20x128xf32> to vector<2560x128xf32>
    %get3A_12 = arith.constant 0 : index
    %get3A_13 = arith.constant 0 : index
    %get3A_14 = vector.load %arg4[%get3A_12, %get3A_13] : memref<64x128xf32, #tpu.memory_space<vmem>>, vector<64x128xf32>
    %dot_general3A = arith.constant dense<0.000000e+00> : vector<2560x64xf32>
    %dot_general3A_15 = tpu.matmul %reshape3A_11, %get3A_14, %dot_general3A {dimension_numbers = #tpu.dot_dimension_numbers<[1], [1], [0], [0], [0, 0, 1, 0], [], []>, transpose_lhs_hint = false} : vector<2560x128xf32>, vector<64x128xf32>, vector<2560x64xf32> -> vector<2560x64xf32>
    %reshape3A_16 = vector.shape_cast %dot_general3A_15 : vector<2560x64xf32> to vector<128x20x64xf32>
    %reduce_max3A = arith.constant dense<0xFF800000> : vector<128x64xf32>
    %reduce_max3A_17 = vector.multi_reduction <maximumf>, %reshape3A_16, %reduce_max3A [1] : vector<128x20x64xf32> to vector<128x64xf32>
    %swap3A = arith.constant 0 : index
    %swap3A_18 = arith.constant 0 : index
    %swap3A_19 = arith.constant 0 : index
    %swap3A_20 = vector.load %arg5[%swap3A, %swap3A_18, %swap3A_19] : memref<1x128x64xf32, #tpu.memory_space<vmem>>, vector<1x128x64xf32>
    %swap3A_21 = vector.shape_cast %swap3A_20 : vector<1x128x64xf32> to vector<128x64xf32>
    %swap3A_22 = vector.shape_cast %reduce_max3A_17 : vector<128x64xf32> to vector<1x128x64xf32>
    tpu.vector_store %arg5[%swap3A, %swap3A_18, %swap3A_19], %swap3A_22 {strides = array<i32>} : memref<1x128x64xf32, #tpu.memory_space<vmem>>, vector<1x128x64xf32>,
    return
  }
  func.func @transform_0(%arg0: i32, %arg1: i32) -> (i32, i32, i32) {
    %c0_i32 = arith.constant 0 : i32
    %c0_i32_0 = arith.constant 0 : i32
    return %arg0, %arg1, %c0_i32 : i32, i32, i32
  }
  func.func @transform_1(%arg0: i32, %arg1: i32) -> (i32, i32, i32) {
    %c0_i32 = arith.constant 0 : i32
    %c0_i32_0 = arith.constant 0 : i32
    return %arg0, %arg1, %c0_i32 : i32, i32, i32
  }
  func.func @transform_2(%arg0: i32, %arg1: i32) -> (i32, i32) {
    %c0_i32 = arith.constant 0 : i32
    %c0_i32_0 = arith.constant 0 : i32
    %c0_i32_1 = arith.constant 0 : i32
    return %c0_i32, %c0_i32_0 : i32, i32
  }
  func.func @transform_3(%arg0: i32, %arg1: i32) -> (i32, i32, i32) {
    %c0_i32 = arith.constant 0 : i32
    %c0_i32_0 = arith.constant 0 : i32
    return %arg0, %arg1, %c0_i32 : i32, i32, i32
  }
}

module attributes {stable_mosaic.version = 14 : i64} {
  func.func @_conv_body(%arg0: i32, %arg1: i32, %arg2: memref<1x2560x128xf32, #tpu.memory_space<vmem>>, %arg3: memref<1x128x64xf32, #tpu.memory_space<vmem>>, %arg4: memref<128x128xf32, #tpu.memory_space<vmem>>, %arg5: memref<1x128x128xf32, #tpu.memory_space<vmem>>) attributes {dimension_semantics = [#tpu.dimension_semantics<arbitrary>, #tpu.dimension_semantics<arbitrary>], iteration_bounds = array<i64: 32, 8>, scalar_prefetch = 0 : i64, scratch_operands = 0 : i64, tpu.core_type = #tpu.core_type<tc>, window_params = [{transform_indices = @transform_0, window_bounds = array<i64: 1, 2560, 128>}, {transform_indices = @transform_1, window_bounds = array<i64: 1, 128, 64>}, {pipeline_mode = #tpu.pipeline_mode<synchronous>, transform_indices = @transform_2, window_bounds = array<i64: 128, 128>}, {transform_indices = @transform_3, window_bounds = array<i64: 1, 128, 128>}]} {
    %get3A = arith.constant 0 : index
    %get3A_0 = arith.constant 0 : index
    %get3A_1 = arith.constant 0 : index
    %get3A_2 = vector.load %arg2[%get3A, %get3A_0, %get3A_1] : memref<1x2560x128xf32, #tpu.memory_space<vmem>>, vector<1x2560x128xf32>
    %get3A_3 = vector.shape_cast %get3A_2 : vector<1x2560x128xf32> to vector<2560x128xf32>
    %reshape3A = vector.shape_cast %get3A_3 : vector<2560x128xf32> to vector<128x20x128xf32>
    %slice3A = vector.extract_strided_slice %reshape3A {offsets = [0, 0, 0], sizes = [128, 20, 64], strides = [1, 1, 1]} : vector<128x20x128xf32> to vector<128x20x64xf32>
    %get3A_4 = arith.constant 0 : index
    %get3A_5 = arith.constant 0 : index
    %get3A_6 = arith.constant 0 : index
    %get3A_7 = vector.load %arg3[%get3A_4, %get3A_5, %get3A_6] : memref<1x128x64xf32, #tpu.memory_space<vmem>>, vector<1x128x64xf32>
    %get3A_8 = vector.shape_cast %get3A_7 : vector<1x128x64xf32> to vector<128x64xf32>
    %broadcast_in_dim3A = vector.shape_cast %get3A_8 : vector<128x64xf32> to vector<128x1x64xf32>
    %broadcast_in_dim3A_9 = vector.shape_cast %broadcast_in_dim3A : vector<128x1x64xf32> to vector<128x1x64xf32>
    %broadcast_in_dim3A_10 = vector.broadcast %broadcast_in_dim3A_9 : vector<128x1x64xf32> to vector<128x20x64xf32>
    %sub3A = arith.subf %slice3A, %broadcast_in_dim3A_10 : vector<128x20x64xf32>
    %concatenate3A = tpu.concatenate %sub3A, %broadcast_in_dim3A_10 in 2 : vector<128x20x64xf32>, vector<128x20x64xf32> -> vector<128x20x128xf32>
    %reshape3A_11 = vector.shape_cast %concatenate3A : vector<128x20x128xf32> to vector<2560x128xf32>
    %get3A_12 = arith.constant 0 : index
    %get3A_13 = arith.constant 0 : index
    %get3A_14 = vector.load %arg4[%get3A_12, %get3A_13] : memref<128x128xf32, #tpu.memory_space<vmem>>, vector<128x128xf32>
    %dot_general3A = arith.constant dense<0.000000e+00> : vector<2560x128xf32>
    %dot_general3A_15 = tpu.matmul %reshape3A_11, %get3A_14, %dot_general3A {dimension_numbers = #tpu.dot_dimension_numbers<[1], [1], [0], [0], [0, 0, 1, 0], [], []>, transpose_lhs_hint = false} : vector<2560x128xf32>, vector<128x128xf32>, vector<2560x128xf32> -> vector<2560x128xf32>
    %reshape3A_16 = vector.shape_cast %dot_general3A_15 : vector<2560x128xf32> to vector<128x20x128xf32>
    %reduce_max3A = arith.constant dense<0xFF800000> : vector<128x128xf32>
    %reduce_max3A_17 = vector.multi_reduction <maximumf>, %reshape3A_16, %reduce_max3A [1] : vector<128x20x128xf32> to vector<128x128xf32>
    %swap3A = arith.constant 0 : index
    %swap3A_18 = arith.constant 0 : index
    %swap3A_19 = arith.constant 0 : index
    %swap3A_20 = vector.load %arg5[%swap3A, %swap3A_18, %swap3A_19] : memref<1x128x128xf32, #tpu.memory_space<vmem>>, vector<1x128x128xf32>
    %swap3A_21 = vector.shape_cast %swap3A_20 : vector<1x128x128xf32> to vector<128x128xf32>
    %swap3A_22 = vector.shape_cast %reduce_max3A_17 : vector<128x128xf32> to vector<1x128x128xf32>
    tpu.vector_store %arg5[%swap3A, %swap3A_18, %swap3A_19], %swap3A_22 {strides = array<i32>} : memref<1x128x128xf32, #tpu.memory_space<vmem>>, vector<1x128x128xf32>,
    return
  }
  func.func @transform_0(%arg0: i32, %arg1: i32) -> (i32, i32, i32) {
    %c0_i32 = arith.constant 0 : i32
    %c0_i32_0 = arith.constant 0 : i32
    return %arg0, %arg1, %c0_i32 : i32, i32, i32
  }
  func.func @transform_1(%arg0: i32, %arg1: i32) -> (i32, i32, i32) {
    %c0_i32 = arith.constant 0 : i32
    %c0_i32_0 = arith.constant 0 : i32
    return %arg0, %arg1, %c0_i32 : i32, i32, i32
  }
  func.func @transform_2(%arg0: i32, %arg1: i32) -> (i32, i32) {
    %c0_i32 = arith.constant 0 : i32
    %c0_i32_0 = arith.constant 0 : i32
    %c0_i32_1 = arith.constant 0 : i32
    return %c0_i32, %c0_i32_0 : i32, i32
  }
  func.func @transform_3(%arg0: i32, %arg1: i32) -> (i32, i32, i32) {
    %c0_i32 = arith.constant 0 : i32
    %c0_i32_0 = arith.constant 0 : i32
    return %arg0, %arg1, %c0_i32 : i32, i32, i32
  }
}

module attributes {stable_mosaic.version = 14 : i64} {
  func.func @_apply_body(%arg0: i32, %arg1: memref<1x1024x128xf32, #tpu.memory_space<vmem>>, %arg2: memref<128xf32, #tpu.memory_space<vmem>>, %arg3: memref<128xf32, #tpu.memory_space<vmem>>, %arg4: memref<128xf32, #tpu.memory_space<vmem>>, %arg5: memref<128xf32, #tpu.memory_space<vmem>>, %arg6: memref<1x1024x128xf32, #tpu.memory_space<vmem>>) attributes {dimension_semantics = [#tpu.dimension_semantics<arbitrary>], iteration_bounds = array<i64: 32>, scalar_prefetch = 0 : i64, scratch_operands = 0 : i64, tpu.core_type = #tpu.core_type<tc>, window_params = [{transform_indices = @transform_0, window_bounds = array<i64: 1, 1024, 128>}, {pipeline_mode = #tpu.pipeline_mode<synchronous>, transform_indices = @transform_1, window_bounds = array<i64: 128>}, {pipeline_mode = #tpu.pipeline_mode<synchronous>, transform_indices = @transform_2, window_bounds = array<i64: 128>}, {pipeline_mode = #tpu.pipeline_mode<synchronous>, transform_indices = @transform_3, window_bounds = array<i64: 128>}, {pipeline_mode = #tpu.pipeline_mode<synchronous>, transform_indices = @transform_4, window_bounds = array<i64: 128>}, {transform_indices = @transform_5, window_bounds = array<i64: 1, 1024, 128>}]} {
    %get3A = arith.constant 0 : index
    %get3A_0 = vector.load %arg3[%get3A] : memref<128xf32, #tpu.memory_space<vmem>>, vector<128xf32>
    %add3A = arith.constant 9.99999974E-6 : f32
    %add3A_1 = vector.broadcast %add3A : f32 to vector<128xf32>
    %add3A_2 = arith.addf %get3A_0, %add3A_1 : vector<128xf32>
    %rsqrt3A = math.rsqrt %add3A_2 : vector<128xf32>
    %get3A_3 = arith.constant 0 : index
    %get3A_4 = vector.load %arg4[%get3A_3] : memref<128xf32, #tpu.memory_space<vmem>>, vector<128xf32>
    %mul3A = arith.mulf %rsqrt3A, %get3A_4 : vector<128xf32>
    %get3A_5 = arith.constant 0 : index
    %get3A_6 = arith.constant 0 : index
    %get3A_7 = arith.constant 0 : index
    %get3A_8 = vector.load %arg1[%get3A_5, %get3A_6, %get3A_7] : memref<1x1024x128xf32, #tpu.memory_space<vmem>>, vector<1x1024x128xf32>
    %get3A_9 = vector.shape_cast %get3A_8 : vector<1x1024x128xf32> to vector<1024x128xf32>
    %get3A_10 = arith.constant 0 : index
    %get3A_11 = vector.load %arg2[%get3A_10] : memref<128xf32, #tpu.memory_space<vmem>>, vector<128xf32>
    %broadcast_in_dim3A = vector.shape_cast %get3A_11 : vector<128xf32> to vector<1x128xf32>
    %sub3A = vector.broadcast %broadcast_in_dim3A : vector<1x128xf32> to vector<1024x128xf32>
    %sub3A_12 = arith.subf %get3A_9, %sub3A : vector<1024x128xf32>
    %broadcast_in_dim3A_13 = vector.shape_cast %mul3A : vector<128xf32> to vector<1x128xf32>
    %mul3A_14 = vector.broadcast %broadcast_in_dim3A_13 : vector<1x128xf32> to vector<1024x128xf32>
    %mul3A_15 = arith.mulf %sub3A_12, %mul3A_14 : vector<1024x128xf32>
    %get3A_16 = arith.constant 0 : index
    %get3A_17 = vector.load %arg5[%get3A_16] : memref<128xf32, #tpu.memory_space<vmem>>, vector<128xf32>
    %broadcast_in_dim3A_18 = vector.shape_cast %get3A_17 : vector<128xf32> to vector<1x128xf32>
    %add3A_19 = vector.broadcast %broadcast_in_dim3A_18 : vector<1x128xf32> to vector<1024x128xf32>
    %add3A_20 = arith.addf %mul3A_15, %add3A_19 : vector<1024x128xf32>
    %ge3A = arith.constant 0.000000e+00 : f32
    %ge3A_21 = vector.broadcast %ge3A : f32 to vector<1024x128xf32>
    %ge3A_22 = arith.cmpf oge, %add3A_20, %ge3A_21 : vector<1024x128xf32>
    %mul3A_23 = arith.constant 2.000000e-01 : f32
    %mul3A_24 = vector.broadcast %mul3A_23 : f32 to vector<1024x128xf32>
    %mul3A_25 = arith.mulf %mul3A_24, %add3A_20 : vector<1024x128xf32>
    %select_n3A = arith.select %ge3A_22, %add3A_20, %mul3A_25 : vector<1024x128xi1>, vector<1024x128xf32>
    %swap3A = arith.constant 0 : index
    %swap3A_26 = arith.constant 0 : index
    %swap3A_27 = arith.constant 0 : index
    %swap3A_28 = vector.load %arg6[%swap3A, %swap3A_26, %swap3A_27] : memref<1x1024x128xf32, #tpu.memory_space<vmem>>, vector<1x1024x128xf32>
    %swap3A_29 = vector.shape_cast %swap3A_28 : vector<1x1024x128xf32> to vector<1024x128xf32>
    %swap3A_30 = vector.shape_cast %select_n3A : vector<1024x128xf32> to vector<1x1024x128xf32>
    tpu.vector_store %arg6[%swap3A, %swap3A_26, %swap3A_27], %swap3A_30 {strides = array<i32>} : memref<1x1024x128xf32, #tpu.memory_space<vmem>>, vector<1x1024x128xf32>,
    return
  }
  func.func @transform_0(%arg0: i32) -> (i32, i32, i32) {
    %c0_i32 = arith.constant 0 : i32
    %c0_i32_0 = arith.constant 0 : i32
    %c0_i32_1 = arith.constant 0 : i32
    return %arg0, %c0_i32, %c0_i32_0 : i32, i32, i32
  }
  func.func @transform_1(%arg0: i32) -> i32 {
    %c0_i32 = arith.constant 0 : i32
    %c0_i32_0 = arith.constant 0 : i32
    return %c0_i32 : i32
  }
  func.func @transform_2(%arg0: i32) -> i32 {
    %c0_i32 = arith.constant 0 : i32
    %c0_i32_0 = arith.constant 0 : i32
    return %c0_i32 : i32
  }
  func.func @transform_3(%arg0: i32) -> i32 {
    %c0_i32 = arith.constant 0 : i32
    %c0_i32_0 = arith.constant 0 : i32
    return %c0_i32 : i32
  }
  func.func @transform_4(%arg0: i32) -> i32 {
    %c0_i32 = arith.constant 0 : i32
    %c0_i32_0 = arith.constant 0 : i32
    return %c0_i32 : i32
  }
  func.func @transform_5(%arg0: i32) -> (i32, i32, i32) {
    %c0_i32 = arith.constant 0 : i32
    %c0_i32_0 = arith.constant 0 : i32
    %c0_i32_1 = arith.constant 0 : i32
    return %arg0, %c0_i32, %c0_i32_0 : i32, i32, i32
  }
}

module attributes {stable_mosaic.version = 14 : i64} {
  func.func @_dist_topk_body(%arg0: i32, %arg1: memref<1x1024x128xf32, #tpu.memory_space<vmem>>, %arg2: memref<1x1024x1xf32, #tpu.memory_space<vmem>>, %arg3: memref<1x1024x32xi32, #tpu.memory_space<vmem>>) attributes {dimension_semantics = [#tpu.dimension_semantics<arbitrary>], iteration_bounds = array<i64: 32>, scalar_prefetch = 0 : i64, scratch_operands = 0 : i64, tpu.core_type = #tpu.core_type<tc>, window_params = [{transform_indices = @transform_0, window_bounds = array<i64: 1, 1024, 128>}, {transform_indices = @transform_1, window_bounds = array<i64: 1, 1024, 1>}, {transform_indices = @transform_2, window_bounds = array<i64: 1, 1024, 32>}]} {
    %get3A = arith.constant 0 : index
    %get3A_0 = arith.constant 0 : index
    %get3A_1 = arith.constant 0 : index
    %get3A_2 = vector.load %arg1[%get3A, %get3A_0, %get3A_1] : memref<1x1024x128xf32, #tpu.memory_space<vmem>>, vector<1x1024x128xf32>
    %get3A_3 = vector.shape_cast %get3A_2 : vector<1x1024x128xf32> to vector<1024x128xf32>
    %get3A_4 = arith.constant 0 : index
    %get3A_5 = arith.constant 0 : index
    %get3A_6 = arith.constant 0 : index
    %get3A_7 = vector.load %arg2[%get3A_4, %get3A_5, %get3A_6] : memref<1x1024x1xf32, #tpu.memory_space<vmem>>, vector<1x1024x1xf32>
    %get3A_8 = vector.shape_cast %get3A_7 : vector<1x1024x1xf32> to vector<1024x1xf32>
    %transpose3A = tpu.transpose %get3A_3, [1, 0] : vector<1024x128xf32> -> vector<128x1024xf32>
    %dot_general3A = arith.constant dense<0.000000e+00> : vector<1024x1024xf32>
    %dot_general3A_9 = tpu.matmul %get3A_3, %transpose3A, %dot_general3A {dimension_numbers = #tpu.dot_dimension_numbers<[1], [0], [0], [1], [0, 0, 1, 1], [], []>, transpose_lhs_hint = false} : vector<1024x128xf32>, vector<128x1024xf32>, vector<1024x1024xf32> -> vector<1024x1024xf32>
    %neg3A = arith.constant 0.000000e+00 : f32
    %neg3A_10 = vector.broadcast %neg3A : f32 to vector<1024x1xf32>
    %neg3A_11 = arith.subf %neg3A_10, %get3A_8 : vector<1024x1xf32>
    %mul3A = arith.constant 2.000000e+00 : f32
    %mul3A_12 = vector.broadcast %mul3A : f32 to vector<1024x1024xf32>
    %mul3A_13 = arith.mulf %mul3A_12, %dot_general3A_9 : vector<1024x1024xf32>
    %add3A = vector.broadcast %neg3A_11 : vector<1024x1xf32> to vector<1024x1024xf32>
    %add3A_14 = arith.addf %add3A, %mul3A_13 : vector<1024x1024xf32>
    %transpose3A_15 = tpu.transpose %get3A_8, [1, 0] : vector<1024x1xf32> -> vector<1x1024xf32>
    %sub3A = vector.broadcast %transpose3A_15 : vector<1x1024xf32> to vector<1024x1024xf32>
    %sub3A_16 = arith.subf %add3A_14, %sub3A : vector<1024x1024xf32>
    %iota3A = tpu.iota {dimensions = array<i32: 1>} : vector<1024x1024xi32>
    %reduce_max3A = arith.constant dense<0xFF800000> : vector<1024xf32>
    %reduce_max3A_17 = vector.multi_reduction <maximumf>, %sub3A_16, %reduce_max3A [1] : vector<1024x1024xf32> to vector<1024xf32>
    %broadcast_in_dim3A = vector.shape_cast %reduce_max3A_17 : vector<1024xf32> to vector<1024x1xf32>
    %eq3A = vector.broadcast %broadcast_in_dim3A : vector<1024x1xf32> to vector<1024x1024xf32>
    %eq3A_18 = arith.cmpf oeq, %sub3A_16, %eq3A : vector<1024x1024xf32>
    %jit3A = arith.constant 1024 : i32
    %broadcast_in_dim3A_19 = vector.broadcast %jit3A : i32 to vector<1024x1024xi32>
    %select_n3A = arith.select %eq3A_18, %iota3A, %broadcast_in_dim3A_19 : vector<1024x1024xi1>, vector<1024x1024xi32>
    %reduce_min3A = arith.constant dense<2147483647> : vector<1024xi32>
    %reduce_min3A_20 = vector.multi_reduction <minsi>, %select_n3A, %reduce_min3A [1] : vector<1024x1024xi32> to vector<1024xi32>
    %broadcast_in_dim3A_21 = vector.shape_cast %reduce_min3A_20 : vector<1024xi32> to vector<1024x1xi32>
    %eq3A_22 = vector.broadcast %broadcast_in_dim3A_21 : vector<1024x1xi32> to vector<1024x1024xi32>
    %eq3A_23 = arith.cmpi eq, %iota3A, %eq3A_22 : vector<1024x1024xi32>
    %jit3A_24 = arith.constant 0xFF800000 : f32
    %broadcast_in_dim3A_25 = vector.broadcast %jit3A_24 : f32 to vector<1024x1024xf32>
    %select_n3A_26 = arith.select %eq3A_23, %broadcast_in_dim3A_25, %sub3A_16 : vector<1024x1024xi1>, vector<1024x1024xf32>
    %reduce_max3A_27 = arith.constant dense<0xFF800000> : vector<1024xf32>
    %reduce_max3A_28 = vector.multi_reduction <maximumf>, %select_n3A_26, %reduce_max3A_27 [1] : vector<1024x1024xf32> to vector<1024xf32>
    %broadcast_in_dim3A_29 = vector.shape_cast %reduce_max3A_28 : vector<1024xf32> to vector<1024x1xf32>
    %eq3A_30 = vector.broadcast %broadcast_in_dim3A_29 : vector<1024x1xf32> to vector<1024x1024xf32>
    %eq3A_31 = arith.cmpf oeq, %select_n3A_26, %eq3A_30 : vector<1024x1024xf32>
    %jit3A_32 = arith.constant 1024 : i32
    %broadcast_in_dim3A_33 = vector.broadcast %jit3A_32 : i32 to vector<1024x1024xi32>
    %select_n3A_34 = arith.select %eq3A_31, %iota3A, %broadcast_in_dim3A_33 : vector<1024x1024xi1>, vector<1024x1024xi32>
    %reduce_min3A_35 = arith.constant dense<2147483647> : vector<1024xi32>
    %reduce_min3A_36 = vector.multi_reduction <minsi>, %select_n3A_34, %reduce_min3A_35 [1] : vector<1024x1024xi32> to vector<1024xi32>
    %broadcast_in_dim3A_37 = vector.shape_cast %reduce_min3A_36 : vector<1024xi32> to vector<1024x1xi32>
    %eq3A_38 = vector.broadcast %broadcast_in_dim3A_37 : vector<1024x1xi32> to vector<1024x1024xi32>
    %eq3A_39 = arith.cmpi eq, %iota3A, %eq3A_38 : vector<1024x1024xi32>
    %jit3A_40 = arith.constant 0xFF800000 : f32
    %broadcast_in_dim3A_41 = vector.broadcast %jit3A_40 : f32 to vector<1024x1024xf32>
    %select_n3A_42 = arith.select %eq3A_39, %broadcast_in_dim3A_41, %select_n3A_26 : vector<1024x1024xi1>, vector<1024x1024xf32>
    %reduce_max3A_43 = arith.constant dense<0xFF800000> : vector<1024xf32>
    %reduce_max3A_44 = vector.multi_reduction <maximumf>, %select_n3A_42, %reduce_max3A_43 [1] : vector<1024x1024xf32> to vector<1024xf32>
    %broadcast_in_dim3A_45 = vector.shape_cast %reduce_max3A_44 : vector<1024xf32> to vector<1024x1xf32>
    %eq3A_46 = vector.broadcast %broadcast_in_dim3A_45 : vector<1024x1xf32> to vector<1024x1024xf32>
    %eq3A_47 = arith.cmpf oeq, %select_n3A_42, %eq3A_46 : vector<1024x1024xf32>
    %jit3A_48 = arith.constant 1024 : i32
    %broadcast_in_dim3A_49 = vector.broadcast %jit3A_48 : i32 to vector<1024x1024xi32>
    %select_n3A_50 = arith.select %eq3A_47, %iota3A, %broadcast_in_dim3A_49 : vector<1024x1024xi1>, vector<1024x1024xi32>
    %reduce_min3A_51 = arith.constant dense<2147483647> : vector<1024xi32>
    %reduce_min3A_52 = vector.multi_reduction <minsi>, %select_n3A_50, %reduce_min3A_51 [1] : vector<1024x1024xi32> to vector<1024xi32>
    %broadcast_in_dim3A_53 = vector.shape_cast %reduce_min3A_52 : vector<1024xi32> to vector<1024x1xi32>
    %eq3A_54 = vector.broadcast %broadcast_in_dim3A_53 : vector<1024x1xi32> to vector<1024x1024xi32>
    %eq3A_55 = arith.cmpi eq, %iota3A, %eq3A_54 : vector<1024x1024xi32>
    %jit3A_56 = arith.constant 0xFF800000 : f32
    %broadcast_in_dim3A_57 = vector.broadcast %jit3A_56 : f32 to vector<1024x1024xf32>
    %select_n3A_58 = arith.select %eq3A_55, %broadcast_in_dim3A_57, %select_n3A_42 : vector<1024x1024xi1>, vector<1024x1024xf32>
    %reduce_max3A_59 = arith.constant dense<0xFF800000> : vector<1024xf32>
    %reduce_max3A_60 = vector.multi_reduction <maximumf>, %select_n3A_58, %reduce_max3A_59 [1] : vector<1024x1024xf32> to vector<1024xf32>
    %broadcast_in_dim3A_61 = vector.shape_cast %reduce_max3A_60 : vector<1024xf32> to vector<1024x1xf32>
    %eq3A_62 = vector.broadcast %broadcast_in_dim3A_61 : vector<1024x1xf32> to vector<1024x1024xf32>
    %eq3A_63 = arith.cmpf oeq, %select_n3A_58, %eq3A_62 : vector<1024x1024xf32>
    %jit3A_64 = arith.constant 1024 : i32
    %broadcast_in_dim3A_65 = vector.broadcast %jit3A_64 : i32 to vector<1024x1024xi32>
    %select_n3A_66 = arith.select %eq3A_63, %iota3A, %broadcast_in_dim3A_65 : vector<1024x1024xi1>, vector<1024x1024xi32>
    %reduce_min3A_67 = arith.constant dense<2147483647> : vector<1024xi32>
    %reduce_min3A_68 = vector.multi_reduction <minsi>, %select_n3A_66, %reduce_min3A_67 [1] : vector<1024x1024xi32> to vector<1024xi32>
    %broadcast_in_dim3A_69 = vector.shape_cast %reduce_min3A_68 : vector<1024xi32> to vector<1024x1xi32>
    %eq3A_70 = vector.broadcast %broadcast_in_dim3A_69 : vector<1024x1xi32> to vector<1024x1024xi32>
    %eq3A_71 = arith.cmpi eq, %iota3A, %eq3A_70 : vector<1024x1024xi32>
    %jit3A_72 = arith.constant 0xFF800000 : f32
    %broadcast_in_dim3A_73 = vector.broadcast %jit3A_72 : f32 to vector<1024x1024xf32>
    %select_n3A_74 = arith.select %eq3A_71, %broadcast_in_dim3A_73, %select_n3A_58 : vector<1024x1024xi1>, vector<1024x1024xf32>
    %reduce_max3A_75 = arith.constant dense<0xFF800000> : vector<1024xf32>
    %reduce_max3A_76 = vector.multi_reduction <maximumf>, %select_n3A_74, %reduce_max3A_75 [1] : vector<1024x1024xf32> to vector<1024xf32>
    %broadcast_in_dim3A_77 = vector.shape_cast %reduce_max3A_76 : vector<1024xf32> to vector<1024x1xf32>
    %eq3A_78 = vector.broadcast %broadcast_in_dim3A_77 : vector<1024x1xf32> to vector<1024x1024xf32>
    %eq3A_79 = arith.cmpf oeq, %select_n3A_74, %eq3A_78 : vector<1024x1024xf32>
    %jit3A_80 = arith.constant 1024 : i32
    %broadcast_in_dim3A_81 = vector.broadcast %jit3A_80 : i32 to vector<1024x1024xi32>
    %select_n3A_82 = arith.select %eq3A_79, %iota3A, %broadcast_in_dim3A_81 : vector<1024x1024xi1>, vector<1024x1024xi32>
    %reduce_min3A_83 = arith.constant dense<2147483647> : vector<1024xi32>
    %reduce_min3A_84 = vector.multi_reduction <minsi>, %select_n3A_82, %reduce_min3A_83 [1] : vector<1024x1024xi32> to vector<1024xi32>
    %broadcast_in_dim3A_85 = vector.shape_cast %reduce_min3A_84 : vector<1024xi32> to vector<1024x1xi32>
    %eq3A_86 = vector.broadcast %broadcast_in_dim3A_85 : vector<1024x1xi32> to vector<1024x1024xi32>
    %eq3A_87 = arith.cmpi eq, %iota3A, %eq3A_86 : vector<1024x1024xi32>
    %jit3A_88 = arith.constant 0xFF800000 : f32
    %broadcast_in_dim3A_89 = vector.broadcast %jit3A_88 : f32 to vector<1024x1024xf32>
    %select_n3A_90 = arith.select %eq3A_87, %broadcast_in_dim3A_89, %select_n3A_74 : vector<1024x1024xi1>, vector<1024x1024xf32>
    %reduce_max3A_91 = arith.constant dense<0xFF800000> : vector<1024xf32>
    %reduce_max3A_92 = vector.multi_reduction <maximumf>, %select_n3A_90, %reduce_max3A_91 [1] : vector<1024x1024xf32> to vector<1024xf32>
    %broadcast_in_dim3A_93 = vector.shape_cast %reduce_max3A_92 : vector<1024xf32> to vector<1024x1xf32>
    %eq3A_94 = vector.broadcast %broadcast_in_dim3A_93 : vector<1024x1xf32> to vector<1024x1024xf32>
    %eq3A_95 = arith.cmpf oeq, %select_n3A_90, %eq3A_94 : vector<1024x1024xf32>
    %jit3A_96 = arith.constant 1024 : i32
    %broadcast_in_dim3A_97 = vector.broadcast %jit3A_96 : i32 to vector<1024x1024xi32>
    %select_n3A_98 = arith.select %eq3A_95, %iota3A, %broadcast_in_dim3A_97 : vector<1024x1024xi1>, vector<1024x1024xi32>
    %reduce_min3A_99 = arith.constant dense<2147483647> : vector<1024xi32>
    %reduce_min3A_100 = vector.multi_reduction <minsi>, %select_n3A_98, %reduce_min3A_99 [1] : vector<1024x1024xi32> to vector<1024xi32>
    %broadcast_in_dim3A_101 = vector.shape_cast %reduce_min3A_100 : vector<1024xi32> to vector<1024x1xi32>
    %eq3A_102 = vector.broadcast %broadcast_in_dim3A_101 : vector<1024x1xi32> to vector<1024x1024xi32>
    %eq3A_103 = arith.cmpi eq, %iota3A, %eq3A_102 : vector<1024x1024xi32>
    %jit3A_104 = arith.constant 0xFF800000 : f32
    %broadcast_in_dim3A_105 = vector.broadcast %jit3A_104 : f32 to vector<1024x1024xf32>
    %select_n3A_106 = arith.select %eq3A_103, %broadcast_in_dim3A_105, %select_n3A_90 : vector<1024x1024xi1>, vector<1024x1024xf32>
    %reduce_max3A_107 = arith.constant dense<0xFF800000> : vector<1024xf32>
    %reduce_max3A_108 = vector.multi_reduction <maximumf>, %select_n3A_106, %reduce_max3A_107 [1] : vector<1024x1024xf32> to vector<1024xf32>
    %broadcast_in_dim3A_109 = vector.shape_cast %reduce_max3A_108 : vector<1024xf32> to vector<1024x1xf32>
    %eq3A_110 = vector.broadcast %broadcast_in_dim3A_109 : vector<1024x1xf32> to vector<1024x1024xf32>
    %eq3A_111 = arith.cmpf oeq, %select_n3A_106, %eq3A_110 : vector<1024x1024xf32>
    %jit3A_112 = arith.constant 1024 : i32
    %broadcast_in_dim3A_113 = vector.broadcast %jit3A_112 : i32 to vector<1024x1024xi32>
    %select_n3A_114 = arith.select %eq3A_111, %iota3A, %broadcast_in_dim3A_113 : vector<1024x1024xi1>, vector<1024x1024xi32>
    %reduce_min3A_115 = arith.constant dense<2147483647> : vector<1024xi32>
    %reduce_min3A_116 = vector.multi_reduction <minsi>, %select_n3A_114, %reduce_min3A_115 [1] : vector<1024x1024xi32> to vector<1024xi32>
    %broadcast_in_dim3A_117 = vector.shape_cast %reduce_min3A_116 : vector<1024xi32> to vector<1024x1xi32>
    %eq3A_118 = vector.broadcast %broadcast_in_dim3A_117 : vector<1024x1xi32> to vector<1024x1024xi32>
    %eq3A_119 = arith.cmpi eq, %iota3A, %eq3A_118 : vector<1024x1024xi32>
    %jit3A_120 = arith.constant 0xFF800000 : f32
    %broadcast_in_dim3A_121 = vector.broadcast %jit3A_120 : f32 to vector<1024x1024xf32>
    %select_n3A_122 = arith.select %eq3A_119, %broadcast_in_dim3A_121, %select_n3A_106 : vector<1024x1024xi1>, vector<1024x1024xf32>
    %reduce_max3A_123 = arith.constant dense<0xFF800000> : vector<1024xf32>
    %reduce_max3A_124 = vector.multi_reduction <maximumf>, %select_n3A_122, %reduce_max3A_123 [1] : vector<1024x1024xf32> to vector<1024xf32>
    %broadcast_in_dim3A_125 = vector.shape_cast %reduce_max3A_124 : vector<1024xf32> to vector<1024x1xf32>
    %eq3A_126 = vector.broadcast %broadcast_in_dim3A_125 : vector<1024x1xf32> to vector<1024x1024xf32>
    %eq3A_127 = arith.cmpf oeq, %select_n3A_122, %eq3A_126 : vector<1024x1024xf32>
    %jit3A_128 = arith.constant 1024 : i32
    %broadcast_in_dim3A_129 = vector.broadcast %jit3A_128 : i32 to vector<1024x1024xi32>
    %select_n3A_130 = arith.select %eq3A_127, %iota3A, %broadcast_in_dim3A_129 : vector<1024x1024xi1>, vector<1024x1024xi32>
    %reduce_min3A_131 = arith.constant dense<2147483647> : vector<1024xi32>
    %reduce_min3A_132 = vector.multi_reduction <minsi>, %select_n3A_130, %reduce_min3A_131 [1] : vector<1024x1024xi32> to vector<1024xi32>
    %broadcast_in_dim3A_133 = vector.shape_cast %reduce_min3A_132 : vector<1024xi32> to vector<1024x1xi32>
    %eq3A_134 = vector.broadcast %broadcast_in_dim3A_133 : vector<1024x1xi32> to vector<1024x1024xi32>
    %eq3A_135 = arith.cmpi eq, %iota3A, %eq3A_134 : vector<1024x1024xi32>
    %jit3A_136 = arith.constant 0xFF800000 : f32
    %broadcast_in_dim3A_137 = vector.broadcast %jit3A_136 : f32 to vector<1024x1024xf32>
    %select_n3A_138 = arith.select %eq3A_135, %broadcast_in_dim3A_137, %select_n3A_122 : vector<1024x1024xi1>, vector<1024x1024xf32>
    %reduce_max3A_139 = arith.constant dense<0xFF800000> : vector<1024xf32>
    %reduce_max3A_140 = vector.multi_reduction <maximumf>, %select_n3A_138, %reduce_max3A_139 [1] : vector<1024x1024xf32> to vector<1024xf32>
    %broadcast_in_dim3A_141 = vector.shape_cast %reduce_max3A_140 : vector<1024xf32> to vector<1024x1xf32>
    %eq3A_142 = vector.broadcast %broadcast_in_dim3A_141 : vector<1024x1xf32> to vector<1024x1024xf32>
    %eq3A_143 = arith.cmpf oeq, %select_n3A_138, %eq3A_142 : vector<1024x1024xf32>
    %jit3A_144 = arith.constant 1024 : i32
    %broadcast_in_dim3A_145 = vector.broadcast %jit3A_144 : i32 to vector<1024x1024xi32>
    %select_n3A_146 = arith.select %eq3A_143, %iota3A, %broadcast_in_dim3A_145 : vector<1024x1024xi1>, vector<1024x1024xi32>
    %reduce_min3A_147 = arith.constant dense<2147483647> : vector<1024xi32>
    %reduce_min3A_148 = vector.multi_reduction <minsi>, %select_n3A_146, %reduce_min3A_147 [1] : vector<1024x1024xi32> to vector<1024xi32>
    %broadcast_in_dim3A_149 = vector.shape_cast %reduce_min3A_148 : vector<1024xi32> to vector<1024x1xi32>
    %eq3A_150 = vector.broadcast %broadcast_in_dim3A_149 : vector<1024x1xi32> to vector<1024x1024xi32>
    %eq3A_151 = arith.cmpi eq, %iota3A, %eq3A_150 : vector<1024x1024xi32>
    %jit3A_152 = arith.constant 0xFF800000 : f32
    %broadcast_in_dim3A_153 = vector.broadcast %jit3A_152 : f32 to vector<1024x1024xf32>
    %select_n3A_154 = arith.select %eq3A_151, %broadcast_in_dim3A_153, %select_n3A_138 : vector<1024x1024xi1>, vector<1024x1024xf32>
    %reduce_max3A_155 = arith.constant dense<0xFF800000> : vector<1024xf32>
    %reduce_max3A_156 = vector.multi_reduction <maximumf>, %select_n3A_154, %reduce_max3A_155 [1] : vector<1024x1024xf32> to vector<1024xf32>
    %broadcast_in_dim3A_157 = vector.shape_cast %reduce_max3A_156 : vector<1024xf32> to vector<1024x1xf32>
    %eq3A_158 = vector.broadcast %broadcast_in_dim3A_157 : vector<1024x1xf32> to vector<1024x1024xf32>
    %eq3A_159 = arith.cmpf oeq, %select_n3A_154, %eq3A_158 : vector<1024x1024xf32>
    %jit3A_160 = arith.constant 1024 : i32
    %broadcast_in_dim3A_161 = vector.broadcast %jit3A_160 : i32 to vector<1024x1024xi32>
    %select_n3A_162 = arith.select %eq3A_159, %iota3A, %broadcast_in_dim3A_161 : vector<1024x1024xi1>, vector<1024x1024xi32>
    %reduce_min3A_163 = arith.constant dense<2147483647> : vector<1024xi32>
    %reduce_min3A_164 = vector.multi_reduction <minsi>, %select_n3A_162, %reduce_min3A_163 [1] : vector<1024x1024xi32> to vector<1024xi32>
    %broadcast_in_dim3A_165 = vector.shape_cast %reduce_min3A_164 : vector<1024xi32> to vector<1024x1xi32>
    %eq3A_166 = vector.broadcast %broadcast_in_dim3A_165 : vector<1024x1xi32> to vector<1024x1024xi32>
    %eq3A_167 = arith.cmpi eq, %iota3A, %eq3A_166 : vector<1024x1024xi32>
    %jit3A_168 = arith.constant 0xFF800000 : f32
    %broadcast_in_dim3A_169 = vector.broadcast %jit3A_168 : f32 to vector<1024x1024xf32>
    %select_n3A_170 = arith.select %eq3A_167, %broadcast_in_dim3A_169, %select_n3A_154 : vector<1024x1024xi1>, vector<1024x1024xf32>
    %reduce_max3A_171 = arith.constant dense<0xFF800000> : vector<1024xf32>
    %reduce_max3A_172 = vector.multi_reduction <maximumf>, %select_n3A_170, %reduce_max3A_171 [1] : vector<1024x1024xf32> to vector<1024xf32>
    %broadcast_in_dim3A_173 = vector.shape_cast %reduce_max3A_172 : vector<1024xf32> to vector<1024x1xf32>
    %eq3A_174 = vector.broadcast %broadcast_in_dim3A_173 : vector<1024x1xf32> to vector<1024x1024xf32>
    %eq3A_175 = arith.cmpf oeq, %select_n3A_170, %eq3A_174 : vector<1024x1024xf32>
    %jit3A_176 = arith.constant 1024 : i32
    %broadcast_in_dim3A_177 = vector.broadcast %jit3A_176 : i32 to vector<1024x1024xi32>
    %select_n3A_178 = arith.select %eq3A_175, %iota3A, %broadcast_in_dim3A_177 : vector<1024x1024xi1>, vector<1024x1024xi32>
    %reduce_min3A_179 = arith.constant dense<2147483647> : vector<1024xi32>
    %reduce_min3A_180 = vector.multi_reduction <minsi>, %select_n3A_178, %reduce_min3A_179 [1] : vector<1024x1024xi32> to vector<1024xi32>
    %broadcast_in_dim3A_181 = vector.shape_cast %reduce_min3A_180 : vector<1024xi32> to vector<1024x1xi32>
    %eq3A_182 = vector.broadcast %broadcast_in_dim3A_181 : vector<1024x1xi32> to vector<1024x1024xi32>
    %eq3A_183 = arith.cmpi eq, %iota3A, %eq3A_182 : vector<1024x1024xi32>
    %jit3A_184 = arith.constant 0xFF800000 : f32
    %broadcast_in_dim3A_185 = vector.broadcast %jit3A_184 : f32 to vector<1024x1024xf32>
    %select_n3A_186 = arith.select %eq3A_183, %broadcast_in_dim3A_185, %select_n3A_170 : vector<1024x1024xi1>, vector<1024x1024xf32>
    %reduce_max3A_187 = arith.constant dense<0xFF800000> : vector<1024xf32>
    %reduce_max3A_188 = vector.multi_reduction <maximumf>, %select_n3A_186, %reduce_max3A_187 [1] : vector<1024x1024xf32> to vector<1024xf32>
    %broadcast_in_dim3A_189 = vector.shape_cast %reduce_max3A_188 : vector<1024xf32> to vector<1024x1xf32>
    %eq3A_190 = vector.broadcast %broadcast_in_dim3A_189 : vector<1024x1xf32> to vector<1024x1024xf32>
    %eq3A_191 = arith.cmpf oeq, %select_n3A_186, %eq3A_190 : vector<1024x1024xf32>
    %jit3A_192 = arith.constant 1024 : i32
    %broadcast_in_dim3A_193 = vector.broadcast %jit3A_192 : i32 to vector<1024x1024xi32>
    %select_n3A_194 = arith.select %eq3A_191, %iota3A, %broadcast_in_dim3A_193 : vector<1024x1024xi1>, vector<1024x1024xi32>
    %reduce_min3A_195 = arith.constant dense<2147483647> : vector<1024xi32>
    %reduce_min3A_196 = vector.multi_reduction <minsi>, %select_n3A_194, %reduce_min3A_195 [1] : vector<1024x1024xi32> to vector<1024xi32>
    %broadcast_in_dim3A_197 = vector.shape_cast %reduce_min3A_196 : vector<1024xi32> to vector<1024x1xi32>
    %eq3A_198 = vector.broadcast %broadcast_in_dim3A_197 : vector<1024x1xi32> to vector<1024x1024xi32>
    %eq3A_199 = arith.cmpi eq, %iota3A, %eq3A_198 : vector<1024x1024xi32>
    %jit3A_200 = arith.constant 0xFF800000 : f32
    %broadcast_in_dim3A_201 = vector.broadcast %jit3A_200 : f32 to vector<1024x1024xf32>
    %select_n3A_202 = arith.select %eq3A_199, %broadcast_in_dim3A_201, %select_n3A_186 : vector<1024x1024xi1>, vector<1024x1024xf32>
    %reduce_max3A_203 = arith.constant dense<0xFF800000> : vector<1024xf32>
    %reduce_max3A_204 = vector.multi_reduction <maximumf>, %select_n3A_202, %reduce_max3A_203 [1] : vector<1024x1024xf32> to vector<1024xf32>
    %broadcast_in_dim3A_205 = vector.shape_cast %reduce_max3A_204 : vector<1024xf32> to vector<1024x1xf32>
    %eq3A_206 = vector.broadcast %broadcast_in_dim3A_205 : vector<1024x1xf32> to vector<1024x1024xf32>
    %eq3A_207 = arith.cmpf oeq, %select_n3A_202, %eq3A_206 : vector<1024x1024xf32>
    %jit3A_208 = arith.constant 1024 : i32
    %broadcast_in_dim3A_209 = vector.broadcast %jit3A_208 : i32 to vector<1024x1024xi32>
    %select_n3A_210 = arith.select %eq3A_207, %iota3A, %broadcast_in_dim3A_209 : vector<1024x1024xi1>, vector<1024x1024xi32>
    %reduce_min3A_211 = arith.constant dense<2147483647> : vector<1024xi32>
    %reduce_min3A_212 = vector.multi_reduction <minsi>, %select_n3A_210, %reduce_min3A_211 [1] : vector<1024x1024xi32> to vector<1024xi32>
    %broadcast_in_dim3A_213 = vector.shape_cast %reduce_min3A_212 : vector<1024xi32> to vector<1024x1xi32>
    %eq3A_214 = vector.broadcast %broadcast_in_dim3A_213 : vector<1024x1xi32> to vector<1024x1024xi32>
    %eq3A_215 = arith.cmpi eq, %iota3A, %eq3A_214 : vector<1024x1024xi32>
    %jit3A_216 = arith.constant 0xFF800000 : f32
    %broadcast_in_dim3A_217 = vector.broadcast %jit3A_216 : f32 to vector<1024x1024xf32>
    %select_n3A_218 = arith.select %eq3A_215, %broadcast_in_dim3A_217, %select_n3A_202 : vector<1024x1024xi1>, vector<1024x1024xf32>
    %reduce_max3A_219 = arith.constant dense<0xFF800000> : vector<1024xf32>
    %reduce_max3A_220 = vector.multi_reduction <maximumf>, %select_n3A_218, %reduce_max3A_219 [1] : vector<1024x1024xf32> to vector<1024xf32>
    %broadcast_in_dim3A_221 = vector.shape_cast %reduce_max3A_220 : vector<1024xf32> to vector<1024x1xf32>
    %eq3A_222 = vector.broadcast %broadcast_in_dim3A_221 : vector<1024x1xf32> to vector<1024x1024xf32>
    %eq3A_223 = arith.cmpf oeq, %select_n3A_218, %eq3A_222 : vector<1024x1024xf32>
    %jit3A_224 = arith.constant 1024 : i32
    %broadcast_in_dim3A_225 = vector.broadcast %jit3A_224 : i32 to vector<1024x1024xi32>
    %select_n3A_226 = arith.select %eq3A_223, %iota3A, %broadcast_in_dim3A_225 : vector<1024x1024xi1>, vector<1024x1024xi32>
    %reduce_min3A_227 = arith.constant dense<2147483647> : vector<1024xi32>
    %reduce_min3A_228 = vector.multi_reduction <minsi>, %select_n3A_226, %reduce_min3A_227 [1] : vector<1024x1024xi32> to vector<1024xi32>
    %broadcast_in_dim3A_229 = vector.shape_cast %reduce_min3A_228 : vector<1024xi32> to vector<1024x1xi32>
    %eq3A_230 = vector.broadcast %broadcast_in_dim3A_229 : vector<1024x1xi32> to vector<1024x1024xi32>
    %eq3A_231 = arith.cmpi eq, %iota3A, %eq3A_230 : vector<1024x1024xi32>
    %jit3A_232 = arith.constant 0xFF800000 : f32
    %broadcast_in_dim3A_233 = vector.broadcast %jit3A_232 : f32 to vector<1024x1024xf32>
    %select_n3A_234 = arith.select %eq3A_231, %broadcast_in_dim3A_233, %select_n3A_218 : vector<1024x1024xi1>, vector<1024x1024xf32>
    %reduce_max3A_235 = arith.constant dense<0xFF800000> : vector<1024xf32>
    %reduce_max3A_236 = vector.multi_reduction <maximumf>, %select_n3A_234, %reduce_max3A_235 [1] : vector<1024x1024xf32> to vector<1024xf32>
    %broadcast_in_dim3A_237 = vector.shape_cast %reduce_max3A_236 : vector<1024xf32> to vector<1024x1xf32>
    %eq3A_238 = vector.broadcast %broadcast_in_dim3A_237 : vector<1024x1xf32> to vector<1024x1024xf32>
    %eq3A_239 = arith.cmpf oeq, %select_n3A_234, %eq3A_238 : vector<1024x1024xf32>
    %jit3A_240 = arith.constant 1024 : i32
    %broadcast_in_dim3A_241 = vector.broadcast %jit3A_240 : i32 to vector<1024x1024xi32>
    %select_n3A_242 = arith.select %eq3A_239, %iota3A, %broadcast_in_dim3A_241 : vector<1024x1024xi1>, vector<1024x1024xi32>
    %reduce_min3A_243 = arith.constant dense<2147483647> : vector<1024xi32>
    %reduce_min3A_244 = vector.multi_reduction <minsi>, %select_n3A_242, %reduce_min3A_243 [1] : vector<1024x1024xi32> to vector<1024xi32>
    %broadcast_in_dim3A_245 = vector.shape_cast %reduce_min3A_244 : vector<1024xi32> to vector<1024x1xi32>
    %eq3A_246 = vector.broadcast %broadcast_in_dim3A_245 : vector<1024x1xi32> to vector<1024x1024xi32>
    %eq3A_247 = arith.cmpi eq, %iota3A, %eq3A_246 : vector<1024x1024xi32>
    %jit3A_248 = arith.constant 0xFF800000 : f32
    %broadcast_in_dim3A_249 = vector.broadcast %jit3A_248 : f32 to vector<1024x1024xf32>
    %select_n3A_250 = arith.select %eq3A_247, %broadcast_in_dim3A_249, %select_n3A_234 : vector<1024x1024xi1>, vector<1024x1024xf32>
    %reduce_max3A_251 = arith.constant dense<0xFF800000> : vector<1024xf32>
    %reduce_max3A_252 = vector.multi_reduction <maximumf>, %select_n3A_250, %reduce_max3A_251 [1] : vector<1024x1024xf32> to vector<1024xf32>
    %broadcast_in_dim3A_253 = vector.shape_cast %reduce_max3A_252 : vector<1024xf32> to vector<1024x1xf32>
    %eq3A_254 = vector.broadcast %broadcast_in_dim3A_253 : vector<1024x1xf32> to vector<1024x1024xf32>
    %eq3A_255 = arith.cmpf oeq, %select_n3A_250, %eq3A_254 : vector<1024x1024xf32>
    %jit3A_256 = arith.constant 1024 : i32
    %broadcast_in_dim3A_257 = vector.broadcast %jit3A_256 : i32 to vector<1024x1024xi32>
    %select_n3A_258 = arith.select %eq3A_255, %iota3A, %broadcast_in_dim3A_257 : vector<1024x1024xi1>, vector<1024x1024xi32>
    %reduce_min3A_259 = arith.constant dense<2147483647> : vector<1024xi32>
    %reduce_min3A_260 = vector.multi_reduction <minsi>, %select_n3A_258, %reduce_min3A_259 [1] : vector<1024x1024xi32> to vector<1024xi32>
    %broadcast_in_dim3A_261 = vector.shape_cast %reduce_min3A_260 : vector<1024xi32> to vector<1024x1xi32>
    %eq3A_262 = vector.broadcast %broadcast_in_dim3A_261 : vector<1024x1xi32> to vector<1024x1024xi32>
    %eq3A_263 = arith.cmpi eq, %iota3A, %eq3A_262 : vector<1024x1024xi32>
    %jit3A_264 = arith.constant 0xFF800000 : f32
    %broadcast_in_dim3A_265 = vector.broadcast %jit3A_264 : f32 to vector<1024x1024xf32>
    %select_n3A_266 = arith.select %eq3A_263, %broadcast_in_dim3A_265, %select_n3A_250 : vector<1024x1024xi1>, vector<1024x1024xf32>
    %reduce_max3A_267 = arith.constant dense<0xFF800000> : vector<1024xf32>
    %reduce_max3A_268 = vector.multi_reduction <maximumf>, %select_n3A_266, %reduce_max3A_267 [1] : vector<1024x1024xf32> to vector<1024xf32>
    %broadcast_in_dim3A_269 = vector.shape_cast %reduce_max3A_268 : vector<1024xf32> to vector<1024x1xf32>
    %eq3A_270 = vector.broadcast %broadcast_in_dim3A_269 : vector<1024x1xf32> to vector<1024x1024xf32>
    %eq3A_271 = arith.cmpf oeq, %select_n3A_266, %eq3A_270 : vector<1024x1024xf32>
    %jit3A_272 = arith.constant 1024 : i32
    %broadcast_in_dim3A_273 = vector.broadcast %jit3A_272 : i32 to vector<1024x1024xi32>
    %select_n3A_274 = arith.select %eq3A_271, %iota3A, %broadcast_in_dim3A_273 : vector<1024x1024xi1>, vector<1024x1024xi32>
    %reduce_min3A_275 = arith.constant dense<2147483647> : vector<1024xi32>
    %reduce_min3A_276 = vector.multi_reduction <minsi>, %select_n3A_274, %reduce_min3A_275 [1] : vector<1024x1024xi32> to vector<1024xi32>
    %broadcast_in_dim3A_277 = vector.shape_cast %reduce_min3A_276 : vector<1024xi32> to vector<1024x1xi32>
    %eq3A_278 = vector.broadcast %broadcast_in_dim3A_277 : vector<1024x1xi32> to vector<1024x1024xi32>
    %eq3A_279 = arith.cmpi eq, %iota3A, %eq3A_278 : vector<1024x1024xi32>
    %jit3A_280 = arith.constant 0xFF800000 : f32
    %broadcast_in_dim3A_281 = vector.broadcast %jit3A_280 : f32 to vector<1024x1024xf32>
    %select_n3A_282 = arith.select %eq3A_279, %broadcast_in_dim3A_281, %select_n3A_266 : vector<1024x1024xi1>, vector<1024x1024xf32>
    %reduce_max3A_283 = arith.constant dense<0xFF800000> : vector<1024xf32>
    %reduce_max3A_284 = vector.multi_reduction <maximumf>, %select_n3A_282, %reduce_max3A_283 [1] : vector<1024x1024xf32> to vector<1024xf32>
    %broadcast_in_dim3A_285 = vector.shape_cast %reduce_max3A_284 : vector<1024xf32> to vector<1024x1xf32>
    %eq3A_286 = vector.broadcast %broadcast_in_dim3A_285 : vector<1024x1xf32> to vector<1024x1024xf32>
    %eq3A_287 = arith.cmpf oeq, %select_n3A_282, %eq3A_286 : vector<1024x1024xf32>
    %jit3A_288 = arith.constant 1024 : i32
    %broadcast_in_dim3A_289 = vector.broadcast %jit3A_288 : i32 to vector<1024x1024xi32>
    %select_n3A_290 = arith.select %eq3A_287, %iota3A, %broadcast_in_dim3A_289 : vector<1024x1024xi1>, vector<1024x1024xi32>
    %reduce_min3A_291 = arith.constant dense<2147483647> : vector<1024xi32>
    %reduce_min3A_292 = vector.multi_reduction <minsi>, %select_n3A_290, %reduce_min3A_291 [1] : vector<1024x1024xi32> to vector<1024xi32>
    %broadcast_in_dim3A_293 = vector.shape_cast %reduce_min3A_292 : vector<1024xi32> to vector<1024x1xi32>
    %eq3A_294 = vector.broadcast %broadcast_in_dim3A_293 : vector<1024x1xi32> to vector<1024x1024xi32>
    %eq3A_295 = arith.cmpi eq, %iota3A, %eq3A_294 : vector<1024x1024xi32>
    %jit3A_296 = arith.constant 0xFF800000 : f32
    %broadcast_in_dim3A_297 = vector.broadcast %jit3A_296 : f32 to vector<1024x1024xf32>
    %select_n3A_298 = arith.select %eq3A_295, %broadcast_in_dim3A_297, %select_n3A_282 : vector<1024x1024xi1>, vector<1024x1024xf32>
    %reduce_max3A_299 = arith.constant dense<0xFF800000> : vector<1024xf32>
    %reduce_max3A_300 = vector.multi_reduction <maximumf>, %select_n3A_298, %reduce_max3A_299 [1] : vector<1024x1024xf32> to vector<1024xf32>
    %broadcast_in_dim3A_301 = vector.shape_cast %reduce_max3A_300 : vector<1024xf32> to vector<1024x1xf32>
    %eq3A_302 = vector.broadcast %broadcast_in_dim3A_301 : vector<1024x1xf32> to vector<1024x1024xf32>
    %eq3A_303 = arith.cmpf oeq, %select_n3A_298, %eq3A_302 : vector<1024x1024xf32>
    %jit3A_304 = arith.constant 1024 : i32
    %broadcast_in_dim3A_305 = vector.broadcast %jit3A_304 : i32 to vector<1024x1024xi32>
    %select_n3A_306 = arith.select %eq3A_303, %iota3A, %broadcast_in_dim3A_305 : vector<1024x1024xi1>, vector<1024x1024xi32>
    %reduce_min3A_307 = arith.constant dense<2147483647> : vector<1024xi32>
    %reduce_min3A_308 = vector.multi_reduction <minsi>, %select_n3A_306, %reduce_min3A_307 [1] : vector<1024x1024xi32> to vector<1024xi32>
    %broadcast_in_dim3A_309 = vector.shape_cast %reduce_min3A_308 : vector<1024xi32> to vector<1024x1xi32>
    %eq3A_310 = vector.broadcast %broadcast_in_dim3A_309 : vector<1024x1xi32> to vector<1024x1024xi32>
    %eq3A_311 = arith.cmpi eq, %iota3A, %eq3A_310 : vector<1024x1024xi32>
    %jit3A_312 = arith.constant 0xFF800000 : f32
    %broadcast_in_dim3A_313 = vector.broadcast %jit3A_312 : f32 to vector<1024x1024xf32>
    %select_n3A_314 = arith.select %eq3A_311, %broadcast_in_dim3A_313, %select_n3A_298 : vector<1024x1024xi1>, vector<1024x1024xf32>
    %reduce_max3A_315 = arith.constant dense<0xFF800000> : vector<1024xf32>
    %reduce_max3A_316 = vector.multi_reduction <maximumf>, %select_n3A_314, %reduce_max3A_315 [1] : vector<1024x1024xf32> to vector<1024xf32>
    %broadcast_in_dim3A_317 = vector.shape_cast %reduce_max3A_316 : vector<1024xf32> to vector<1024x1xf32>
    %eq3A_318 = vector.broadcast %broadcast_in_dim3A_317 : vector<1024x1xf32> to vector<1024x1024xf32>
    %eq3A_319 = arith.cmpf oeq, %select_n3A_314, %eq3A_318 : vector<1024x1024xf32>
    %jit3A_320 = arith.constant 1024 : i32
    %broadcast_in_dim3A_321 = vector.broadcast %jit3A_320 : i32 to vector<1024x1024xi32>
    %select_n3A_322 = arith.select %eq3A_319, %iota3A, %broadcast_in_dim3A_321 : vector<1024x1024xi1>, vector<1024x1024xi32>
    %reduce_min3A_323 = arith.constant dense<2147483647> : vector<1024xi32>
    %reduce_min3A_324 = vector.multi_reduction <minsi>, %select_n3A_322, %reduce_min3A_323 [1] : vector<1024x1024xi32> to vector<1024xi32>
    %broadcast_in_dim3A_325 = vector.shape_cast %reduce_min3A_324 : vector<1024xi32> to vector<1024x1xi32>
    %concatenate3A = tpu.concatenate %broadcast_in_dim3A_21, %broadcast_in_dim3A_37, %broadcast_in_dim3A_53, %broadcast_in_dim3A_69, %broadcast_in_dim3A_85, %broadcast_in_dim3A_101, %broadcast_in_dim3A_117, %broadcast_in_dim3A_133, %broadcast_in_dim3A_149, %broadcast_in_dim3A_165, %broadcast_in_dim3A_181, %broadcast_in_dim3A_197, %broadcast_in_dim3A_213, %broadcast_in_dim3A_229, %broadcast_in_dim3A_245, %broadcast_in_dim3A_261, %broadcast_in_dim3A_277, %broadcast_in_dim3A_293, %broadcast_in_dim3A_309, %broadcast_in_dim3A_325, %broadcast_in_dim3A_325, %broadcast_in_dim3A_325, %broadcast_in_dim3A_325, %broadcast_in_dim3A_325, %broadcast_in_dim3A_325, %broadcast_in_dim3A_325, %broadcast_in_dim3A_325, %broadcast_in_dim3A_325, %broadcast_in_dim3A_325, %broadcast_in_dim3A_325, %broadcast_in_dim3A_325, %broadcast_in_dim3A_325 in 1 : vector<1024x1xi32>, vector<1024x1xi32>, vector<1024x1xi32>, vector<1024x1xi32>, vector<1024x1xi32>, vector<1024x1xi32>, vector<1024x1xi32>, vector<1024x1xi32>, vector<1024x1xi32>, vector<1024x1xi32>, vector<1024x1xi32>, vector<1024x1xi32>, vector<1024x1xi32>, vector<1024x1xi32>, vector<1024x1xi32>, vector<1024x1xi32>, vector<1024x1xi32>, vector<1024x1xi32>, vector<1024x1xi32>, vector<1024x1xi32>, vector<1024x1xi32>, vector<1024x1xi32>, vector<1024x1xi32>, vector<1024x1xi32>, vector<1024x1xi32>, vector<1024x1xi32>, vector<1024x1xi32>, vector<1024x1xi32>, vector<1024x1xi32>, vector<1024x1xi32>, vector<1024x1xi32>, vector<1024x1xi32> -> vector<1024x32xi32>
    %swap3A = arith.constant 0 : index
    %swap3A_326 = arith.constant 0 : index
    %swap3A_327 = arith.constant 0 : index
    %swap3A_328 = vector.load %arg3[%swap3A, %swap3A_326, %swap3A_327] : memref<1x1024x32xi32, #tpu.memory_space<vmem>>, vector<1x1024x32xi32>
    %swap3A_329 = vector.shape_cast %swap3A_328 : vector<1x1024x32xi32> to vector<1024x32xi32>
    %swap3A_330 = vector.shape_cast %concatenate3A : vector<1024x32xi32> to vector<1x1024x32xi32>
    tpu.vector_store %arg3[%swap3A, %swap3A_326, %swap3A_327], %swap3A_330 {strides = array<i32>} : memref<1x1024x32xi32, #tpu.memory_space<vmem>>, vector<1x1024x32xi32>,
    return
  }
  func.func @transform_0(%arg0: i32) -> (i32, i32, i32) {
    %c0_i32 = arith.constant 0 : i32
    %c0_i32_0 = arith.constant 0 : i32
    %c0_i32_1 = arith.constant 0 : i32
    return %arg0, %c0_i32, %c0_i32_0 : i32, i32, i32
  }
  func.func @transform_1(%arg0: i32) -> (i32, i32, i32) {
    %c0_i32 = arith.constant 0 : i32
    %c0_i32_0 = arith.constant 0 : i32
    %c0_i32_1 = arith.constant 0 : i32
    return %arg0, %c0_i32, %c0_i32_0 : i32, i32, i32
  }
  func.func @transform_2(%arg0: i32) -> (i32, i32, i32) {
    %c0_i32 = arith.constant 0 : i32
    %c0_i32_0 = arith.constant 0 : i32
    %c0_i32_1 = arith.constant 0 : i32
    return %arg0, %c0_i32, %c0_i32_0 : i32, i32, i32
  }
}

module attributes {stable_mosaic.version = 14 : i64} {
  func.func @_conv_body(%arg0: i32, %arg1: i32, %arg2: memref<1x2560x128xf32, #tpu.memory_space<vmem>>, %arg3: memref<1x128x128xf32, #tpu.memory_space<vmem>>, %arg4: memref<256x256xf32, #tpu.memory_space<vmem>>, %arg5: memref<1x128x256xf32, #tpu.memory_space<vmem>>) attributes {dimension_semantics = [#tpu.dimension_semantics<arbitrary>, #tpu.dimension_semantics<arbitrary>], iteration_bounds = array<i64: 32, 8>, scalar_prefetch = 0 : i64, scratch_operands = 0 : i64, tpu.core_type = #tpu.core_type<tc>, window_params = [{transform_indices = @transform_0, window_bounds = array<i64: 1, 2560, 128>}, {transform_indices = @transform_1, window_bounds = array<i64: 1, 128, 128>}, {pipeline_mode = #tpu.pipeline_mode<synchronous>, transform_indices = @transform_2, window_bounds = array<i64: 256, 256>}, {transform_indices = @transform_3, window_bounds = array<i64: 1, 128, 256>}]} {
    %get3A = arith.constant 0 : index
    %get3A_0 = arith.constant 0 : index
    %get3A_1 = arith.constant 0 : index
    %get3A_2 = vector.load %arg2[%get3A, %get3A_0, %get3A_1] : memref<1x2560x128xf32, #tpu.memory_space<vmem>>, vector<1x2560x128xf32>
    %get3A_3 = vector.shape_cast %get3A_2 : vector<1x2560x128xf32> to vector<2560x128xf32>
    %reshape3A = vector.shape_cast %get3A_3 : vector<2560x128xf32> to vector<128x20x128xf32>
    %get3A_4 = arith.constant 0 : index
    %get3A_5 = arith.constant 0 : index
    %get3A_6 = arith.constant 0 : index
    %get3A_7 = vector.load %arg3[%get3A_4, %get3A_5, %get3A_6] : memref<1x128x128xf32, #tpu.memory_space<vmem>>, vector<1x128x128xf32>
    %get3A_8 = vector.shape_cast %get3A_7 : vector<1x128x128xf32> to vector<128x128xf32>
    %broadcast_in_dim3A = vector.shape_cast %get3A_8 : vector<128x128xf32> to vector<128x1x128xf32>
    %broadcast_in_dim3A_9 = vector.shape_cast %broadcast_in_dim3A : vector<128x1x128xf32> to vector<128x1x128xf32>
    %broadcast_in_dim3A_10 = vector.broadcast %broadcast_in_dim3A_9 : vector<128x1x128xf32> to vector<128x20x128xf32>
    %sub3A = arith.subf %reshape3A, %broadcast_in_dim3A_10 : vector<128x20x128xf32>
    %concatenate3A = tpu.concatenate %sub3A, %broadcast_in_dim3A_10 in 2 : vector<128x20x128xf32>, vector<128x20x128xf32> -> vector<128x20x256xf32>
    %reshape3A_11 = vector.shape_cast %concatenate3A : vector<128x20x256xf32> to vector<2560x256xf32>
    %get3A_12 = arith.constant 0 : index
    %get3A_13 = arith.constant 0 : index
    %get3A_14 = vector.load %arg4[%get3A_12, %get3A_13] : memref<256x256xf32, #tpu.memory_space<vmem>>, vector<256x256xf32>
    %dot_general3A = arith.constant dense<0.000000e+00> : vector<2560x256xf32>
    %dot_general3A_15 = tpu.matmul %reshape3A_11, %get3A_14, %dot_general3A {dimension_numbers = #tpu.dot_dimension_numbers<[1], [1], [0], [0], [0, 0, 1, 0], [], []>, transpose_lhs_hint = false} : vector<2560x256xf32>, vector<256x256xf32>, vector<2560x256xf32> -> vector<2560x256xf32>
    %reshape3A_16 = vector.shape_cast %dot_general3A_15 : vector<2560x256xf32> to vector<128x20x256xf32>
    %reduce_max3A = arith.constant dense<0xFF800000> : vector<128x256xf32>
    %reduce_max3A_17 = vector.multi_reduction <maximumf>, %reshape3A_16, %reduce_max3A [1] : vector<128x20x256xf32> to vector<128x256xf32>
    %swap3A = arith.constant 0 : index
    %swap3A_18 = arith.constant 0 : index
    %swap3A_19 = arith.constant 0 : index
    %swap3A_20 = vector.load %arg5[%swap3A, %swap3A_18, %swap3A_19] : memref<1x128x256xf32, #tpu.memory_space<vmem>>, vector<1x128x256xf32>
    %swap3A_21 = vector.shape_cast %swap3A_20 : vector<1x128x256xf32> to vector<128x256xf32>
    %swap3A_22 = vector.shape_cast %reduce_max3A_17 : vector<128x256xf32> to vector<1x128x256xf32>
    tpu.vector_store %arg5[%swap3A, %swap3A_18, %swap3A_19], %swap3A_22 {strides = array<i32>} : memref<1x128x256xf32, #tpu.memory_space<vmem>>, vector<1x128x256xf32>,
    return
  }
  func.func @transform_0(%arg0: i32, %arg1: i32) -> (i32, i32, i32) {
    %c0_i32 = arith.constant 0 : i32
    %c0_i32_0 = arith.constant 0 : i32
    return %arg0, %arg1, %c0_i32 : i32, i32, i32
  }
  func.func @transform_1(%arg0: i32, %arg1: i32) -> (i32, i32, i32) {
    %c0_i32 = arith.constant 0 : i32
    %c0_i32_0 = arith.constant 0 : i32
    return %arg0, %arg1, %c0_i32 : i32, i32, i32
  }
  func.func @transform_2(%arg0: i32, %arg1: i32) -> (i32, i32) {
    %c0_i32 = arith.constant 0 : i32
    %c0_i32_0 = arith.constant 0 : i32
    %c0_i32_1 = arith.constant 0 : i32
    return %c0_i32, %c0_i32_0 : i32, i32
  }
  func.func @transform_3(%arg0: i32, %arg1: i32) -> (i32, i32, i32) {
    %c0_i32 = arith.constant 0 : i32
    %c0_i32_0 = arith.constant 0 : i32
    return %arg0, %arg1, %c0_i32 : i32, i32, i32
  }
}

module attributes {stable_mosaic.version = 14 : i64} {
  func.func @_apply_body(%arg0: i32, %arg1: memref<1x1024x256xf32, #tpu.memory_space<vmem>>, %arg2: memref<256xf32, #tpu.memory_space<vmem>>, %arg3: memref<256xf32, #tpu.memory_space<vmem>>, %arg4: memref<256xf32, #tpu.memory_space<vmem>>, %arg5: memref<256xf32, #tpu.memory_space<vmem>>, %arg6: memref<1x1024x256xf32, #tpu.memory_space<vmem>>) attributes {dimension_semantics = [#tpu.dimension_semantics<arbitrary>], iteration_bounds = array<i64: 32>, scalar_prefetch = 0 : i64, scratch_operands = 0 : i64, tpu.core_type = #tpu.core_type<tc>, window_params = [{transform_indices = @transform_0, window_bounds = array<i64: 1, 1024, 256>}, {pipeline_mode = #tpu.pipeline_mode<synchronous>, transform_indices = @transform_1, window_bounds = array<i64: 256>}, {pipeline_mode = #tpu.pipeline_mode<synchronous>, transform_indices = @transform_2, window_bounds = array<i64: 256>}, {pipeline_mode = #tpu.pipeline_mode<synchronous>, transform_indices = @transform_3, window_bounds = array<i64: 256>}, {pipeline_mode = #tpu.pipeline_mode<synchronous>, transform_indices = @transform_4, window_bounds = array<i64: 256>}, {transform_indices = @transform_5, window_bounds = array<i64: 1, 1024, 256>}]} {
    %get3A = arith.constant 0 : index
    %get3A_0 = vector.load %arg3[%get3A] : memref<256xf32, #tpu.memory_space<vmem>>, vector<256xf32>
    %add3A = arith.constant 9.99999974E-6 : f32
    %add3A_1 = vector.broadcast %add3A : f32 to vector<256xf32>
    %add3A_2 = arith.addf %get3A_0, %add3A_1 : vector<256xf32>
    %rsqrt3A = math.rsqrt %add3A_2 : vector<256xf32>
    %get3A_3 = arith.constant 0 : index
    %get3A_4 = vector.load %arg4[%get3A_3] : memref<256xf32, #tpu.memory_space<vmem>>, vector<256xf32>
    %mul3A = arith.mulf %rsqrt3A, %get3A_4 : vector<256xf32>
    %get3A_5 = arith.constant 0 : index
    %get3A_6 = arith.constant 0 : index
    %get3A_7 = arith.constant 0 : index
    %get3A_8 = vector.load %arg1[%get3A_5, %get3A_6, %get3A_7] : memref<1x1024x256xf32, #tpu.memory_space<vmem>>, vector<1x1024x256xf32>
    %get3A_9 = vector.shape_cast %get3A_8 : vector<1x1024x256xf32> to vector<1024x256xf32>
    %get3A_10 = arith.constant 0 : index
    %get3A_11 = vector.load %arg2[%get3A_10] : memref<256xf32, #tpu.memory_space<vmem>>, vector<256xf32>
    %broadcast_in_dim3A = vector.shape_cast %get3A_11 : vector<256xf32> to vector<1x256xf32>
    %sub3A = vector.broadcast %broadcast_in_dim3A : vector<1x256xf32> to vector<1024x256xf32>
    %sub3A_12 = arith.subf %get3A_9, %sub3A : vector<1024x256xf32>
    %broadcast_in_dim3A_13 = vector.shape_cast %mul3A : vector<256xf32> to vector<1x256xf32>
    %mul3A_14 = vector.broadcast %broadcast_in_dim3A_13 : vector<1x256xf32> to vector<1024x256xf32>
    %mul3A_15 = arith.mulf %sub3A_12, %mul3A_14 : vector<1024x256xf32>
    %get3A_16 = arith.constant 0 : index
    %get3A_17 = vector.load %arg5[%get3A_16] : memref<256xf32, #tpu.memory_space<vmem>>, vector<256xf32>
    %broadcast_in_dim3A_18 = vector.shape_cast %get3A_17 : vector<256xf32> to vector<1x256xf32>
    %add3A_19 = vector.broadcast %broadcast_in_dim3A_18 : vector<1x256xf32> to vector<1024x256xf32>
    %add3A_20 = arith.addf %mul3A_15, %add3A_19 : vector<1024x256xf32>
    %ge3A = arith.constant 0.000000e+00 : f32
    %ge3A_21 = vector.broadcast %ge3A : f32 to vector<1024x256xf32>
    %ge3A_22 = arith.cmpf oge, %add3A_20, %ge3A_21 : vector<1024x256xf32>
    %mul3A_23 = arith.constant 2.000000e-01 : f32
    %mul3A_24 = vector.broadcast %mul3A_23 : f32 to vector<1024x256xf32>
    %mul3A_25 = arith.mulf %mul3A_24, %add3A_20 : vector<1024x256xf32>
    %select_n3A = arith.select %ge3A_22, %add3A_20, %mul3A_25 : vector<1024x256xi1>, vector<1024x256xf32>
    %swap3A = arith.constant 0 : index
    %swap3A_26 = arith.constant 0 : index
    %swap3A_27 = arith.constant 0 : index
    %swap3A_28 = vector.load %arg6[%swap3A, %swap3A_26, %swap3A_27] : memref<1x1024x256xf32, #tpu.memory_space<vmem>>, vector<1x1024x256xf32>
    %swap3A_29 = vector.shape_cast %swap3A_28 : vector<1x1024x256xf32> to vector<1024x256xf32>
    %swap3A_30 = vector.shape_cast %select_n3A : vector<1024x256xf32> to vector<1x1024x256xf32>
    tpu.vector_store %arg6[%swap3A, %swap3A_26, %swap3A_27], %swap3A_30 {strides = array<i32>} : memref<1x1024x256xf32, #tpu.memory_space<vmem>>, vector<1x1024x256xf32>,
    return
  }
  func.func @transform_0(%arg0: i32) -> (i32, i32, i32) {
    %c0_i32 = arith.constant 0 : i32
    %c0_i32_0 = arith.constant 0 : i32
    %c0_i32_1 = arith.constant 0 : i32
    return %arg0, %c0_i32, %c0_i32_0 : i32, i32, i32
  }
  func.func @transform_1(%arg0: i32) -> i32 {
    %c0_i32 = arith.constant 0 : i32
    %c0_i32_0 = arith.constant 0 : i32
    return %c0_i32 : i32
  }
  func.func @transform_2(%arg0: i32) -> i32 {
    %c0_i32 = arith.constant 0 : i32
    %c0_i32_0 = arith.constant 0 : i32
    return %c0_i32 : i32
  }
  func.func @transform_3(%arg0: i32) -> i32 {
    %c0_i32 = arith.constant 0 : i32
    %c0_i32_0 = arith.constant 0 : i32
    return %c0_i32 : i32
  }
  func.func @transform_4(%arg0: i32) -> i32 {
    %c0_i32 = arith.constant 0 : i32
    %c0_i32_0 = arith.constant 0 : i32
    return %c0_i32 : i32
  }
  func.func @transform_5(%arg0: i32) -> (i32, i32, i32) {
    %c0_i32 = arith.constant 0 : i32
    %c0_i32_0 = arith.constant 0 : i32
    %c0_i32_1 = arith.constant 0 : i32
    return %arg0, %c0_i32, %c0_i32_0 : i32, i32, i32
  }
}

module attributes {stable_mosaic.version = 14 : i64} {
  func.func @_embed_body(%arg0: i32, %arg1: memref<1x1024x64xf32, #tpu.memory_space<vmem>>, %arg2: memref<1x1024x64xf32, #tpu.memory_space<vmem>>, %arg3: memref<1x1024x128xf32, #tpu.memory_space<vmem>>, %arg4: memref<1x1024x256xf32, #tpu.memory_space<vmem>>, %arg5: memref<1024x512xf32, #tpu.memory_space<vmem>>, %arg6: memref<1x1024x1024xf32, #tpu.memory_space<vmem>>, %arg7: memref<8x1024xf32, #tpu.memory_space<vmem>>) attributes {dimension_semantics = [#tpu.dimension_semantics<arbitrary>], iteration_bounds = array<i64: 32>, scalar_prefetch = 0 : i64, scratch_operands = 0 : i64, tpu.core_type = #tpu.core_type<tc>, window_params = [{transform_indices = @transform_0, window_bounds = array<i64: 1, 1024, 64>}, {transform_indices = @transform_1, window_bounds = array<i64: 1, 1024, 64>}, {transform_indices = @transform_2, window_bounds = array<i64: 1, 1024, 128>}, {transform_indices = @transform_3, window_bounds = array<i64: 1, 1024, 256>}, {pipeline_mode = #tpu.pipeline_mode<synchronous>, transform_indices = @transform_4, window_bounds = array<i64: 1024, 512>}, {transform_indices = @transform_5, window_bounds = array<i64: 1, 1024, 1024>}, {pipeline_mode = #tpu.pipeline_mode<synchronous>, transform_indices = @transform_6, window_bounds = array<i64: 8, 1024>}]} {
    %get3A = arith.constant 0 : index
    %get3A_0 = arith.constant 0 : index
    %get3A_1 = vector.load %arg5[%get3A, %get3A_0] : memref<1024x512xf32, #tpu.memory_space<vmem>>, vector<1024x512xf32>
    %get3A_2 = arith.constant 0 : index
    %get3A_3 = arith.constant 0 : index
    %get3A_4 = arith.constant 0 : index
    %get3A_5 = vector.load %arg1[%get3A_2, %get3A_3, %get3A_4] : memref<1x1024x64xf32, #tpu.memory_space<vmem>>, vector<1x1024x64xf32>
    %get3A_6 = vector.shape_cast %get3A_5 : vector<1x1024x64xf32> to vector<1024x64xf32>
    %slice3A = vector.extract_strided_slice %get3A_1 {offsets = [0, 0], sizes = [1024, 64], strides = [1, 1]} : vector<1024x512xf32> to vector<1024x64xf32>
    %dot_general3A = arith.constant dense<0.000000e+00> : vector<1024x1024xf32>
    %dot_general3A_7 = tpu.matmul %get3A_6, %slice3A, %dot_general3A {dimension_numbers = #tpu.dot_dimension_numbers<[1], [1], [0], [0], [0, 0, 1, 0], [], []>, transpose_lhs_hint = false} : vector<1024x64xf32>, vector<1024x64xf32>, vector<1024x1024xf32> -> vector<1024x1024xf32>
    %get3A_8 = arith.constant 0 : index
    %get3A_9 = arith.constant 0 : index
    %get3A_10 = arith.constant 0 : index
    %get3A_11 = vector.load %arg2[%get3A_8, %get3A_9, %get3A_10] : memref<1x1024x64xf32, #tpu.memory_space<vmem>>, vector<1x1024x64xf32>
    %get3A_12 = vector.shape_cast %get3A_11 : vector<1x1024x64xf32> to vector<1024x64xf32>
    %slice3A_13 = vector.extract_strided_slice %get3A_1 {offsets = [0, 64], sizes = [1024, 64], strides = [1, 1]} : vector<1024x512xf32> to vector<1024x64xf32>
    %dot_general3A_14 = arith.constant dense<0.000000e+00> : vector<1024x1024xf32>
    %dot_general3A_15 = tpu.matmul %get3A_12, %slice3A_13, %dot_general3A_14 {dimension_numbers = #tpu.dot_dimension_numbers<[1], [1], [0], [0], [0, 0, 1, 0], [], []>, transpose_lhs_hint = false} : vector<1024x64xf32>, vector<1024x64xf32>, vector<1024x1024xf32> -> vector<1024x1024xf32>
    %add3A = arith.addf %dot_general3A_7, %dot_general3A_15 : vector<1024x1024xf32>
    %get3A_16 = arith.constant 0 : index
    %get3A_17 = arith.constant 0 : index
    %get3A_18 = arith.constant 0 : index
    %get3A_19 = vector.load %arg3[%get3A_16, %get3A_17, %get3A_18] : memref<1x1024x128xf32, #tpu.memory_space<vmem>>, vector<1x1024x128xf32>
    %get3A_20 = vector.shape_cast %get3A_19 : vector<1x1024x128xf32> to vector<1024x128xf32>
    %slice3A_21 = vector.extract_strided_slice %get3A_1 {offsets = [0, 128], sizes = [1024, 128], strides = [1, 1]} : vector<1024x512xf32> to vector<1024x128xf32>
    %dot_general3A_22 = arith.constant dense<0.000000e+00> : vector<1024x1024xf32>
    %dot_general3A_23 = tpu.matmul %get3A_20, %slice3A_21, %dot_general3A_22 {dimension_numbers = #tpu.dot_dimension_numbers<[1], [1], [0], [0], [0, 0, 1, 0], [], []>, transpose_lhs_hint = false} : vector<1024x128xf32>, vector<1024x128xf32>, vector<1024x1024xf32> -> vector<1024x1024xf32>
    %add3A_24 = arith.addf %add3A, %dot_general3A_23 : vector<1024x1024xf32>
    %get3A_25 = arith.constant 0 : index
    %get3A_26 = arith.constant 0 : index
    %get3A_27 = arith.constant 0 : index
    %get3A_28 = vector.load %arg4[%get3A_25, %get3A_26, %get3A_27] : memref<1x1024x256xf32, #tpu.memory_space<vmem>>, vector<1x1024x256xf32>
    %get3A_29 = vector.shape_cast %get3A_28 : vector<1x1024x256xf32> to vector<1024x256xf32>
    %slice3A_30 = vector.extract_strided_slice %get3A_1 {offsets = [0, 256], sizes = [1024, 256], strides = [1, 1]} : vector<1024x512xf32> to vector<1024x256xf32>
    %dot_general3A_31 = arith.constant dense<0.000000e+00> : vector<1024x1024xf32>
    %dot_general3A_32 = tpu.matmul %get3A_29, %slice3A_30, %dot_general3A_31 {dimension_numbers = #tpu.dot_dimension_numbers<[1], [1], [0], [0], [0, 0, 1, 0], [], []>, transpose_lhs_hint = false} : vector<1024x256xf32>, vector<1024x256xf32>, vector<1024x1024xf32> -> vector<1024x1024xf32>
    %add3A_33 = arith.addf %add3A_24, %dot_general3A_32 : vector<1024x1024xf32>
    %swap3A = arith.constant 0 : index
    %swap3A_34 = arith.constant 0 : index
    %swap3A_35 = arith.constant 0 : index
    %swap3A_36 = vector.load %arg6[%swap3A, %swap3A_34, %swap3A_35] : memref<1x1024x1024xf32, #tpu.memory_space<vmem>>, vector<1x1024x1024xf32>
    %swap3A_37 = vector.shape_cast %swap3A_36 : vector<1x1024x1024xf32> to vector<1024x1024xf32>
    %swap3A_38 = vector.shape_cast %add3A_33 : vector<1024x1024xf32> to vector<1x1024x1024xf32>
    tpu.vector_store %arg6[%swap3A, %swap3A_34, %swap3A_35], %swap3A_38 {strides = array<i32>} : memref<1x1024x1024xf32, #tpu.memory_space<vmem>>, vector<1x1024x1024xf32>,
    %reduce_sum3A = arith.constant dense<0.000000e+00> : vector<1024xf32>
    %reduce_sum3A_39 = vector.multi_reduction <add>, %add3A_33, %reduce_sum3A [0] : vector<1024x1024xf32> to vector<1024xf32>
    %broadcast_in_dim3A = vector.shape_cast %reduce_sum3A_39 : vector<1024xf32> to vector<1x1024xf32>
    %mul3A = arith.mulf %add3A_33, %add3A_33 : vector<1024x1024xf32>
    %reduce_sum3A_40 = arith.constant dense<0.000000e+00> : vector<1024xf32>
    %reduce_sum3A_41 = vector.multi_reduction <add>, %mul3A, %reduce_sum3A_40 [0] : vector<1024x1024xf32> to vector<1024xf32>
    %broadcast_in_dim3A_42 = vector.shape_cast %reduce_sum3A_41 : vector<1024xf32> to vector<1x1024xf32>
    %concatenate3A = tpu.concatenate %broadcast_in_dim3A, %broadcast_in_dim3A_42, %broadcast_in_dim3A, %broadcast_in_dim3A, %broadcast_in_dim3A, %broadcast_in_dim3A, %broadcast_in_dim3A, %broadcast_in_dim3A in 0 : vector<1x1024xf32>, vector<1x1024xf32>, vector<1x1024xf32>, vector<1x1024xf32>, vector<1x1024xf32>, vector<1x1024xf32>, vector<1x1024xf32>, vector<1x1024xf32> -> vector<8x1024xf32>
    %eq3A = arith.constant 0 : i32
    %eq3A_43 = arith.cmpi eq, %arg0, %eq3A : i32
    %convert_element_type3A = arith.extui %eq3A_43 : i1 to i32
    %cond3A = arith.constant 0 : i32
    %cond3A_44 = arith.cmpi ne, %convert_element_type3A, %cond3A : i32
    scf.if %cond3A_44 {
      %swap3A_49 = arith.constant 0 : index
      %swap3A_50 = arith.constant 0 : index
      %swap3A_51 = vector.load %arg7[%swap3A_49, %swap3A_50] : memref<8x1024xf32, #tpu.memory_space<vmem>>, vector<8x1024xf32>
      tpu.vector_store %arg7[%swap3A_49, %swap3A_50], %concatenate3A {strides = array<i32>} : memref<8x1024xf32, #tpu.memory_space<vmem>>, vector<8x1024xf32>,
    } else {
    }
    %ne3A = arith.constant 0 : i32
    %ne3A_45 = arith.cmpi ne, %arg0, %ne3A : i32
    %convert_element_type3A_46 = arith.extui %ne3A_45 : i1 to i32
    %cond3A_47 = arith.constant 0 : i32
    %cond3A_48 = arith.cmpi ne, %convert_element_type3A_46, %cond3A_47 : i32
    scf.if %cond3A_48 {
      %get3A_49 = arith.constant 0 : index
      %get3A_50 = arith.constant 0 : index
      %get3A_51 = vector.load %arg7[%get3A_49, %get3A_50] : memref<8x1024xf32, #tpu.memory_space<vmem>>, vector<8x1024xf32>
      %add3A_52 = arith.addf %get3A_51, %concatenate3A : vector<8x1024xf32>
      %swap3A_53 = arith.constant 0 : index
      %swap3A_54 = arith.constant 0 : index
      %swap3A_55 = vector.load %arg7[%swap3A_53, %swap3A_54] : memref<8x1024xf32, #tpu.memory_space<vmem>>, vector<8x1024xf32>
      tpu.vector_store %arg7[%swap3A_53, %swap3A_54], %add3A_52 {strides = array<i32>} : memref<8x1024xf32, #tpu.memory_space<vmem>>, vector<8x1024xf32>,
    } else {
    }
    return
  }
  func.func @transform_0(%arg0: i32) -> (i32, i32, i32) {
    %c0_i32 = arith.constant 0 : i32
    %c0_i32_0 = arith.constant 0 : i32
    %c0_i32_1 = arith.constant 0 : i32
    return %arg0, %c0_i32, %c0_i32_0 : i32, i32, i32
  }
  func.func @transform_1(%arg0: i32) -> (i32, i32, i32) {
    %c0_i32 = arith.constant 0 : i32
    %c0_i32_0 = arith.constant 0 : i32
    %c0_i32_1 = arith.constant 0 : i32
    return %arg0, %c0_i32, %c0_i32_0 : i32, i32, i32
  }
  func.func @transform_2(%arg0: i32) -> (i32, i32, i32) {
    %c0_i32 = arith.constant 0 : i32
    %c0_i32_0 = arith.constant 0 : i32
    %c0_i32_1 = arith.constant 0 : i32
    return %arg0, %c0_i32, %c0_i32_0 : i32, i32, i32
  }
  func.func @transform_3(%arg0: i32) -> (i32, i32, i32) {
    %c0_i32 = arith.constant 0 : i32
    %c0_i32_0 = arith.constant 0 : i32
    %c0_i32_1 = arith.constant 0 : i32
    return %arg0, %c0_i32, %c0_i32_0 : i32, i32, i32
  }
  func.func @transform_4(%arg0: i32) -> (i32, i32) {
    %c0_i32 = arith.constant 0 : i32
    %c0_i32_0 = arith.constant 0 : i32
    %c0_i32_1 = arith.constant 0 : i32
    return %c0_i32, %c0_i32_0 : i32, i32
  }
  func.func @transform_5(%arg0: i32) -> (i32, i32, i32) {
    %c0_i32 = arith.constant 0 : i32
    %c0_i32_0 = arith.constant 0 : i32
    %c0_i32_1 = arith.constant 0 : i32
    return %arg0, %c0_i32, %c0_i32_0 : i32, i32, i32
  }
  func.func @transform_6(%arg0: i32) -> (i32, i32) {
    %c0_i32 = arith.constant 0 : i32
    %c0_i32_0 = arith.constant 0 : i32
    %c0_i32_1 = arith.constant 0 : i32
    return %c0_i32, %c0_i32_0 : i32, i32
  }
}

module attributes {stable_mosaic.version = 14 : i64} {
  func.func @_pool_body(%arg0: i32, %arg1: memref<1x1024x1024xf32, #tpu.memory_space<vmem>>, %arg2: memref<8x1024xf32, #tpu.memory_space<vmem>>, %arg3: memref<1024xf32, #tpu.memory_space<vmem>>, %arg4: memref<1024xf32, #tpu.memory_space<vmem>>, %arg5: memref<1x1x1024xf32, #tpu.memory_space<vmem>>, %arg6: memref<1x1x1024xf32, #tpu.memory_space<vmem>>) attributes {dimension_semantics = [#tpu.dimension_semantics<arbitrary>], iteration_bounds = array<i64: 32>, scalar_prefetch = 0 : i64, scratch_operands = 0 : i64, tpu.core_type = #tpu.core_type<tc>, window_params = [{transform_indices = @transform_0, window_bounds = array<i64: 1, 1024, 1024>}, {pipeline_mode = #tpu.pipeline_mode<synchronous>, transform_indices = @transform_1, window_bounds = array<i64: 8, 1024>}, {pipeline_mode = #tpu.pipeline_mode<synchronous>, transform_indices = @transform_2, window_bounds = array<i64: 1024>}, {pipeline_mode = #tpu.pipeline_mode<synchronous>, transform_indices = @transform_3, window_bounds = array<i64: 1024>}, {transform_indices = @transform_4, window_bounds = array<i64: 1, 1, 1024>}, {transform_indices = @transform_5, window_bounds = array<i64: 1, 1, 1024>}]} {
    %get3A = arith.constant 0 : index
    %get3A_0 = arith.constant 0 : index
    %get3A_1 = vector.load %arg2[%get3A, %get3A_0] : memref<8x1024xf32, #tpu.memory_space<vmem>>, vector<8x1024xf32>
    %slice3A = vector.extract_strided_slice %get3A_1 {offsets = [0, 0], sizes = [1, 1024], strides = [1, 1]} : vector<8x1024xf32> to vector<1x1024xf32>
    %mul3A = arith.constant 3.05175781E-5 : f32
    %mul3A_2 = vector.broadcast %mul3A : f32 to vector<1x1024xf32>
    %mul3A_3 = arith.mulf %slice3A, %mul3A_2 : vector<1x1024xf32>
    %slice3A_4 = vector.extract_strided_slice %get3A_1 {offsets = [1, 0], sizes = [1, 1024], strides = [1, 1]} : vector<8x1024xf32> to vector<1x1024xf32>
    %mul3A_5 = arith.constant 3.05175781E-5 : f32
    %mul3A_6 = vector.broadcast %mul3A_5 : f32 to vector<1x1024xf32>
    %mul3A_7 = arith.mulf %slice3A_4, %mul3A_6 : vector<1x1024xf32>
    %mul3A_8 = arith.mulf %mul3A_3, %mul3A_3 : vector<1x1024xf32>
    %sub3A = arith.subf %mul3A_7, %mul3A_8 : vector<1x1024xf32>
    %add3A = arith.constant 9.99999974E-6 : f32
    %add3A_9 = vector.broadcast %add3A : f32 to vector<1x1024xf32>
    %add3A_10 = arith.addf %sub3A, %add3A_9 : vector<1x1024xf32>
    %rsqrt3A = math.rsqrt %add3A_10 : vector<1x1024xf32>
    %get3A_11 = arith.constant 0 : index
    %get3A_12 = vector.load %arg3[%get3A_11] : memref<1024xf32, #tpu.memory_space<vmem>>, vector<1024xf32>
    %broadcast_in_dim3A = vector.shape_cast %get3A_12 : vector<1024xf32> to vector<1x1024xf32>
    %mul3A_13 = arith.mulf %rsqrt3A, %broadcast_in_dim3A : vector<1x1024xf32>
    %get3A_14 = arith.constant 0 : index
    %get3A_15 = arith.constant 0 : index
    %get3A_16 = arith.constant 0 : index
    %get3A_17 = vector.load %arg1[%get3A_14, %get3A_15, %get3A_16] : memref<1x1024x1024xf32, #tpu.memory_space<vmem>>, vector<1x1024x1024xf32>
    %get3A_18 = vector.shape_cast %get3A_17 : vector<1x1024x1024xf32> to vector<1024x1024xf32>
    %reduce_max3A = arith.constant dense<0xFF800000> : vector<1024xf32>
    %reduce_max3A_19 = vector.multi_reduction <maximumf>, %get3A_18, %reduce_max3A [0] : vector<1024x1024xf32> to vector<1024xf32>
    %broadcast_in_dim3A_20 = vector.shape_cast %reduce_max3A_19 : vector<1024xf32> to vector<1x1024xf32>
    %sub3A_21 = arith.subf %broadcast_in_dim3A_20, %mul3A_3 : vector<1x1024xf32>
    %mul3A_22 = arith.mulf %sub3A_21, %mul3A_13 : vector<1x1024xf32>
    %get3A_23 = arith.constant 0 : index
    %get3A_24 = vector.load %arg4[%get3A_23] : memref<1024xf32, #tpu.memory_space<vmem>>, vector<1024xf32>
    %broadcast_in_dim3A_25 = vector.shape_cast %get3A_24 : vector<1024xf32> to vector<1x1024xf32>
    %add3A_26 = arith.addf %mul3A_22, %broadcast_in_dim3A_25 : vector<1x1024xf32>
    %ge3A = arith.constant 0.000000e+00 : f32
    %ge3A_27 = vector.broadcast %ge3A : f32 to vector<1x1024xf32>
    %ge3A_28 = arith.cmpf oge, %add3A_26, %ge3A_27 : vector<1x1024xf32>
    %mul3A_29 = arith.constant 2.000000e-01 : f32
    %mul3A_30 = vector.broadcast %mul3A_29 : f32 to vector<1x1024xf32>
    %mul3A_31 = arith.mulf %mul3A_30, %add3A_26 : vector<1x1024xf32>
    %select_n3A = arith.select %ge3A_28, %add3A_26, %mul3A_31 : vector<1x1024xi1>, vector<1x1024xf32>
    %swap3A = arith.constant 0 : index
    %swap3A_32 = arith.constant 0 : index
    %swap3A_33 = arith.constant 0 : index
    %swap3A_34 = vector.load %arg5[%swap3A, %swap3A_32, %swap3A_33] : memref<1x1x1024xf32, #tpu.memory_space<vmem>>, vector<1x1x1024xf32>
    %swap3A_35 = vector.shape_cast %swap3A_34 : vector<1x1x1024xf32> to vector<1x1024xf32>
    %swap3A_36 = vector.shape_cast %select_n3A : vector<1x1024xf32> to vector<1x1x1024xf32>
    tpu.vector_store %arg5[%swap3A, %swap3A_32, %swap3A_33], %swap3A_36 {strides = array<i32>} : memref<1x1x1024xf32, #tpu.memory_space<vmem>>, vector<1x1x1024xf32>,
    %sub3A_37 = vector.broadcast %mul3A_3 : vector<1x1024xf32> to vector<1024x1024xf32>
    %sub3A_38 = arith.subf %get3A_18, %sub3A_37 : vector<1024x1024xf32>
    %mul3A_39 = vector.broadcast %mul3A_13 : vector<1x1024xf32> to vector<1024x1024xf32>
    %mul3A_40 = arith.mulf %sub3A_38, %mul3A_39 : vector<1024x1024xf32>
    %get3A_41 = arith.constant 0 : index
    %get3A_42 = vector.load %arg4[%get3A_41] : memref<1024xf32, #tpu.memory_space<vmem>>, vector<1024xf32>
    %broadcast_in_dim3A_43 = vector.shape_cast %get3A_42 : vector<1024xf32> to vector<1x1024xf32>
    %add3A_44 = vector.broadcast %broadcast_in_dim3A_43 : vector<1x1024xf32> to vector<1024x1024xf32>
    %add3A_45 = arith.addf %mul3A_40, %add3A_44 : vector<1024x1024xf32>
    %ge3A_46 = arith.constant 0.000000e+00 : f32
    %ge3A_47 = vector.broadcast %ge3A_46 : f32 to vector<1024x1024xf32>
    %ge3A_48 = arith.cmpf oge, %add3A_45, %ge3A_47 : vector<1024x1024xf32>
    %mul3A_49 = arith.constant 2.000000e-01 : f32
    %mul3A_50 = vector.broadcast %mul3A_49 : f32 to vector<1024x1024xf32>
    %mul3A_51 = arith.mulf %mul3A_50, %add3A_45 : vector<1024x1024xf32>
    %select_n3A_52 = arith.select %ge3A_48, %add3A_45, %mul3A_51 : vector<1024x1024xi1>, vector<1024x1024xf32>
    %reduce_sum3A = arith.constant dense<0.000000e+00> : vector<1024xf32>
    %reduce_sum3A_53 = vector.multi_reduction <add>, %select_n3A_52, %reduce_sum3A [0] : vector<1024x1024xf32> to vector<1024xf32>
    %broadcast_in_dim3A_54 = vector.shape_cast %reduce_sum3A_53 : vector<1024xf32> to vector<1x1024xf32>
    %mul3A_55 = arith.constant 9.765625E-4 : f32
    %mul3A_56 = vector.broadcast %mul3A_55 : f32 to vector<1x1024xf32>
    %mul3A_57 = arith.mulf %broadcast_in_dim3A_54, %mul3A_56 : vector<1x1024xf32>
    %swap3A_58 = arith.constant 0 : index
    %swap3A_59 = arith.constant 0 : index
    %swap3A_60 = arith.constant 0 : index
    %swap3A_61 = vector.load %arg6[%swap3A_58, %swap3A_59, %swap3A_60] : memref<1x1x1024xf32, #tpu.memory_space<vmem>>, vector<1x1x1024xf32>
    %swap3A_62 = vector.shape_cast %swap3A_61 : vector<1x1x1024xf32> to vector<1x1024xf32>
    %swap3A_63 = vector.shape_cast %mul3A_57 : vector<1x1024xf32> to vector<1x1x1024xf32>
    tpu.vector_store %arg6[%swap3A_58, %swap3A_59, %swap3A_60], %swap3A_63 {strides = array<i32>} : memref<1x1x1024xf32, #tpu.memory_space<vmem>>, vector<1x1x1024xf32>,
    return
  }
  func.func @transform_0(%arg0: i32) -> (i32, i32, i32) {
    %c0_i32 = arith.constant 0 : i32
    %c0_i32_0 = arith.constant 0 : i32
    %c0_i32_1 = arith.constant 0 : i32
    return %arg0, %c0_i32, %c0_i32_0 : i32, i32, i32
  }
  func.func @transform_1(%arg0: i32) -> (i32, i32) {
    %c0_i32 = arith.constant 0 : i32
    %c0_i32_0 = arith.constant 0 : i32
    %c0_i32_1 = arith.constant 0 : i32
    return %c0_i32, %c0_i32_0 : i32, i32
  }
  func.func @transform_2(%arg0: i32) -> i32 {
    %c0_i32 = arith.constant 0 : i32
    %c0_i32_0 = arith.constant 0 : i32
    return %c0_i32 : i32
  }
  func.func @transform_3(%arg0: i32) -> i32 {
    %c0_i32 = arith.constant 0 : i32
    %c0_i32_0 = arith.constant 0 : i32
    return %c0_i32 : i32
  }
  func.func @transform_4(%arg0: i32) -> (i32, i32, i32) {
    %c0_i32 = arith.constant 0 : i32
    %c0_i32_0 = arith.constant 0 : i32
    %c0_i32_1 = arith.constant 0 : i32
    return %arg0, %c0_i32, %c0_i32_0 : i32, i32, i32
  }
  func.func @transform_5(%arg0: i32) -> (i32, i32, i32) {
    %c0_i32 = arith.constant 0 : i32
    %c0_i32_0 = arith.constant 0 : i32
    %c0_i32_1 = arith.constant 0 : i32
    return %arg0, %c0_i32, %c0_i32_0 : i32, i32, i32
  }
}

module attributes {stable_mosaic.version = 14 : i64} {
  func.func @_head_body(%arg0: memref<32x1024xf32, #tpu.memory_space<vmem>>, %arg1: memref<32x1024xf32, #tpu.memory_space<vmem>>, %arg2: memref<32x6xf32, #tpu.memory_space<vmem>>, %arg3: memref<32x6xf32, #tpu.memory_space<vmem>>, %arg4: memref<32xf32, #tpu.memory_space<vmem>>, %arg5: memref<512x2080xf32, #tpu.memory_space<vmem>>, %arg6: memref<512xf32, #tpu.memory_space<vmem>>, %arg7: memref<256x512xf32, #tpu.memory_space<vmem>>, %arg8: memref<256xf32, #tpu.memory_space<vmem>>, %arg9: memref<40x256xf32, #tpu.memory_space<vmem>>, %arg10: memref<40xf32, #tpu.memory_space<vmem>>, %arg11: memref<32x40xf32, #tpu.memory_space<vmem>>) attributes {dimension_semantics = [], scalar_prefetch = 0 : i64, scratch_operands = 0 : i64, tpu.core_type = #tpu.core_type<tc>} {
    %get3A = arith.constant 0 : index
    %get3A_0 = arith.constant 0 : index
    %get3A_1 = vector.load %arg2[%get3A, %get3A_0] : memref<32x6xf32, #tpu.memory_space<vmem>>, vector<32x6xf32>
    %get3A_2 = arith.constant 0 : index
    %get3A_3 = arith.constant 0 : index
    %get3A_4 = vector.load %arg3[%get3A_2, %get3A_3] : memref<32x6xf32, #tpu.memory_space<vmem>>, vector<32x6xf32>
    %dot_general3A = arith.constant dense<0.000000e+00> : vector<32x32xf32>
    %dot_general3A_5 = tpu.matmul %get3A_1, %get3A_4, %dot_general3A {dimension_numbers = #tpu.dot_dimension_numbers<[1], [1], [0], [0], [0, 0, 1, 0], [], []>, transpose_lhs_hint = false} : vector<32x6xf32>, vector<32x6xf32>, vector<32x32xf32> -> vector<32x32xf32>
    %get3A_6 = arith.constant 0 : index
    %get3A_7 = vector.load %arg4[%get3A_6] : memref<32xf32, #tpu.memory_space<vmem>>, vector<32xf32>
    %broadcast_in_dim3A = vector.shape_cast %get3A_7 : vector<32xf32> to vector<1x32xf32>
    %add3A = vector.broadcast %broadcast_in_dim3A : vector<1x32xf32> to vector<32x32xf32>
    %add3A_8 = arith.addf %dot_general3A_5, %add3A : vector<32x32xf32>
    %reduce_sum3A = arith.constant dense<0.000000e+00> : vector<32xf32>
    %reduce_sum3A_9 = vector.multi_reduction <add>, %add3A_8, %reduce_sum3A [0] : vector<32x32xf32> to vector<32xf32>
    %broadcast_in_dim3A_10 = vector.shape_cast %reduce_sum3A_9 : vector<32xf32> to vector<1x32xf32>
    %div3A = arith.constant 3.200000e+01 : f32
    %div3A_11 = vector.broadcast %div3A : f32 to vector<1x32xf32>
    %div3A_12 = arith.divf %broadcast_in_dim3A_10, %div3A_11 : vector<1x32xf32>
    %sub3A = vector.broadcast %div3A_12 : vector<1x32xf32> to vector<32x32xf32>
    %sub3A_13 = arith.subf %add3A_8, %sub3A : vector<32x32xf32>
    %integer_pow3A = arith.mulf %sub3A_13, %sub3A_13 : vector<32x32xf32>
    %reduce_sum3A_14 = arith.constant dense<0.000000e+00> : vector<32xf32>
    %reduce_sum3A_15 = vector.multi_reduction <add>, %integer_pow3A, %reduce_sum3A_14 [0] : vector<32x32xf32> to vector<32xf32>
    %broadcast_in_dim3A_16 = vector.shape_cast %reduce_sum3A_15 : vector<32xf32> to vector<1x32xf32>
    %div3A_17 = arith.constant 3.200000e+01 : f32
    %div3A_18 = vector.broadcast %div3A_17 : f32 to vector<1x32xf32>
    %div3A_19 = arith.divf %broadcast_in_dim3A_16, %div3A_18 : vector<1x32xf32>
    %sub3A_20 = vector.broadcast %div3A_12 : vector<1x32xf32> to vector<32x32xf32>
    %sub3A_21 = arith.subf %add3A_8, %sub3A_20 : vector<32x32xf32>
    %add3A_22 = arith.constant 9.99999974E-6 : f32
    %add3A_23 = vector.broadcast %add3A_22 : f32 to vector<1x32xf32>
    %add3A_24 = arith.addf %div3A_19, %add3A_23 : vector<1x32xf32>
    %rsqrt3A = math.rsqrt %add3A_24 : vector<1x32xf32>
    %mul3A = vector.broadcast %rsqrt3A : vector<1x32xf32> to vector<32x32xf32>
    %mul3A_25 = arith.mulf %sub3A_21, %mul3A : vector<32x32xf32>
    %ge3A = arith.constant 0.000000e+00 : f32
    %ge3A_26 = vector.broadcast %ge3A : f32 to vector<32x32xf32>
    %ge3A_27 = arith.cmpf oge, %mul3A_25, %ge3A_26 : vector<32x32xf32>
    %mul3A_28 = arith.constant 2.000000e-01 : f32
    %mul3A_29 = vector.broadcast %mul3A_28 : f32 to vector<32x32xf32>
    %mul3A_30 = arith.mulf %mul3A_29, %mul3A_25 : vector<32x32xf32>
    %select_n3A = arith.select %ge3A_27, %mul3A_25, %mul3A_30 : vector<32x32xi1>, vector<32x32xf32>
    %get3A_31 = arith.constant 0 : index
    %get3A_32 = arith.constant 0 : index
    %get3A_33 = vector.load %arg0[%get3A_31, %get3A_32] : memref<32x1024xf32, #tpu.memory_space<vmem>>, vector<32x1024xf32>
    %get3A_34 = arith.constant 0 : index
    %get3A_35 = arith.constant 0 : index
    %get3A_36 = vector.load %arg1[%get3A_34, %get3A_35] : memref<32x1024xf32, #tpu.memory_space<vmem>>, vector<32x1024xf32>
    %concatenate3A = tpu.concatenate %get3A_33, %get3A_36, %select_n3A in 1 : vector<32x1024xf32>, vector<32x1024xf32>, vector<32x32xf32> -> vector<32x2080xf32>
    %get3A_37 = arith.constant 0 : index
    %get3A_38 = arith.constant 0 : index
    %get3A_39 = vector.load %arg5[%get3A_37, %get3A_38] : memref<512x2080xf32, #tpu.memory_space<vmem>>, vector<512x2080xf32>
    %dot_general3A_40 = arith.constant dense<0.000000e+00> : vector<32x512xf32>
    %dot_general3A_41 = tpu.matmul %concatenate3A, %get3A_39, %dot_general3A_40 {dimension_numbers = #tpu.dot_dimension_numbers<[1], [1], [0], [0], [0, 0, 1, 0], [], []>, transpose_lhs_hint = false} : vector<32x2080xf32>, vector<512x2080xf32>, vector<32x512xf32> -> vector<32x512xf32>
    %get3A_42 = arith.constant 0 : index
    %get3A_43 = vector.load %arg6[%get3A_42] : memref<512xf32, #tpu.memory_space<vmem>>, vector<512xf32>
    %broadcast_in_dim3A_44 = vector.shape_cast %get3A_43 : vector<512xf32> to vector<1x512xf32>
    %add3A_45 = vector.broadcast %broadcast_in_dim3A_44 : vector<1x512xf32> to vector<32x512xf32>
    %add3A_46 = arith.addf %dot_general3A_41, %add3A_45 : vector<32x512xf32>
    %reduce_sum3A_47 = arith.constant dense<0.000000e+00> : vector<512xf32>
    %reduce_sum3A_48 = vector.multi_reduction <add>, %add3A_46, %reduce_sum3A_47 [0] : vector<32x512xf32> to vector<512xf32>
    %broadcast_in_dim3A_49 = vector.shape_cast %reduce_sum3A_48 : vector<512xf32> to vector<1x512xf32>
    %div3A_50 = arith.constant 3.200000e+01 : f32
    %div3A_51 = vector.broadcast %div3A_50 : f32 to vector<1x512xf32>
    %div3A_52 = arith.divf %broadcast_in_dim3A_49, %div3A_51 : vector<1x512xf32>
    %sub3A_53 = vector.broadcast %div3A_52 : vector<1x512xf32> to vector<32x512xf32>
    %sub3A_54 = arith.subf %add3A_46, %sub3A_53 : vector<32x512xf32>
    %integer_pow3A_55 = arith.mulf %sub3A_54, %sub3A_54 : vector<32x512xf32>
    %reduce_sum3A_56 = arith.constant dense<0.000000e+00> : vector<512xf32>
    %reduce_sum3A_57 = vector.multi_reduction <add>, %integer_pow3A_55, %reduce_sum3A_56 [0] : vector<32x512xf32> to vector<512xf32>
    %broadcast_in_dim3A_58 = vector.shape_cast %reduce_sum3A_57 : vector<512xf32> to vector<1x512xf32>
    %div3A_59 = arith.constant 3.200000e+01 : f32
    %div3A_60 = vector.broadcast %div3A_59 : f32 to vector<1x512xf32>
    %div3A_61 = arith.divf %broadcast_in_dim3A_58, %div3A_60 : vector<1x512xf32>
    %sub3A_62 = vector.broadcast %div3A_52 : vector<1x512xf32> to vector<32x512xf32>
    %sub3A_63 = arith.subf %add3A_46, %sub3A_62 : vector<32x512xf32>
    %add3A_64 = arith.constant 9.99999974E-6 : f32
    %add3A_65 = vector.broadcast %add3A_64 : f32 to vector<1x512xf32>
    %add3A_66 = arith.addf %div3A_61, %add3A_65 : vector<1x512xf32>
    %rsqrt3A_67 = math.rsqrt %add3A_66 : vector<1x512xf32>
    %mul3A_68 = vector.broadcast %rsqrt3A_67 : vector<1x512xf32> to vector<32x512xf32>
    %mul3A_69 = arith.mulf %sub3A_63, %mul3A_68 : vector<32x512xf32>
    %ge3A_70 = arith.constant 0.000000e+00 : f32
    %ge3A_71 = vector.broadcast %ge3A_70 : f32 to vector<32x512xf32>
    %ge3A_72 = arith.cmpf oge, %mul3A_69, %ge3A_71 : vector<32x512xf32>
    %mul3A_73 = arith.constant 2.000000e-01 : f32
    %mul3A_74 = vector.broadcast %mul3A_73 : f32 to vector<32x512xf32>
    %mul3A_75 = arith.mulf %mul3A_74, %mul3A_69 : vector<32x512xf32>
    %select_n3A_76 = arith.select %ge3A_72, %mul3A_69, %mul3A_75 : vector<32x512xi1>, vector<32x512xf32>
    %get3A_77 = arith.constant 0 : index
    %get3A_78 = arith.constant 0 : index
    %get3A_79 = vector.load %arg7[%get3A_77, %get3A_78] : memref<256x512xf32, #tpu.memory_space<vmem>>, vector<256x512xf32>
    %dot_general3A_80 = arith.constant dense<0.000000e+00> : vector<32x256xf32>
    %dot_general3A_81 = tpu.matmul %select_n3A_76, %get3A_79, %dot_general3A_80 {dimension_numbers = #tpu.dot_dimension_numbers<[1], [1], [0], [0], [0, 0, 1, 0], [], []>, transpose_lhs_hint = false} : vector<32x512xf32>, vector<256x512xf32>, vector<32x256xf32> -> vector<32x256xf32>
    %get3A_82 = arith.constant 0 : index
    %get3A_83 = vector.load %arg8[%get3A_82] : memref<256xf32, #tpu.memory_space<vmem>>, vector<256xf32>
    %broadcast_in_dim3A_84 = vector.shape_cast %get3A_83 : vector<256xf32> to vector<1x256xf32>
    %add3A_85 = vector.broadcast %broadcast_in_dim3A_84 : vector<1x256xf32> to vector<32x256xf32>
    %add3A_86 = arith.addf %dot_general3A_81, %add3A_85 : vector<32x256xf32>
    %reduce_sum3A_87 = arith.constant dense<0.000000e+00> : vector<256xf32>
    %reduce_sum3A_88 = vector.multi_reduction <add>, %add3A_86, %reduce_sum3A_87 [0] : vector<32x256xf32> to vector<256xf32>
    %broadcast_in_dim3A_89 = vector.shape_cast %reduce_sum3A_88 : vector<256xf32> to vector<1x256xf32>
    %div3A_90 = arith.constant 3.200000e+01 : f32
    %div3A_91 = vector.broadcast %div3A_90 : f32 to vector<1x256xf32>
    %div3A_92 = arith.divf %broadcast_in_dim3A_89, %div3A_91 : vector<1x256xf32>
    %sub3A_93 = vector.broadcast %div3A_92 : vector<1x256xf32> to vector<32x256xf32>
    %sub3A_94 = arith.subf %add3A_86, %sub3A_93 : vector<32x256xf32>
    %integer_pow3A_95 = arith.mulf %sub3A_94, %sub3A_94 : vector<32x256xf32>
    %reduce_sum3A_96 = arith.constant dense<0.000000e+00> : vector<256xf32>
    %reduce_sum3A_97 = vector.multi_reduction <add>, %integer_pow3A_95, %reduce_sum3A_96 [0] : vector<32x256xf32> to vector<256xf32>
    %broadcast_in_dim3A_98 = vector.shape_cast %reduce_sum3A_97 : vector<256xf32> to vector<1x256xf32>
    %div3A_99 = arith.constant 3.200000e+01 : f32
    %div3A_100 = vector.broadcast %div3A_99 : f32 to vector<1x256xf32>
    %div3A_101 = arith.divf %broadcast_in_dim3A_98, %div3A_100 : vector<1x256xf32>
    %sub3A_102 = vector.broadcast %div3A_92 : vector<1x256xf32> to vector<32x256xf32>
    %sub3A_103 = arith.subf %add3A_86, %sub3A_102 : vector<32x256xf32>
    %add3A_104 = arith.constant 9.99999974E-6 : f32
    %add3A_105 = vector.broadcast %add3A_104 : f32 to vector<1x256xf32>
    %add3A_106 = arith.addf %div3A_101, %add3A_105 : vector<1x256xf32>
    %rsqrt3A_107 = math.rsqrt %add3A_106 : vector<1x256xf32>
    %mul3A_108 = vector.broadcast %rsqrt3A_107 : vector<1x256xf32> to vector<32x256xf32>
    %mul3A_109 = arith.mulf %sub3A_103, %mul3A_108 : vector<32x256xf32>
    %ge3A_110 = arith.constant 0.000000e+00 : f32
    %ge3A_111 = vector.broadcast %ge3A_110 : f32 to vector<32x256xf32>
    %ge3A_112 = arith.cmpf oge, %mul3A_109, %ge3A_111 : vector<32x256xf32>
    %mul3A_113 = arith.constant 2.000000e-01 : f32
    %mul3A_114 = vector.broadcast %mul3A_113 : f32 to vector<32x256xf32>
    %mul3A_115 = arith.mulf %mul3A_114, %mul3A_109 : vector<32x256xf32>
    %select_n3A_116 = arith.select %ge3A_112, %mul3A_109, %mul3A_115 : vector<32x256xi1>, vector<32x256xf32>
    %get3A_117 = arith.constant 0 : index
    %get3A_118 = arith.constant 0 : index
    %get3A_119 = vector.load %arg9[%get3A_117, %get3A_118] : memref<40x256xf32, #tpu.memory_space<vmem>>, vector<40x256xf32>
    %dot_general3A_120 = arith.constant dense<0.000000e+00> : vector<32x40xf32>
    %dot_general3A_121 = tpu.matmul %select_n3A_116, %get3A_119, %dot_general3A_120 {dimension_numbers = #tpu.dot_dimension_numbers<[1], [1], [0], [0], [0, 0, 1, 0], [], []>, transpose_lhs_hint = false} : vector<32x256xf32>, vector<40x256xf32>, vector<32x40xf32> -> vector<32x40xf32>
    %get3A_122 = arith.constant 0 : index
    %get3A_123 = vector.load %arg10[%get3A_122] : memref<40xf32, #tpu.memory_space<vmem>>, vector<40xf32>
    %broadcast_in_dim3A_124 = vector.shape_cast %get3A_123 : vector<40xf32> to vector<1x40xf32>
    %add3A_125 = vector.broadcast %broadcast_in_dim3A_124 : vector<1x40xf32> to vector<32x40xf32>
    %add3A_126 = arith.addf %dot_general3A_121, %add3A_125 : vector<32x40xf32>
    %swap3A = arith.constant 0 : index
    %swap3A_127 = arith.constant 0 : index
    %swap3A_128 = vector.load %arg11[%swap3A, %swap3A_127] : memref<32x40xf32, #tpu.memory_space<vmem>>, vector<32x40xf32>
    tpu.vector_store %arg11[%swap3A, %swap3A_127], %add3A_126 {strides = array<i32>} : memref<32x40xf32, #tpu.memory_space<vmem>>, vector<32x40xf32>,
    return
  }
}

</mosaic_0001>

<sc_bundles>
// kernel: kernel.21.cloned.1.call-start
scs
__scs_entry_jumppad:
0x0: {  	(pc) =	sbr.rel $0x88, $3  }
0x1: {  	(tag) =	ssettag $0x0;
	lr =	simm.s32 $0x1  }
0x2: {  	[smem:$0x3F88] =	sst lr;
	_ =	strace $0xD0000000  }
0x3: {  	_ = 	snop  }
0x4: {  	_ = 	snop  }
0x5: {  	_ = 	snop  }
0x6: {  	_ = 	snop  }
0x7: {  	_ = 	snop  }
__scs_overlays_trampoline_lowered:
0x8: {  	[smem:$0x3F97] =	sst s0  }
0x9: {  	[smem:$0x3F98] =	sst s1  }
0xa: {  	[smem:$0x3F99] =	sst s2  }
0xb: {  	[smem:$0x3F9A] =	sst s3  }
0xc: {  	[smem:$0x3F9B] =	sst s4  }
0xd: {  	[smem:$0x3F9C] =	sst s5  }
0xe: {  	[smem:$0x3F9D] =	sst s6  }
0xf: {  	[smem:$0x3F9E] =	sst s7  }
0x10: {  	[smem:$0x3F9F] =	sst s8  }
0x11: {  	[smem:$0x3FA0] =	sst s9;
	s0 =	simm.s32 @!p0 $0x0  }
0x12: {  	s1 =	sld [smem:$0x3F86];
	s0 =	simm.s32 @p0 $0x1  }
0x13: {  	[smem:$0x3FA1] =	sst s0;
	s0 =	simm.s32 @!p1 $0x0  }
0x14: {  	s2 =	sld [smem:$0x3F85];
	s0 =	simm.s32 @p1 $0x1  }
0x15: {  	[smem:$0x3FA2] =	sst s0;
	s0 =	simm.s32 @!p2 $0x0  }
0x16: {  	s3 =	sld [smem:$0x3FDB];
	s0 =	simm.s32 @p2 $0x1  }
0x17: {  	s4 =	simm.s32 $0x1BF5;
	[smem:$0x3FA4] =	sst s0  }
0x18: {  	s0 =	sld [smem:$0x3F87];
	_ =	swait.ge [sflag:s4], $0x0  }
0x19: {  	s7 =	sld [smem:$0x3F88]  }
0x1a: {  	s8 =	sadd.s32 $0xFFFFE003, lr  }
0x1b: {  	s9 =	sadd.s32 $0xFFFFFEF7, lr;
	s5 =	simm.s32 $0xFFFFFFFF;
	p2 =	slt.u32 s8, $0xFFFFF086  }
0x1c: {  	p1 =	slt.u32 s9, $0xF7A;
	s5 =	simm.s32 @!p2 $0x0  }
0x1d: {  	s5 =	simm.s32 @p1 $0x1;
	p0 =	seq.s32 s7, s2  }
0x1e: {  	s7 =	smul.u32 @!p0 $0xF7A, s2;
	p2 =	seq.s32 @!p0 s5, $0x0  }
0x1f: {  	s9 =	smul.u32 $0xF7A, s1;
	s8 =	simm.s32 @!p0 $0x1BF5;
	p2 =	por !p2, p0  }
0x20: {  	[sflag:s8] =	ssyncset.s32 @!p0 $0xFFFFF086;
	s6 =	sadd.s32 @!p0 s3, s7;
	s7 =	simm.s32 @!p0 $0x108  }
0x21: {  	s3 =	sadd.s32 s3, s9;
	s6 =	sadd.s32 @!p0 $0x88, s6;
	s7 =	simm.s32 @p2 $0x1082  }
0x22: {  	[simem:s7], [sflag:s8] =	dma.local @!p0 [hbm:s6], $0xF7A  }
0x23: {  	s9 =	sor.u32 $0xD0000000, s2;
	s6 =	simm.s32 $0x108;
	_ =	swait.ge @!p0 [sflag:s8], $0x0  }
0x24: {  	s3 =	sadd.s32 $0x88, s3;
	s6 =	simm.s32 @!p1 $0x1082;
	[sflag:s4] =	ssyncset.s32 $0xFFFFF086  }
0x25: {  	[simem:s6], [sflag:s4] =	dma.local [hbm:s3], $0xF7A  }
0x26: {  	[smem:$0x3F88] =	sst s1;
	(tag) =	ssettag s2;
	_ =	strace s9  }
0x27: {  	s1 =	sld [smem:$0x3F98]  }
0x28: {  	s2 =	sld [smem:$0x3F99]  }
0x29: {  	s4 =	sld [smem:$0x3F9B]  }
0x2a: {  	p0 =	seq.s32 s5, $0x0;
	s5 =	sld [smem:$0x3F9C]  }
0x2b: {  	s6 =	sld [smem:$0x3F9D]  }
0x2c: {  	s7 =	sld [smem:$0x3F9E]  }
0x2d: {  	s3 =	simm.s32 $0x108;
	s8 =	sld [smem:$0x3F9F]  }
0x2e: {  	s3 =	simm.s32 @!p0 $0x1082;
	s9 =	sld [smem:$0x3FA0]  }
0x2f: {  	lr =	sadd.s32 s0, s3;
	s0 =	sld [smem:$0x3F97]  }
0x30: {  	s3 =	sld [smem:$0x3F9A]  }
0x31: {  	[smem:$0x3FA3] =	sst s10  }
0x32: {  	s10 =	sld [smem:$0x3FA1];
	_ =	sdelay $0x3  }
0x33: {  	p0 =	seq.s32 s10, $0x1;
	s10 =	sld [smem:$0x3FA3];
	_ =	sdelay $0x3  }
0x34: {  	[smem:$0x3FA3] =	sst s10  }
0x35: {  	s10 =	sld [smem:$0x3FA2];
	_ =	sdelay $0x3  }
0x36: {  	p1 =	seq.s32 s10, $0x1;
	s10 =	sld [smem:$0x3FA3];
	_ =	sdelay $0x3  }
0x37: {  	[smem:$0x3FA3] =	sst s10  }
0x38: {  	s10 =	sld [smem:$0x3FA4]  }
0x39: {  	_ = 	snop;
	(pc) =	sbr.ind lr, $3  }
0x3a: {  	_ = 	snop  }
0x3b: {  	_ = 	snop  }
0x3c: {  	p2 =	seq.s32 s10, $0x1;
	s10 =	sld [smem:$0x3FA3]  }
0x3d: {  	_ =	shalt  }
0x3e: {  	_ =	shalt  }
0x3f: {  	_ =	shalt  }
0x40: {  	_ =	shalt  }
0x41: {  	_ =	shalt  }
0x42: {  	_ =	shalt  }
0x43: {  	_ =	shalt  }
0x44: {  	_ =	shalt  }
0x45: {  	_ =	shalt  }
0x46: {  	_ =	shalt  }
0x47: {  	_ =	shalt  }
0x48: {  	_ =	shalt  }
0x49: {  	_ =	shalt  }
0x4a: {  	_ =	shalt  }
0x4b: {  	_ =	shalt  }
0x4c: {  	_ =	shalt  }
0x4d: {  	_ =	shalt  }
0x4e: {  	_ =	shalt  }
0x4f: {  	_ =	shalt  }
0x50: {  	_ =	shalt  }
0x51: {  	_ =	shalt  }
0x52: {  	_ =	shalt  }
0x53: {  	_ =	shalt  }
0x54: {  	_ =	shalt  }
0x55: {  	_ =	shalt  }
0x56: {  	_ =	shalt  }
0x57: {  	_ =	shalt  }
0x58: {  	_ =	shalt  }
0x59: {  	_ =	shalt  }
0x5a: {  	_ =	shalt  }
0x5b: {  	_ =	shalt  }
0x5c: {  	_ =	shalt  }
0x5d: {  	_ =	shalt  }
0x5e: {  	_ =	shalt  }
0x5f: {  	_ =	shalt  }
0x60: {  	_ =	shalt  }
0x61: {  	_ =	shalt  }
0x62: {  	_ =	shalt  }
0x63: {  	_ =	shalt  }
0x64: {  	_ =	shalt  }
0x65: {  	_ =	shalt  }
0x66: {  	_ =	shalt  }
0x67: {  	_ =	shalt  }
0x68: {  	_ =	shalt  }
0x69: {  	_ =	shalt  }
0x6a: {  	_ =	shalt  }
0x6b: {  	_ =	shalt  }
0x6c: {  	_ =	shalt  }
0x6d: {  	_ =	shalt  }
0x6e: {  	_ =	shalt  }
0x6f: {  	_ =	shalt  }
0x70: {  	_ =	shalt  }
0x71: {  	_ =	shalt  }
0x72: {  	_ =	shalt  }
0x73: {  	_ =	shalt  }
0x74: {  	_ =	shalt  }
0x75: {  	_ =	shalt  }
0x76: {  	_ =	shalt  }
0x77: {  	_ =	shalt  }
0x78: {  	_ =	shalt  }
0x79: {  	_ =	shalt  }
0x7a: {  	_ =	shalt  }
0x7b: {  	_ =	shalt  }
0x7c: {  	_ =	shalt  }
0x7d: {  	_ =	shalt  }
0x7e: {  	_ =	shalt  }
0x7f: {  	_ =	shalt  }
0x80: {  	_ =	shalt  }
0x81: {  	_ =	shalt  }
0x82: {  	_ =	shalt  }
0x83: {  	_ =	shalt  }
0x84: {  	_ =	shalt  }
0x85: {  	_ =	shalt  }
0x86: {  	_ =	shalt  }
0x87: {  	_ =	shalt  }
.Lfunc_end0:
.L_simem_size_0:
called_computation_lowered:
.L_overlay_start_0:
0x88: {  	s2 =	sld [smem:$0x3FD9]  }
0x89: {  	s3 =	sld [smem:$0x3FFE];
	_ =	sdelay $0x1  }
0x8a: {  	s1 =	srdreg.scid  }
0x8b: {  	s0 =	sand.u32 $0x1, s1  }
0x8c: {  	s16 =	sshll.u32 s0, $0xA;
	s2 =	sadd.s32 s3, s2  }
0x8d: {  	s2 =	sadd.s32 s2, s16  }
0x8e: {  	[smem:$0x3FAF] =	sst s2  }
0x8f: {  	_ = 	snop  }
0x90: {  	(tm) =	ssettm $0x1  }
0x91: {  	s17 =	sld [smem:$0x3FFB];
	_ =	sdelay $0x3  }
0x92: {  	_ =	strace s17  }
0x93: {  	s2 =	sld [smem:$0x3FFC];
	_ =	sdelay $0x3  }
0x94: {  	_ =	strace s2  }
0x95: {  	s2 =	sld [smem:$0x3FFD];
	_ =	sdelay $0x3  }
0x96: {  	_ =	strace s2  }
0x97: {  	_ =	strace $0x8FFFFFFF  }
0x98: {  	s18 =	sld [smem:$0x3FDB];
	_ =	sdelay $0x1  }
0x99: {  	s19 =	simm.s32 $_scs_section_size  }
0x9a: {  	s4 =	simm.s32 $_size__tile_overlayer_lowered;
	s5 =	simm.s32 $_tile_overlayer_lowered  }
0x9b: {  	s22 =	simm.s32 $0x1BFF;
	s21 =	sshll.u32 s5, $0x1;
	s2 =	sadd.s32 s19, s18  }
0x9c: {  	s6 =	simm.s32 $0x0;
	s20 =	sshll.u32 s4, $0x1;
	s4 =	sadd.s32 s21, s2  }
0x9d: {  	[timem:s6], [sflag:s22] =	dma.local [hbm:s4], s20  }
0x9e: {  	_ =	swait.ge [sflag:s22], s20  }
0x9f: {  	s3 =	ssub.s32 $0x0, s20;
	[sflag:s22] =	ssyncset.done $0x0  }
0xa0: {  	[sflag:s22] =	ssyncadd.s32 s3;
	_ =	sdelay $0x1  }
0xa1: {  	s23 =	simm.s32 $0x1B8B  }
0xa2: {  	_ =	swait.ge [sflag:s23], $0x1  }
0xa3: {  	[sflag:s23] =	ssyncset.done $0x0  }
0xa4: {  	s25 =	simm.s32 $0x1B8E;
	s24 =	sld [smem:$0x3FFE];
	[sflag:s23] =	ssyncadd.s32 $0xFFFFFFFF  }
0xa5: {  	s26 =	simm.s32 $execute0_lowered;
	[smem:$0x3FD2] =	sst s25  }
0xa6: {  	s4 =	sshll.u32 s26, $0x1;
	_ =	strace $0x80000046;
	[dreg:$0x1] =	wrdreg $0xFFFFFFFF  }
0xa7: {  	s28 =	simm.s32 $_size_execute0_lowered;
	s2 =	sadd.s32 s2, s4;
	[dreg:$0x0] =	wrdreg $0x0  }
0xa8: {  	s4 =	sshll.u32 s28, $0x1;
	[dreg:$0x2] =	wrdreg s2  }
0xa9: {  	[dreg:$0x3] =	wrdreg s4  }
0xaa: {  	[dreg:$0x4] =	wrdreg $0xC0  }
0xab: {  	_ =	task [dreg:s6], $0x5FFFF  }
0xac: {  	[dreg:$0x1] =	wrdreg $0xFFFFFFFF  }
0xad: {  	[dreg:$0x0] =	wrdreg $0x60  }
0xae: {  	[dreg:$0x2] =	wrdreg s24  }
0xaf: {  	[dreg:$0x3] =	wrdreg $0x9  }
0xb0: {  	_ =	task.clear_ibuf [dreg:s6], $0x4FFFF;
	_ =	strace $0x90000046  }
0xb1: {  	s29 =	simm.s32 $0x9;
	_ =	strace $0x80000048  }
0xb2: {  	_ =	swait.ge [sflag:s29], $0x1  }
0xb3: {  	[sflag:s29] =	ssyncadd.s32 $0xFFFFFFFF  }
0xb4: {  	_ =	strace $0x90000048  }
0xb5: {  	_ =	sfence  }
0xb6: {  	s30 =	sld [smem:$0x0];
	_ =	sdelay $0x2  }
0xb7: {  	s31 =	sshll.u32 s1, $0xD;
	s1 =	sshrl.u32 s1, $0x2  }
0xb8: {  	s3 =	sand.u32 $0x4000, s31;
	s1 =	sadd.s32 s1, s30  }
0xb9: {  	s0 =	sor.u32 s3, s0;
	s1 =	sshll.u32 s1, $0x11  }
0xba: {  	s0 =	sor.u32 s1, s0  }
0xbb: {  	s0 =	sadd.s32 $0x8F2B, s0  }
0xbc: {  	[sflag:s0] =	ssyncadd.remote.s32 $0x1  }
0xbd: {  	_ =	sfence.sel $0xFFFF  }
0xbe: {  	[dreg:$0x0] =	wrdreg $0xFFFFFFFF;
	(pc) =	sbr.abs _section_cstart, $3  }
0xbf: {  	[dreg:$0x1] =	wrdreg $0xFFFFFFFF  }
0xc0: {  	_ =	task.clear_ibuf [dreg:s6], $0x2FFFF;
	_ =	strace $0x9FFFFFFF  }
0xc1: {  	(tm) =	ssettm $0x7FFFFFFF  }
tec
execute0_lowered:
.L_overlay_start_1:
0x0: {  	(tag) =	ssettag $0x1  }
0x1: {  	s4 =	rddreg [dreg:$0x0]  }
0x2: {  	s0 =	rddreg [dreg:$0x1]  }
0x3: {  	s1 =	stileid.u32;
	s3 =	srdreg.scid  }
0x4: {  	s2 =	simm.s32 $0x0;
	s10 =	simm.s32 $0x80;
	s11 =	simm.s32 $0x2400  }
0x5: {  	s12 =	simm.s32 $0x100;
	s13 =	simm.s32 $0x4400;
	s14 =	simm.s32 $0x180  }
0x6: {  	s15 =	simm.s32 $0x6400;
	s16 =	simm.s32 $0x200;
	s18 =	simm.s32 $0x1  }
0x7: {  	s19 =	simm.s32 $0x0;
	s5 =	sand.u32 $0x1, s3;
	s25 =	smul.u32 $0x500000, s1  }
0x8: {  	[smem:$0x7FF] =	sst s2;
	s7 =	sshll.u32 s1, $0xE;
	s29 =	sshll.u32 s1, $0xB  }
0x9: {  	s6 =	smul.u32 $0x280000, s5;
	_ =	strace $0x80000047;
	s26 =	ssub.s32 $0x2, s5  }
0xa: {  	s7 =	sadd.s32 s7, s4;
	s30 =	sshll.u32 s5, $0xA;
	s5 =	sshll.u32 s5, $0xD  }
0xb: {  	s9 =	sshrl.u32 s26, $0x1;
	s17 =	sor.u32 s30, s29;
	s31 =	sadd.s32 s5, s7  }
0xc: {  	s7 =	simm.s32 $0x2;
	s3 =	sadd.s32 s6, s25;
	s28 =	ssub.s32 s26, s9  }
0xd: {  	s6 =	sadd.s32 $0x107E00, s31;
	s9 =	simm.s32 $0x400;
	s8 =	sshrl.u32 s3, $0x3  }
0xe: {  	v0 =	vmov s17;
	s17 =	simm.s32 $0x8400;
	s3 =	sadd.s32 $0x147E00, s4;
	s8 =	sadd.s32 s8, s4  }
0xf: {  	s4 =	smax.u32 s28, $0x1;
	s5 =	sadd.s32 $0x1C7E00, s8;
	s8 =	simm.s32 $0x40  }
.LBB2_1:
0x10: {  	s20 =	sadd.s32 $0x0, s6  }
0x11: {  	[tilespmem:s2], [sflag:$0x2] =	stream.linear.gather [hbm4b:s20+s2], $0x280, $0x38;
	[tilespmem:$0xA400] =	vst v63  }
0x12: {  	_ =	swait.ge [sflag:s7], $0x280  }
0x13: {  	[sflag:s7] =	ssyncset.done $0x0  }
0x14: {  	[sflag:s7] =	ssyncadd.s32 $0xFFFFFD80  }
0x15: {  	v1 =	vld [tilespmem:$0x230]  }
0x16: {  	v2 =	vld [tilespmem:$0x130]  }
0x17: {  	v3 =	vld [tilespmem:$0x220]  }
0x18: {  	v4 =	vld [tilespmem:$0x210]  }
0x19: {  	v5 =	vld [tilespmem:$0x200]  }
0x1a: {  	v6 =	vld [tilespmem:$0x1A0]  }
0x1b: {  	v1 =	vadd.s32 v0, v1  }
0x1c: {  	v7 =	vld [tilespmem:$0x190];
	v2 =	vadd.s32 v0, v2;
	[tilespmem:$0x230] =	vst v1  }
0x1d: {  	v57 =	vld [tilespmem:$0x110];
	v4 =	vadd.s32 v0, v4;
	[tilespmem:$0x130] =	vst v2  }
0x1e: {  	v5 =	vadd.s32 v0, v5;
	v1 =	vld [tilespmem:$0x180];
	[tilespmem:$0x210] =	vst v4  }
0x1f: {  	v6 =	vadd.s32 v0, v6;
	v2 =	vadd.s32 v0, v3;
	v3 =	vld [tilespmem:$0x30];
	[tilespmem:$0x200] =	vst v5  }
0x20: {  	v59 =	vld [tilespmem:$0xB0];
	[tilespmem:$0x1A0] =	vst v6  }
0x21: {  	v7 =	vadd.s32 v0, v7;
	[tilespmem:$0x220] =	vst v2;
	v2 =	vld [tilespmem:$0x120]  }
0x22: {  	v58 =	vld [tilespmem:$0x100];
	[tilespmem:$0x190] =	vst v7;
	v4 =	vadd.s32 v0, v57  }
0x23: {  	v60 =	vld [tilespmem:$0xA0];
	[tilespmem:$0x110] =	vst v4;
	v1 =	vadd.s32 v0, v1  }
0x24: {  	v3 =	vadd.s32 v0, v3;
	[tilespmem:$0x180] =	vst v1;
	v1 =	vld [tilespmem:$0x90]  }
0x25: {  	v6 =	vadd.s32 v0, v59;
	[tilespmem:$0x30] =	vst v3;
	v3 =	vld [tilespmem:$0x80]  }
0x26: {  	v61 =	vld [tilespmem:$0x1B0];
	[tilespmem:$0xB0] =	vst v6;
	v2 =	vadd.s32 v0, v2  }
0x27: {  	v62 =	vld [tilespmem:$0x20];
	[tilespmem:$0x120] =	vst v2;
	v2 =	vadd.s32 v0, v58  }
0x28: {  	v7 =	vadd.s32 v0, v60;
	[tilespmem:$0x100] =	vst v2;
	v2 =	vld [tilespmem:$0x10]  }
0x29: {  	v63 =	vld [tilespmem:$0x0];
	[tilespmem:$0xA0] =	vst v7;
	v1 =	vadd.s32 v0, v1  }
0x2a: {  	v3 =	vadd.s32 v0, v3;
	[tilespmem:$0x90] =	vst v1  }
0x2b: {  	[tilespmem:$0x80] =	vst v3;
	v1 =	vadd.s32 v0, v61  }
0x2c: {  	v3 =	vadd.s32 v0, v62;
	[tilespmem:$0x1B0] =	vst v1  }
0x2d: {  	v1 =	vadd.s32 v0, v2;
	[tilespmem:$0x20] =	vst v3  }
0x2e: {  	v2 =	vadd.s32 v0, v63;
	[tilespmem:$0x10] =	vst v1  }
0x2f: {  	[tilespmem:$0x0] =	vst v2  }
0x30: {  	[tilespmem:s9], [sflag:$0x1] =	stream.indirect.gather [hbm4b:s3+s8], $0x80, s2, s8, $0xb8;
	[tilespmem:$0xA400] =	vst v63  }
0x31: {  	_ = 	snop  }
0x32: {  	[tilespmem:s11], [sflag:$0x1] =	stream.indirect.gather [hbm4b:s3+s8], $0x80, s10, s8, $0xb8;
	[tilespmem:$0xA400] =	vst v63  }
0x33: {  	_ = 	snop  }
0x34: {  	[tilespmem:s13], [sflag:$0x1] =	stream.indirect.gather [hbm4b:s3+s8], $0x80, s12, s8, $0xb8;
	[tilespmem:$0xA400] =	vst v63  }
0x35: {  	s21 =	simm.s32 $0x80;
	s22 =	sadd.s32 $0x1400, s5;
	s20 =	smov.u32 s5  }
0x36: {  	[tilespmem:s15], [sflag:$0x1] =	stream.indirect.gather [hbm4b:s3+s8], $0x80, s14, s8, $0xb8;
	[tilespmem:$0xA400] =	vst v63  }
.LBB2_2:
0x37: {  	[tilespmem:s17], [sflag:$0x1] =	stream.indirect.gather [hbm4b:s3+s8], $0x80, s16, s8, $0xb8;
	[tilespmem:$0xA400] =	vst v63  }
0x38: {  	s23 =	smov.u32 s21  }
0x39: {  	p0 =	sne.s32 s21, $0x1F80;
	s21 =	sadd.s32 $0x80, s21;
	_ =	swait.ge [sflag:s18], $0x2000  }
0x3a: {  	[sflag:s18] =	ssyncset.done $0x0  }
0x3b: {  	[sflag:s18] =	ssyncadd.s32 $0xFFFFE000  }
0x3c: {  	_ =	swait.ge [sflag:s18], $0x2000  }
0x3d: {  	[sflag:s18] =	ssyncset.done $0x0  }
0x3e: {  	[sflag:s18] =	ssyncadd.s32 $0xFFFFE000  }
0x3f: {  	_ =	swait.ge [sflag:s18], $0x2000  }
0x40: {  	[sflag:s18] =	ssyncset.done $0x0  }
0x41: {  	[sflag:s18] =	ssyncadd.s32 $0xFFFFE000  }
0x42: {  	_ =	swait.ge [sflag:s18], $0x2000  }
0x43: {  	[sflag:s18] =	ssyncset.done $0x0  }
0x44: {  	[sflag:s18] =	ssyncadd.s32 $0xFFFFE000  }
0x45: {  	_ =	swait.ge [sflag:s18], $0x2000  }
0x46: {  	[sflag:s18] =	ssyncset.done $0x0  }
0x47: {  	[sflag:s18] =	ssyncadd.s32 $0xFFFFE000  }
0x48: {  	[hbm4b:s20+s2] =	stream.linear.scatter [tilespmem:s9], [sflag:$0x2], $0xA000, $0x38;
	[tilespmem:$0xA400] =	vst v63  }
0x49: {  	s20 =	smov.u32 s22;
	_ =	swait.ge [sflag:s7], $0xA000  }
0x4a: {  	[sflag:s7] =	ssyncset.done $0x0  }
0x4b: {  	s23 =	sadd.s32 s23, s6;
	[sflag:s7] =	ssyncadd.s32 $0xFFFF6000  }
0x4c: {  	[tilespmem:s2], [sflag:$0x2] =	stream.linear.gather [hbm4b:s23+s2], $0x280, $0x38;
	[tilespmem:$0xA400] =	vst v63  }
0x4d: {  	_ =	swait.ge [sflag:s7], $0x280  }
0x4e: {  	[sflag:s7] =	ssyncset.done $0x0  }
0x4f: {  	[sflag:s7] =	ssyncadd.s32 $0xFFFFFD80  }
0x50: {  	v1 =	vld [tilespmem:$0x230]  }
0x51: {  	v2 =	vld [tilespmem:$0x130]  }
0x52: {  	v3 =	vld [tilespmem:$0x220]  }
0x53: {  	v4 =	vld [tilespmem:$0x210]  }
0x54: {  	v5 =	vld [tilespmem:$0x200]  }
0x55: {  	v6 =	vld [tilespmem:$0x1A0];
	v1 =	vadd.s32 v0, v1  }
0x56: {  	v2 =	vadd.s32 v0, v2;
	v7 =	vld [tilespmem:$0x190];
	[tilespmem:$0x230] =	vst v1  }
0x57: {  	[tilespmem:$0x130] =	vst v2;
	v1 =	vld [tilespmem:$0x180];
	v2 =	vadd.s32 v0, v3  }
0x58: {  	v3 =	vld [tilespmem:$0x30];
	v4 =	vadd.s32 v0, v4;
	[tilespmem:$0x220] =	vst v2  }
0x59: {  	v2 =	vld [tilespmem:$0x120];
	v5 =	vadd.s32 v0, v5;
	[tilespmem:$0x210] =	vst v4  }
0x5a: {  	v4 =	vld [tilespmem:$0x110];
	v6 =	vadd.s32 v0, v6;
	[tilespmem:$0x200] =	vst v5  }
0x5b: {  	v5 =	vld [tilespmem:$0x100];
	v7 =	vadd.s32 v0, v7;
	[tilespmem:$0x1A0] =	vst v6  }
0x5c: {  	v6 =	vld [tilespmem:$0xB0];
	v1 =	vadd.s32 v0, v1;
	[tilespmem:$0x190] =	vst v7  }
0x5d: {  	v3 =	vadd.s32 v0, v3;
	v7 =	vld [tilespmem:$0xA0];
	[tilespmem:$0x180] =	vst v1  }
0x5e: {  	[tilespmem:$0x30] =	vst v3;
	v1 =	vld [tilespmem:$0x90];
	v2 =	vadd.s32 v0, v2  }
0x5f: {  	v3 =	vld [tilespmem:$0x80];
	v4 =	vadd.s32 v0, v4;
	[tilespmem:$0x120] =	vst v2  }
0x60: {  	v2 =	vadd.s32 v0, v5;
	[tilespmem:$0x110] =	vst v4;
	v4 =	vld [tilespmem:$0x1B0]  }
0x61: {  	v5 =	vld [tilespmem:$0x20];
	v6 =	vadd.s32 v0, v6;
	[tilespmem:$0x100] =	vst v2  }
0x62: {  	v2 =	vld [tilespmem:$0x10];
	v7 =	vadd.s32 v0, v7;
	[tilespmem:$0xB0] =	vst v6  }
0x63: {  	v6 =	vld [tilespmem:$0x0];
	v1 =	vadd.s32 v0, v1;
	[tilespmem:$0xA0] =	vst v7  }
0x64: {  	v3 =	vadd.s32 v0, v3;
	[tilespmem:$0x90] =	vst v1  }
0x65: {  	[tilespmem:$0x80] =	vst v3;
	v1 =	vadd.s32 v0, v4  }
0x66: {  	v3 =	vadd.s32 v0, v5;
	[tilespmem:$0x1B0] =	vst v1  }
0x67: {  	v1 =	vadd.s32 v0, v2;
	[tilespmem:$0x20] =	vst v3  }
0x68: {  	v2 =	vadd.s32 v0, v6;
	[tilespmem:$0x10] =	vst v1  }
0x69: {  	[tilespmem:$0x0] =	vst v2  }
0x6a: {  	[tilespmem:s9], [sflag:$0x1] =	stream.indirect.gather [hbm4b:s3+s8], $0x80, s2, s8, $0xb8;
	[tilespmem:$0xA400] =	vst v63  }
0x6b: {  	_ = 	snop  }
0x6c: {  	[tilespmem:s11], [sflag:$0x1] =	stream.indirect.gather [hbm4b:s3+s8], $0x80, s10, s8, $0xb8;
	[tilespmem:$0xA400] =	vst v63  }
.Ltmp0:
0x6d: {  	(pc) =	sbr.rel @p0 .LBB2_2-.Ltmp0, $4  }
0x6e: {  	[tilespmem:s13], [sflag:$0x1] =	stream.indirect.gather [hbm4b:s3+s8], $0x80, s12, s8, $0xb8;
	[tilespmem:$0xA400] =	vst v63  }
0x6f: {  	_ = 	snop  }
0x70: {  	[tilespmem:s15], [sflag:$0x1] =	stream.indirect.gather [hbm4b:s3+s8], $0x80, s14, s8, $0xb8;
	[tilespmem:$0xA400] =	vst v63  }
0x71: {  	s22 =	sadd.s32 $0x1400, s22  }
0x72: {  	[tilespmem:s17], [sflag:$0x1] =	stream.indirect.gather [hbm4b:s3+s8], $0x80, s16, s8, $0xb8;
	[tilespmem:$0xA400] =	vst v63  }
0x73: {  	_ =	swait.ge [sflag:s18], $0x2000  }
0x74: {  	[sflag:s18] =	ssyncset.done $0x0  }
0x75: {  	[sflag:s18] =	ssyncadd.s32 $0xFFFFE000  }
0x76: {  	_ =	swait.ge [sflag:s18], $0x2000  }
0x77: {  	[sflag:s18] =	ssyncset.done $0x0  }
0x78: {  	[sflag:s18] =	ssyncadd.s32 $0xFFFFE000  }
0x79: {  	_ =	swait.ge [sflag:s18], $0x2000  }
0x7a: {  	[sflag:s18] =	ssyncset.done $0x0  }
0x7b: {  	[sflag:s18] =	ssyncadd.s32 $0xFFFFE000  }
0x7c: {  	_ =	swait.ge [sflag:s18], $0x2000  }
0x7d: {  	[sflag:s18] =	ssyncset.done $0x0  }
0x7e: {  	[sflag:s18] =	ssyncadd.s32 $0xFFFFE000  }
0x7f: {  	s19 =	sadd.s32 $0x1, s19;
	_ =	swait.ge [sflag:s18], $0x2000  }
0x80: {  	p0 =	sne.s32 s19, s4;
	[sflag:s18] =	ssyncset.done $0x0  }
.Ltmp1:
0x81: {  	[sflag:s18] =	ssyncadd.s32 $0xFFFFE000;
	(pc) =	sbr.rel @p0 .LBB2_1-.Ltmp1, $4  }
0x82: {  	[hbm4b:s20+s2] =	stream.linear.scatter [tilespmem:s9], [sflag:$0x2], $0xA000, $0x38;
	[tilespmem:$0xA400] =	vst v63  }
0x83: {  	_ =	swait.ge [sflag:s7], $0xA000  }
0x84: {  	[sflag:s7] =	ssyncset.done $0x0  }
0x85: {  	[sflag:s7] =	ssyncadd.s32 $0xFFFF6000  }
0x86: {  	_ =	sfence.sel $0x180000  }
0x87: {  	[bflag:$0x0] =	sbarrier.arrive $0xFFFF  }
0x88: {  	p0 =	sne.s32 s1, $0x0;
	_ =	strace $0x90000047  }
0x89: {  	s0 =	sadd.s32 @!p0 $0x100000, s0;
	[bflag:$0x2] =	sbarrier.arrive $0xFFFF  }
0x8a: {  	[sflag:s0] =	ssyncadd.tile.s32 @!p0 $0x1;
	_ =	shalt  }
.Lfunc_end2:
_tile_overlayer_lowered:
.L_overlay_start_2:
0x8b: {  	(tag) =	ssettag $0x2  }
0x8c: {  	s0 =	rddreg [dreg:$0x0];
	s2 =	stileid.u32  }
0x8d: {  	s1 =	rddreg [dreg:$0x1];
	p0 =	sne.s32 s2, $0x0  }
0x8e: {  	s3 =	rddreg [dreg:$0x2];
	[bflag:$0x3] =	sbarrier.arrive $0xFFFF;
	s2 =	simm.s32 @!p0 $0x1C02  }
0x8f: {  	[timem:s3], [sflag:s2] =	dma.local @!p0 [hbm:s0], s1  }
0x90: {  	s0 =	simm.s32 @!p0 $0x2  }
0x91: {  	_ =	swait.ge @!p0 [sflag:s0], s1  }
0x92: {  	s1 =	ssub.s32 @!p0 $0x0, s1;
	[sflag:s0] =	ssyncset.done @!p0 $0x0  }
0x93: {  	[sflag:s0] =	ssyncadd.s32 @!p0 s1  }
0x94: {  	[bflag:$0x3] =	sbarrier.arrive $0xFFFF  }
0x95: {  	_ =	shalt  }

// kernel: kernel.24.cloned.1.call-start
scs
__scs_entry_jumppad:
0x0: {  	(pc) =	sbr.rel $0x88, $3  }
0x1: {  	(tag) =	ssettag $0x0;
	lr =	simm.s32 $0x1  }
0x2: {  	[smem:$0x3F88] =	sst lr;
	_ =	strace $0xD0000000  }
0x3: {  	_ = 	snop  }
0x4: {  	_ = 	snop  }
0x5: {  	_ = 	snop  }
0x6: {  	_ = 	snop  }
0x7: {  	_ = 	snop  }
__scs_overlays_trampoline_lowered:
0x8: {  	[smem:$0x3F97] =	sst s0  }
0x9: {  	[smem:$0x3F98] =	sst s1  }
0xa: {  	[smem:$0x3F99] =	sst s2  }
0xb: {  	[smem:$0x3F9A] =	sst s3  }
0xc: {  	[smem:$0x3F9B] =	sst s4  }
0xd: {  	[smem:$0x3F9C] =	sst s5  }
0xe: {  	[smem:$0x3F9D] =	sst s6  }
0xf: {  	[smem:$0x3F9E] =	sst s7  }
0x10: {  	[smem:$0x3F9F] =	sst s8  }
0x11: {  	[smem:$0x3FA0] =	sst s9;
	s0 =	simm.s32 @!p0 $0x0  }
0x12: {  	s1 =	sld [smem:$0x3F86];
	s0 =	simm.s32 @p0 $0x1  }
0x13: {  	[smem:$0x3FA1] =	sst s0;
	s0 =	simm.s32 @!p1 $0x0  }
0x14: {  	s2 =	sld [smem:$0x3F85];
	s0 =	simm.s32 @p1 $0x1  }
0x15: {  	[smem:$0x3FA2] =	sst s0;
	s0 =	simm.s32 @!p2 $0x0  }
0x16: {  	s3 =	sld [smem:$0x3FDB];
	s0 =	simm.s32 @p2 $0x1  }
0x17: {  	s4 =	simm.s32 $0x1BF5;
	[smem:$0x3FA4] =	sst s0  }
0x18: {  	s0 =	sld [smem:$0x3F87];
	_ =	swait.ge [sflag:s4], $0x0  }
0x19: {  	s7 =	sld [smem:$0x3F88]  }
0x1a: {  	s8 =	sadd.s32 $0xFFFFE003, lr  }
0x1b: {  	s9 =	sadd.s32 $0xFFFFFEF7, lr;
	s5 =	simm.s32 $0xFFFFFFFF;
	p2 =	slt.u32 s8, $0xFFFFF086  }
0x1c: {  	p1 =	slt.u32 s9, $0xF7A;
	s5 =	simm.s32 @!p2 $0x0  }
0x1d: {  	s5 =	simm.s32 @p1 $0x1;
	p0 =	seq.s32 s7, s2  }
0x1e: {  	s7 =	smul.u32 @!p0 $0xF7A, s2;
	p2 =	seq.s32 @!p0 s5, $0x0  }
0x1f: {  	s9 =	smul.u32 $0xF7A, s1;
	s8 =	simm.s32 @!p0 $0x1BF5;
	p2 =	por !p2, p0  }
0x20: {  	[sflag:s8] =	ssyncset.s32 @!p0 $0xFFFFF086;
	s6 =	sadd.s32 @!p0 s3, s7;
	s7 =	simm.s32 @!p0 $0x108  }
0x21: {  	s3 =	sadd.s32 s3, s9;
	s6 =	sadd.s32 @!p0 $0x88, s6;
	s7 =	simm.s32 @p2 $0x1082  }
0x22: {  	[simem:s7], [sflag:s8] =	dma.local @!p0 [hbm:s6], $0xF7A  }
0x23: {  	s9 =	sor.u32 $0xD0000000, s2;
	s6 =	simm.s32 $0x108;
	_ =	swait.ge @!p0 [sflag:s8], $0x0  }
0x24: {  	s3 =	sadd.s32 $0x88, s3;
	s6 =	simm.s32 @!p1 $0x1082;
	[sflag:s4] =	ssyncset.s32 $0xFFFFF086  }
0x25: {  	[simem:s6], [sflag:s4] =	dma.local [hbm:s3], $0xF7A  }
0x26: {  	[smem:$0x3F88] =	sst s1;
	(tag) =	ssettag s2;
	_ =	strace s9  }
0x27: {  	s1 =	sld [smem:$0x3F98]  }
0x28: {  	s2 =	sld [smem:$0x3F99]  }
0x29: {  	s4 =	sld [smem:$0x3F9B]  }
0x2a: {  	p0 =	seq.s32 s5, $0x0;
	s5 =	sld [smem:$0x3F9C]  }
0x2b: {  	s6 =	sld [smem:$0x3F9D]  }
0x2c: {  	s7 =	sld [smem:$0x3F9E]  }
0x2d: {  	s3 =	simm.s32 $0x108;
	s8 =	sld [smem:$0x3F9F]  }
0x2e: {  	s3 =	simm.s32 @!p0 $0x1082;
	s9 =	sld [smem:$0x3FA0]  }
0x2f: {  	lr =	sadd.s32 s0, s3;
	s0 =	sld [smem:$0x3F97]  }
0x30: {  	s3 =	sld [smem:$0x3F9A]  }
0x31: {  	[smem:$0x3FA3] =	sst s10  }
0x32: {  	s10 =	sld [smem:$0x3FA1];
	_ =	sdelay $0x3  }
0x33: {  	p0 =	seq.s32 s10, $0x1;
	s10 =	sld [smem:$0x3FA3];
	_ =	sdelay $0x3  }
0x34: {  	[smem:$0x3FA3] =	sst s10  }
0x35: {  	s10 =	sld [smem:$0x3FA2];
	_ =	sdelay $0x3  }
0x36: {  	p1 =	seq.s32 s10, $0x1;
	s10 =	sld [smem:$0x3FA3];
	_ =	sdelay $0x3  }
0x37: {  	[smem:$0x3FA3] =	sst s10  }
0x38: {  	s10 =	sld [smem:$0x3FA4]  }
0x39: {  	_ = 	snop;
	(pc) =	sbr.ind lr, $3  }
0x3a: {  	_ = 	snop  }
0x3b: {  	_ = 	snop  }
0x3c: {  	p2 =	seq.s32 s10, $0x1;
	s10 =	sld [smem:$0x3FA3]  }
0x3d: {  	_ =	shalt  }
0x3e: {  	_ =	shalt  }
0x3f: {  	_ =	shalt  }
0x40: {  	_ =	shalt  }
0x41: {  	_ =	shalt  }
0x42: {  	_ =	shalt  }
0x43: {  	_ =	shalt  }
0x44: {  	_ =	shalt  }
0x45: {  	_ =	shalt  }
0x46: {  	_ =	shalt  }
0x47: {  	_ =	shalt  }
0x48: {  	_ =	shalt  }
0x49: {  	_ =	shalt  }
0x4a: {  	_ =	shalt  }
0x4b: {  	_ =	shalt  }
0x4c: {  	_ =	shalt  }
0x4d: {  	_ =	shalt  }
0x4e: {  	_ =	shalt  }
0x4f: {  	_ =	shalt  }
0x50: {  	_ =	shalt  }
0x51: {  	_ =	shalt  }
0x52: {  	_ =	shalt  }
0x53: {  	_ =	shalt  }
0x54: {  	_ =	shalt  }
0x55: {  	_ =	shalt  }
0x56: {  	_ =	shalt  }
0x57: {  	_ =	shalt  }
0x58: {  	_ =	shalt  }
0x59: {  	_ =	shalt  }
0x5a: {  	_ =	shalt  }
0x5b: {  	_ =	shalt  }
0x5c: {  	_ =	shalt  }
0x5d: {  	_ =	shalt  }
0x5e: {  	_ =	shalt  }
0x5f: {  	_ =	shalt  }
0x60: {  	_ =	shalt  }
0x61: {  	_ =	shalt  }
0x62: {  	_ =	shalt  }
0x63: {  	_ =	shalt  }
0x64: {  	_ =	shalt  }
0x65: {  	_ =	shalt  }
0x66: {  	_ =	shalt  }
0x67: {  	_ =	shalt  }
0x68: {  	_ =	shalt  }
0x69: {  	_ =	shalt  }
0x6a: {  	_ =	shalt  }
0x6b: {  	_ =	shalt  }
0x6c: {  	_ =	shalt  }
0x6d: {  	_ =	shalt  }
0x6e: {  	_ =	shalt  }
0x6f: {  	_ =	shalt  }
0x70: {  	_ =	shalt  }
0x71: {  	_ =	shalt  }
0x72: {  	_ =	shalt  }
0x73: {  	_ =	shalt  }
0x74: {  	_ =	shalt  }
0x75: {  	_ =	shalt  }
0x76: {  	_ =	shalt  }
0x77: {  	_ =	shalt  }
0x78: {  	_ =	shalt  }
0x79: {  	_ =	shalt  }
0x7a: {  	_ =	shalt  }
0x7b: {  	_ =	shalt  }
0x7c: {  	_ =	shalt  }
0x7d: {  	_ =	shalt  }
0x7e: {  	_ =	shalt  }
0x7f: {  	_ =	shalt  }
0x80: {  	_ =	shalt  }
0x81: {  	_ =	shalt  }
0x82: {  	_ =	shalt  }
0x83: {  	_ =	shalt  }
0x84: {  	_ =	shalt  }
0x85: {  	_ =	shalt  }
0x86: {  	_ =	shalt  }
0x87: {  	_ =	shalt  }
.Lfunc_end0:
.L_simem_size_0:
called_computation.1_lowered:
.L_overlay_start_0:
0x88: {  	s2 =	sld [smem:$0x3FD9]  }
0x89: {  	s3 =	sld [smem:$0x3FFE];
	_ =	sdelay $0x1  }
0x8a: {  	s1 =	srdreg.scid  }
0x8b: {  	s0 =	sand.u32 $0x1, s1  }
0x8c: {  	s16 =	sshll.u32 s0, $0xA;
	s2 =	sadd.s32 s3, s2  }
0x8d: {  	s2 =	sadd.s32 s2, s16  }
0x8e: {  	[smem:$0x3FAF] =	sst s2  }
0x8f: {  	_ = 	snop  }
0x90: {  	(tm) =	ssettm $0x1  }
0x91: {  	s17 =	sld [smem:$0x3FFB];
	_ =	sdelay $0x3  }
0x92: {  	_ =	strace s17  }
0x93: {  	s2 =	sld [smem:$0x3FFC];
	_ =	sdelay $0x3  }
0x94: {  	_ =	strace s2  }
0x95: {  	s2 =	sld [smem:$0x3FFD];
	_ =	sdelay $0x3  }
0x96: {  	_ =	strace s2  }
0x97: {  	_ =	strace $0x8FFFFFFF  }
0x98: {  	s18 =	sld [smem:$0x3FDB];
	_ =	sdelay $0x1  }
0x99: {  	s19 =	simm.s32 $_scs_section_size  }
0x9a: {  	s4 =	simm.s32 $_size__tile_overlayer_lowered;
	s5 =	simm.s32 $_tile_overlayer_lowered  }
0x9b: {  	s22 =	simm.s32 $0x1BFF;
	s21 =	sshll.u32 s5, $0x1;
	s2 =	sadd.s32 s19, s18  }
0x9c: {  	s6 =	simm.s32 $0x0;
	s20 =	sshll.u32 s4, $0x1;
	s4 =	sadd.s32 s21, s2  }
0x9d: {  	[timem:s6], [sflag:s22] =	dma.local [hbm:s4], s20  }
0x9e: {  	_ =	swait.ge [sflag:s22], s20  }
0x9f: {  	s3 =	ssub.s32 $0x0, s20;
	[sflag:s22] =	ssyncset.done $0x0  }
0xa0: {  	[sflag:s22] =	ssyncadd.s32 s3;
	_ =	sdelay $0x1  }
0xa1: {  	s23 =	simm.s32 $0x1B8B  }
0xa2: {  	_ =	swait.ge [sflag:s23], $0x1  }
0xa3: {  	[sflag:s23] =	ssyncset.done $0x0  }
0xa4: {  	s25 =	simm.s32 $0x1B8E;
	s24 =	sld [smem:$0x3FFE];
	[sflag:s23] =	ssyncadd.s32 $0xFFFFFFFF  }
0xa5: {  	s26 =	simm.s32 $execute0_lowered;
	[smem:$0x3FD2] =	sst s25  }
0xa6: {  	s4 =	sshll.u32 s26, $0x1;
	_ =	strace $0x80000049;
	[dreg:$0x1] =	wrdreg $0xFFFFFFFF  }
0xa7: {  	s28 =	simm.s32 $_size_execute0_lowered;
	s2 =	sadd.s32 s2, s4;
	[dreg:$0x0] =	wrdreg $0x0  }
0xa8: {  	s4 =	sshll.u32 s28, $0x1;
	[dreg:$0x2] =	wrdreg s2  }
0xa9: {  	[dreg:$0x3] =	wrdreg s4  }
0xaa: {  	[dreg:$0x4] =	wrdreg $0xC0  }
0xab: {  	_ =	task [dreg:s6], $0x5FFFF  }
0xac: {  	[dreg:$0x1] =	wrdreg $0xFFFFFFFF  }
0xad: {  	[dreg:$0x0] =	wrdreg $0x60  }
0xae: {  	[dreg:$0x2] =	wrdreg s24  }
0xaf: {  	[dreg:$0x3] =	wrdreg $0x9  }
0xb0: {  	_ =	task.clear_ibuf [dreg:s6], $0x4FFFF;
	_ =	strace $0x90000049  }
0xb1: {  	s29 =	simm.s32 $0x9;
	_ =	strace $0x8000004B  }
0xb2: {  	_ =	swait.ge [sflag:s29], $0x1  }
0xb3: {  	[sflag:s29] =	ssyncadd.s32 $0xFFFFFFFF  }
0xb4: {  	_ =	strace $0x9000004B  }
0xb5: {  	_ =	sfence  }
0xb6: {  	s30 =	sld [smem:$0x0];
	_ =	sdelay $0x2  }
0xb7: {  	s31 =	sshll.u32 s1, $0xD;
	s1 =	sshrl.u32 s1, $0x2  }
0xb8: {  	s3 =	sand.u32 $0x4000, s31;
	s1 =	sadd.s32 s1, s30  }
0xb9: {  	s0 =	sor.u32 s3, s0;
	s1 =	sshll.u32 s1, $0x11  }
0xba: {  	s0 =	sor.u32 s1, s0  }
0xbb: {  	s0 =	sadd.s32 $0x8F2B, s0  }
0xbc: {  	[sflag:s0] =	ssyncadd.remote.s32 $0x1  }
0xbd: {  	_ =	sfence.sel $0xFFFF  }
0xbe: {  	[dreg:$0x0] =	wrdreg $0xFFFFFFFF;
	(pc) =	sbr.abs _section_cstart, $3  }
0xbf: {  	[dreg:$0x1] =	wrdreg $0xFFFFFFFF  }
0xc0: {  	_ =	task.clear_ibuf [dreg:s6], $0x2FFFF;
	_ =	strace $0x9FFFFFFF  }
0xc1: {  	(tm) =	ssettm $0x7FFFFFFF  }
tec
execute0_lowered:
.L_overlay_start_1:
0x0: {  	(tag) =	ssettag $0x1  }
0x1: {  	s4 =	rddreg [dreg:$0x0]  }
0x2: {  	s0 =	rddreg [dreg:$0x1]  }
0x3: {  	s1 =	stileid.u32;
	s3 =	srdreg.scid  }
0x4: {  	s2 =	simm.s32 $0x0;
	s10 =	simm.s32 $0x80;
	s11 =	simm.s32 $0x2400  }
0x5: {  	s12 =	simm.s32 $0x100;
	s13 =	simm.s32 $0x4400;
	s14 =	simm.s32 $0x180  }
0x6: {  	s15 =	simm.s32 $0x6400;
	s16 =	simm.s32 $0x200;
	s18 =	simm.s32 $0x1  }
0x7: {  	s19 =	simm.s32 $0x0;
	s5 =	sand.u32 $0x1, s3;
	s25 =	smul.u32 $0x500000, s1  }
0x8: {  	[smem:$0x7FF] =	sst s2;
	s7 =	sshll.u32 s1, $0xE;
	s29 =	sshll.u32 s1, $0xB  }
0x9: {  	s6 =	smul.u32 $0x280000, s5;
	_ =	strace $0x8000004A;
	s26 =	ssub.s32 $0x2, s5  }
0xa: {  	s7 =	sadd.s32 s7, s4;
	s30 =	sshll.u32 s5, $0xA;
	s5 =	sshll.u32 s5, $0xD  }
0xb: {  	s9 =	sshrl.u32 s26, $0x1;
	s17 =	sor.u32 s30, s29;
	s31 =	sadd.s32 s5, s7  }
0xc: {  	s7 =	simm.s32 $0x2;
	s3 =	sadd.s32 s6, s25;
	s28 =	ssub.s32 s26, s9  }
0xd: {  	s6 =	sadd.s32 $0x107E00, s31;
	s9 =	simm.s32 $0x400;
	s8 =	sshrl.u32 s3, $0x3  }
0xe: {  	v0 =	vmov s17;
	s17 =	simm.s32 $0x8400;
	s3 =	sadd.s32 $0x147E00, s4;
	s8 =	sadd.s32 s8, s4  }
0xf: {  	s4 =	smax.u32 s28, $0x1;
	s5 =	sadd.s32 $0x1C7E00, s8;
	s8 =	simm.s32 $0x40  }
.LBB2_1:
0x10: {  	s20 =	sadd.s32 $0x0, s6  }
0x11: {  	[tilespmem:s2], [sflag:$0x2] =	stream.linear.gather [hbm4b:s20+s2], $0x280, $0x38;
	[tilespmem:$0xA400] =	vst v63  }
0x12: {  	_ =	swait.ge [sflag:s7], $0x280  }
0x13: {  	[sflag:s7] =	ssyncset.done $0x0  }
0x14: {  	[sflag:s7] =	ssyncadd.s32 $0xFFFFFD80  }
0x15: {  	v1 =	vld [tilespmem:$0x230]  }
0x16: {  	v2 =	vld [tilespmem:$0x130]  }
0x17: {  	v3 =	vld [tilespmem:$0x220]  }
0x18: {  	v4 =	vld [tilespmem:$0x210]  }
0x19: {  	v5 =	vld [tilespmem:$0x200]  }
0x1a: {  	v6 =	vld [tilespmem:$0x1A0]  }
0x1b: {  	v1 =	vadd.s32 v0, v1  }
0x1c: {  	v7 =	vld [tilespmem:$0x190];
	v2 =	vadd.s32 v0, v2;
	[tilespmem:$0x230] =	vst v1  }
0x1d: {  	v57 =	vld [tilespmem:$0x110];
	v4 =	vadd.s32 v0, v4;
	[tilespmem:$0x130] =	vst v2  }
0x1e: {  	v5 =	vadd.s32 v0, v5;
	v1 =	vld [tilespmem:$0x180];
	[tilespmem:$0x210] =	vst v4  }
0x1f: {  	v6 =	vadd.s32 v0, v6;
	v2 =	vadd.s32 v0, v3;
	v3 =	vld [tilespmem:$0x30];
	[tilespmem:$0x200] =	vst v5  }
0x20: {  	v59 =	vld [tilespmem:$0xB0];
	[tilespmem:$0x1A0] =	vst v6  }
0x21: {  	v7 =	vadd.s32 v0, v7;
	[tilespmem:$0x220] =	vst v2;
	v2 =	vld [tilespmem:$0x120]  }
0x22: {  	v58 =	vld [tilespmem:$0x100];
	[tilespmem:$0x190] =	vst v7;
	v4 =	vadd.s32 v0, v57  }
0x23: {  	v60 =	vld [tilespmem:$0xA0];
	[tilespmem:$0x110] =	vst v4;
	v1 =	vadd.s32 v0, v1  }
0x24: {  	v3 =	vadd.s32 v0, v3;
	[tilespmem:$0x180] =	vst v1;
	v1 =	vld [tilespmem:$0x90]  }
0x25: {  	v6 =	vadd.s32 v0, v59;
	[tilespmem:$0x30] =	vst v3;
	v3 =	vld [tilespmem:$0x80]  }
0x26: {  	v61 =	vld [tilespmem:$0x1B0];
	[tilespmem:$0xB0] =	vst v6;
	v2 =	vadd.s32 v0, v2  }
0x27: {  	v62 =	vld [tilespmem:$0x20];
	[tilespmem:$0x120] =	vst v2;
	v2 =	vadd.s32 v0, v58  }
0x28: {  	v7 =	vadd.s32 v0, v60;
	[tilespmem:$0x100] =	vst v2;
	v2 =	vld [tilespmem:$0x10]  }
0x29: {  	v63 =	vld [tilespmem:$0x0];
	[tilespmem:$0xA0] =	vst v7;
	v1 =	vadd.s32 v0, v1  }
0x2a: {  	v3 =	vadd.s32 v0, v3;
	[tilespmem:$0x90] =	vst v1  }
0x2b: {  	[tilespmem:$0x80] =	vst v3;
	v1 =	vadd.s32 v0, v61  }
0x2c: {  	v3 =	vadd.s32 v0, v62;
	[tilespmem:$0x1B0] =	vst v1  }
0x2d: {  	v1 =	vadd.s32 v0, v2;
	[tilespmem:$0x20] =	vst v3  }
0x2e: {  	v2 =	vadd.s32 v0, v63;
	[tilespmem:$0x10] =	vst v1  }
0x2f: {  	[tilespmem:$0x0] =	vst v2  }
0x30: {  	[tilespmem:s9], [sflag:$0x1] =	stream.indirect.gather [hbm4b:s3+s8], $0x80, s2, s8, $0xb8;
	[tilespmem:$0xA400] =	vst v63  }
0x31: {  	_ = 	snop  }
0x32: {  	[tilespmem:s11], [sflag:$0x1] =	stream.indirect.gather [hbm4b:s3+s8], $0x80, s10, s8, $0xb8;
	[tilespmem:$0xA400] =	vst v63  }
0x33: {  	_ = 	snop  }
0x34: {  	[tilespmem:s13], [sflag:$0x1] =	stream.indirect.gather [hbm4b:s3+s8], $0x80, s12, s8, $0xb8;
	[tilespmem:$0xA400] =	vst v63  }
0x35: {  	s21 =	simm.s32 $0x80;
	s22 =	sadd.s32 $0x1400, s5;
	s20 =	smov.u32 s5  }
0x36: {  	[tilespmem:s15], [sflag:$0x1] =	stream.indirect.gather [hbm4b:s3+s8], $0x80, s14, s8, $0xb8;
	[tilespmem:$0xA400] =	vst v63  }
.LBB2_2:
0x37: {  	[tilespmem:s17], [sflag:$0x1] =	stream.indirect.gather [hbm4b:s3+s8], $0x80, s16, s8, $0xb8;
	[tilespmem:$0xA400] =	vst v63  }
0x38: {  	s23 =	smov.u32 s21  }
0x39: {  	p0 =	sne.s32 s21, $0x1F80;
	s21 =	sadd.s32 $0x80, s21;
	_ =	swait.ge [sflag:s18], $0x2000  }
0x3a: {  	[sflag:s18] =	ssyncset.done $0x0  }
0x3b: {  	[sflag:s18] =	ssyncadd.s32 $0xFFFFE000  }
0x3c: {  	_ =	swait.ge [sflag:s18], $0x2000  }
0x3d: {  	[sflag:s18] =	ssyncset.done $0x0  }
0x3e: {  	[sflag:s18] =	ssyncadd.s32 $0xFFFFE000  }
0x3f: {  	_ =	swait.ge [sflag:s18], $0x2000  }
0x40: {  	[sflag:s18] =	ssyncset.done $0x0  }
0x41: {  	[sflag:s18] =	ssyncadd.s32 $0xFFFFE000  }
0x42: {  	_ =	swait.ge [sflag:s18], $0x2000  }
0x43: {  	[sflag:s18] =	ssyncset.done $0x0  }
0x44: {  	[sflag:s18] =	ssyncadd.s32 $0xFFFFE000  }
0x45: {  	_ =	swait.ge [sflag:s18], $0x2000  }
0x46: {  	[sflag:s18] =	ssyncset.done $0x0  }
0x47: {  	[sflag:s18] =	ssyncadd.s32 $0xFFFFE000  }
0x48: {  	[hbm4b:s20+s2] =	stream.linear.scatter [tilespmem:s9], [sflag:$0x2], $0xA000, $0x38;
	[tilespmem:$0xA400] =	vst v63  }
0x49: {  	s20 =	smov.u32 s22;
	_ =	swait.ge [sflag:s7], $0xA000  }
0x4a: {  	[sflag:s7] =	ssyncset.done $0x0  }
0x4b: {  	s23 =	sadd.s32 s23, s6;
	[sflag:s7] =	ssyncadd.s32 $0xFFFF6000  }
0x4c: {  	[tilespmem:s2], [sflag:$0x2] =	stream.linear.gather [hbm4b:s23+s2], $0x280, $0x38;
	[tilespmem:$0xA400] =	vst v63  }
0x4d: {  	_ =	swait.ge [sflag:s7], $0x280  }
0x4e: {  	[sflag:s7] =	ssyncset.done $0x0  }
0x4f: {  	[sflag:s7] =	ssyncadd.s32 $0xFFFFFD80  }
0x50: {  	v1 =	vld [tilespmem:$0x230]  }
0x51: {  	v2 =	vld [tilespmem:$0x130]  }
0x52: {  	v3 =	vld [tilespmem:$0x220]  }
0x53: {  	v4 =	vld [tilespmem:$0x210]  }
0x54: {  	v5 =	vld [tilespmem:$0x200]  }
0x55: {  	v6 =	vld [tilespmem:$0x1A0];
	v1 =	vadd.s32 v0, v1  }
0x56: {  	v2 =	vadd.s32 v0, v2;
	v7 =	vld [tilespmem:$0x190];
	[tilespmem:$0x230] =	vst v1  }
0x57: {  	[tilespmem:$0x130] =	vst v2;
	v1 =	vld [tilespmem:$0x180];
	v2 =	vadd.s32 v0, v3  }
0x58: {  	v3 =	vld [tilespmem:$0x30];
	v4 =	vadd.s32 v0, v4;
	[tilespmem:$0x220] =	vst v2  }
0x59: {  	v2 =	vld [tilespmem:$0x120];
	v5 =	vadd.s32 v0, v5;
	[tilespmem:$0x210] =	vst v4  }
0x5a: {  	v4 =	vld [tilespmem:$0x110];
	v6 =	vadd.s32 v0, v6;
	[tilespmem:$0x200] =	vst v5  }
0x5b: {  	v5 =	vld [tilespmem:$0x100];
	v7 =	vadd.s32 v0, v7;
	[tilespmem:$0x1A0] =	vst v6  }
0x5c: {  	v6 =	vld [tilespmem:$0xB0];
	v1 =	vadd.s32 v0, v1;
	[tilespmem:$0x190] =	vst v7  }
0x5d: {  	v3 =	vadd.s32 v0, v3;
	v7 =	vld [tilespmem:$0xA0];
	[tilespmem:$0x180] =	vst v1  }
0x5e: {  	[tilespmem:$0x30] =	vst v3;
	v1 =	vld [tilespmem:$0x90];
	v2 =	vadd.s32 v0, v2  }
0x5f: {  	v3 =	vld [tilespmem:$0x80];
	v4 =	vadd.s32 v0, v4;
	[tilespmem:$0x120] =	vst v2  }
0x60: {  	v2 =	vadd.s32 v0, v5;
	[tilespmem:$0x110] =	vst v4;
	v4 =	vld [tilespmem:$0x1B0]  }
0x61: {  	v5 =	vld [tilespmem:$0x20];
	v6 =	vadd.s32 v0, v6;
	[tilespmem:$0x100] =	vst v2  }
0x62: {  	v2 =	vld [tilespmem:$0x10];
	v7 =	vadd.s32 v0, v7;
	[tilespmem:$0xB0] =	vst v6  }
0x63: {  	v6 =	vld [tilespmem:$0x0];
	v1 =	vadd.s32 v0, v1;
	[tilespmem:$0xA0] =	vst v7  }
0x64: {  	v3 =	vadd.s32 v0, v3;
	[tilespmem:$0x90] =	vst v1  }
0x65: {  	[tilespmem:$0x80] =	vst v3;
	v1 =	vadd.s32 v0, v4  }
0x66: {  	v3 =	vadd.s32 v0, v5;
	[tilespmem:$0x1B0] =	vst v1  }
0x67: {  	v1 =	vadd.s32 v0, v2;
	[tilespmem:$0x20] =	vst v3  }
0x68: {  	v2 =	vadd.s32 v0, v6;
	[tilespmem:$0x10] =	vst v1  }
0x69: {  	[tilespmem:$0x0] =	vst v2  }
0x6a: {  	[tilespmem:s9], [sflag:$0x1] =	stream.indirect.gather [hbm4b:s3+s8], $0x80, s2, s8, $0xb8;
	[tilespmem:$0xA400] =	vst v63  }
0x6b: {  	_ = 	snop  }
0x6c: {  	[tilespmem:s11], [sflag:$0x1] =	stream.indirect.gather [hbm4b:s3+s8], $0x80, s10, s8, $0xb8;
	[tilespmem:$0xA400] =	vst v63  }
.Ltmp0:
0x6d: {  	(pc) =	sbr.rel @p0 .LBB2_2-.Ltmp0, $4  }
0x6e: {  	[tilespmem:s13], [sflag:$0x1] =	stream.indirect.gather [hbm4b:s3+s8], $0x80, s12, s8, $0xb8;
	[tilespmem:$0xA400] =	vst v63  }
0x6f: {  	_ = 	snop  }
0x70: {  	[tilespmem:s15], [sflag:$0x1] =	stream.indirect.gather [hbm4b:s3+s8], $0x80, s14, s8, $0xb8;
	[tilespmem:$0xA400] =	vst v63  }
0x71: {  	s22 =	sadd.s32 $0x1400, s22  }
0x72: {  	[tilespmem:s17], [sflag:$0x1] =	stream.indirect.gather [hbm4b:s3+s8], $0x80, s16, s8, $0xb8;
	[tilespmem:$0xA400] =	vst v63  }
0x73: {  	_ =	swait.ge [sflag:s18], $0x2000  }
0x74: {  	[sflag:s18] =	ssyncset.done $0x0  }
0x75: {  	[sflag:s18] =	ssyncadd.s32 $0xFFFFE000  }
0x76: {  	_ =	swait.ge [sflag:s18], $0x2000  }
0x77: {  	[sflag:s18] =	ssyncset.done $0x0  }
0x78: {  	[sflag:s18] =	ssyncadd.s32 $0xFFFFE000  }
0x79: {  	_ =	swait.ge [sflag:s18], $0x2000  }
0x7a: {  	[sflag:s18] =	ssyncset.done $0x0  }
0x7b: {  	[sflag:s18] =	ssyncadd.s32 $0xFFFFE000  }
0x7c: {  	_ =	swait.ge [sflag:s18], $0x2000  }
0x7d: {  	[sflag:s18] =	ssyncset.done $0x0  }
0x7e: {  	[sflag:s18] =	ssyncadd.s32 $0xFFFFE000  }
0x7f: {  	s19 =	sadd.s32 $0x1, s19;
	_ =	swait.ge [sflag:s18], $0x2000  }
0x80: {  	p0 =	sne.s32 s19, s4;
	[sflag:s18] =	ssyncset.done $0x0  }
.Ltmp1:
0x81: {  	[sflag:s18] =	ssyncadd.s32 $0xFFFFE000;
	(pc) =	sbr.rel @p0 .LBB2_1-.Ltmp1, $4  }
0x82: {  	[hbm4b:s20+s2] =	stream.linear.scatter [tilespmem:s9], [sflag:$0x2], $0xA000, $0x38;
	[tilespmem:$0xA400] =	vst v63  }
0x83: {  	_ =	swait.ge [sflag:s7], $0xA000  }
0x84: {  	[sflag:s7] =	ssyncset.done $0x0  }
0x85: {  	[sflag:s7] =	ssyncadd.s32 $0xFFFF6000  }
0x86: {  	_ =	sfence.sel $0x180000  }
0x87: {  	[bflag:$0x0] =	sbarrier.arrive $0xFFFF  }
0x88: {  	p0 =	sne.s32 s1, $0x0;
	_ =	strace $0x9000004A  }
0x89: {  	s0 =	sadd.s32 @!p0 $0x100000, s0;
	[bflag:$0x2] =	sbarrier.arrive $0xFFFF  }
0x8a: {  	[sflag:s0] =	ssyncadd.tile.s32 @!p0 $0x1;
	_ =	shalt  }
.Lfunc_end2:
_tile_overlayer_lowered:
.L_overlay_start_2:
0x8b: {  	(tag) =	ssettag $0x2  }
0x8c: {  	s0 =	rddreg [dreg:$0x0];
	s2 =	stileid.u32  }
0x8d: {  	s1 =	rddreg [dreg:$0x1];
	p0 =	sne.s32 s2, $0x0  }
0x8e: {  	s3 =	rddreg [dreg:$0x2];
	[bflag:$0x3] =	sbarrier.arrive $0xFFFF;
	s2 =	simm.s32 @!p0 $0x1C02  }
0x8f: {  	[timem:s3], [sflag:s2] =	dma.local @!p0 [hbm:s0], s1  }
0x90: {  	s0 =	simm.s32 @!p0 $0x2  }
0x91: {  	_ =	swait.ge @!p0 [sflag:s0], s1  }
0x92: {  	s1 =	ssub.s32 @!p0 $0x0, s1;
	[sflag:s0] =	ssyncset.done @!p0 $0x0  }
0x93: {  	[sflag:s0] =	ssyncadd.s32 @!p0 s1  }
0x94: {  	[bflag:$0x3] =	sbarrier.arrive $0xFFFF  }
0x95: {  	_ =	shalt  }

// kernel: kernel.27.cloned.1.call-start
scs
__scs_entry_jumppad:
0x0: {  	(pc) =	sbr.rel $0x88, $3  }
0x1: {  	(tag) =	ssettag $0x0;
	lr =	simm.s32 $0x1  }
0x2: {  	[smem:$0x3F88] =	sst lr;
	_ =	strace $0xD0000000  }
0x3: {  	_ = 	snop  }
0x4: {  	_ = 	snop  }
0x5: {  	_ = 	snop  }
0x6: {  	_ = 	snop  }
0x7: {  	_ = 	snop  }
__scs_overlays_trampoline_lowered:
0x8: {  	[smem:$0x3F97] =	sst s0  }
0x9: {  	[smem:$0x3F98] =	sst s1  }
0xa: {  	[smem:$0x3F99] =	sst s2  }
0xb: {  	[smem:$0x3F9A] =	sst s3  }
0xc: {  	[smem:$0x3F9B] =	sst s4  }
0xd: {  	[smem:$0x3F9C] =	sst s5  }
0xe: {  	[smem:$0x3F9D] =	sst s6  }
0xf: {  	[smem:$0x3F9E] =	sst s7  }
0x10: {  	[smem:$0x3F9F] =	sst s8  }
0x11: {  	[smem:$0x3FA0] =	sst s9;
	s0 =	simm.s32 @!p0 $0x0  }
0x12: {  	s1 =	sld [smem:$0x3F86];
	s0 =	simm.s32 @p0 $0x1  }
0x13: {  	[smem:$0x3FA1] =	sst s0;
	s0 =	simm.s32 @!p1 $0x0  }
0x14: {  	s2 =	sld [smem:$0x3F85];
	s0 =	simm.s32 @p1 $0x1  }
0x15: {  	[smem:$0x3FA2] =	sst s0;
	s0 =	simm.s32 @!p2 $0x0  }
0x16: {  	s3 =	sld [smem:$0x3FDB];
	s0 =	simm.s32 @p2 $0x1  }
0x17: {  	s4 =	simm.s32 $0x1BF5;
	[smem:$0x3FA4] =	sst s0  }
0x18: {  	s0 =	sld [smem:$0x3F87];
	_ =	swait.ge [sflag:s4], $0x0  }
0x19: {  	s7 =	sld [smem:$0x3F88]  }
0x1a: {  	s8 =	sadd.s32 $0xFFFFE003, lr  }
0x1b: {  	s9 =	sadd.s32 $0xFFFFFEF7, lr;
	s5 =	simm.s32 $0xFFFFFFFF;
	p2 =	slt.u32 s8, $0xFFFFF086  }
0x1c: {  	p1 =	slt.u32 s9, $0xF7A;
	s5 =	simm.s32 @!p2 $0x0  }
0x1d: {  	s5 =	simm.s32 @p1 $0x1;
	p0 =	seq.s32 s7, s2  }
0x1e: {  	s7 =	smul.u32 @!p0 $0xF7A, s2;
	p2 =	seq.s32 @!p0 s5, $0x0  }
0x1f: {  	s9 =	smul.u32 $0xF7A, s1;
	s8 =	simm.s32 @!p0 $0x1BF5;
	p2 =	por !p2, p0  }
0x20: {  	[sflag:s8] =	ssyncset.s32 @!p0 $0xFFFFF086;
	s6 =	sadd.s32 @!p0 s3, s7;
	s7 =	simm.s32 @!p0 $0x108  }
0x21: {  	s3 =	sadd.s32 s3, s9;
	s6 =	sadd.s32 @!p0 $0x88, s6;
	s7 =	simm.s32 @p2 $0x1082  }
0x22: {  	[simem:s7], [sflag:s8] =	dma.local @!p0 [hbm:s6], $0xF7A  }
0x23: {  	s9 =	sor.u32 $0xD0000000, s2;
	s6 =	simm.s32 $0x108;
	_ =	swait.ge @!p0 [sflag:s8], $0x0  }
0x24: {  	s3 =	sadd.s32 $0x88, s3;
	s6 =	simm.s32 @!p1 $0x1082;
	[sflag:s4] =	ssyncset.s32 $0xFFFFF086  }
0x25: {  	[simem:s6], [sflag:s4] =	dma.local [hbm:s3], $0xF7A  }
0x26: {  	[smem:$0x3F88] =	sst s1;
	(tag) =	ssettag s2;
	_ =	strace s9  }
0x27: {  	s1 =	sld [smem:$0x3F98]  }
0x28: {  	s2 =	sld [smem:$0x3F99]  }
0x29: {  	s4 =	sld [smem:$0x3F9B]  }
0x2a: {  	p0 =	seq.s32 s5, $0x0;
	s5 =	sld [smem:$0x3F9C]  }
0x2b: {  	s6 =	sld [smem:$0x3F9D]  }
0x2c: {  	s7 =	sld [smem:$0x3F9E]  }
0x2d: {  	s3 =	simm.s32 $0x108;
	s8 =	sld [smem:$0x3F9F]  }
0x2e: {  	s3 =	simm.s32 @!p0 $0x1082;
	s9 =	sld [smem:$0x3FA0]  }
0x2f: {  	lr =	sadd.s32 s0, s3;
	s0 =	sld [smem:$0x3F97]  }
0x30: {  	s3 =	sld [smem:$0x3F9A]  }
0x31: {  	[smem:$0x3FA3] =	sst s10  }
0x32: {  	s10 =	sld [smem:$0x3FA1];
	_ =	sdelay $0x3  }
0x33: {  	p0 =	seq.s32 s10, $0x1;
	s10 =	sld [smem:$0x3FA3];
	_ =	sdelay $0x3  }
0x34: {  	[smem:$0x3FA3] =	sst s10  }
0x35: {  	s10 =	sld [smem:$0x3FA2];
	_ =	sdelay $0x3  }
0x36: {  	p1 =	seq.s32 s10, $0x1;
	s10 =	sld [smem:$0x3FA3];
	_ =	sdelay $0x3  }
0x37: {  	[smem:$0x3FA3] =	sst s10  }
0x38: {  	s10 =	sld [smem:$0x3FA4]  }
0x39: {  	_ = 	snop;
	(pc) =	sbr.ind lr, $3  }
0x3a: {  	_ = 	snop  }
0x3b: {  	_ = 	snop  }
0x3c: {  	p2 =	seq.s32 s10, $0x1;
	s10 =	sld [smem:$0x3FA3]  }
0x3d: {  	_ =	shalt  }
0x3e: {  	_ =	shalt  }
0x3f: {  	_ =	shalt  }
0x40: {  	_ =	shalt  }
0x41: {  	_ =	shalt  }
0x42: {  	_ =	shalt  }
0x43: {  	_ =	shalt  }
0x44: {  	_ =	shalt  }
0x45: {  	_ =	shalt  }
0x46: {  	_ =	shalt  }
0x47: {  	_ =	shalt  }
0x48: {  	_ =	shalt  }
0x49: {  	_ =	shalt  }
0x4a: {  	_ =	shalt  }
0x4b: {  	_ =	shalt  }
0x4c: {  	_ =	shalt  }
0x4d: {  	_ =	shalt  }
0x4e: {  	_ =	shalt  }
0x4f: {  	_ =	shalt  }
0x50: {  	_ =	shalt  }
0x51: {  	_ =	shalt  }
0x52: {  	_ =	shalt  }
0x53: {  	_ =	shalt  }
0x54: {  	_ =	shalt  }
0x55: {  	_ =	shalt  }
0x56: {  	_ =	shalt  }
0x57: {  	_ =	shalt  }
0x58: {  	_ =	shalt  }
0x59: {  	_ =	shalt  }
0x5a: {  	_ =	shalt  }
0x5b: {  	_ =	shalt  }
0x5c: {  	_ =	shalt  }
0x5d: {  	_ =	shalt  }
0x5e: {  	_ =	shalt  }
0x5f: {  	_ =	shalt  }
0x60: {  	_ =	shalt  }
0x61: {  	_ =	shalt  }
0x62: {  	_ =	shalt  }
0x63: {  	_ =	shalt  }
0x64: {  	_ =	shalt  }
0x65: {  	_ =	shalt  }
0x66: {  	_ =	shalt  }
0x67: {  	_ =	shalt  }
0x68: {  	_ =	shalt  }
0x69: {  	_ =	shalt  }
0x6a: {  	_ =	shalt  }
0x6b: {  	_ =	shalt  }
0x6c: {  	_ =	shalt  }
0x6d: {  	_ =	shalt  }
0x6e: {  	_ =	shalt  }
0x6f: {  	_ =	shalt  }
0x70: {  	_ =	shalt  }
0x71: {  	_ =	shalt  }
0x72: {  	_ =	shalt  }
0x73: {  	_ =	shalt  }
0x74: {  	_ =	shalt  }
0x75: {  	_ =	shalt  }
0x76: {  	_ =	shalt  }
0x77: {  	_ =	shalt  }
0x78: {  	_ =	shalt  }
0x79: {  	_ =	shalt  }
0x7a: {  	_ =	shalt  }
0x7b: {  	_ =	shalt  }
0x7c: {  	_ =	shalt  }
0x7d: {  	_ =	shalt  }
0x7e: {  	_ =	shalt  }
0x7f: {  	_ =	shalt  }
0x80: {  	_ =	shalt  }
0x81: {  	_ =	shalt  }
0x82: {  	_ =	shalt  }
0x83: {  	_ =	shalt  }
0x84: {  	_ =	shalt  }
0x85: {  	_ =	shalt  }
0x86: {  	_ =	shalt  }
0x87: {  	_ =	shalt  }
.Lfunc_end0:
.L_simem_size_0:
called_computation.2_lowered:
.L_overlay_start_0:
0x88: {  	s2 =	sld [smem:$0x3FD9]  }
0x89: {  	s3 =	sld [smem:$0x3FFE];
	_ =	sdelay $0x1  }
0x8a: {  	s1 =	srdreg.scid  }
0x8b: {  	s0 =	sand.u32 $0x1, s1  }
0x8c: {  	s16 =	sshll.u32 s0, $0xA;
	s2 =	sadd.s32 s3, s2  }
0x8d: {  	s2 =	sadd.s32 s2, s16  }
0x8e: {  	[smem:$0x3FAF] =	sst s2  }
0x8f: {  	_ = 	snop  }
0x90: {  	(tm) =	ssettm $0x1  }
0x91: {  	s17 =	sld [smem:$0x3FFB];
	_ =	sdelay $0x3  }
0x92: {  	_ =	strace s17  }
0x93: {  	s2 =	sld [smem:$0x3FFC];
	_ =	sdelay $0x3  }
0x94: {  	_ =	strace s2  }
0x95: {  	s2 =	sld [smem:$0x3FFD];
	_ =	sdelay $0x3  }
0x96: {  	_ =	strace s2  }
0x97: {  	_ =	strace $0x8FFFFFFF  }
0x98: {  	s18 =	sld [smem:$0x3FDB];
	_ =	sdelay $0x1  }
0x99: {  	s19 =	simm.s32 $_scs_section_size  }
0x9a: {  	s4 =	simm.s32 $_size__tile_overlayer_lowered;
	s5 =	simm.s32 $_tile_overlayer_lowered  }
0x9b: {  	s22 =	simm.s32 $0x1BFF;
	s21 =	sshll.u32 s5, $0x1;
	s2 =	sadd.s32 s19, s18  }
0x9c: {  	s6 =	simm.s32 $0x0;
	s20 =	sshll.u32 s4, $0x1;
	s4 =	sadd.s32 s21, s2  }
0x9d: {  	[timem:s6], [sflag:s22] =	dma.local [hbm:s4], s20  }
0x9e: {  	_ =	swait.ge [sflag:s22], s20  }
0x9f: {  	s3 =	ssub.s32 $0x0, s20;
	[sflag:s22] =	ssyncset.done $0x0  }
0xa0: {  	[sflag:s22] =	ssyncadd.s32 s3;
	_ =	sdelay $0x1  }
0xa1: {  	s23 =	simm.s32 $0x1B8B  }
0xa2: {  	_ =	swait.ge [sflag:s23], $0x1  }
0xa3: {  	[sflag:s23] =	ssyncset.done $0x0  }
0xa4: {  	s25 =	simm.s32 $0x1B8E;
	s24 =	sld [smem:$0x3FFE];
	[sflag:s23] =	ssyncadd.s32 $0xFFFFFFFF  }
0xa5: {  	s26 =	simm.s32 $execute0_lowered;
	[smem:$0x3FD2] =	sst s25  }
0xa6: {  	s4 =	sshll.u32 s26, $0x1;
	_ =	strace $0x8000004C;
	[dreg:$0x1] =	wrdreg $0xFFFFFFFF  }
0xa7: {  	s28 =	simm.s32 $_size_execute0_lowered;
	s2 =	sadd.s32 s2, s4;
	[dreg:$0x0] =	wrdreg $0x0  }
0xa8: {  	s4 =	sshll.u32 s28, $0x1;
	[dreg:$0x2] =	wrdreg s2  }
0xa9: {  	[dreg:$0x3] =	wrdreg s4  }
0xaa: {  	[dreg:$0x4] =	wrdreg $0xC0  }
0xab: {  	_ =	task [dreg:s6], $0x5FFFF  }
0xac: {  	[dreg:$0x1] =	wrdreg $0xFFFFFFFF  }
0xad: {  	[dreg:$0x0] =	wrdreg $0x60  }
0xae: {  	[dreg:$0x2] =	wrdreg s24  }
0xaf: {  	[dreg:$0x3] =	wrdreg $0x9  }
0xb0: {  	_ =	task.clear_ibuf [dreg:s6], $0x4FFFF;
	_ =	strace $0x9000004C  }
0xb1: {  	s29 =	simm.s32 $0x9;
	_ =	strace $0x8000004E  }
0xb2: {  	_ =	swait.ge [sflag:s29], $0x1  }
0xb3: {  	[sflag:s29] =	ssyncadd.s32 $0xFFFFFFFF  }
0xb4: {  	_ =	strace $0x9000004E  }
0xb5: {  	_ =	sfence  }
0xb6: {  	s30 =	sld [smem:$0x0];
	_ =	sdelay $0x2  }
0xb7: {  	s31 =	sshll.u32 s1, $0xD;
	s1 =	sshrl.u32 s1, $0x2  }
0xb8: {  	s3 =	sand.u32 $0x4000, s31;
	s1 =	sadd.s32 s1, s30  }
0xb9: {  	s0 =	sor.u32 s3, s0;
	s1 =	sshll.u32 s1, $0x11  }
0xba: {  	s0 =	sor.u32 s1, s0  }
0xbb: {  	s0 =	sadd.s32 $0x8F2B, s0  }
0xbc: {  	[sflag:s0] =	ssyncadd.remote.s32 $0x1  }
0xbd: {  	_ =	sfence.sel $0xFFFF  }
0xbe: {  	[dreg:$0x0] =	wrdreg $0xFFFFFFFF;
	(pc) =	sbr.abs _section_cstart, $3  }
0xbf: {  	[dreg:$0x1] =	wrdreg $0xFFFFFFFF  }
0xc0: {  	_ =	task.clear_ibuf [dreg:s6], $0x2FFFF;
	_ =	strace $0x9FFFFFFF  }
0xc1: {  	(tm) =	ssettm $0x7FFFFFFF  }
tec
execute0_lowered:
.L_overlay_start_1:
0x0: {  	(tag) =	ssettag $0x1  }
0x1: {  	s4 =	rddreg [dreg:$0x0]  }
0x2: {  	s0 =	rddreg [dreg:$0x1]  }
0x3: {  	s1 =	stileid.u32;
	s3 =	srdreg.scid  }
0x4: {  	s2 =	simm.s32 $0x0;
	s10 =	simm.s32 $0x80;
	s11 =	simm.s32 $0x2400  }
0x5: {  	s12 =	simm.s32 $0x100;
	s13 =	simm.s32 $0x4400;
	s14 =	simm.s32 $0x180  }
0x6: {  	s15 =	simm.s32 $0x6400;
	s16 =	simm.s32 $0x200;
	s18 =	simm.s32 $0x1  }
0x7: {  	s19 =	simm.s32 $0x0;
	s5 =	sand.u32 $0x1, s3;
	s25 =	smul.u32 $0x500000, s1  }
0x8: {  	[smem:$0x7FF] =	sst s2;
	s7 =	sshll.u32 s1, $0xE;
	s29 =	sshll.u32 s1, $0xB  }
0x9: {  	s6 =	smul.u32 $0x280000, s5;
	_ =	strace $0x8000004D;
	s26 =	ssub.s32 $0x2, s5  }
0xa: {  	s7 =	sadd.s32 s7, s4;
	s30 =	sshll.u32 s5, $0xA;
	s5 =	sshll.u32 s5, $0xD  }
0xb: {  	s9 =	sshrl.u32 s26, $0x1;
	s17 =	sor.u32 s30, s29;
	s31 =	sadd.s32 s5, s7  }
0xc: {  	s7 =	simm.s32 $0x2;
	s3 =	sadd.s32 s6, s25;
	s28 =	ssub.s32 s26, s9  }
0xd: {  	s6 =	sadd.s32 $0x187E00, s31;
	s9 =	simm.s32 $0x400;
	s8 =	sshrl.u32 s3, $0x3  }
0xe: {  	v0 =	vmov s17;
	s17 =	simm.s32 $0x8400;
	s3 =	sadd.s32 $0x1C7E00, s4;
	s8 =	sadd.s32 s8, s4  }
0xf: {  	s4 =	smax.u32 s28, $0x1;
	s5 =	sadd.s32 $0x247E00, s8;
	s8 =	simm.s32 $0x40  }
.LBB2_1:
0x10: {  	s20 =	sadd.s32 $0x0, s6  }
0x11: {  	[tilespmem:s2], [sflag:$0x2] =	stream.linear.gather [hbm4b:s20+s2], $0x280, $0x38;
	[tilespmem:$0xA400] =	vst v63  }
0x12: {  	_ =	swait.ge [sflag:s7], $0x280  }
0x13: {  	[sflag:s7] =	ssyncset.done $0x0  }
0x14: {  	[sflag:s7] =	ssyncadd.s32 $0xFFFFFD80  }
0x15: {  	v1 =	vld [tilespmem:$0x230]  }
0x16: {  	v2 =	vld [tilespmem:$0x130]  }
0x17: {  	v3 =	vld [tilespmem:$0x220]  }
0x18: {  	v4 =	vld [tilespmem:$0x210]  }
0x19: {  	v5 =	vld [tilespmem:$0x200]  }
0x1a: {  	v6 =	vld [tilespmem:$0x1A0]  }
0x1b: {  	v1 =	vadd.s32 v0, v1  }
0x1c: {  	v7 =	vld [tilespmem:$0x190];
	v2 =	vadd.s32 v0, v2;
	[tilespmem:$0x230] =	vst v1  }
0x1d: {  	v57 =	vld [tilespmem:$0x110];
	v4 =	vadd.s32 v0, v4;
	[tilespmem:$0x130] =	vst v2  }
0x1e: {  	v5 =	vadd.s32 v0, v5;
	v1 =	vld [tilespmem:$0x180];
	[tilespmem:$0x210] =	vst v4  }
0x1f: {  	v6 =	vadd.s32 v0, v6;
	v2 =	vadd.s32 v0, v3;
	v3 =	vld [tilespmem:$0x30];
	[tilespmem:$0x200] =	vst v5  }
0x20: {  	v59 =	vld [tilespmem:$0xB0];
	[tilespmem:$0x1A0] =	vst v6  }
0x21: {  	v7 =	vadd.s32 v0, v7;
	[tilespmem:$0x220] =	vst v2;
	v2 =	vld [tilespmem:$0x120]  }
0x22: {  	v58 =	vld [tilespmem:$0x100];
	[tilespmem:$0x190] =	vst v7;
	v4 =	vadd.s32 v0, v57  }
0x23: {  	v60 =	vld [tilespmem:$0xA0];
	[tilespmem:$0x110] =	vst v4;
	v1 =	vadd.s32 v0, v1  }
0x24: {  	v3 =	vadd.s32 v0, v3;
	[tilespmem:$0x180] =	vst v1;
	v1 =	vld [tilespmem:$0x90]  }
0x25: {  	v6 =	vadd.s32 v0, v59;
	[tilespmem:$0x30] =	vst v3;
	v3 =	vld [tilespmem:$0x80]  }
0x26: {  	v61 =	vld [tilespmem:$0x1B0];
	[tilespmem:$0xB0] =	vst v6;
	v2 =	vadd.s32 v0, v2  }
0x27: {  	v62 =	vld [tilespmem:$0x20];
	[tilespmem:$0x120] =	vst v2;
	v2 =	vadd.s32 v0, v58  }
0x28: {  	v7 =	vadd.s32 v0, v60;
	[tilespmem:$0x100] =	vst v2;
	v2 =	vld [tilespmem:$0x10]  }
0x29: {  	v63 =	vld [tilespmem:$0x0];
	[tilespmem:$0xA0] =	vst v7;
	v1 =	vadd.s32 v0, v1  }
0x2a: {  	v3 =	vadd.s32 v0, v3;
	[tilespmem:$0x90] =	vst v1  }
0x2b: {  	[tilespmem:$0x80] =	vst v3;
	v1 =	vadd.s32 v0, v61  }
0x2c: {  	v3 =	vadd.s32 v0, v62;
	[tilespmem:$0x1B0] =	vst v1  }
0x2d: {  	v1 =	vadd.s32 v0, v2;
	[tilespmem:$0x20] =	vst v3  }
0x2e: {  	v2 =	vadd.s32 v0, v63;
	[tilespmem:$0x10] =	vst v1  }
0x2f: {  	[tilespmem:$0x0] =	vst v2  }
0x30: {  	[tilespmem:s9], [sflag:$0x1] =	stream.indirect.gather [hbm4b:s3+s8], $0x80, s2, s8, $0xb8;
	[tilespmem:$0xA400] =	vst v63  }
0x31: {  	_ = 	snop  }
0x32: {  	[tilespmem:s11], [sflag:$0x1] =	stream.indirect.gather [hbm4b:s3+s8], $0x80, s10, s8, $0xb8;
	[tilespmem:$0xA400] =	vst v63  }
0x33: {  	_ = 	snop  }
0x34: {  	[tilespmem:s13], [sflag:$0x1] =	stream.indirect.gather [hbm4b:s3+s8], $0x80, s12, s8, $0xb8;
	[tilespmem:$0xA400] =	vst v63  }
0x35: {  	s21 =	simm.s32 $0x80;
	s22 =	sadd.s32 $0x1400, s5;
	s20 =	smov.u32 s5  }
0x36: {  	[tilespmem:s15], [sflag:$0x1] =	stream.indirect.gather [hbm4b:s3+s8], $0x80, s14, s8, $0xb8;
	[tilespmem:$0xA400] =	vst v63  }
.LBB2_2:
0x37: {  	[tilespmem:s17], [sflag:$0x1] =	stream.indirect.gather [hbm4b:s3+s8], $0x80, s16, s8, $0xb8;
	[tilespmem:$0xA400] =	vst v63  }
0x38: {  	s23 =	smov.u32 s21  }
0x39: {  	p0 =	sne.s32 s21, $0x1F80;
	s21 =	sadd.s32 $0x80, s21;
	_ =	swait.ge [sflag:s18], $0x2000  }
0x3a: {  	[sflag:s18] =	ssyncset.done $0x0  }
0x3b: {  	[sflag:s18] =	ssyncadd.s32 $0xFFFFE000  }
0x3c: {  	_ =	swait.ge [sflag:s18], $0x2000  }
0x3d: {  	[sflag:s18] =	ssyncset.done $0x0  }
0x3e: {  	[sflag:s18] =	ssyncadd.s32 $0xFFFFE000  }
0x3f: {  	_ =	swait.ge [sflag:s18], $0x2000  }
0x40: {  	[sflag:s18] =	ssyncset.done $0x0  }
0x41: {  	[sflag:s18] =	ssyncadd.s32 $0xFFFFE000  }
0x42: {  	_ =	swait.ge [sflag:s18], $0x2000  }
0x43: {  	[sflag:s18] =	ssyncset.done $0x0  }
0x44: {  	[sflag:s18] =	ssyncadd.s32 $0xFFFFE000  }
0x45: {  	_ =	swait.ge [sflag:s18], $0x2000  }
0x46: {  	[sflag:s18] =	ssyncset.done $0x0  }
0x47: {  	[sflag:s18] =	ssyncadd.s32 $0xFFFFE000  }
0x48: {  	[hbm4b:s20+s2] =	stream.linear.scatter [tilespmem:s9], [sflag:$0x2], $0xA000, $0x38;
	[tilespmem:$0xA400] =	vst v63  }
0x49: {  	s20 =	smov.u32 s22;
	_ =	swait.ge [sflag:s7], $0xA000  }
0x4a: {  	[sflag:s7] =	ssyncset.done $0x0  }
0x4b: {  	s23 =	sadd.s32 s23, s6;
	[sflag:s7] =	ssyncadd.s32 $0xFFFF6000  }
0x4c: {  	[tilespmem:s2], [sflag:$0x2] =	stream.linear.gather [hbm4b:s23+s2], $0x280, $0x38;
	[tilespmem:$0xA400] =	vst v63  }
0x4d: {  	_ =	swait.ge [sflag:s7], $0x280  }
0x4e: {  	[sflag:s7] =	ssyncset.done $0x0  }
0x4f: {  	[sflag:s7] =	ssyncadd.s32 $0xFFFFFD80  }
0x50: {  	v1 =	vld [tilespmem:$0x230]  }
0x51: {  	v2 =	vld [tilespmem:$0x130]  }
0x52: {  	v3 =	vld [tilespmem:$0x220]  }
0x53: {  	v4 =	vld [tilespmem:$0x210]  }
0x54: {  	v5 =	vld [tilespmem:$0x200]  }
0x55: {  	v6 =	vld [tilespmem:$0x1A0];
	v1 =	vadd.s32 v0, v1  }
0x56: {  	v2 =	vadd.s32 v0, v2;
	v7 =	vld [tilespmem:$0x190];
	[tilespmem:$0x230] =	vst v1  }
0x57: {  	[tilespmem:$0x130] =	vst v2;
	v1 =	vld [tilespmem:$0x180];
	v2 =	vadd.s32 v0, v3  }
0x58: {  	v3 =	vld [tilespmem:$0x30];
	v4 =	vadd.s32 v0, v4;
	[tilespmem:$0x220] =	vst v2  }
0x59: {  	v2 =	vld [tilespmem:$0x120];
	v5 =	vadd.s32 v0, v5;
	[tilespmem:$0x210] =	vst v4  }
0x5a: {  	v4 =	vld [tilespmem:$0x110];
	v6 =	vadd.s32 v0, v6;
	[tilespmem:$0x200] =	vst v5  }
0x5b: {  	v5 =	vld [tilespmem:$0x100];
	v7 =	vadd.s32 v0, v7;
	[tilespmem:$0x1A0] =	vst v6  }
0x5c: {  	v6 =	vld [tilespmem:$0xB0];
	v1 =	vadd.s32 v0, v1;
	[tilespmem:$0x190] =	vst v7  }
0x5d: {  	v3 =	vadd.s32 v0, v3;
	v7 =	vld [tilespmem:$0xA0];
	[tilespmem:$0x180] =	vst v1  }
0x5e: {  	[tilespmem:$0x30] =	vst v3;
	v1 =	vld [tilespmem:$0x90];
	v2 =	vadd.s32 v0, v2  }
0x5f: {  	v3 =	vld [tilespmem:$0x80];
	v4 =	vadd.s32 v0, v4;
	[tilespmem:$0x120] =	vst v2  }
0x60: {  	v2 =	vadd.s32 v0, v5;
	[tilespmem:$0x110] =	vst v4;
	v4 =	vld [tilespmem:$0x1B0]  }
0x61: {  	v5 =	vld [tilespmem:$0x20];
	v6 =	vadd.s32 v0, v6;
	[tilespmem:$0x100] =	vst v2  }
0x62: {  	v2 =	vld [tilespmem:$0x10];
	v7 =	vadd.s32 v0, v7;
	[tilespmem:$0xB0] =	vst v6  }
0x63: {  	v6 =	vld [tilespmem:$0x0];
	v1 =	vadd.s32 v0, v1;
	[tilespmem:$0xA0] =	vst v7  }
0x64: {  	v3 =	vadd.s32 v0, v3;
	[tilespmem:$0x90] =	vst v1  }
0x65: {  	[tilespmem:$0x80] =	vst v3;
	v1 =	vadd.s32 v0, v4  }
0x66: {  	v3 =	vadd.s32 v0, v5;
	[tilespmem:$0x1B0] =	vst v1  }
0x67: {  	v1 =	vadd.s32 v0, v2;
	[tilespmem:$0x20] =	vst v3  }
0x68: {  	v2 =	vadd.s32 v0, v6;
	[tilespmem:$0x10] =	vst v1  }
0x69: {  	[tilespmem:$0x0] =	vst v2  }
0x6a: {  	[tilespmem:s9], [sflag:$0x1] =	stream.indirect.gather [hbm4b:s3+s8], $0x80, s2, s8, $0xb8;
	[tilespmem:$0xA400] =	vst v63  }
0x6b: {  	_ = 	snop  }
0x6c: {  	[tilespmem:s11], [sflag:$0x1] =	stream.indirect.gather [hbm4b:s3+s8], $0x80, s10, s8, $0xb8;
	[tilespmem:$0xA400] =	vst v63  }
.Ltmp0:
0x6d: {  	(pc) =	sbr.rel @p0 .LBB2_2-.Ltmp0, $4  }
0x6e: {  	[tilespmem:s13], [sflag:$0x1] =	stream.indirect.gather [hbm4b:s3+s8], $0x80, s12, s8, $0xb8;
	[tilespmem:$0xA400] =	vst v63  }
0x6f: {  	_ = 	snop  }
0x70: {  	[tilespmem:s15], [sflag:$0x1] =	stream.indirect.gather [hbm4b:s3+s8], $0x80, s14, s8, $0xb8;
	[tilespmem:$0xA400] =	vst v63  }
0x71: {  	s22 =	sadd.s32 $0x1400, s22  }
0x72: {  	[tilespmem:s17], [sflag:$0x1] =	stream.indirect.gather [hbm4b:s3+s8], $0x80, s16, s8, $0xb8;
	[tilespmem:$0xA400] =	vst v63  }
0x73: {  	_ =	swait.ge [sflag:s18], $0x2000  }
0x74: {  	[sflag:s18] =	ssyncset.done $0x0  }
0x75: {  	[sflag:s18] =	ssyncadd.s32 $0xFFFFE000  }
0x76: {  	_ =	swait.ge [sflag:s18], $0x2000  }
0x77: {  	[sflag:s18] =	ssyncset.done $0x0  }
0x78: {  	[sflag:s18] =	ssyncadd.s32 $0xFFFFE000  }
0x79: {  	_ =	swait.ge [sflag:s18], $0x2000  }
0x7a: {  	[sflag:s18] =	ssyncset.done $0x0  }
0x7b: {  	[sflag:s18] =	ssyncadd.s32 $0xFFFFE000  }
0x7c: {  	_ =	swait.ge [sflag:s18], $0x2000  }
0x7d: {  	[sflag:s18] =	ssyncset.done $0x0  }
0x7e: {  	[sflag:s18] =	ssyncadd.s32 $0xFFFFE000  }
0x7f: {  	s19 =	sadd.s32 $0x1, s19;
	_ =	swait.ge [sflag:s18], $0x2000  }
0x80: {  	p0 =	sne.s32 s19, s4;
	[sflag:s18] =	ssyncset.done $0x0  }
.Ltmp1:
0x81: {  	[sflag:s18] =	ssyncadd.s32 $0xFFFFE000;
	(pc) =	sbr.rel @p0 .LBB2_1-.Ltmp1, $4  }
0x82: {  	[hbm4b:s20+s2] =	stream.linear.scatter [tilespmem:s9], [sflag:$0x2], $0xA000, $0x38;
	[tilespmem:$0xA400] =	vst v63  }
0x83: {  	_ =	swait.ge [sflag:s7], $0xA000  }
0x84: {  	[sflag:s7] =	ssyncset.done $0x0  }
0x85: {  	[sflag:s7] =	ssyncadd.s32 $0xFFFF6000  }
0x86: {  	_ =	sfence.sel $0x180000  }
0x87: {  	[bflag:$0x0] =	sbarrier.arrive $0xFFFF  }
0x88: {  	p0 =	sne.s32 s1, $0x0;
	_ =	strace $0x9000004D  }
0x89: {  	s0 =	sadd.s32 @!p0 $0x100000, s0;
	[bflag:$0x2] =	sbarrier.arrive $0xFFFF  }
0x8a: {  	[sflag:s0] =	ssyncadd.tile.s32 @!p0 $0x1;
	_ =	shalt  }
.Lfunc_end2:
_tile_overlayer_lowered:
.L_overlay_start_2:
0x8b: {  	(tag) =	ssettag $0x2  }
0x8c: {  	s0 =	rddreg [dreg:$0x0];
	s2 =	stileid.u32  }
0x8d: {  	s1 =	rddreg [dreg:$0x1];
	p0 =	sne.s32 s2, $0x0  }
0x8e: {  	s3 =	rddreg [dreg:$0x2];
	[bflag:$0x3] =	sbarrier.arrive $0xFFFF;
	s2 =	simm.s32 @!p0 $0x1C02  }
0x8f: {  	[timem:s3], [sflag:s2] =	dma.local @!p0 [hbm:s0], s1  }
0x90: {  	s0 =	simm.s32 @!p0 $0x2  }
0x91: {  	_ =	swait.ge @!p0 [sflag:s0], s1  }
0x92: {  	s1 =	ssub.s32 @!p0 $0x0, s1;
	[sflag:s0] =	ssyncset.done @!p0 $0x0  }
0x93: {  	[sflag:s0] =	ssyncadd.s32 @!p0 s1  }
0x94: {  	[bflag:$0x3] =	sbarrier.arrive $0xFFFF  }
0x95: {  	_ =	shalt  }

// kernel: kernel.30.cloned.1.call-start
scs
__scs_entry_jumppad:
0x0: {  	(pc) =	sbr.rel $0x88, $3  }
0x1: {  	(tag) =	ssettag $0x0;
	lr =	simm.s32 $0x1  }
0x2: {  	[smem:$0x3F88] =	sst lr;
	_ =	strace $0xD0000000  }
0x3: {  	_ = 	snop  }
0x4: {  	_ = 	snop  }
0x5: {  	_ = 	snop  }
0x6: {  	_ = 	snop  }
0x7: {  	_ = 	snop  }
__scs_overlays_trampoline_lowered:
0x8: {  	[smem:$0x3F97] =	sst s0  }
0x9: {  	[smem:$0x3F98] =	sst s1  }
0xa: {  	[smem:$0x3F99] =	sst s2  }
0xb: {  	[smem:$0x3F9A] =	sst s3  }
0xc: {  	[smem:$0x3F9B] =	sst s4  }
0xd: {  	[smem:$0x3F9C] =	sst s5  }
0xe: {  	[smem:$0x3F9D] =	sst s6  }
0xf: {  	[smem:$0x3F9E] =	sst s7  }
0x10: {  	[smem:$0x3F9F] =	sst s8  }
0x11: {  	[smem:$0x3FA0] =	sst s9;
	s0 =	simm.s32 @!p0 $0x0  }
0x12: {  	s1 =	sld [smem:$0x3F86];
	s0 =	simm.s32 @p0 $0x1  }
0x13: {  	[smem:$0x3FA1] =	sst s0;
	s0 =	simm.s32 @!p1 $0x0  }
0x14: {  	s2 =	sld [smem:$0x3F85];
	s0 =	simm.s32 @p1 $0x1  }
0x15: {  	[smem:$0x3FA2] =	sst s0;
	s0 =	simm.s32 @!p2 $0x0  }
0x16: {  	s3 =	sld [smem:$0x3FDB];
	s0 =	simm.s32 @p2 $0x1  }
0x17: {  	s4 =	simm.s32 $0x1BF5;
	[smem:$0x3FA4] =	sst s0  }
0x18: {  	s0 =	sld [smem:$0x3F87];
	_ =	swait.ge [sflag:s4], $0x0  }
0x19: {  	s7 =	sld [smem:$0x3F88]  }
0x1a: {  	s8 =	sadd.s32 $0xFFFFE003, lr  }
0x1b: {  	s9 =	sadd.s32 $0xFFFFFEF7, lr;
	s5 =	simm.s32 $0xFFFFFFFF;
	p2 =	slt.u32 s8, $0xFFFFF086  }
0x1c: {  	p1 =	slt.u32 s9, $0xF7A;
	s5 =	simm.s32 @!p2 $0x0  }
0x1d: {  	s5 =	simm.s32 @p1 $0x1;
	p0 =	seq.s32 s7, s2  }
0x1e: {  	s7 =	smul.u32 @!p0 $0xF7A, s2;
	p2 =	seq.s32 @!p0 s5, $0x0  }
0x1f: {  	s9 =	smul.u32 $0xF7A, s1;
	s8 =	simm.s32 @!p0 $0x1BF5;
	p2 =	por !p2, p0  }
0x20: {  	[sflag:s8] =	ssyncset.s32 @!p0 $0xFFFFF086;
	s6 =	sadd.s32 @!p0 s3, s7;
	s7 =	simm.s32 @!p0 $0x108  }
0x21: {  	s3 =	sadd.s32 s3, s9;
	s6 =	sadd.s32 @!p0 $0x88, s6;
	s7 =	simm.s32 @p2 $0x1082  }
0x22: {  	[simem:s7], [sflag:s8] =	dma.local @!p0 [hbm:s6], $0xF7A  }
0x23: {  	s9 =	sor.u32 $0xD0000000, s2;
	s6 =	simm.s32 $0x108;
	_ =	swait.ge @!p0 [sflag:s8], $0x0  }
0x24: {  	s3 =	sadd.s32 $0x88, s3;
	s6 =	simm.s32 @!p1 $0x1082;
	[sflag:s4] =	ssyncset.s32 $0xFFFFF086  }
0x25: {  	[simem:s6], [sflag:s4] =	dma.local [hbm:s3], $0xF7A  }
0x26: {  	[smem:$0x3F88] =	sst s1;
	(tag) =	ssettag s2;
	_ =	strace s9  }
0x27: {  	s1 =	sld [smem:$0x3F98]  }
0x28: {  	s2 =	sld [smem:$0x3F99]  }
0x29: {  	s4 =	sld [smem:$0x3F9B]  }
0x2a: {  	p0 =	seq.s32 s5, $0x0;
	s5 =	sld [smem:$0x3F9C]  }
0x2b: {  	s6 =	sld [smem:$0x3F9D]  }
0x2c: {  	s7 =	sld [smem:$0x3F9E]  }
0x2d: {  	s3 =	simm.s32 $0x108;
	s8 =	sld [smem:$0x3F9F]  }
0x2e: {  	s3 =	simm.s32 @!p0 $0x1082;
	s9 =	sld [smem:$0x3FA0]  }
0x2f: {  	lr =	sadd.s32 s0, s3;
	s0 =	sld [smem:$0x3F97]  }
0x30: {  	s3 =	sld [smem:$0x3F9A]  }
0x31: {  	[smem:$0x3FA3] =	sst s10  }
0x32: {  	s10 =	sld [smem:$0x3FA1];
	_ =	sdelay $0x3  }
0x33: {  	p0 =	seq.s32 s10, $0x1;
	s10 =	sld [smem:$0x3FA3];
	_ =	sdelay $0x3  }
0x34: {  	[smem:$0x3FA3] =	sst s10  }
0x35: {  	s10 =	sld [smem:$0x3FA2];
	_ =	sdelay $0x3  }
0x36: {  	p1 =	seq.s32 s10, $0x1;
	s10 =	sld [smem:$0x3FA3];
	_ =	sdelay $0x3  }
0x37: {  	[smem:$0x3FA3] =	sst s10  }
0x38: {  	s10 =	sld [smem:$0x3FA4]  }
0x39: {  	_ = 	snop;
	(pc) =	sbr.ind lr, $3  }
0x3a: {  	_ = 	snop  }
0x3b: {  	_ = 	snop  }
0x3c: {  	p2 =	seq.s32 s10, $0x1;
	s10 =	sld [smem:$0x3FA3]  }
0x3d: {  	_ =	shalt  }
0x3e: {  	_ =	shalt  }
0x3f: {  	_ =	shalt  }
0x40: {  	_ =	shalt  }
0x41: {  	_ =	shalt  }
0x42: {  	_ =	shalt  }
0x43: {  	_ =	shalt  }
0x44: {  	_ =	shalt  }
0x45: {  	_ =	shalt  }
0x46: {  	_ =	shalt  }
0x47: {  	_ =	shalt  }
0x48: {  	_ =	shalt  }
0x49: {  	_ =	shalt  }
0x4a: {  	_ =	shalt  }
0x4b: {  	_ =	shalt  }
0x4c: {  	_ =	shalt  }
0x4d: {  	_ =	shalt  }
0x4e: {  	_ =	shalt  }
0x4f: {  	_ =	shalt  }
0x50: {  	_ =	shalt  }
0x51: {  	_ =	shalt  }
0x52: {  	_ =	shalt  }
0x53: {  	_ =	shalt  }
0x54: {  	_ =	shalt  }
0x55: {  	_ =	shalt  }
0x56: {  	_ =	shalt  }
0x57: {  	_ =	shalt  }
0x58: {  	_ =	shalt  }
0x59: {  	_ =	shalt  }
0x5a: {  	_ =	shalt  }
0x5b: {  	_ =	shalt  }
0x5c: {  	_ =	shalt  }
0x5d: {  	_ =	shalt  }
0x5e: {  	_ =	shalt  }
0x5f: {  	_ =	shalt  }
0x60: {  	_ =	shalt  }
0x61: {  	_ =	shalt  }
0x62: {  	_ =	shalt  }
0x63: {  	_ =	shalt  }
0x64: {  	_ =	shalt  }
0x65: {  	_ =	shalt  }
0x66: {  	_ =	shalt  }
0x67: {  	_ =	shalt  }
0x68: {  	_ =	shalt  }
0x69: {  	_ =	shalt  }
0x6a: {  	_ =	shalt  }
0x6b: {  	_ =	shalt  }
0x6c: {  	_ =	shalt  }
0x6d: {  	_ =	shalt  }
0x6e: {  	_ =	shalt  }
0x6f: {  	_ =	shalt  }
0x70: {  	_ =	shalt  }
0x71: {  	_ =	shalt  }
0x72: {  	_ =	shalt  }
0x73: {  	_ =	shalt  }
0x74: {  	_ =	shalt  }
0x75: {  	_ =	shalt  }
0x76: {  	_ =	shalt  }
0x77: {  	_ =	shalt  }
0x78: {  	_ =	shalt  }
0x79: {  	_ =	shalt  }
0x7a: {  	_ =	shalt  }
0x7b: {  	_ =	shalt  }
0x7c: {  	_ =	shalt  }
0x7d: {  	_ =	shalt  }
0x7e: {  	_ =	shalt  }
0x7f: {  	_ =	shalt  }
0x80: {  	_ =	shalt  }
0x81: {  	_ =	shalt  }
0x82: {  	_ =	shalt  }
0x83: {  	_ =	shalt  }
0x84: {  	_ =	shalt  }
0x85: {  	_ =	shalt  }
0x86: {  	_ =	shalt  }
0x87: {  	_ =	shalt  }
.Lfunc_end0:
.L_simem_size_0:
called_computation.3_lowered:
.L_overlay_start_0:
0x88: {  	s2 =	sld [smem:$0x3FD9]  }
0x89: {  	s3 =	sld [smem:$0x3FFE];
	_ =	sdelay $0x1  }
0x8a: {  	s1 =	srdreg.scid  }
0x8b: {  	s0 =	sand.u32 $0x1, s1  }
0x8c: {  	s16 =	sshll.u32 s0, $0xA;
	s2 =	sadd.s32 s3, s2  }
0x8d: {  	s2 =	sadd.s32 s2, s16  }
0x8e: {  	[smem:$0x3FAF] =	sst s2  }
0x8f: {  	_ = 	snop  }
0x90: {  	(tm) =	ssettm $0x1  }
0x91: {  	s17 =	sld [smem:$0x3FFB];
	_ =	sdelay $0x3  }
0x92: {  	_ =	strace s17  }
0x93: {  	s2 =	sld [smem:$0x3FFC];
	_ =	sdelay $0x3  }
0x94: {  	_ =	strace s2  }
0x95: {  	s2 =	sld [smem:$0x3FFD];
	_ =	sdelay $0x3  }
0x96: {  	_ =	strace s2  }
0x97: {  	_ =	strace $0x8FFFFFFF  }
0x98: {  	s18 =	sld [smem:$0x3FDB];
	_ =	sdelay $0x1  }
0x99: {  	s19 =	simm.s32 $_scs_section_size  }
0x9a: {  	s4 =	simm.s32 $_size__tile_overlayer_lowered;
	s5 =	simm.s32 $_tile_overlayer_lowered  }
0x9b: {  	s22 =	simm.s32 $0x1BFF;
	s21 =	sshll.u32 s5, $0x1;
	s2 =	sadd.s32 s19, s18  }
0x9c: {  	s6 =	simm.s32 $0x0;
	s20 =	sshll.u32 s4, $0x1;
	s4 =	sadd.s32 s21, s2  }
0x9d: {  	[timem:s6], [sflag:s22] =	dma.local [hbm:s4], s20  }
0x9e: {  	_ =	swait.ge [sflag:s22], s20  }
0x9f: {  	s3 =	ssub.s32 $0x0, s20;
	[sflag:s22] =	ssyncset.done $0x0  }
0xa0: {  	[sflag:s22] =	ssyncadd.s32 s3;
	_ =	sdelay $0x1  }
0xa1: {  	s23 =	simm.s32 $0x1B8B  }
0xa2: {  	_ =	swait.ge [sflag:s23], $0x1  }
0xa3: {  	[sflag:s23] =	ssyncset.done $0x0  }
0xa4: {  	s25 =	simm.s32 $0x1B8E;
	s24 =	sld [smem:$0x3FFE];
	[sflag:s23] =	ssyncadd.s32 $0xFFFFFFFF  }
0xa5: {  	s26 =	simm.s32 $execute0_lowered;
	[smem:$0x3FD2] =	sst s25  }
0xa6: {  	s4 =	sshll.u32 s26, $0x1;
	_ =	strace $0x8000004F;
	[dreg:$0x1] =	wrdreg $0xFFFFFFFF  }
0xa7: {  	s28 =	simm.s32 $_size_execute0_lowered;
	s2 =	sadd.s32 s2, s4;
	[dreg:$0x0] =	wrdreg $0x0  }
0xa8: {  	s4 =	sshll.u32 s28, $0x1;
	[dreg:$0x2] =	wrdreg s2  }
0xa9: {  	[dreg:$0x3] =	wrdreg s4  }
0xaa: {  	[dreg:$0x4] =	wrdreg $0xC0  }
0xab: {  	_ =	task [dreg:s6], $0x5FFFF  }
0xac: {  	[dreg:$0x1] =	wrdreg $0xFFFFFFFF  }
0xad: {  	[dreg:$0x0] =	wrdreg $0x60  }
0xae: {  	[dreg:$0x2] =	wrdreg s24  }
0xaf: {  	[dreg:$0x3] =	wrdreg $0x9  }
0xb0: {  	_ =	task.clear_ibuf [dreg:s6], $0x4FFFF;
	_ =	strace $0x9000004F  }
0xb1: {  	s29 =	simm.s32 $0x9;
	_ =	strace $0x80000051  }
0xb2: {  	_ =	swait.ge [sflag:s29], $0x1  }
0xb3: {  	[sflag:s29] =	ssyncadd.s32 $0xFFFFFFFF  }
0xb4: {  	_ =	strace $0x90000051  }
0xb5: {  	_ =	sfence  }
0xb6: {  	s30 =	sld [smem:$0x0];
	_ =	sdelay $0x2  }
0xb7: {  	s31 =	sshll.u32 s1, $0xD;
	s1 =	sshrl.u32 s1, $0x2  }
0xb8: {  	s3 =	sand.u32 $0x4000, s31;
	s1 =	sadd.s32 s1, s30  }
0xb9: {  	s0 =	sor.u32 s3, s0;
	s1 =	sshll.u32 s1, $0x11  }
0xba: {  	s0 =	sor.u32 s1, s0  }
0xbb: {  	s0 =	sadd.s32 $0x8F2B, s0  }
0xbc: {  	[sflag:s0] =	ssyncadd.remote.s32 $0x1  }
0xbd: {  	_ =	sfence.sel $0xFFFF  }
0xbe: {  	[dreg:$0x0] =	wrdreg $0xFFFFFFFF;
	(pc) =	sbr.abs _section_cstart, $3  }
0xbf: {  	[dreg:$0x1] =	wrdreg $0xFFFFFFFF  }
0xc0: {  	_ =	task.clear_ibuf [dreg:s6], $0x2FFFF;
	_ =	strace $0x9FFFFFFF  }
0xc1: {  	(tm) =	ssettm $0x7FFFFFFF  }
tec
execute0_lowered:
.L_overlay_start_1:
0x0: {  	(tag) =	ssettag $0x1  }
0x1: {  	s4 =	rddreg [dreg:$0x0]  }
0x2: {  	s0 =	rddreg [dreg:$0x1]  }
0x3: {  	s1 =	stileid.u32;
	s3 =	srdreg.scid  }
0x4: {  	s2 =	simm.s32 $0x0;
	s10 =	simm.s32 $0x80;
	s11 =	simm.s32 $0x2400  }
0x5: {  	s12 =	simm.s32 $0x100;
	s13 =	simm.s32 $0x4400;
	s14 =	simm.s32 $0x180  }
0x6: {  	s15 =	simm.s32 $0x6400;
	s16 =	simm.s32 $0x200;
	s18 =	simm.s32 $0x1  }
0x7: {  	s19 =	simm.s32 $0x0;
	s5 =	sand.u32 $0x1, s3;
	s25 =	smul.u32 $0x500000, s1  }
0x8: {  	[smem:$0x7FF] =	sst s2;
	s7 =	sshll.u32 s1, $0xE;
	s29 =	sshll.u32 s1, $0xB  }
0x9: {  	s6 =	smul.u32 $0x280000, s5;
	_ =	strace $0x80000050;
	s26 =	ssub.s32 $0x2, s5  }
0xa: {  	s7 =	sadd.s32 s7, s4;
	s30 =	sshll.u32 s5, $0xA;
	s5 =	sshll.u32 s5, $0xD  }
0xb: {  	s9 =	sshrl.u32 s26, $0x1;
	s17 =	sor.u32 s30, s29;
	s31 =	sadd.s32 s5, s7  }
0xc: {  	s7 =	simm.s32 $0x2;
	s3 =	sadd.s32 s6, s25;
	s28 =	ssub.s32 s26, s9  }
0xd: {  	s6 =	sadd.s32 $0x207E00, s31;
	s9 =	simm.s32 $0x400;
	s8 =	sshrl.u32 s3, $0x3  }
0xe: {  	v0 =	vmov s17;
	s17 =	simm.s32 $0x8400;
	s3 =	sadd.s32 $0x107E00, s4;
	s8 =	sadd.s32 s8, s4  }
0xf: {  	s4 =	smax.u32 s28, $0x1;
	s5 =	sadd.s32 $0x247E00, s8;
	s8 =	simm.s32 $0x40  }
.LBB2_1:
0x10: {  	s20 =	sadd.s32 $0x0, s6  }
0x11: {  	[tilespmem:s2], [sflag:$0x2] =	stream.linear.gather [hbm4b:s20+s2], $0x280, $0x38;
	[tilespmem:$0xA400] =	vst v63  }
0x12: {  	_ =	swait.ge [sflag:s7], $0x280  }
0x13: {  	[sflag:s7] =	ssyncset.done $0x0  }
0x14: {  	[sflag:s7] =	ssyncadd.s32 $0xFFFFFD80  }
0x15: {  	v1 =	vld [tilespmem:$0x230]  }
0x16: {  	v2 =	vld [tilespmem:$0x130]  }
0x17: {  	v3 =	vld [tilespmem:$0x220]  }
0x18: {  	v4 =	vld [tilespmem:$0x210]  }
0x19: {  	v5 =	vld [tilespmem:$0x200]  }
0x1a: {  	v6 =	vld [tilespmem:$0x1A0]  }
0x1b: {  	v1 =	vadd.s32 v0, v1  }
0x1c: {  	v7 =	vld [tilespmem:$0x190];
	v2 =	vadd.s32 v0, v2;
	[tilespmem:$0x230] =	vst v1  }
0x1d: {  	v57 =	vld [tilespmem:$0x110];
	v4 =	vadd.s32 v0, v4;
	[tilespmem:$0x130] =	vst v2  }
0x1e: {  	v5 =	vadd.s32 v0, v5;
	v1 =	vld [tilespmem:$0x180];
	[tilespmem:$0x210] =	vst v4  }
0x1f: {  	v6 =	vadd.s32 v0, v6;
	v2 =	vadd.s32 v0, v3;
	v3 =	vld [tilespmem:$0x30];
	[tilespmem:$0x200] =	vst v5  }
0x20: {  	v59 =	vld [tilespmem:$0xB0];
	[tilespmem:$0x1A0] =	vst v6  }
0x21: {  	v7 =	vadd.s32 v0, v7;
	[tilespmem:$0x220] =	vst v2;
	v2 =	vld [tilespmem:$0x120]  }
0x22: {  	v58 =	vld [tilespmem:$0x100];
	[tilespmem:$0x190] =	vst v7;
	v4 =	vadd.s32 v0, v57  }
0x23: {  	v60 =	vld [tilespmem:$0xA0];
	[tilespmem:$0x110] =	vst v4;
	v1 =	vadd.s32 v0, v1  }
0x24: {  	v3 =	vadd.s32 v0, v3;
	[tilespmem:$0x180] =	vst v1;
	v1 =	vld [tilespmem:$0x90]  }
0x25: {  	v6 =	vadd.s32 v0, v59;
	[tilespmem:$0x30] =	vst v3;
	v3 =	vld [tilespmem:$0x80]  }
0x26: {  	v61 =	vld [tilespmem:$0x1B0];
	[tilespmem:$0xB0] =	vst v6;
	v2 =	vadd.s32 v0, v2  }
0x27: {  	v62 =	vld [tilespmem:$0x20];
	[tilespmem:$0x120] =	vst v2;
	v2 =	vadd.s32 v0, v58  }
0x28: {  	v7 =	vadd.s32 v0, v60;
	[tilespmem:$0x100] =	vst v2;
	v2 =	vld [tilespmem:$0x10]  }
0x29: {  	v63 =	vld [tilespmem:$0x0];
	[tilespmem:$0xA0] =	vst v7;
	v1 =	vadd.s32 v0, v1  }
0x2a: {  	v3 =	vadd.s32 v0, v3;
	[tilespmem:$0x90] =	vst v1  }
0x2b: {  	[tilespmem:$0x80] =	vst v3;
	v1 =	vadd.s32 v0, v61  }
0x2c: {  	v3 =	vadd.s32 v0, v62;
	[tilespmem:$0x1B0] =	vst v1  }
0x2d: {  	v1 =	vadd.s32 v0, v2;
	[tilespmem:$0x20] =	vst v3  }
0x2e: {  	v2 =	vadd.s32 v0, v63;
	[tilespmem:$0x10] =	vst v1  }
0x2f: {  	[tilespmem:$0x0] =	vst v2  }
0x30: {  	[tilespmem:s9], [sflag:$0x1] =	stream.indirect.gather [hbm4b:s3+s8], $0x80, s2, s8, $0xb8;
	[tilespmem:$0xA400] =	vst v63  }
0x31: {  	_ = 	snop  }
0x32: {  	[tilespmem:s11], [sflag:$0x1] =	stream.indirect.gather [hbm4b:s3+s8], $0x80, s10, s8, $0xb8;
	[tilespmem:$0xA400] =	vst v63  }
0x33: {  	_ = 	snop  }
0x34: {  	[tilespmem:s13], [sflag:$0x1] =	stream.indirect.gather [hbm4b:s3+s8], $0x80, s12, s8, $0xb8;
	[tilespmem:$0xA400] =	vst v63  }
0x35: {  	s21 =	simm.s32 $0x80;
	s22 =	sadd.s32 $0x1400, s5;
	s20 =	smov.u32 s5  }
0x36: {  	[tilespmem:s15], [sflag:$0x1] =	stream.indirect.gather [hbm4b:s3+s8], $0x80, s14, s8, $0xb8;
	[tilespmem:$0xA400] =	vst v63  }
.LBB2_2:
0x37: {  	[tilespmem:s17], [sflag:$0x1] =	stream.indirect.gather [hbm4b:s3+s8], $0x80, s16, s8, $0xb8;
	[tilespmem:$0xA400] =	vst v63  }
0x38: {  	s23 =	smov.u32 s21  }
0x39: {  	p0 =	sne.s32 s21, $0x1F80;
	s21 =	sadd.s32 $0x80, s21;
	_ =	swait.ge [sflag:s18], $0x2000  }
0x3a: {  	[sflag:s18] =	ssyncset.done $0x0  }
0x3b: {  	[sflag:s18] =	ssyncadd.s32 $0xFFFFE000  }
0x3c: {  	_ =	swait.ge [sflag:s18], $0x2000  }
0x3d: {  	[sflag:s18] =	ssyncset.done $0x0  }
0x3e: {  	[sflag:s18] =	ssyncadd.s32 $0xFFFFE000  }
0x3f: {  	_ =	swait.ge [sflag:s18], $0x2000  }
0x40: {  	[sflag:s18] =	ssyncset.done $0x0  }
0x41: {  	[sflag:s18] =	ssyncadd.s32 $0xFFFFE000  }
0x42: {  	_ =	swait.ge [sflag:s18], $0x2000  }
0x43: {  	[sflag:s18] =	ssyncset.done $0x0  }
0x44: {  	[sflag:s18] =	ssyncadd.s32 $0xFFFFE000  }
0x45: {  	_ =	swait.ge [sflag:s18], $0x2000  }
0x46: {  	[sflag:s18] =	ssyncset.done $0x0  }
0x47: {  	[sflag:s18] =	ssyncadd.s32 $0xFFFFE000  }
0x48: {  	[hbm4b:s20+s2] =	stream.linear.scatter [tilespmem:s9], [sflag:$0x2], $0xA000, $0x38;
	[tilespmem:$0xA400] =	vst v63  }
0x49: {  	s20 =	smov.u32 s22;
	_ =	swait.ge [sflag:s7], $0xA000  }
0x4a: {  	[sflag:s7] =	ssyncset.done $0x0  }
0x4b: {  	s23 =	sadd.s32 s23, s6;
	[sflag:s7] =	ssyncadd.s32 $0xFFFF6000  }
0x4c: {  	[tilespmem:s2], [sflag:$0x2] =	stream.linear.gather [hbm4b:s23+s2], $0x280, $0x38;
	[tilespmem:$0xA400] =	vst v63  }
0x4d: {  	_ =	swait.ge [sflag:s7], $0x280  }
0x4e: {  	[sflag:s7] =	ssyncset.done $0x0  }
0x4f: {  	[sflag:s7] =	ssyncadd.s32 $0xFFFFFD80  }
0x50: {  	v1 =	vld [tilespmem:$0x230]  }
0x51: {  	v2 =	vld [tilespmem:$0x130]  }
0x52: {  	v3 =	vld [tilespmem:$0x220]  }
0x53: {  	v4 =	vld [tilespmem:$0x210]  }
0x54: {  	v5 =	vld [tilespmem:$0x200]  }
0x55: {  	v6 =	vld [tilespmem:$0x1A0];
	v1 =	vadd.s32 v0, v1  }
0x56: {  	v2 =	vadd.s32 v0, v2;
	v7 =	vld [tilespmem:$0x190];
	[tilespmem:$0x230] =	vst v1  }
0x57: {  	[tilespmem:$0x130] =	vst v2;
	v1 =	vld [tilespmem:$0x180];
	v2 =	vadd.s32 v0, v3  }
0x58: {  	v3 =	vld [tilespmem:$0x30];
	v4 =	vadd.s32 v0, v4;
	[tilespmem:$0x220] =	vst v2  }
0x59: {  	v2 =	vld [tilespmem:$0x120];
	v5 =	vadd.s32 v0, v5;
	[tilespmem:$0x210] =	vst v4  }
0x5a: {  	v4 =	vld [tilespmem:$0x110];
	v6 =	vadd.s32 v0, v6;
	[tilespmem:$0x200] =	vst v5  }
0x5b: {  	v5 =	vld [tilespmem:$0x100];
	v7 =	vadd.s32 v0, v7;
	[tilespmem:$0x1A0] =	vst v6  }
0x5c: {  	v6 =	vld [tilespmem:$0xB0];
	v1 =	vadd.s32 v0, v1;
	[tilespmem:$0x190] =	vst v7  }
0x5d: {  	v3 =	vadd.s32 v0, v3;
	v7 =	vld [tilespmem:$0xA0];
	[tilespmem:$0x180] =	vst v1  }
0x5e: {  	[tilespmem:$0x30] =	vst v3;
	v1 =	vld [tilespmem:$0x90];
	v2 =	vadd.s32 v0, v2  }
0x5f: {  	v3 =	vld [tilespmem:$0x80];
	v4 =	vadd.s32 v0, v4;
	[tilespmem:$0x120] =	vst v2  }
0x60: {  	v2 =	vadd.s32 v0, v5;
	[tilespmem:$0x110] =	vst v4;
	v4 =	vld [tilespmem:$0x1B0]  }
0x61: {  	v5 =	vld [tilespmem:$0x20];
	v6 =	vadd.s32 v0, v6;
	[tilespmem:$0x100] =	vst v2  }
0x62: {  	v2 =	vld [tilespmem:$0x10];
	v7 =	vadd.s32 v0, v7;
	[tilespmem:$0xB0] =	vst v6  }
0x63: {  	v6 =	vld [tilespmem:$0x0];
	v1 =	vadd.s32 v0, v1;
	[tilespmem:$0xA0] =	vst v7  }
0x64: {  	v3 =	vadd.s32 v0, v3;
	[tilespmem:$0x90] =	vst v1  }
0x65: {  	[tilespmem:$0x80] =	vst v3;
	v1 =	vadd.s32 v0, v4  }
0x66: {  	v3 =	vadd.s32 v0, v5;
	[tilespmem:$0x1B0] =	vst v1  }
0x67: {  	v1 =	vadd.s32 v0, v2;
	[tilespmem:$0x20] =	vst v3  }
0x68: {  	v2 =	vadd.s32 v0, v6;
	[tilespmem:$0x10] =	vst v1  }
0x69: {  	[tilespmem:$0x0] =	vst v2  }
0x6a: {  	[tilespmem:s9], [sflag:$0x1] =	stream.indirect.gather [hbm4b:s3+s8], $0x80, s2, s8, $0xb8;
	[tilespmem:$0xA400] =	vst v63  }
0x6b: {  	_ = 	snop  }
0x6c: {  	[tilespmem:s11], [sflag:$0x1] =	stream.indirect.gather [hbm4b:s3+s8], $0x80, s10, s8, $0xb8;
	[tilespmem:$0xA400] =	vst v63  }
.Ltmp0:
0x6d: {  	(pc) =	sbr.rel @p0 .LBB2_2-.Ltmp0, $4  }
0x6e: {  	[tilespmem:s13], [sflag:$0x1] =	stream.indirect.gather [hbm4b:s3+s8], $0x80, s12, s8, $0xb8;
	[tilespmem:$0xA400] =	vst v63  }
0x6f: {  	_ = 	snop  }
0x70: {  	[tilespmem:s15], [sflag:$0x1] =	stream.indirect.gather [hbm4b:s3+s8], $0x80, s14, s8, $0xb8;
	[tilespmem:$0xA400] =	vst v63  }
0x71: {  	s22 =	sadd.s32 $0x1400, s22  }
0x72: {  	[tilespmem:s17], [sflag:$0x1] =	stream.indirect.gather [hbm4b:s3+s8], $0x80, s16, s8, $0xb8;
	[tilespmem:$0xA400] =	vst v63  }
0x73: {  	_ =	swait.ge [sflag:s18], $0x2000  }
0x74: {  	[sflag:s18] =	ssyncset.done $0x0  }
0x75: {  	[sflag:s18] =	ssyncadd.s32 $0xFFFFE000  }
0x76: {  	_ =	swait.ge [sflag:s18], $0x2000  }
0x77: {  	[sflag:s18] =	ssyncset.done $0x0  }
0x78: {  	[sflag:s18] =	ssyncadd.s32 $0xFFFFE000  }
0x79: {  	_ =	swait.ge [sflag:s18], $0x2000  }
0x7a: {  	[sflag:s18] =	ssyncset.done $0x0  }
0x7b: {  	[sflag:s18] =	ssyncadd.s32 $0xFFFFE000  }
0x7c: {  	_ =	swait.ge [sflag:s18], $0x2000  }
0x7d: {  	[sflag:s18] =	ssyncset.done $0x0  }
0x7e: {  	[sflag:s18] =	ssyncadd.s32 $0xFFFFE000  }
0x7f: {  	s19 =	sadd.s32 $0x1, s19;
	_ =	swait.ge [sflag:s18], $0x2000  }
0x80: {  	p0 =	sne.s32 s19, s4;
	[sflag:s18] =	ssyncset.done $0x0  }
.Ltmp1:
0x81: {  	[sflag:s18] =	ssyncadd.s32 $0xFFFFE000;
	(pc) =	sbr.rel @p0 .LBB2_1-.Ltmp1, $4  }
0x82: {  	[hbm4b:s20+s2] =	stream.linear.scatter [tilespmem:s9], [sflag:$0x2], $0xA000, $0x38;
	[tilespmem:$0xA400] =	vst v63  }
0x83: {  	_ =	swait.ge [sflag:s7], $0xA000  }
0x84: {  	[sflag:s7] =	ssyncset.done $0x0  }
0x85: {  	[sflag:s7] =	ssyncadd.s32 $0xFFFF6000  }
0x86: {  	_ =	sfence.sel $0x180000  }
0x87: {  	[bflag:$0x0] =	sbarrier.arrive $0xFFFF  }
0x88: {  	p0 =	sne.s32 s1, $0x0;
	_ =	strace $0x90000050  }
0x89: {  	s0 =	sadd.s32 @!p0 $0x100000, s0;
	[bflag:$0x2] =	sbarrier.arrive $0xFFFF  }
0x8a: {  	[sflag:s0] =	ssyncadd.tile.s32 @!p0 $0x1;
	_ =	shalt  }
.Lfunc_end2:
_tile_overlayer_lowered:
.L_overlay_start_2:
0x8b: {  	(tag) =	ssettag $0x2  }
0x8c: {  	s0 =	rddreg [dreg:$0x0];
	s2 =	stileid.u32  }
0x8d: {  	s1 =	rddreg [dreg:$0x1];
	p0 =	sne.s32 s2, $0x0  }
0x8e: {  	s3 =	rddreg [dreg:$0x2];
	[bflag:$0x3] =	sbarrier.arrive $0xFFFF;
	s2 =	simm.s32 @!p0 $0x1C02  }
0x8f: {  	[timem:s3], [sflag:s2] =	dma.local @!p0 [hbm:s0], s1  }
0x90: {  	s0 =	simm.s32 @!p0 $0x2  }
0x91: {  	_ =	swait.ge @!p0 [sflag:s0], s1  }
0x92: {  	s1 =	ssub.s32 @!p0 $0x0, s1;
	[sflag:s0] =	ssyncset.done @!p0 $0x0  }
0x93: {  	[sflag:s0] =	ssyncadd.s32 @!p0 s1  }
0x94: {  	[bflag:$0x3] =	sbarrier.arrive $0xFFFF  }
0x95: {  	_ =	shalt  }

</sc_bundles>
